<compile_context>
chip_gen: v7x
topology: tpu7x:2x2x1
jax: 0.10.2.dev20260603
libtpu: 0.0.44.dev20260713+nightly
codegen_flags: <defaults>
</compile_context>

<pallas_src>
import functools

import jax
import jax.numpy as jnp
from jax import lax
from jax.experimental import pallas as pl
from jax.experimental.pallas import tpu as pltpu
from jax.experimental.pallas import tpu_sc as plsc

B = 4096
V = 1000000
ET = 2
EMB = 64
EEMB = 16
ATT = 32
NS = 20

_L = 16
_NC = 2
_NSUB = 16
_NW = _NC * _NSUB
_BPW = B // _NW
_PAIRS = _BPW * ET
_NIDX = _PAIRS * NS
_CHUNK = 128
_NCHUNK = _NIDX // _CHUNK
_GRP = 4
_NE_R = _BPW * EMB // 128


def _sc_base_body(tgt_hbm, base_t_hbm, ne_out, tgt_v, ring, ne_v,
                  sem_a, sem_b):
    wid = lax.axis_index("s") * _NC + lax.axis_index("c")
    pltpu.sync_copy(tgt_hbm, tgt_v)
    tbase = wid * _BPW

    def _tcol(j):
        tsp = plsc.load_gather(
            tgt_v, [jnp.full((_L,), tbase + j, dtype=jnp.int32)])
        t = jnp.max(tsp)
        return t >> 7, t & 127

    def _sem(slot):
        return sem_a if slot < _GRP else sem_b

    def _bstart(j, slot):
        vt, _ = _tcol(j)
        pltpu.async_copy(base_t_hbm.at[:, pl.ds(vt * 128, 128)],
                         ring.at[slot], _sem(slot))

    def _bwait(slot):
        pltpu.make_async_copy(base_t_hbm.at[:, pl.ds(0, 128)],
                              ring.at[slot], _sem(slot)).wait()

    def _bproc(j, slot):
        _, vmod = _tcol(j)
        lane = lax.iota(jnp.int32, _L)
        cols = jnp.full((_L,), vmod, dtype=jnp.int32)
        for cg in range(EMB // _L):
            vals = plsc.load_gather(ring.at[slot], [lane + cg * _L, cols])
            ne_v[j >> 1, pl.ds((j & 1) * EMB + cg * _L, _L)] = vals

    def _bgroup(j0, slots, start_next):
        for s in slots:
            _bwait(s)
        for i, s in enumerate(slots):
            _bproc(j0 + i, s)
        if start_next:
            for i, s in enumerate(slots):
                _bstart(j0 + 2 * _GRP + i, s)

    for i in range(2 * _GRP):
        _bstart(i, i)

    def _bmain(g2, _):
        j0 = g2 * 2 * _GRP
        _bgroup(j0, range(_GRP), True)
        _bgroup(j0 + _GRP, range(_GRP, 2 * _GRP), True)
        return 0
    lax.fori_loop(0, _BPW // (2 * _GRP) - 1, _bmain, 0)
    _bgroup(_BPW - 2 * _GRP, range(_GRP), False)
    _bgroup(_BPW - _GRP, range(_GRP, 2 * _GRP), False)

    pltpu.sync_copy(ne_v, ne_out.at[pl.ds(wid * _NE_R, _NE_R)])


@functools.cache
def _make_sc_base():
    return functools.partial(
        pl.kernel,
        out_type=[jax.ShapeDtypeStruct((B * EMB // 128, 128), jnp.float32)],
        mesh=plsc.VectorSubcoreMesh(core_axis_name="c", subcore_axis_name="s"),
        compiler_params=pltpu.CompilerParams(use_tc_tiling_on_sc=True,
                                             needs_layout_passes=False),
        scratch_types=[
            pltpu.VMEM((B,), jnp.int32),
            pltpu.VMEM((2 * _GRP, EMB, 128), jnp.float32),
            pltpu.VMEM((_NE_R, 128), jnp.float32),
            pltpu.SemaphoreType.DMA,
            pltpu.SemaphoreType.DMA,
        ],
    )(_sc_base_body)


def _sc_agg_body(nbr_hbm, table_hbm, agg_out, nbr_v, idx_v, rows_v, agg_v,
                 sem_g):
    wid = lax.axis_index("s") * _NC + lax.axis_index("c")
    pltpu.sync_copy(nbr_hbm.at[pl.ds(wid * _NIDX, _NIDX)], nbr_v)

    def _sr(sr, _):
        lane = lax.iota(jnp.int32, _L)
        step4 = (lane + 12) >> 4
        step8 = (lane + 8) >> 4
        step12 = (lane + 4) >> 4
        et_pat = [None, step4, 1 - step8, step12, 1]
        for v in range(40):
            src = nbr_v[pl.ds(sr * (40 * _L) + v * _L, _L)]
            pat = et_pat[v % 5]
            idx = src * ET if pat is None else src * ET + pat
            idx_v[sr * 5 + (v // 8), pl.ds((v % 8) * _L, _L)] = idx
        return 0
    lax.fori_loop(0, 8, _sr, 0)

    copies = [pltpu.async_copy(table_hbm.at[idx_v.at[r]],
                               rows_v.at[pl.ds(r * _CHUNK, _CHUNK)], sem_g)
              for r in range(_NCHUNK)]
    for cp in copies:
        cp.wait()

    def _red(j, _):
        acc = rows_v[j * NS]
        for s in range(1, NS):
            acc = acc + rows_v[j * NS + s]
        agg_v[j] = acc
        return 0
    lax.fori_loop(0, _PAIRS, _red, 0)

    pltpu.sync_copy(agg_v, agg_out.at[pl.ds(wid * _PAIRS, _PAIRS)])


@functools.cache
def _make_sc_agg():
    return functools.partial(
        pl.kernel,
        out_type=[jax.ShapeDtypeStruct((B * ET, EEMB), jnp.float32)],
        mesh=plsc.VectorSubcoreMesh(core_axis_name="c", subcore_axis_name="s"),
        compiler_params=pltpu.CompilerParams(use_tc_tiling_on_sc=False),
        scratch_types=[
            pltpu.VMEM((_NIDX,), jnp.int32),
            pltpu.VMEM((_NCHUNK, _CHUNK), jnp.int32),
            pltpu.VMEM((_NIDX, EEMB), jnp.float32),
            pltpu.VMEM((_PAIRS, EEMB), jnp.float32),
            pltpu.SemaphoreType.DMA,
        ],
    )(_sc_agg_body)


def _tc_body(agg_ref, ne_ref, t_ref, s10_ref, s11_ref, s20_ref, s21_ref,
             w0_ref, w1_ref, o_ref):
    a = agg_ref[...] * (1.0 / NS)
    a0 = a[:, :EEMB]
    a1 = a[:, EEMB:]
    t = t_ref[...]
    tn = 1.0 - t

    def _logit(ai):
        h0 = jnp.tanh(jnp.dot(ai, s10_ref[...],
                              preferred_element_type=jnp.float32,
                              precision=lax.Precision.HIGHEST))
        h1 = jnp.tanh(jnp.dot(ai, s11_ref[...],
                              preferred_element_type=jnp.float32,
                              precision=lax.Precision.HIGHEST))
        l0 = jnp.sum(h0 * s20_ref[...], axis=1, keepdims=True)
        l1 = jnp.sum(h1 * s21_ref[...], axis=1, keepdims=True)
        return l0 * tn + l1 * t

    la = _logit(a0)
    lb = _logit(a1)
    m = jnp.maximum(la, lb)
    ea = jnp.exp(la - m)
    eb = jnp.exp(lb - m)
    inv = 1.0 / (ea + eb)
    na = (ea * inv) * a0 + (eb * inv) * a1
    o0 = jnp.dot(na, w0_ref[...], preferred_element_type=jnp.float32,
                 precision=lax.Precision.HIGHEST)
    o1 = jnp.dot(na, w1_ref[...], preferred_element_type=jnp.float32,
                 precision=lax.Precision.HIGHEST)
    allv = ne_ref[...] + o0 * tn + o1 * t
    sq = jnp.sum(allv * allv, axis=1, keepdims=True)
    o_ref[...] = allv * lax.rsqrt(jnp.maximum(sq, 1e-12))


_TC_BLK = 512
_TC_GRID = B // _TC_BLK


def _tc_combine(agg2, ne, tf, s10, s11, s20, s21, w0, w1):
    fixed = lambda i: (0, 0)
    row = lambda i: (i, 0)
    return pl.pallas_call(
        _tc_body,
        grid=(_TC_GRID,),
        in_specs=[
            pl.BlockSpec((_TC_BLK, ET * EEMB), row),
            pl.BlockSpec((_TC_BLK, EMB), row),
            pl.BlockSpec((_TC_BLK, 1), row),
            pl.BlockSpec((EEMB, ATT), fixed),
            pl.BlockSpec((EEMB, ATT), fixed),
            pl.BlockSpec((1, ATT), fixed),
            pl.BlockSpec((1, ATT), fixed),
            pl.BlockSpec((EEMB, EMB), fixed),
            pl.BlockSpec((EEMB, EMB), fixed),
        ],
        out_specs=pl.BlockSpec((_TC_BLK, EMB), row),
        out_shape=jax.ShapeDtypeStruct((B, EMB), jnp.float32),
    )(agg2, ne, tf, s10, s11, s20, s21, w0, w1)


def kernel(targets, types, neighbors, base_node_embeddings,
           node_type_embeddings, trans_weights, trans_weights_s1,
           trans_weights_s2):
    nbr = neighbors.reshape(-1).astype(jnp.int32)
    tgt = targets.astype(jnp.int32)
    table = node_type_embeddings.reshape(V * ET, EEMB)
    base_t = base_node_embeddings.T

    (ne,) = _make_sc_base()(tgt, base_t)
    (agg,) = _make_sc_agg()(nbr, table)

    agg2 = agg.reshape(B, ET * EEMB)
    ne2 = ne.reshape(B, EMB)
    tf = types.astype(jnp.float32).reshape(B, 1)
    return _tc_combine(
        agg2, ne2, tf,
        trans_weights_s1[0], trans_weights_s1[1],
        trans_weights_s2[0].reshape(1, ATT), trans_weights_s2[1].reshape(1, ATT),
        trans_weights[0], trans_weights[1])

# --- scband reference (transcript-rebuilt; emitter-appended) ---
"""Pipeline reference for scband-gatne-t-54863912239204 (READ-ONLY COPY).

The authoritative reference and input builder live on the scoring server;
editing this copy changes nothing except your own understanding.
"""

import jax, jax.numpy as jnp
import numpy as np

B = 4096
V = 1000000
ET = 2
EMB = 64
EEMB = 16
ATT = 32
NS = 20


def setup_inputs(seed: int = 0) -> dict:
    key = jax.random.key(seed)
    ks = jax.random.split(key, 8)
    targets = jax.random.randint(ks[0], (B,), 0, V, dtype=jnp.int64 if jax.config.jax_enable_x64 else jnp.int32)
    types = jax.random.randint(ks[1], (B,), 0, ET, dtype=targets.dtype)
    neighbors = jax.random.randint(ks[2], (B, ET, NS), 0, V, dtype=targets.dtype)
    base_node_embeddings = jax.random.uniform(ks[3], (V, EMB), minval=-1.0, maxval=1.0, dtype=jnp.float32)
    node_type_embeddings = jax.random.uniform(ks[4], (V, ET, EEMB), minval=-1.0, maxval=1.0, dtype=jnp.float32)
    trans_weights = jax.random.normal(ks[5], (ET, EEMB, EMB), dtype=jnp.float32) * (2.0 / (EEMB + EMB)) ** 0.5
    trans_weights_s1 = jax.random.normal(ks[6], (ET, EEMB, ATT), dtype=jnp.float32) * (2.0 / (EEMB + ATT)) ** 0.5
    trans_weights_s2 = jax.random.normal(ks[7], (ET, ATT, 1), dtype=jnp.float32) * (2.0 / (ATT + 1)) ** 0.5
    return {
        'targets': targets,
        'types': types,
        'neighbors': neighbors,
        'base_node_embeddings': base_node_embeddings,
        'node_type_embeddings': node_type_embeddings,
        'trans_weights': trans_weights,
        'trans_weights_s1': trans_weights_s1,
        'trans_weights_s2': trans_weights_s2,
    }


def reference(targets, types, neighbors, base_node_embeddings, node_type_embeddings,
              trans_weights, trans_weights_s1, trans_weights_s2):
    # embedding lookup: [B, ET, NS] -> [B, ET, NS, ET, EEMB]
    node_embed_neighbors = jnp.take(node_type_embeddings, neighbors, axis=0)
    # slice out matching edge-type pairs, reshape to [1, B, NS, EEMB], concat -> [ET, B, NS, EEMB]
    node_embed_typed = [
        jnp.reshape(node_embed_neighbors[:, i, :, i, :], (1, -1, NS, EEMB))
        for i in range(ET)
    ]
    node_embed_tmp = jnp.concatenate(node_embed_typed, axis=0)
    # mean over neighbors -> [ET, B, EEMB] -> transpose -> [B, ET, EEMB]
    node_agg_embed = jnp.transpose(jnp.mean(node_embed_tmp, axis=2), (1, 0, 2))
    trans_w = jnp.take(trans_weights, types, axis=0)          # [B, EEMB, EMB]
    trans_w_s1 = jnp.take(trans_weights_s1, types, axis=0)    # [B, EEMB, ATT]
    trans_w_s2 = jnp.take(trans_weights_s2, types, axis=0)    # [B, ATT, 1]
    att_logits = jnp.matmul(jnp.tanh(jnp.matmul(node_agg_embed, trans_w_s1)), trans_w_s2)  # [B, ET, 1]
    attention = jax.nn.softmax(jnp.reshape(att_logits, (-1, ET)), axis=-1)
    attention = jnp.reshape(attention, (-1, 1, ET))
    node_att_embed = jnp.matmul(attention, node_agg_embed)    # [B, 1, EEMB]
    node_embed = jnp.take(base_node_embeddings, targets, axis=0)  # [B, EMB]
    all_node_embed = node_embed + jnp.reshape(jnp.matmul(node_att_embed, trans_w), (-1, EMB))
    # tf.nn.l2_normalize(x, axis=1)
    sq = jnp.sum(all_node_embed * all_node_embed, axis=1, keepdims=True)
    embeddings = all_node_embed * jax.lax.rsqrt(jnp.maximum(sq, 1e-12))
    return embeddings

if __name__ == "__main__":
    import jax
    _d = setup_inputs()
    print(jax.jit(kernel)(*tuple(_d.values())))

</pallas_src>

<mosaic_0001>
#map = affine_map<(d0, d1) -> (0)>
#map1 = affine_map<(d0, d1) -> (0, 0)>
module attributes {stable_mosaic.version = 14 : i64} {
  func.func @_sc_agg_body(%arg0: i32, %arg1: i32, %arg2: memref<163840xi32, #tpu.memory_space<hbm>>, %arg3: memref<2000000x16xf32, #tpu.memory_space<hbm>>, %arg4: memref<8192x16xf32, #tpu.memory_space<hbm>>, %arg5: memref<5120xi32, #tpu.memory_space<vmem>>, %arg6: memref<40x128xi32, #tpu.memory_space<vmem>>, %arg7: memref<5120x16xf32, #tpu.memory_space<vmem>>, %arg8: memref<256x16xf32, #tpu.memory_space<vmem>>, %arg9: memref<!tpu.dma_semaphore, #tpu.memory_space<semaphore_mem>>) attributes {dimension_semantics = [#tpu.dimension_semantics<core_parallel>, #tpu.dimension_semantics<subcore_parallel>], iteration_bounds = array<i64: 2, 16>, scalar_prefetch = 0 : i64, scratch_operands = 5 : i64, tpu.core_type = #tpu.core_type<sc_vector_subcore>, window_params = [{transform_indices = #map}, {transform_indices = #map1}, {transform_indices = #map1}]} {
    %mul3A = arith.constant 2 : i32
    %mul3A_0 = arith.muli %arg1, %mul3A : i32
    %add3A = arith.addi %mul3A_0, %arg0 : i32
    %mul3A_1 = arith.constant 5120 : i32
    %mul3A_2 = arith.muli %add3A, %mul3A_1 : i32
    "tpu.region"() ({
      %run_scoped3A = tpu.sem_alloc : memref<!tpu.dma_semaphore, #tpu.memory_space<semaphore_mem>>
      %dma_start3A_816 = tpu.memref_slice %arg2[%mul3A_2] : memref<163840xi32, #tpu.memory_space<hbm>> -> memref<5120xi32, #tpu.memory_space<hbm>>
      %dma_start3A_817 = tpu.memref_slice %arg2[%mul3A_2] : memref<163840xi32, #tpu.memory_space<hbm>> -> memref<5120xi32, #tpu.memory_space<hbm>>
      tpu.enqueue_dma source(%dma_start3A_817 : memref<5120xi32, #tpu.memory_space<hbm>>) target(%arg5 : memref<5120xi32, #tpu.memory_space<vmem>>) target_semaphore(%run_scoped3A : memref<!tpu.dma_semaphore, #tpu.memory_space<semaphore_mem>>)
      %dma_wait3A_818 = tpu.memref_slice %arg2[%mul3A_2] : memref<163840xi32, #tpu.memory_space<hbm>> -> memref<5120xi32, #tpu.memory_space<hbm>>
      %dma_wait3A_819 = tpu.memref_slice %arg2[%mul3A_2] : memref<163840xi32, #tpu.memory_space<hbm>> -> memref<5120xi32, #tpu.memory_space<hbm>>
      tpu.wait_dma2 semaphore(%run_scoped3A : memref<!tpu.dma_semaphore, #tpu.memory_space<semaphore_mem>>) src(%dma_wait3A_819 : memref<5120xi32, #tpu.memory_space<hbm>>) dst(%arg5 : memref<5120xi32, #tpu.memory_space<vmem>>)
      tpu.yield
    }) : () -> ()
    %scan3A = arith.constant 0 : i32
    %scan3A_3 = arith.constant 0 : i32
    %scan3A_4 = arith.constant 8 : i32
    %scan3A_5 = arith.addi %scan3A_3, %scan3A_4 : i32
    %scan3A_6 = arith.constant 1 : i32
    %scan3A_7 = scf.for %scan3A_816 = %scan3A_3 to %scan3A_5 step %scan3A_6 iter_args(%scan3A_817 = %scan3A) -> (i32)  : i32 {
      %iota3A = tpu.iota {dimensions = array<i32: 0>} : vector<16xi32>
      %add3A_818 = arith.constant 12 : i32
      %add3A_819 = vector.broadcast %add3A_818 : i32 to vector<16xi32>
      %add3A_820 = arith.addi %iota3A, %add3A_819 : vector<16xi32>
      %shift_right_arithmetic3A = arith.constant 4 : i32
      %shift_right_arithmetic3A_821 = vector.broadcast %shift_right_arithmetic3A : i32 to vector<16xi32>
      %shift_right_arithmetic3A_822 = arith.shrsi %add3A_820, %shift_right_arithmetic3A_821 : vector<16xi32>
      %add3A_823 = arith.constant 8 : i32
      %add3A_824 = vector.broadcast %add3A_823 : i32 to vector<16xi32>
      %add3A_825 = arith.addi %iota3A, %add3A_824 : vector<16xi32>
      %shift_right_arithmetic3A_826 = arith.constant 4 : i32
      %shift_right_arithmetic3A_827 = vector.broadcast %shift_right_arithmetic3A_826 : i32 to vector<16xi32>
      %shift_right_arithmetic3A_828 = arith.shrsi %add3A_825, %shift_right_arithmetic3A_827 : vector<16xi32>
      %add3A_829 = arith.constant 4 : i32
      %add3A_830 = vector.broadcast %add3A_829 : i32 to vector<16xi32>
      %add3A_831 = arith.addi %iota3A, %add3A_830 : vector<16xi32>
      %shift_right_arithmetic3A_832 = arith.constant 4 : i32
      %shift_right_arithmetic3A_833 = vector.broadcast %shift_right_arithmetic3A_832 : i32 to vector<16xi32>
      %shift_right_arithmetic3A_834 = arith.shrsi %add3A_831, %shift_right_arithmetic3A_833 : vector<16xi32>
      %sub3A = arith.constant 1 : i32
      %sub3A_835 = vector.broadcast %sub3A : i32 to vector<16xi32>
      %sub3A_836 = arith.subi %sub3A_835, %shift_right_arithmetic3A_828 : vector<16xi32>
      %mul3A_837 = arith.constant 640 : i32
      %mul3A_838 = arith.muli %scan3A_816, %mul3A_837 : i32
      %add3A_839 = arith.constant 0 : i32
      %add3A_840 = arith.addi %mul3A_838, %add3A_839 : i32
      %get3A = arith.index_cast %add3A_840 : i32 to index
      %get3A_841 = tpu.vector_load %arg5[%get3A] {strides = array<i32>} : memref<5120xi32, #tpu.memory_space<vmem>>, vector<16xi32>,
      %get3A_842 = vector.shape_cast %get3A_841 : vector<16xi32> to vector<16xi32>
      %mul3A_843 = arith.constant 2 : i32
      %mul3A_844 = vector.broadcast %mul3A_843 : i32 to vector<16xi32>
      %mul3A_845 = arith.muli %get3A_842, %mul3A_844 : vector<16xi32>
      %mul3A_846 = arith.constant 5 : i32
      %mul3A_847 = arith.muli %scan3A_816, %mul3A_846 : i32
      %add3A_848 = arith.constant 0 : i32
      %add3A_849 = arith.addi %mul3A_847, %add3A_848 : i32
      %swap3A = arith.index_cast %add3A_849 : i32 to index
      %swap3A_850 = arith.constant 0 : index
      %swap3A_851 = tpu.vector_load %arg6[%swap3A, %swap3A_850] {strides = array<i32>} : memref<40x128xi32, #tpu.memory_space<vmem>>, vector<1x16xi32>,
      %swap3A_852 = vector.shape_cast %swap3A_851 : vector<1x16xi32> to vector<16xi32>
      %swap3A_853 = vector.shape_cast %mul3A_845 : vector<16xi32> to vector<1x16xi32>
      tpu.vector_store %arg6[%swap3A, %swap3A_850], %swap3A_853 {strides = array<i32>} : memref<40x128xi32, #tpu.memory_space<vmem>>, vector<1x16xi32>,
      %mul3A_854 = arith.constant 640 : i32
      %mul3A_855 = arith.muli %scan3A_816, %mul3A_854 : i32
      %add3A_856 = arith.constant 16 : i32
      %add3A_857 = arith.addi %mul3A_855, %add3A_856 : i32
      %get3A_858 = arith.index_cast %add3A_857 : i32 to index
      %get3A_859 = tpu.vector_load %arg5[%get3A_858] {strides = array<i32>} : memref<5120xi32, #tpu.memory_space<vmem>>, vector<16xi32>,
      %get3A_860 = vector.shape_cast %get3A_859 : vector<16xi32> to vector<16xi32>
      %mul3A_861 = arith.constant 2 : i32
      %mul3A_862 = vector.broadcast %mul3A_861 : i32 to vector<16xi32>
      %mul3A_863 = arith.muli %get3A_860, %mul3A_862 : vector<16xi32>
      %add3A_864 = arith.addi %mul3A_863, %shift_right_arithmetic3A_822 : vector<16xi32>
      %mul3A_865 = arith.constant 5 : i32
      %mul3A_866 = arith.muli %scan3A_816, %mul3A_865 : i32
      %add3A_867 = arith.constant 0 : i32
      %add3A_868 = arith.addi %mul3A_866, %add3A_867 : i32
      %swap3A_869 = arith.index_cast %add3A_868 : i32 to index
      %swap3A_870 = arith.constant 16 : index
      %swap3A_871 = tpu.vector_load %arg6[%swap3A_869, %swap3A_870] {strides = array<i32>} : memref<40x128xi32, #tpu.memory_space<vmem>>, vector<1x16xi32>,
      %swap3A_872 = vector.shape_cast %swap3A_871 : vector<1x16xi32> to vector<16xi32>
      %swap3A_873 = vector.shape_cast %add3A_864 : vector<16xi32> to vector<1x16xi32>
      tpu.vector_store %arg6[%swap3A_869, %swap3A_870], %swap3A_873 {strides = array<i32>} : memref<40x128xi32, #tpu.memory_space<vmem>>, vector<1x16xi32>,
      %mul3A_874 = arith.constant 640 : i32
      %mul3A_875 = arith.muli %scan3A_816, %mul3A_874 : i32
      %add3A_876 = arith.constant 32 : i32
      %add3A_877 = arith.addi %mul3A_875, %add3A_876 : i32
      %get3A_878 = arith.index_cast %add3A_877 : i32 to index
      %get3A_879 = tpu.vector_load %arg5[%get3A_878] {strides = array<i32>} : memref<5120xi32, #tpu.memory_space<vmem>>, vector<16xi32>,
      %get3A_880 = vector.shape_cast %get3A_879 : vector<16xi32> to vector<16xi32>
      %mul3A_881 = arith.constant 2 : i32
      %mul3A_882 = vector.broadcast %mul3A_881 : i32 to vector<16xi32>
      %mul3A_883 = arith.muli %get3A_880, %mul3A_882 : vector<16xi32>
      %add3A_884 = arith.addi %mul3A_883, %sub3A_836 : vector<16xi32>
      %mul3A_885 = arith.constant 5 : i32
      %mul3A_886 = arith.muli %scan3A_816, %mul3A_885 : i32
      %add3A_887 = arith.constant 0 : i32
      %add3A_888 = arith.addi %mul3A_886, %add3A_887 : i32
      %swap3A_889 = arith.index_cast %add3A_888 : i32 to index
      %swap3A_890 = arith.constant 32 : index
      %swap3A_891 = tpu.vector_load %arg6[%swap3A_889, %swap3A_890] {strides = array<i32>} : memref<40x128xi32, #tpu.memory_space<vmem>>, vector<1x16xi32>,
      %swap3A_892 = vector.shape_cast %swap3A_891 : vector<1x16xi32> to vector<16xi32>
      %swap3A_893 = vector.shape_cast %add3A_884 : vector<16xi32> to vector<1x16xi32>
      tpu.vector_store %arg6[%swap3A_889, %swap3A_890], %swap3A_893 {strides = array<i32>} : memref<40x128xi32, #tpu.memory_space<vmem>>, vector<1x16xi32>,
      %mul3A_894 = arith.constant 640 : i32
      %mul3A_895 = arith.muli %scan3A_816, %mul3A_894 : i32
      %add3A_896 = arith.constant 48 : i32
      %add3A_897 = arith.addi %mul3A_895, %add3A_896 : i32
      %get3A_898 = arith.index_cast %add3A_897 : i32 to index
      %get3A_899 = tpu.vector_load %arg5[%get3A_898] {strides = array<i32>} : memref<5120xi32, #tpu.memory_space<vmem>>, vector<16xi32>,
      %get3A_900 = vector.shape_cast %get3A_899 : vector<16xi32> to vector<16xi32>
      %mul3A_901 = arith.constant 2 : i32
      %mul3A_902 = vector.broadcast %mul3A_901 : i32 to vector<16xi32>
      %mul3A_903 = arith.muli %get3A_900, %mul3A_902 : vector<16xi32>
      %add3A_904 = arith.addi %mul3A_903, %shift_right_arithmetic3A_834 : vector<16xi32>
      %mul3A_905 = arith.constant 5 : i32
      %mul3A_906 = arith.muli %scan3A_816, %mul3A_905 : i32
      %add3A_907 = arith.constant 0 : i32
      %add3A_908 = arith.addi %mul3A_906, %add3A_907 : i32
      %swap3A_909 = arith.index_cast %add3A_908 : i32 to index
      %swap3A_910 = arith.constant 48 : index
      %swap3A_911 = tpu.vector_load %arg6[%swap3A_909, %swap3A_910] {strides = array<i32>} : memref<40x128xi32, #tpu.memory_space<vmem>>, vector<1x16xi32>,
      %swap3A_912 = vector.shape_cast %swap3A_911 : vector<1x16xi32> to vector<16xi32>
      %swap3A_913 = vector.shape_cast %add3A_904 : vector<16xi32> to vector<1x16xi32>
      tpu.vector_store %arg6[%swap3A_909, %swap3A_910], %swap3A_913 {strides = array<i32>} : memref<40x128xi32, #tpu.memory_space<vmem>>, vector<1x16xi32>,
      %mul3A_914 = arith.constant 640 : i32
      %mul3A_915 = arith.muli %scan3A_816, %mul3A_914 : i32
      %add3A_916 = arith.constant 64 : i32
      %add3A_917 = arith.addi %mul3A_915, %add3A_916 : i32
      %get3A_918 = arith.index_cast %add3A_917 : i32 to index
      %get3A_919 = tpu.vector_load %arg5[%get3A_918] {strides = array<i32>} : memref<5120xi32, #tpu.memory_space<vmem>>, vector<16xi32>,
      %get3A_920 = vector.shape_cast %get3A_919 : vector<16xi32> to vector<16xi32>
      %mul3A_921 = arith.constant 2 : i32
      %mul3A_922 = vector.broadcast %mul3A_921 : i32 to vector<16xi32>
      %mul3A_923 = arith.muli %get3A_920, %mul3A_922 : vector<16xi32>
      %add3A_924 = arith.constant 1 : i32
      %add3A_925 = vector.broadcast %add3A_924 : i32 to vector<16xi32>
      %add3A_926 = arith.addi %mul3A_923, %add3A_925 : vector<16xi32>
      %mul3A_927 = arith.constant 5 : i32
      %mul3A_928 = arith.muli %scan3A_816, %mul3A_927 : i32
      %add3A_929 = arith.constant 0 : i32
      %add3A_930 = arith.addi %mul3A_928, %add3A_929 : i32
      %swap3A_931 = arith.index_cast %add3A_930 : i32 to index
      %swap3A_932 = arith.constant 64 : index
      %swap3A_933 = tpu.vector_load %arg6[%swap3A_931, %swap3A_932] {strides = array<i32>} : memref<40x128xi32, #tpu.memory_space<vmem>>, vector<1x16xi32>,
      %swap3A_934 = vector.shape_cast %swap3A_933 : vector<1x16xi32> to vector<16xi32>
      %swap3A_935 = vector.shape_cast %add3A_926 : vector<16xi32> to vector<1x16xi32>
      tpu.vector_store %arg6[%swap3A_931, %swap3A_932], %swap3A_935 {strides = array<i32>} : memref<40x128xi32, #tpu.memory_space<vmem>>, vector<1x16xi32>,
      %mul3A_936 = arith.constant 640 : i32
      %mul3A_937 = arith.muli %scan3A_816, %mul3A_936 : i32
      %add3A_938 = arith.constant 80 : i32
      %add3A_939 = arith.addi %mul3A_937, %add3A_938 : i32
      %get3A_940 = arith.index_cast %add3A_939 : i32 to index
      %get3A_941 = tpu.vector_load %arg5[%get3A_940] {strides = array<i32>} : memref<5120xi32, #tpu.memory_space<vmem>>, vector<16xi32>,
      %get3A_942 = vector.shape_cast %get3A_941 : vector<16xi32> to vector<16xi32>
      %mul3A_943 = arith.constant 2 : i32
      %mul3A_944 = vector.broadcast %mul3A_943 : i32 to vector<16xi32>
      %mul3A_945 = arith.muli %get3A_942, %mul3A_944 : vector<16xi32>
      %mul3A_946 = arith.constant 5 : i32
      %mul3A_947 = arith.muli %scan3A_816, %mul3A_946 : i32
      %add3A_948 = arith.constant 0 : i32
      %add3A_949 = arith.addi %mul3A_947, %add3A_948 : i32
      %swap3A_950 = arith.index_cast %add3A_949 : i32 to index
      %swap3A_951 = arith.constant 80 : index
      %swap3A_952 = tpu.vector_load %arg6[%swap3A_950, %swap3A_951] {strides = array<i32>} : memref<40x128xi32, #tpu.memory_space<vmem>>, vector<1x16xi32>,
      %swap3A_953 = vector.shape_cast %swap3A_952 : vector<1x16xi32> to vector<16xi32>
      %swap3A_954 = vector.shape_cast %mul3A_945 : vector<16xi32> to vector<1x16xi32>
      tpu.vector_store %arg6[%swap3A_950, %swap3A_951], %swap3A_954 {strides = array<i32>} : memref<40x128xi32, #tpu.memory_space<vmem>>, vector<1x16xi32>,
      %mul3A_955 = arith.constant 640 : i32
      %mul3A_956 = arith.muli %scan3A_816, %mul3A_955 : i32
      %add3A_957 = arith.constant 96 : i32
      %add3A_958 = arith.addi %mul3A_956, %add3A_957 : i32
      %get3A_959 = arith.index_cast %add3A_958 : i32 to index
      %get3A_960 = tpu.vector_load %arg5[%get3A_959] {strides = array<i32>} : memref<5120xi32, #tpu.memory_space<vmem>>, vector<16xi32>,
      %get3A_961 = vector.shape_cast %get3A_960 : vector<16xi32> to vector<16xi32>
      %mul3A_962 = arith.constant 2 : i32
      %mul3A_963 = vector.broadcast %mul3A_962 : i32 to vector<16xi32>
      %mul3A_964 = arith.muli %get3A_961, %mul3A_963 : vector<16xi32>
      %add3A_965 = arith.addi %mul3A_964, %shift_right_arithmetic3A_822 : vector<16xi32>
      %mul3A_966 = arith.constant 5 : i32
      %mul3A_967 = arith.muli %scan3A_816, %mul3A_966 : i32
      %add3A_968 = arith.constant 0 : i32
      %add3A_969 = arith.addi %mul3A_967, %add3A_968 : i32
      %swap3A_970 = arith.index_cast %add3A_969 : i32 to index
      %swap3A_971 = arith.constant 96 : index
      %swap3A_972 = tpu.vector_load %arg6[%swap3A_970, %swap3A_971] {strides = array<i32>} : memref<40x128xi32, #tpu.memory_space<vmem>>, vector<1x16xi32>,
      %swap3A_973 = vector.shape_cast %swap3A_972 : vector<1x16xi32> to vector<16xi32>
      %swap3A_974 = vector.shape_cast %add3A_965 : vector<16xi32> to vector<1x16xi32>
      tpu.vector_store %arg6[%swap3A_970, %swap3A_971], %swap3A_974 {strides = array<i32>} : memref<40x128xi32, #tpu.memory_space<vmem>>, vector<1x16xi32>,
      %mul3A_975 = arith.constant 640 : i32
      %mul3A_976 = arith.muli %scan3A_816, %mul3A_975 : i32
      %add3A_977 = arith.constant 112 : i32
      %add3A_978 = arith.addi %mul3A_976, %add3A_977 : i32
      %get3A_979 = arith.index_cast %add3A_978 : i32 to index
      %get3A_980 = tpu.vector_load %arg5[%get3A_979] {strides = array<i32>} : memref<5120xi32, #tpu.memory_space<vmem>>, vector<16xi32>,
      %get3A_981 = vector.shape_cast %get3A_980 : vector<16xi32> to vector<16xi32>
      %mul3A_982 = arith.constant 2 : i32
      %mul3A_983 = vector.broadcast %mul3A_982 : i32 to vector<16xi32>
      %mul3A_984 = arith.muli %get3A_981, %mul3A_983 : vector<16xi32>
      %add3A_985 = arith.addi %mul3A_984, %sub3A_836 : vector<16xi32>
      %mul3A_986 = arith.constant 5 : i32
      %mul3A_987 = arith.muli %scan3A_816, %mul3A_986 : i32
      %add3A_988 = arith.constant 0 : i32
      %add3A_989 = arith.addi %mul3A_987, %add3A_988 : i32
      %swap3A_990 = arith.index_cast %add3A_989 : i32 to index
      %swap3A_991 = arith.constant 112 : index
      %swap3A_992 = tpu.vector_load %arg6[%swap3A_990, %swap3A_991] {strides = array<i32>} : memref<40x128xi32, #tpu.memory_space<vmem>>, vector<1x16xi32>,
      %swap3A_993 = vector.shape_cast %swap3A_992 : vector<1x16xi32> to vector<16xi32>
      %swap3A_994 = vector.shape_cast %add3A_985 : vector<16xi32> to vector<1x16xi32>
      tpu.vector_store %arg6[%swap3A_990, %swap3A_991], %swap3A_994 {strides = array<i32>} : memref<40x128xi32, #tpu.memory_space<vmem>>, vector<1x16xi32>,
      %mul3A_995 = arith.constant 640 : i32
      %mul3A_996 = arith.muli %scan3A_816, %mul3A_995 : i32
      %add3A_997 = arith.constant 128 : i32
      %add3A_998 = arith.addi %mul3A_996, %add3A_997 : i32
      %get3A_999 = arith.index_cast %add3A_998 : i32 to index
      %get3A_1000 = tpu.vector_load %arg5[%get3A_999] {strides = array<i32>} : memref<5120xi32, #tpu.memory_space<vmem>>, vector<16xi32>,
      %get3A_1001 = vector.shape_cast %get3A_1000 : vector<16xi32> to vector<16xi32>
      %mul3A_1002 = arith.constant 2 : i32
      %mul3A_1003 = vector.broadcast %mul3A_1002 : i32 to vector<16xi32>
      %mul3A_1004 = arith.muli %get3A_1001, %mul3A_1003 : vector<16xi32>
      %add3A_1005 = arith.addi %mul3A_1004, %shift_right_arithmetic3A_834 : vector<16xi32>
      %mul3A_1006 = arith.constant 5 : i32
      %mul3A_1007 = arith.muli %scan3A_816, %mul3A_1006 : i32
      %add3A_1008 = arith.constant 1 : i32
      %add3A_1009 = arith.addi %mul3A_1007, %add3A_1008 : i32
      %swap3A_1010 = arith.index_cast %add3A_1009 : i32 to index
      %swap3A_1011 = arith.constant 0 : index
      %swap3A_1012 = tpu.vector_load %arg6[%swap3A_1010, %swap3A_1011] {strides = array<i32>} : memref<40x128xi32, #tpu.memory_space<vmem>>, vector<1x16xi32>,
      %swap3A_1013 = vector.shape_cast %swap3A_1012 : vector<1x16xi32> to vector<16xi32>
      %swap3A_1014 = vector.shape_cast %add3A_1005 : vector<16xi32> to vector<1x16xi32>
      tpu.vector_store %arg6[%swap3A_1010, %swap3A_1011], %swap3A_1014 {strides = array<i32>} : memref<40x128xi32, #tpu.memory_space<vmem>>, vector<1x16xi32>,
      %mul3A_1015 = arith.constant 640 : i32
      %mul3A_1016 = arith.muli %scan3A_816, %mul3A_1015 : i32
      %add3A_1017 = arith.constant 144 : i32
      %add3A_1018 = arith.addi %mul3A_1016, %add3A_1017 : i32
      %get3A_1019 = arith.index_cast %add3A_1018 : i32 to index
      %get3A_1020 = tpu.vector_load %arg5[%get3A_1019] {strides = array<i32>} : memref<5120xi32, #tpu.memory_space<vmem>>, vector<16xi32>,
      %get3A_1021 = vector.shape_cast %get3A_1020 : vector<16xi32> to vector<16xi32>
      %mul3A_1022 = arith.constant 2 : i32
      %mul3A_1023 = vector.broadcast %mul3A_1022 : i32 to vector<16xi32>
      %mul3A_1024 = arith.muli %get3A_1021, %mul3A_1023 : vector<16xi32>
      %add3A_1025 = arith.constant 1 : i32
      %add3A_1026 = vector.broadcast %add3A_1025 : i32 to vector<16xi32>
      %add3A_1027 = arith.addi %mul3A_1024, %add3A_1026 : vector<16xi32>
      %mul3A_1028 = arith.constant 5 : i32
      %mul3A_1029 = arith.muli %scan3A_816, %mul3A_1028 : i32
      %add3A_1030 = arith.constant 1 : i32
      %add3A_1031 = arith.addi %mul3A_1029, %add3A_1030 : i32
      %swap3A_1032 = arith.index_cast %add3A_1031 : i32 to index
      %swap3A_1033 = arith.constant 16 : index
      %swap3A_1034 = tpu.vector_load %arg6[%swap3A_1032, %swap3A_1033] {strides = array<i32>} : memref<40x128xi32, #tpu.memory_space<vmem>>, vector<1x16xi32>,
      %swap3A_1035 = vector.shape_cast %swap3A_1034 : vector<1x16xi32> to vector<16xi32>
      %swap3A_1036 = vector.shape_cast %add3A_1027 : vector<16xi32> to vector<1x16xi32>
      tpu.vector_store %arg6[%swap3A_1032, %swap3A_1033], %swap3A_1036 {strides = array<i32>} : memref<40x128xi32, #tpu.memory_space<vmem>>, vector<1x16xi32>,
      %mul3A_1037 = arith.constant 640 : i32
      %mul3A_1038 = arith.muli %scan3A_816, %mul3A_1037 : i32
      %add3A_1039 = arith.constant 160 : i32
      %add3A_1040 = arith.addi %mul3A_1038, %add3A_1039 : i32
      %get3A_1041 = arith.index_cast %add3A_1040 : i32 to index
      %get3A_1042 = tpu.vector_load %arg5[%get3A_1041] {strides = array<i32>} : memref<5120xi32, #tpu.memory_space<vmem>>, vector<16xi32>,
      %get3A_1043 = vector.shape_cast %get3A_1042 : vector<16xi32> to vector<16xi32>
      %mul3A_1044 = arith.constant 2 : i32
      %mul3A_1045 = vector.broadcast %mul3A_1044 : i32 to vector<16xi32>
      %mul3A_1046 = arith.muli %get3A_1043, %mul3A_1045 : vector<16xi32>
      %mul3A_1047 = arith.constant 5 : i32
      %mul3A_1048 = arith.muli %scan3A_816, %mul3A_1047 : i32
      %add3A_1049 = arith.constant 1 : i32
      %add3A_1050 = arith.addi %mul3A_1048, %add3A_1049 : i32
      %swap3A_1051 = arith.index_cast %add3A_1050 : i32 to index
      %swap3A_1052 = arith.constant 32 : index
      %swap3A_1053 = tpu.vector_load %arg6[%swap3A_1051, %swap3A_1052] {strides = array<i32>} : memref<40x128xi32, #tpu.memory_space<vmem>>, vector<1x16xi32>,
      %swap3A_1054 = vector.shape_cast %swap3A_1053 : vector<1x16xi32> to vector<16xi32>
      %swap3A_1055 = vector.shape_cast %mul3A_1046 : vector<16xi32> to vector<1x16xi32>
      tpu.vector_store %arg6[%swap3A_1051, %swap3A_1052], %swap3A_1055 {strides = array<i32>} : memref<40x128xi32, #tpu.memory_space<vmem>>, vector<1x16xi32>,
      %mul3A_1056 = arith.constant 640 : i32
      %mul3A_1057 = arith.muli %scan3A_816, %mul3A_1056 : i32
      %add3A_1058 = arith.constant 176 : i32
      %add3A_1059 = arith.addi %mul3A_1057, %add3A_1058 : i32
      %get3A_1060 = arith.index_cast %add3A_1059 : i32 to index
      %get3A_1061 = tpu.vector_load %arg5[%get3A_1060] {strides = array<i32>} : memref<5120xi32, #tpu.memory_space<vmem>>, vector<16xi32>,
      %get3A_1062 = vector.shape_cast %get3A_1061 : vector<16xi32> to vector<16xi32>
      %mul3A_1063 = arith.constant 2 : i32
      %mul3A_1064 = vector.broadcast %mul3A_1063 : i32 to vector<16xi32>
      %mul3A_1065 = arith.muli %get3A_1062, %mul3A_1064 : vector<16xi32>
      %add3A_1066 = arith.addi %mul3A_1065, %shift_right_arithmetic3A_822 : vector<16xi32>
      %mul3A_1067 = arith.constant 5 : i32
      %mul3A_1068 = arith.muli %scan3A_816, %mul3A_1067 : i32
      %add3A_1069 = arith.constant 1 : i32
      %add3A_1070 = arith.addi %mul3A_1068, %add3A_1069 : i32
      %swap3A_1071 = arith.index_cast %add3A_1070 : i32 to index
      %swap3A_1072 = arith.constant 48 : index
      %swap3A_1073 = tpu.vector_load %arg6[%swap3A_1071, %swap3A_1072] {strides = array<i32>} : memref<40x128xi32, #tpu.memory_space<vmem>>, vector<1x16xi32>,
      %swap3A_1074 = vector.shape_cast %swap3A_1073 : vector<1x16xi32> to vector<16xi32>
      %swap3A_1075 = vector.shape_cast %add3A_1066 : vector<16xi32> to vector<1x16xi32>
      tpu.vector_store %arg6[%swap3A_1071, %swap3A_1072], %swap3A_1075 {strides = array<i32>} : memref<40x128xi32, #tpu.memory_space<vmem>>, vector<1x16xi32>,
      %mul3A_1076 = arith.constant 640 : i32
      %mul3A_1077 = arith.muli %scan3A_816, %mul3A_1076 : i32
      %add3A_1078 = arith.constant 192 : i32
      %add3A_1079 = arith.addi %mul3A_1077, %add3A_1078 : i32
      %get3A_1080 = arith.index_cast %add3A_1079 : i32 to index
      %get3A_1081 = tpu.vector_load %arg5[%get3A_1080] {strides = array<i32>} : memref<5120xi32, #tpu.memory_space<vmem>>, vector<16xi32>,
      %get3A_1082 = vector.shape_cast %get3A_1081 : vector<16xi32> to vector<16xi32>
      %mul3A_1083 = arith.constant 2 : i32
      %mul3A_1084 = vector.broadcast %mul3A_1083 : i32 to vector<16xi32>
      %mul3A_1085 = arith.muli %get3A_1082, %mul3A_1084 : vector<16xi32>
      %add3A_1086 = arith.addi %mul3A_1085, %sub3A_836 : vector<16xi32>
      %mul3A_1087 = arith.constant 5 : i32
      %mul3A_1088 = arith.muli %scan3A_816, %mul3A_1087 : i32
      %add3A_1089 = arith.constant 1 : i32
      %add3A_1090 = arith.addi %mul3A_1088, %add3A_1089 : i32
      %swap3A_1091 = arith.index_cast %add3A_1090 : i32 to index
      %swap3A_1092 = arith.constant 64 : index
      %swap3A_1093 = tpu.vector_load %arg6[%swap3A_1091, %swap3A_1092] {strides = array<i32>} : memref<40x128xi32, #tpu.memory_space<vmem>>, vector<1x16xi32>,
      %swap3A_1094 = vector.shape_cast %swap3A_1093 : vector<1x16xi32> to vector<16xi32>
      %swap3A_1095 = vector.shape_cast %add3A_1086 : vector<16xi32> to vector<1x16xi32>
      tpu.vector_store %arg6[%swap3A_1091, %swap3A_1092], %swap3A_1095 {strides = array<i32>} : memref<40x128xi32, #tpu.memory_space<vmem>>, vector<1x16xi32>,
      %mul3A_1096 = arith.constant 640 : i32
      %mul3A_1097 = arith.muli %scan3A_816, %mul3A_1096 : i32
      %add3A_1098 = arith.constant 208 : i32
      %add3A_1099 = arith.addi %mul3A_1097, %add3A_1098 : i32
      %get3A_1100 = arith.index_cast %add3A_1099 : i32 to index
      %get3A_1101 = tpu.vector_load %arg5[%get3A_1100] {strides = array<i32>} : memref<5120xi32, #tpu.memory_space<vmem>>, vector<16xi32>,
      %get3A_1102 = vector.shape_cast %get3A_1101 : vector<16xi32> to vector<16xi32>
      %mul3A_1103 = arith.constant 2 : i32
      %mul3A_1104 = vector.broadcast %mul3A_1103 : i32 to vector<16xi32>
      %mul3A_1105 = arith.muli %get3A_1102, %mul3A_1104 : vector<16xi32>
      %add3A_1106 = arith.addi %mul3A_1105, %shift_right_arithmetic3A_834 : vector<16xi32>
      %mul3A_1107 = arith.constant 5 : i32
      %mul3A_1108 = arith.muli %scan3A_816, %mul3A_1107 : i32
      %add3A_1109 = arith.constant 1 : i32
      %add3A_1110 = arith.addi %mul3A_1108, %add3A_1109 : i32
      %swap3A_1111 = arith.index_cast %add3A_1110 : i32 to index
      %swap3A_1112 = arith.constant 80 : index
      %swap3A_1113 = tpu.vector_load %arg6[%swap3A_1111, %swap3A_1112] {strides = array<i32>} : memref<40x128xi32, #tpu.memory_space<vmem>>, vector<1x16xi32>,
      %swap3A_1114 = vector.shape_cast %swap3A_1113 : vector<1x16xi32> to vector<16xi32>
      %swap3A_1115 = vector.shape_cast %add3A_1106 : vector<16xi32> to vector<1x16xi32>
      tpu.vector_store %arg6[%swap3A_1111, %swap3A_1112], %swap3A_1115 {strides = array<i32>} : memref<40x128xi32, #tpu.memory_space<vmem>>, vector<1x16xi32>,
      %mul3A_1116 = arith.constant 640 : i32
      %mul3A_1117 = arith.muli %scan3A_816, %mul3A_1116 : i32
      %add3A_1118 = arith.constant 224 : i32
      %add3A_1119 = arith.addi %mul3A_1117, %add3A_1118 : i32
      %get3A_1120 = arith.index_cast %add3A_1119 : i32 to index
      %get3A_1121 = tpu.vector_load %arg5[%get3A_1120] {strides = array<i32>} : memref<5120xi32, #tpu.memory_space<vmem>>, vector<16xi32>,
      %get3A_1122 = vector.shape_cast %get3A_1121 : vector<16xi32> to vector<16xi32>
      %mul3A_1123 = arith.constant 2 : i32
      %mul3A_1124 = vector.broadcast %mul3A_1123 : i32 to vector<16xi32>
      %mul3A_1125 = arith.muli %get3A_1122, %mul3A_1124 : vector<16xi32>
      %add3A_1126 = arith.constant 1 : i32
      %add3A_1127 = vector.broadcast %add3A_1126 : i32 to vector<16xi32>
      %add3A_1128 = arith.addi %mul3A_1125, %add3A_1127 : vector<16xi32>
      %mul3A_1129 = arith.constant 5 : i32
      %mul3A_1130 = arith.muli %scan3A_816, %mul3A_1129 : i32
      %add3A_1131 = arith.constant 1 : i32
      %add3A_1132 = arith.addi %mul3A_1130, %add3A_1131 : i32
      %swap3A_1133 = arith.index_cast %add3A_1132 : i32 to index
      %swap3A_1134 = arith.constant 96 : index
      %swap3A_1135 = tpu.vector_load %arg6[%swap3A_1133, %swap3A_1134] {strides = array<i32>} : memref<40x128xi32, #tpu.memory_space<vmem>>, vector<1x16xi32>,
      %swap3A_1136 = vector.shape_cast %swap3A_1135 : vector<1x16xi32> to vector<16xi32>
      %swap3A_1137 = vector.shape_cast %add3A_1128 : vector<16xi32> to vector<1x16xi32>
      tpu.vector_store %arg6[%swap3A_1133, %swap3A_1134], %swap3A_1137 {strides = array<i32>} : memref<40x128xi32, #tpu.memory_space<vmem>>, vector<1x16xi32>,
      %mul3A_1138 = arith.constant 640 : i32
      %mul3A_1139 = arith.muli %scan3A_816, %mul3A_1138 : i32
      %add3A_1140 = arith.constant 240 : i32
      %add3A_1141 = arith.addi %mul3A_1139, %add3A_1140 : i32
      %get3A_1142 = arith.index_cast %add3A_1141 : i32 to index
      %get3A_1143 = tpu.vector_load %arg5[%get3A_1142] {strides = array<i32>} : memref<5120xi32, #tpu.memory_space<vmem>>, vector<16xi32>,
      %get3A_1144 = vector.shape_cast %get3A_1143 : vector<16xi32> to vector<16xi32>
      %mul3A_1145 = arith.constant 2 : i32
      %mul3A_1146 = vector.broadcast %mul3A_1145 : i32 to vector<16xi32>
      %mul3A_1147 = arith.muli %get3A_1144, %mul3A_1146 : vector<16xi32>
      %mul3A_1148 = arith.constant 5 : i32
      %mul3A_1149 = arith.muli %scan3A_816, %mul3A_1148 : i32
      %add3A_1150 = arith.constant 1 : i32
      %add3A_1151 = arith.addi %mul3A_1149, %add3A_1150 : i32
      %swap3A_1152 = arith.index_cast %add3A_1151 : i32 to index
      %swap3A_1153 = arith.constant 112 : index
      %swap3A_1154 = tpu.vector_load %arg6[%swap3A_1152, %swap3A_1153] {strides = array<i32>} : memref<40x128xi32, #tpu.memory_space<vmem>>, vector<1x16xi32>,
      %swap3A_1155 = vector.shape_cast %swap3A_1154 : vector<1x16xi32> to vector<16xi32>
      %swap3A_1156 = vector.shape_cast %mul3A_1147 : vector<16xi32> to vector<1x16xi32>
      tpu.vector_store %arg6[%swap3A_1152, %swap3A_1153], %swap3A_1156 {strides = array<i32>} : memref<40x128xi32, #tpu.memory_space<vmem>>, vector<1x16xi32>,
      %mul3A_1157 = arith.constant 640 : i32
      %mul3A_1158 = arith.muli %scan3A_816, %mul3A_1157 : i32
      %add3A_1159 = arith.constant 256 : i32
      %add3A_1160 = arith.addi %mul3A_1158, %add3A_1159 : i32
      %get3A_1161 = arith.index_cast %add3A_1160 : i32 to index
      %get3A_1162 = tpu.vector_load %arg5[%get3A_1161] {strides = array<i32>} : memref<5120xi32, #tpu.memory_space<vmem>>, vector<16xi32>,
      %get3A_1163 = vector.shape_cast %get3A_1162 : vector<16xi32> to vector<16xi32>
      %mul3A_1164 = arith.constant 2 : i32
      %mul3A_1165 = vector.broadcast %mul3A_1164 : i32 to vector<16xi32>
      %mul3A_1166 = arith.muli %get3A_1163, %mul3A_1165 : vector<16xi32>
      %add3A_1167 = arith.addi %mul3A_1166, %shift_right_arithmetic3A_822 : vector<16xi32>
      %mul3A_1168 = arith.constant 5 : i32
      %mul3A_1169 = arith.muli %scan3A_816, %mul3A_1168 : i32
      %add3A_1170 = arith.constant 2 : i32
      %add3A_1171 = arith.addi %mul3A_1169, %add3A_1170 : i32
      %swap3A_1172 = arith.index_cast %add3A_1171 : i32 to index
      %swap3A_1173 = arith.constant 0 : index
      %swap3A_1174 = tpu.vector_load %arg6[%swap3A_1172, %swap3A_1173] {strides = array<i32>} : memref<40x128xi32, #tpu.memory_space<vmem>>, vector<1x16xi32>,
      %swap3A_1175 = vector.shape_cast %swap3A_1174 : vector<1x16xi32> to vector<16xi32>
      %swap3A_1176 = vector.shape_cast %add3A_1167 : vector<16xi32> to vector<1x16xi32>
      tpu.vector_store %arg6[%swap3A_1172, %swap3A_1173], %swap3A_1176 {strides = array<i32>} : memref<40x128xi32, #tpu.memory_space<vmem>>, vector<1x16xi32>,
      %mul3A_1177 = arith.constant 640 : i32
      %mul3A_1178 = arith.muli %scan3A_816, %mul3A_1177 : i32
      %add3A_1179 = arith.constant 272 : i32
      %add3A_1180 = arith.addi %mul3A_1178, %add3A_1179 : i32
      %get3A_1181 = arith.index_cast %add3A_1180 : i32 to index
      %get3A_1182 = tpu.vector_load %arg5[%get3A_1181] {strides = array<i32>} : memref<5120xi32, #tpu.memory_space<vmem>>, vector<16xi32>,
      %get3A_1183 = vector.shape_cast %get3A_1182 : vector<16xi32> to vector<16xi32>
      %mul3A_1184 = arith.constant 2 : i32
      %mul3A_1185 = vector.broadcast %mul3A_1184 : i32 to vector<16xi32>
      %mul3A_1186 = arith.muli %get3A_1183, %mul3A_1185 : vector<16xi32>
      %add3A_1187 = arith.addi %mul3A_1186, %sub3A_836 : vector<16xi32>
      %mul3A_1188 = arith.constant 5 : i32
      %mul3A_1189 = arith.muli %scan3A_816, %mul3A_1188 : i32
      %add3A_1190 = arith.constant 2 : i32
      %add3A_1191 = arith.addi %mul3A_1189, %add3A_1190 : i32
      %swap3A_1192 = arith.index_cast %add3A_1191 : i32 to index
      %swap3A_1193 = arith.constant 16 : index
      %swap3A_1194 = tpu.vector_load %arg6[%swap3A_1192, %swap3A_1193] {strides = array<i32>} : memref<40x128xi32, #tpu.memory_space<vmem>>, vector<1x16xi32>,
      %swap3A_1195 = vector.shape_cast %swap3A_1194 : vector<1x16xi32> to vector<16xi32>
      %swap3A_1196 = vector.shape_cast %add3A_1187 : vector<16xi32> to vector<1x16xi32>
      tpu.vector_store %arg6[%swap3A_1192, %swap3A_1193], %swap3A_1196 {strides = array<i32>} : memref<40x128xi32, #tpu.memory_space<vmem>>, vector<1x16xi32>,
      %mul3A_1197 = arith.constant 640 : i32
      %mul3A_1198 = arith.muli %scan3A_816, %mul3A_1197 : i32
      %add3A_1199 = arith.constant 288 : i32
      %add3A_1200 = arith.addi %mul3A_1198, %add3A_1199 : i32
      %get3A_1201 = arith.index_cast %add3A_1200 : i32 to index
      %get3A_1202 = tpu.vector_load %arg5[%get3A_1201] {strides = array<i32>} : memref<5120xi32, #tpu.memory_space<vmem>>, vector<16xi32>,
      %get3A_1203 = vector.shape_cast %get3A_1202 : vector<16xi32> to vector<16xi32>
      %mul3A_1204 = arith.constant 2 : i32
      %mul3A_1205 = vector.broadcast %mul3A_1204 : i32 to vector<16xi32>
      %mul3A_1206 = arith.muli %get3A_1203, %mul3A_1205 : vector<16xi32>
      %add3A_1207 = arith.addi %mul3A_1206, %shift_right_arithmetic3A_834 : vector<16xi32>
      %mul3A_1208 = arith.constant 5 : i32
      %mul3A_1209 = arith.muli %scan3A_816, %mul3A_1208 : i32
      %add3A_1210 = arith.constant 2 : i32
      %add3A_1211 = arith.addi %mul3A_1209, %add3A_1210 : i32
      %swap3A_1212 = arith.index_cast %add3A_1211 : i32 to index
      %swap3A_1213 = arith.constant 32 : index
      %swap3A_1214 = tpu.vector_load %arg6[%swap3A_1212, %swap3A_1213] {strides = array<i32>} : memref<40x128xi32, #tpu.memory_space<vmem>>, vector<1x16xi32>,
      %swap3A_1215 = vector.shape_cast %swap3A_1214 : vector<1x16xi32> to vector<16xi32>
      %swap3A_1216 = vector.shape_cast %add3A_1207 : vector<16xi32> to vector<1x16xi32>
      tpu.vector_store %arg6[%swap3A_1212, %swap3A_1213], %swap3A_1216 {strides = array<i32>} : memref<40x128xi32, #tpu.memory_space<vmem>>, vector<1x16xi32>,
      %mul3A_1217 = arith.constant 640 : i32
      %mul3A_1218 = arith.muli %scan3A_816, %mul3A_1217 : i32
      %add3A_1219 = arith.constant 304 : i32
      %add3A_1220 = arith.addi %mul3A_1218, %add3A_1219 : i32
      %get3A_1221 = arith.index_cast %add3A_1220 : i32 to index
      %get3A_1222 = tpu.vector_load %arg5[%get3A_1221] {strides = array<i32>} : memref<5120xi32, #tpu.memory_space<vmem>>, vector<16xi32>,
      %get3A_1223 = vector.shape_cast %get3A_1222 : vector<16xi32> to vector<16xi32>
      %mul3A_1224 = arith.constant 2 : i32
      %mul3A_1225 = vector.broadcast %mul3A_1224 : i32 to vector<16xi32>
      %mul3A_1226 = arith.muli %get3A_1223, %mul3A_1225 : vector<16xi32>
      %add3A_1227 = arith.constant 1 : i32
      %add3A_1228 = vector.broadcast %add3A_1227 : i32 to vector<16xi32>
      %add3A_1229 = arith.addi %mul3A_1226, %add3A_1228 : vector<16xi32>
      %mul3A_1230 = arith.constant 5 : i32
      %mul3A_1231 = arith.muli %scan3A_816, %mul3A_1230 : i32
      %add3A_1232 = arith.constant 2 : i32
      %add3A_1233 = arith.addi %mul3A_1231, %add3A_1232 : i32
      %swap3A_1234 = arith.index_cast %add3A_1233 : i32 to index
      %swap3A_1235 = arith.constant 48 : index
      %swap3A_1236 = tpu.vector_load %arg6[%swap3A_1234, %swap3A_1235] {strides = array<i32>} : memref<40x128xi32, #tpu.memory_space<vmem>>, vector<1x16xi32>,
      %swap3A_1237 = vector.shape_cast %swap3A_1236 : vector<1x16xi32> to vector<16xi32>
      %swap3A_1238 = vector.shape_cast %add3A_1229 : vector<16xi32> to vector<1x16xi32>
      tpu.vector_store %arg6[%swap3A_1234, %swap3A_1235], %swap3A_1238 {strides = array<i32>} : memref<40x128xi32, #tpu.memory_space<vmem>>, vector<1x16xi32>,
      %mul3A_1239 = arith.constant 640 : i32
      %mul3A_1240 = arith.muli %scan3A_816, %mul3A_1239 : i32
      %add3A_1241 = arith.constant 320 : i32
      %add3A_1242 = arith.addi %mul3A_1240, %add3A_1241 : i32
      %get3A_1243 = arith.index_cast %add3A_1242 : i32 to index
      %get3A_1244 = tpu.vector_load %arg5[%get3A_1243] {strides = array<i32>} : memref<5120xi32, #tpu.memory_space<vmem>>, vector<16xi32>,
      %get3A_1245 = vector.shape_cast %get3A_1244 : vector<16xi32> to vector<16xi32>
      %mul3A_1246 = arith.constant 2 : i32
      %mul3A_1247 = vector.broadcast %mul3A_1246 : i32 to vector<16xi32>
      %mul3A_1248 = arith.muli %get3A_1245, %mul3A_1247 : vector<16xi32>
      %mul3A_1249 = arith.constant 5 : i32
      %mul3A_1250 = arith.muli %scan3A_816, %mul3A_1249 : i32
      %add3A_1251 = arith.constant 2 : i32
      %add3A_1252 = arith.addi %mul3A_1250, %add3A_1251 : i32
      %swap3A_1253 = arith.index_cast %add3A_1252 : i32 to index
      %swap3A_1254 = arith.constant 64 : index
      %swap3A_1255 = tpu.vector_load %arg6[%swap3A_1253, %swap3A_1254] {strides = array<i32>} : memref<40x128xi32, #tpu.memory_space<vmem>>, vector<1x16xi32>,
      %swap3A_1256 = vector.shape_cast %swap3A_1255 : vector<1x16xi32> to vector<16xi32>
      %swap3A_1257 = vector.shape_cast %mul3A_1248 : vector<16xi32> to vector<1x16xi32>
      tpu.vector_store %arg6[%swap3A_1253, %swap3A_1254], %swap3A_1257 {strides = array<i32>} : memref<40x128xi32, #tpu.memory_space<vmem>>, vector<1x16xi32>,
      %mul3A_1258 = arith.constant 640 : i32
      %mul3A_1259 = arith.muli %scan3A_816, %mul3A_1258 : i32
      %add3A_1260 = arith.constant 336 : i32
      %add3A_1261 = arith.addi %mul3A_1259, %add3A_1260 : i32
      %get3A_1262 = arith.index_cast %add3A_1261 : i32 to index
      %get3A_1263 = tpu.vector_load %arg5[%get3A_1262] {strides = array<i32>} : memref<5120xi32, #tpu.memory_space<vmem>>, vector<16xi32>,
      %get3A_1264 = vector.shape_cast %get3A_1263 : vector<16xi32> to vector<16xi32>
      %mul3A_1265 = arith.constant 2 : i32
      %mul3A_1266 = vector.broadcast %mul3A_1265 : i32 to vector<16xi32>
      %mul3A_1267 = arith.muli %get3A_1264, %mul3A_1266 : vector<16xi32>
      %add3A_1268 = arith.addi %mul3A_1267, %shift_right_arithmetic3A_822 : vector<16xi32>
      %mul3A_1269 = arith.constant 5 : i32
      %mul3A_1270 = arith.muli %scan3A_816, %mul3A_1269 : i32
      %add3A_1271 = arith.constant 2 : i32
      %add3A_1272 = arith.addi %mul3A_1270, %add3A_1271 : i32
      %swap3A_1273 = arith.index_cast %add3A_1272 : i32 to index
      %swap3A_1274 = arith.constant 80 : index
      %swap3A_1275 = tpu.vector_load %arg6[%swap3A_1273, %swap3A_1274] {strides = array<i32>} : memref<40x128xi32, #tpu.memory_space<vmem>>, vector<1x16xi32>,
      %swap3A_1276 = vector.shape_cast %swap3A_1275 : vector<1x16xi32> to vector<16xi32>
      %swap3A_1277 = vector.shape_cast %add3A_1268 : vector<16xi32> to vector<1x16xi32>
      tpu.vector_store %arg6[%swap3A_1273, %swap3A_1274], %swap3A_1277 {strides = array<i32>} : memref<40x128xi32, #tpu.memory_space<vmem>>, vector<1x16xi32>,
      %mul3A_1278 = arith.constant 640 : i32
      %mul3A_1279 = arith.muli %scan3A_816, %mul3A_1278 : i32
      %add3A_1280 = arith.constant 352 : i32
      %add3A_1281 = arith.addi %mul3A_1279, %add3A_1280 : i32
      %get3A_1282 = arith.index_cast %add3A_1281 : i32 to index
      %get3A_1283 = tpu.vector_load %arg5[%get3A_1282] {strides = array<i32>} : memref<5120xi32, #tpu.memory_space<vmem>>, vector<16xi32>,
      %get3A_1284 = vector.shape_cast %get3A_1283 : vector<16xi32> to vector<16xi32>
      %mul3A_1285 = arith.constant 2 : i32
      %mul3A_1286 = vector.broadcast %mul3A_1285 : i32 to vector<16xi32>
      %mul3A_1287 = arith.muli %get3A_1284, %mul3A_1286 : vector<16xi32>
      %add3A_1288 = arith.addi %mul3A_1287, %sub3A_836 : vector<16xi32>
      %mul3A_1289 = arith.constant 5 : i32
      %mul3A_1290 = arith.muli %scan3A_816, %mul3A_1289 : i32
      %add3A_1291 = arith.constant 2 : i32
      %add3A_1292 = arith.addi %mul3A_1290, %add3A_1291 : i32
      %swap3A_1293 = arith.index_cast %add3A_1292 : i32 to index
      %swap3A_1294 = arith.constant 96 : index
      %swap3A_1295 = tpu.vector_load %arg6[%swap3A_1293, %swap3A_1294] {strides = array<i32>} : memref<40x128xi32, #tpu.memory_space<vmem>>, vector<1x16xi32>,
      %swap3A_1296 = vector.shape_cast %swap3A_1295 : vector<1x16xi32> to vector<16xi32>
      %swap3A_1297 = vector.shape_cast %add3A_1288 : vector<16xi32> to vector<1x16xi32>
      tpu.vector_store %arg6[%swap3A_1293, %swap3A_1294], %swap3A_1297 {strides = array<i32>} : memref<40x128xi32, #tpu.memory_space<vmem>>, vector<1x16xi32>,
      %mul3A_1298 = arith.constant 640 : i32
      %mul3A_1299 = arith.muli %scan3A_816, %mul3A_1298 : i32
      %add3A_1300 = arith.constant 368 : i32
      %add3A_1301 = arith.addi %mul3A_1299, %add3A_1300 : i32
      %get3A_1302 = arith.index_cast %add3A_1301 : i32 to index
      %get3A_1303 = tpu.vector_load %arg5[%get3A_1302] {strides = array<i32>} : memref<5120xi32, #tpu.memory_space<vmem>>, vector<16xi32>,
      %get3A_1304 = vector.shape_cast %get3A_1303 : vector<16xi32> to vector<16xi32>
      %mul3A_1305 = arith.constant 2 : i32
      %mul3A_1306 = vector.broadcast %mul3A_1305 : i32 to vector<16xi32>
      %mul3A_1307 = arith.muli %get3A_1304, %mul3A_1306 : vector<16xi32>
      %add3A_1308 = arith.addi %mul3A_1307, %shift_right_arithmetic3A_834 : vector<16xi32>
      %mul3A_1309 = arith.constant 5 : i32
      %mul3A_1310 = arith.muli %scan3A_816, %mul3A_1309 : i32
      %add3A_1311 = arith.constant 2 : i32
      %add3A_1312 = arith.addi %mul3A_1310, %add3A_1311 : i32
      %swap3A_1313 = arith.index_cast %add3A_1312 : i32 to index
      %swap3A_1314 = arith.constant 112 : index
      %swap3A_1315 = tpu.vector_load %arg6[%swap3A_1313, %swap3A_1314] {strides = array<i32>} : memref<40x128xi32, #tpu.memory_space<vmem>>, vector<1x16xi32>,
      %swap3A_1316 = vector.shape_cast %swap3A_1315 : vector<1x16xi32> to vector<16xi32>
      %swap3A_1317 = vector.shape_cast %add3A_1308 : vector<16xi32> to vector<1x16xi32>
      tpu.vector_store %arg6[%swap3A_1313, %swap3A_1314], %swap3A_1317 {strides = array<i32>} : memref<40x128xi32, #tpu.memory_space<vmem>>, vector<1x16xi32>,
      %mul3A_1318 = arith.constant 640 : i32
      %mul3A_1319 = arith.muli %scan3A_816, %mul3A_1318 : i32
      %add3A_1320 = arith.constant 384 : i32
      %add3A_1321 = arith.addi %mul3A_1319, %add3A_1320 : i32
      %get3A_1322 = arith.index_cast %add3A_1321 : i32 to index
      %get3A_1323 = tpu.vector_load %arg5[%get3A_1322] {strides = array<i32>} : memref<5120xi32, #tpu.memory_space<vmem>>, vector<16xi32>,
      %get3A_1324 = vector.shape_cast %get3A_1323 : vector<16xi32> to vector<16xi32>
      %mul3A_1325 = arith.constant 2 : i32
      %mul3A_1326 = vector.broadcast %mul3A_1325 : i32 to vector<16xi32>
      %mul3A_1327 = arith.muli %get3A_1324, %mul3A_1326 : vector<16xi32>
      %add3A_1328 = arith.constant 1 : i32
      %add3A_1329 = vector.broadcast %add3A_1328 : i32 to vector<16xi32>
      %add3A_1330 = arith.addi %mul3A_1327, %add3A_1329 : vector<16xi32>
      %mul3A_1331 = arith.constant 5 : i32
      %mul3A_1332 = arith.muli %scan3A_816, %mul3A_1331 : i32
      %add3A_1333 = arith.constant 3 : i32
      %add3A_1334 = arith.addi %mul3A_1332, %add3A_1333 : i32
      %swap3A_1335 = arith.index_cast %add3A_1334 : i32 to index
      %swap3A_1336 = arith.constant 0 : index
      %swap3A_1337 = tpu.vector_load %arg6[%swap3A_1335, %swap3A_1336] {strides = array<i32>} : memref<40x128xi32, #tpu.memory_space<vmem>>, vector<1x16xi32>,
      %swap3A_1338 = vector.shape_cast %swap3A_1337 : vector<1x16xi32> to vector<16xi32>
      %swap3A_1339 = vector.shape_cast %add3A_1330 : vector<16xi32> to vector<1x16xi32>
      tpu.vector_store %arg6[%swap3A_1335, %swap3A_1336], %swap3A_1339 {strides = array<i32>} : memref<40x128xi32, #tpu.memory_space<vmem>>, vector<1x16xi32>,
      %mul3A_1340 = arith.constant 640 : i32
      %mul3A_1341 = arith.muli %scan3A_816, %mul3A_1340 : i32
      %add3A_1342 = arith.constant 400 : i32
      %add3A_1343 = arith.addi %mul3A_1341, %add3A_1342 : i32
      %get3A_1344 = arith.index_cast %add3A_1343 : i32 to index
      %get3A_1345 = tpu.vector_load %arg5[%get3A_1344] {strides = array<i32>} : memref<5120xi32, #tpu.memory_space<vmem>>, vector<16xi32>,
      %get3A_1346 = vector.shape_cast %get3A_1345 : vector<16xi32> to vector<16xi32>
      %mul3A_1347 = arith.constant 2 : i32
      %mul3A_1348 = vector.broadcast %mul3A_1347 : i32 to vector<16xi32>
      %mul3A_1349 = arith.muli %get3A_1346, %mul3A_1348 : vector<16xi32>
      %mul3A_1350 = arith.constant 5 : i32
      %mul3A_1351 = arith.muli %scan3A_816, %mul3A_1350 : i32
      %add3A_1352 = arith.constant 3 : i32
      %add3A_1353 = arith.addi %mul3A_1351, %add3A_1352 : i32
      %swap3A_1354 = arith.index_cast %add3A_1353 : i32 to index
      %swap3A_1355 = arith.constant 16 : index
      %swap3A_1356 = tpu.vector_load %arg6[%swap3A_1354, %swap3A_1355] {strides = array<i32>} : memref<40x128xi32, #tpu.memory_space<vmem>>, vector<1x16xi32>,
      %swap3A_1357 = vector.shape_cast %swap3A_1356 : vector<1x16xi32> to vector<16xi32>
      %swap3A_1358 = vector.shape_cast %mul3A_1349 : vector<16xi32> to vector<1x16xi32>
      tpu.vector_store %arg6[%swap3A_1354, %swap3A_1355], %swap3A_1358 {strides = array<i32>} : memref<40x128xi32, #tpu.memory_space<vmem>>, vector<1x16xi32>,
      %mul3A_1359 = arith.constant 640 : i32
      %mul3A_1360 = arith.muli %scan3A_816, %mul3A_1359 : i32
      %add3A_1361 = arith.constant 416 : i32
      %add3A_1362 = arith.addi %mul3A_1360, %add3A_1361 : i32
      %get3A_1363 = arith.index_cast %add3A_1362 : i32 to index
      %get3A_1364 = tpu.vector_load %arg5[%get3A_1363] {strides = array<i32>} : memref<5120xi32, #tpu.memory_space<vmem>>, vector<16xi32>,
      %get3A_1365 = vector.shape_cast %get3A_1364 : vector<16xi32> to vector<16xi32>
      %mul3A_1366 = arith.constant 2 : i32
      %mul3A_1367 = vector.broadcast %mul3A_1366 : i32 to vector<16xi32>
      %mul3A_1368 = arith.muli %get3A_1365, %mul3A_1367 : vector<16xi32>
      %add3A_1369 = arith.addi %mul3A_1368, %shift_right_arithmetic3A_822 : vector<16xi32>
      %mul3A_1370 = arith.constant 5 : i32
      %mul3A_1371 = arith.muli %scan3A_816, %mul3A_1370 : i32
      %add3A_1372 = arith.constant 3 : i32
      %add3A_1373 = arith.addi %mul3A_1371, %add3A_1372 : i32
      %swap3A_1374 = arith.index_cast %add3A_1373 : i32 to index
      %swap3A_1375 = arith.constant 32 : index
      %swap3A_1376 = tpu.vector_load %arg6[%swap3A_1374, %swap3A_1375] {strides = array<i32>} : memref<40x128xi32, #tpu.memory_space<vmem>>, vector<1x16xi32>,
      %swap3A_1377 = vector.shape_cast %swap3A_1376 : vector<1x16xi32> to vector<16xi32>
      %swap3A_1378 = vector.shape_cast %add3A_1369 : vector<16xi32> to vector<1x16xi32>
      tpu.vector_store %arg6[%swap3A_1374, %swap3A_1375], %swap3A_1378 {strides = array<i32>} : memref<40x128xi32, #tpu.memory_space<vmem>>, vector<1x16xi32>,
      %mul3A_1379 = arith.constant 640 : i32
      %mul3A_1380 = arith.muli %scan3A_816, %mul3A_1379 : i32
      %add3A_1381 = arith.constant 432 : i32
      %add3A_1382 = arith.addi %mul3A_1380, %add3A_1381 : i32
      %get3A_1383 = arith.index_cast %add3A_1382 : i32 to index
      %get3A_1384 = tpu.vector_load %arg5[%get3A_1383] {strides = array<i32>} : memref<5120xi32, #tpu.memory_space<vmem>>, vector<16xi32>,
      %get3A_1385 = vector.shape_cast %get3A_1384 : vector<16xi32> to vector<16xi32>
      %mul3A_1386 = arith.constant 2 : i32
      %mul3A_1387 = vector.broadcast %mul3A_1386 : i32 to vector<16xi32>
      %mul3A_1388 = arith.muli %get3A_1385, %mul3A_1387 : vector<16xi32>
      %add3A_1389 = arith.addi %mul3A_1388, %sub3A_836 : vector<16xi32>
      %mul3A_1390 = arith.constant 5 : i32
      %mul3A_1391 = arith.muli %scan3A_816, %mul3A_1390 : i32
      %add3A_1392 = arith.constant 3 : i32
      %add3A_1393 = arith.addi %mul3A_1391, %add3A_1392 : i32
      %swap3A_1394 = arith.index_cast %add3A_1393 : i32 to index
      %swap3A_1395 = arith.constant 48 : index
      %swap3A_1396 = tpu.vector_load %arg6[%swap3A_1394, %swap3A_1395] {strides = array<i32>} : memref<40x128xi32, #tpu.memory_space<vmem>>, vector<1x16xi32>,
      %swap3A_1397 = vector.shape_cast %swap3A_1396 : vector<1x16xi32> to vector<16xi32>
      %swap3A_1398 = vector.shape_cast %add3A_1389 : vector<16xi32> to vector<1x16xi32>
      tpu.vector_store %arg6[%swap3A_1394, %swap3A_1395], %swap3A_1398 {strides = array<i32>} : memref<40x128xi32, #tpu.memory_space<vmem>>, vector<1x16xi32>,
      %mul3A_1399 = arith.constant 640 : i32
      %mul3A_1400 = arith.muli %scan3A_816, %mul3A_1399 : i32
      %add3A_1401 = arith.constant 448 : i32
      %add3A_1402 = arith.addi %mul3A_1400, %add3A_1401 : i32
      %get3A_1403 = arith.index_cast %add3A_1402 : i32 to index
      %get3A_1404 = tpu.vector_load %arg5[%get3A_1403] {strides = array<i32>} : memref<5120xi32, #tpu.memory_space<vmem>>, vector<16xi32>,
      %get3A_1405 = vector.shape_cast %get3A_1404 : vector<16xi32> to vector<16xi32>
      %mul3A_1406 = arith.constant 2 : i32
      %mul3A_1407 = vector.broadcast %mul3A_1406 : i32 to vector<16xi32>
      %mul3A_1408 = arith.muli %get3A_1405, %mul3A_1407 : vector<16xi32>
      %add3A_1409 = arith.addi %mul3A_1408, %shift_right_arithmetic3A_834 : vector<16xi32>
      %mul3A_1410 = arith.constant 5 : i32
      %mul3A_1411 = arith.muli %scan3A_816, %mul3A_1410 : i32
      %add3A_1412 = arith.constant 3 : i32
      %add3A_1413 = arith.addi %mul3A_1411, %add3A_1412 : i32
      %swap3A_1414 = arith.index_cast %add3A_1413 : i32 to index
      %swap3A_1415 = arith.constant 64 : index
      %swap3A_1416 = tpu.vector_load %arg6[%swap3A_1414, %swap3A_1415] {strides = array<i32>} : memref<40x128xi32, #tpu.memory_space<vmem>>, vector<1x16xi32>,
      %swap3A_1417 = vector.shape_cast %swap3A_1416 : vector<1x16xi32> to vector<16xi32>
      %swap3A_1418 = vector.shape_cast %add3A_1409 : vector<16xi32> to vector<1x16xi32>
      tpu.vector_store %arg6[%swap3A_1414, %swap3A_1415], %swap3A_1418 {strides = array<i32>} : memref<40x128xi32, #tpu.memory_space<vmem>>, vector<1x16xi32>,
      %mul3A_1419 = arith.constant 640 : i32
      %mul3A_1420 = arith.muli %scan3A_816, %mul3A_1419 : i32
      %add3A_1421 = arith.constant 464 : i32
      %add3A_1422 = arith.addi %mul3A_1420, %add3A_1421 : i32
      %get3A_1423 = arith.index_cast %add3A_1422 : i32 to index
      %get3A_1424 = tpu.vector_load %arg5[%get3A_1423] {strides = array<i32>} : memref<5120xi32, #tpu.memory_space<vmem>>, vector<16xi32>,
      %get3A_1425 = vector.shape_cast %get3A_1424 : vector<16xi32> to vector<16xi32>
      %mul3A_1426 = arith.constant 2 : i32
      %mul3A_1427 = vector.broadcast %mul3A_1426 : i32 to vector<16xi32>
      %mul3A_1428 = arith.muli %get3A_1425, %mul3A_1427 : vector<16xi32>
      %add3A_1429 = arith.constant 1 : i32
      %add3A_1430 = vector.broadcast %add3A_1429 : i32 to vector<16xi32>
      %add3A_1431 = arith.addi %mul3A_1428, %add3A_1430 : vector<16xi32>
      %mul3A_1432 = arith.constant 5 : i32
      %mul3A_1433 = arith.muli %scan3A_816, %mul3A_1432 : i32
      %add3A_1434 = arith.constant 3 : i32
      %add3A_1435 = arith.addi %mul3A_1433, %add3A_1434 : i32
      %swap3A_1436 = arith.index_cast %add3A_1435 : i32 to index
      %swap3A_1437 = arith.constant 80 : index
      %swap3A_1438 = tpu.vector_load %arg6[%swap3A_1436, %swap3A_1437] {strides = array<i32>} : memref<40x128xi32, #tpu.memory_space<vmem>>, vector<1x16xi32>,
      %swap3A_1439 = vector.shape_cast %swap3A_1438 : vector<1x16xi32> to vector<16xi32>
      %swap3A_1440 = vector.shape_cast %add3A_1431 : vector<16xi32> to vector<1x16xi32>
      tpu.vector_store %arg6[%swap3A_1436, %swap3A_1437], %swap3A_1440 {strides = array<i32>} : memref<40x128xi32, #tpu.memory_space<vmem>>, vector<1x16xi32>,
      %mul3A_1441 = arith.constant 640 : i32
      %mul3A_1442 = arith.muli %scan3A_816, %mul3A_1441 : i32
      %add3A_1443 = arith.constant 480 : i32
      %add3A_1444 = arith.addi %mul3A_1442, %add3A_1443 : i32
      %get3A_1445 = arith.index_cast %add3A_1444 : i32 to index
      %get3A_1446 = tpu.vector_load %arg5[%get3A_1445] {strides = array<i32>} : memref<5120xi32, #tpu.memory_space<vmem>>, vector<16xi32>,
      %get3A_1447 = vector.shape_cast %get3A_1446 : vector<16xi32> to vector<16xi32>
      %mul3A_1448 = arith.constant 2 : i32
      %mul3A_1449 = vector.broadcast %mul3A_1448 : i32 to vector<16xi32>
      %mul3A_1450 = arith.muli %get3A_1447, %mul3A_1449 : vector<16xi32>
      %mul3A_1451 = arith.constant 5 : i32
      %mul3A_1452 = arith.muli %scan3A_816, %mul3A_1451 : i32
      %add3A_1453 = arith.constant 3 : i32
      %add3A_1454 = arith.addi %mul3A_1452, %add3A_1453 : i32
      %swap3A_1455 = arith.index_cast %add3A_1454 : i32 to index
      %swap3A_1456 = arith.constant 96 : index
      %swap3A_1457 = tpu.vector_load %arg6[%swap3A_1455, %swap3A_1456] {strides = array<i32>} : memref<40x128xi32, #tpu.memory_space<vmem>>, vector<1x16xi32>,
      %swap3A_1458 = vector.shape_cast %swap3A_1457 : vector<1x16xi32> to vector<16xi32>
      %swap3A_1459 = vector.shape_cast %mul3A_1450 : vector<16xi32> to vector<1x16xi32>
      tpu.vector_store %arg6[%swap3A_1455, %swap3A_1456], %swap3A_1459 {strides = array<i32>} : memref<40x128xi32, #tpu.memory_space<vmem>>, vector<1x16xi32>,
      %mul3A_1460 = arith.constant 640 : i32
      %mul3A_1461 = arith.muli %scan3A_816, %mul3A_1460 : i32
      %add3A_1462 = arith.constant 496 : i32
      %add3A_1463 = arith.addi %mul3A_1461, %add3A_1462 : i32
      %get3A_1464 = arith.index_cast %add3A_1463 : i32 to index
      %get3A_1465 = tpu.vector_load %arg5[%get3A_1464] {strides = array<i32>} : memref<5120xi32, #tpu.memory_space<vmem>>, vector<16xi32>,
      %get3A_1466 = vector.shape_cast %get3A_1465 : vector<16xi32> to vector<16xi32>
      %mul3A_1467 = arith.constant 2 : i32
      %mul3A_1468 = vector.broadcast %mul3A_1467 : i32 to vector<16xi32>
      %mul3A_1469 = arith.muli %get3A_1466, %mul3A_1468 : vector<16xi32>
      %add3A_1470 = arith.addi %mul3A_1469, %shift_right_arithmetic3A_822 : vector<16xi32>
      %mul3A_1471 = arith.constant 5 : i32
      %mul3A_1472 = arith.muli %scan3A_816, %mul3A_1471 : i32
      %add3A_1473 = arith.constant 3 : i32
      %add3A_1474 = arith.addi %mul3A_1472, %add3A_1473 : i32
      %swap3A_1475 = arith.index_cast %add3A_1474 : i32 to index
      %swap3A_1476 = arith.constant 112 : index
      %swap3A_1477 = tpu.vector_load %arg6[%swap3A_1475, %swap3A_1476] {strides = array<i32>} : memref<40x128xi32, #tpu.memory_space<vmem>>, vector<1x16xi32>,
      %swap3A_1478 = vector.shape_cast %swap3A_1477 : vector<1x16xi32> to vector<16xi32>
      %swap3A_1479 = vector.shape_cast %add3A_1470 : vector<16xi32> to vector<1x16xi32>
      tpu.vector_store %arg6[%swap3A_1475, %swap3A_1476], %swap3A_1479 {strides = array<i32>} : memref<40x128xi32, #tpu.memory_space<vmem>>, vector<1x16xi32>,
      %mul3A_1480 = arith.constant 640 : i32
      %mul3A_1481 = arith.muli %scan3A_816, %mul3A_1480 : i32
      %add3A_1482 = arith.constant 512 : i32
      %add3A_1483 = arith.addi %mul3A_1481, %add3A_1482 : i32
      %get3A_1484 = arith.index_cast %add3A_1483 : i32 to index
      %get3A_1485 = tpu.vector_load %arg5[%get3A_1484] {strides = array<i32>} : memref<5120xi32, #tpu.memory_space<vmem>>, vector<16xi32>,
      %get3A_1486 = vector.shape_cast %get3A_1485 : vector<16xi32> to vector<16xi32>
      %mul3A_1487 = arith.constant 2 : i32
      %mul3A_1488 = vector.broadcast %mul3A_1487 : i32 to vector<16xi32>
      %mul3A_1489 = arith.muli %get3A_1486, %mul3A_1488 : vector<16xi32>
      %add3A_1490 = arith.addi %mul3A_1489, %sub3A_836 : vector<16xi32>
      %mul3A_1491 = arith.constant 5 : i32
      %mul3A_1492 = arith.muli %scan3A_816, %mul3A_1491 : i32
      %add3A_1493 = arith.constant 4 : i32
      %add3A_1494 = arith.addi %mul3A_1492, %add3A_1493 : i32
      %swap3A_1495 = arith.index_cast %add3A_1494 : i32 to index
      %swap3A_1496 = arith.constant 0 : index
      %swap3A_1497 = tpu.vector_load %arg6[%swap3A_1495, %swap3A_1496] {strides = array<i32>} : memref<40x128xi32, #tpu.memory_space<vmem>>, vector<1x16xi32>,
      %swap3A_1498 = vector.shape_cast %swap3A_1497 : vector<1x16xi32> to vector<16xi32>
      %swap3A_1499 = vector.shape_cast %add3A_1490 : vector<16xi32> to vector<1x16xi32>
      tpu.vector_store %arg6[%swap3A_1495, %swap3A_1496], %swap3A_1499 {strides = array<i32>} : memref<40x128xi32, #tpu.memory_space<vmem>>, vector<1x16xi32>,
      %mul3A_1500 = arith.constant 640 : i32
      %mul3A_1501 = arith.muli %scan3A_816, %mul3A_1500 : i32
      %add3A_1502 = arith.constant 528 : i32
      %add3A_1503 = arith.addi %mul3A_1501, %add3A_1502 : i32
      %get3A_1504 = arith.index_cast %add3A_1503 : i32 to index
      %get3A_1505 = tpu.vector_load %arg5[%get3A_1504] {strides = array<i32>} : memref<5120xi32, #tpu.memory_space<vmem>>, vector<16xi32>,
      %get3A_1506 = vector.shape_cast %get3A_1505 : vector<16xi32> to vector<16xi32>
      %mul3A_1507 = arith.constant 2 : i32
      %mul3A_1508 = vector.broadcast %mul3A_1507 : i32 to vector<16xi32>
      %mul3A_1509 = arith.muli %get3A_1506, %mul3A_1508 : vector<16xi32>
      %add3A_1510 = arith.addi %mul3A_1509, %shift_right_arithmetic3A_834 : vector<16xi32>
      %mul3A_1511 = arith.constant 5 : i32
      %mul3A_1512 = arith.muli %scan3A_816, %mul3A_1511 : i32
      %add3A_1513 = arith.constant 4 : i32
      %add3A_1514 = arith.addi %mul3A_1512, %add3A_1513 : i32
      %swap3A_1515 = arith.index_cast %add3A_1514 : i32 to index
      %swap3A_1516 = arith.constant 16 : index
      %swap3A_1517 = tpu.vector_load %arg6[%swap3A_1515, %swap3A_1516] {strides = array<i32>} : memref<40x128xi32, #tpu.memory_space<vmem>>, vector<1x16xi32>,
      %swap3A_1518 = vector.shape_cast %swap3A_1517 : vector<1x16xi32> to vector<16xi32>
      %swap3A_1519 = vector.shape_cast %add3A_1510 : vector<16xi32> to vector<1x16xi32>
      tpu.vector_store %arg6[%swap3A_1515, %swap3A_1516], %swap3A_1519 {strides = array<i32>} : memref<40x128xi32, #tpu.memory_space<vmem>>, vector<1x16xi32>,
      %mul3A_1520 = arith.constant 640 : i32
      %mul3A_1521 = arith.muli %scan3A_816, %mul3A_1520 : i32
      %add3A_1522 = arith.constant 544 : i32
      %add3A_1523 = arith.addi %mul3A_1521, %add3A_1522 : i32
      %get3A_1524 = arith.index_cast %add3A_1523 : i32 to index
      %get3A_1525 = tpu.vector_load %arg5[%get3A_1524] {strides = array<i32>} : memref<5120xi32, #tpu.memory_space<vmem>>, vector<16xi32>,
      %get3A_1526 = vector.shape_cast %get3A_1525 : vector<16xi32> to vector<16xi32>
      %mul3A_1527 = arith.constant 2 : i32
      %mul3A_1528 = vector.broadcast %mul3A_1527 : i32 to vector<16xi32>
      %mul3A_1529 = arith.muli %get3A_1526, %mul3A_1528 : vector<16xi32>
      %add3A_1530 = arith.constant 1 : i32
      %add3A_1531 = vector.broadcast %add3A_1530 : i32 to vector<16xi32>
      %add3A_1532 = arith.addi %mul3A_1529, %add3A_1531 : vector<16xi32>
      %mul3A_1533 = arith.constant 5 : i32
      %mul3A_1534 = arith.muli %scan3A_816, %mul3A_1533 : i32
      %add3A_1535 = arith.constant 4 : i32
      %add3A_1536 = arith.addi %mul3A_1534, %add3A_1535 : i32
      %swap3A_1537 = arith.index_cast %add3A_1536 : i32 to index
      %swap3A_1538 = arith.constant 32 : index
      %swap3A_1539 = tpu.vector_load %arg6[%swap3A_1537, %swap3A_1538] {strides = array<i32>} : memref<40x128xi32, #tpu.memory_space<vmem>>, vector<1x16xi32>,
      %swap3A_1540 = vector.shape_cast %swap3A_1539 : vector<1x16xi32> to vector<16xi32>
      %swap3A_1541 = vector.shape_cast %add3A_1532 : vector<16xi32> to vector<1x16xi32>
      tpu.vector_store %arg6[%swap3A_1537, %swap3A_1538], %swap3A_1541 {strides = array<i32>} : memref<40x128xi32, #tpu.memory_space<vmem>>, vector<1x16xi32>,
      %mul3A_1542 = arith.constant 640 : i32
      %mul3A_1543 = arith.muli %scan3A_816, %mul3A_1542 : i32
      %add3A_1544 = arith.constant 560 : i32
      %add3A_1545 = arith.addi %mul3A_1543, %add3A_1544 : i32
      %get3A_1546 = arith.index_cast %add3A_1545 : i32 to index
      %get3A_1547 = tpu.vector_load %arg5[%get3A_1546] {strides = array<i32>} : memref<5120xi32, #tpu.memory_space<vmem>>, vector<16xi32>,
      %get3A_1548 = vector.shape_cast %get3A_1547 : vector<16xi32> to vector<16xi32>
      %mul3A_1549 = arith.constant 2 : i32
      %mul3A_1550 = vector.broadcast %mul3A_1549 : i32 to vector<16xi32>
      %mul3A_1551 = arith.muli %get3A_1548, %mul3A_1550 : vector<16xi32>
      %mul3A_1552 = arith.constant 5 : i32
      %mul3A_1553 = arith.muli %scan3A_816, %mul3A_1552 : i32
      %add3A_1554 = arith.constant 4 : i32
      %add3A_1555 = arith.addi %mul3A_1553, %add3A_1554 : i32
      %swap3A_1556 = arith.index_cast %add3A_1555 : i32 to index
      %swap3A_1557 = arith.constant 48 : index
      %swap3A_1558 = tpu.vector_load %arg6[%swap3A_1556, %swap3A_1557] {strides = array<i32>} : memref<40x128xi32, #tpu.memory_space<vmem>>, vector<1x16xi32>,
      %swap3A_1559 = vector.shape_cast %swap3A_1558 : vector<1x16xi32> to vector<16xi32>
      %swap3A_1560 = vector.shape_cast %mul3A_1551 : vector<16xi32> to vector<1x16xi32>
      tpu.vector_store %arg6[%swap3A_1556, %swap3A_1557], %swap3A_1560 {strides = array<i32>} : memref<40x128xi32, #tpu.memory_space<vmem>>, vector<1x16xi32>,
      %mul3A_1561 = arith.constant 640 : i32
      %mul3A_1562 = arith.muli %scan3A_816, %mul3A_1561 : i32
      %add3A_1563 = arith.constant 576 : i32
      %add3A_1564 = arith.addi %mul3A_1562, %add3A_1563 : i32
      %get3A_1565 = arith.index_cast %add3A_1564 : i32 to index
      %get3A_1566 = tpu.vector_load %arg5[%get3A_1565] {strides = array<i32>} : memref<5120xi32, #tpu.memory_space<vmem>>, vector<16xi32>,
      %get3A_1567 = vector.shape_cast %get3A_1566 : vector<16xi32> to vector<16xi32>
      %mul3A_1568 = arith.constant 2 : i32
      %mul3A_1569 = vector.broadcast %mul3A_1568 : i32 to vector<16xi32>
      %mul3A_1570 = arith.muli %get3A_1567, %mul3A_1569 : vector<16xi32>
      %add3A_1571 = arith.addi %mul3A_1570, %shift_right_arithmetic3A_822 : vector<16xi32>
      %mul3A_1572 = arith.constant 5 : i32
      %mul3A_1573 = arith.muli %scan3A_816, %mul3A_1572 : i32
      %add3A_1574 = arith.constant 4 : i32
      %add3A_1575 = arith.addi %mul3A_1573, %add3A_1574 : i32
      %swap3A_1576 = arith.index_cast %add3A_1575 : i32 to index
      %swap3A_1577 = arith.constant 64 : index
      %swap3A_1578 = tpu.vector_load %arg6[%swap3A_1576, %swap3A_1577] {strides = array<i32>} : memref<40x128xi32, #tpu.memory_space<vmem>>, vector<1x16xi32>,
      %swap3A_1579 = vector.shape_cast %swap3A_1578 : vector<1x16xi32> to vector<16xi32>
      %swap3A_1580 = vector.shape_cast %add3A_1571 : vector<16xi32> to vector<1x16xi32>
      tpu.vector_store %arg6[%swap3A_1576, %swap3A_1577], %swap3A_1580 {strides = array<i32>} : memref<40x128xi32, #tpu.memory_space<vmem>>, vector<1x16xi32>,
      %mul3A_1581 = arith.constant 640 : i32
      %mul3A_1582 = arith.muli %scan3A_816, %mul3A_1581 : i32
      %add3A_1583 = arith.constant 592 : i32
      %add3A_1584 = arith.addi %mul3A_1582, %add3A_1583 : i32
      %get3A_1585 = arith.index_cast %add3A_1584 : i32 to index
      %get3A_1586 = tpu.vector_load %arg5[%get3A_1585] {strides = array<i32>} : memref<5120xi32, #tpu.memory_space<vmem>>, vector<16xi32>,
      %get3A_1587 = vector.shape_cast %get3A_1586 : vector<16xi32> to vector<16xi32>
      %mul3A_1588 = arith.constant 2 : i32
      %mul3A_1589 = vector.broadcast %mul3A_1588 : i32 to vector<16xi32>
      %mul3A_1590 = arith.muli %get3A_1587, %mul3A_1589 : vector<16xi32>
      %add3A_1591 = arith.addi %mul3A_1590, %sub3A_836 : vector<16xi32>
      %mul3A_1592 = arith.constant 5 : i32
      %mul3A_1593 = arith.muli %scan3A_816, %mul3A_1592 : i32
      %add3A_1594 = arith.constant 4 : i32
      %add3A_1595 = arith.addi %mul3A_1593, %add3A_1594 : i32
      %swap3A_1596 = arith.index_cast %add3A_1595 : i32 to index
      %swap3A_1597 = arith.constant 80 : index
      %swap3A_1598 = tpu.vector_load %arg6[%swap3A_1596, %swap3A_1597] {strides = array<i32>} : memref<40x128xi32, #tpu.memory_space<vmem>>, vector<1x16xi32>,
      %swap3A_1599 = vector.shape_cast %swap3A_1598 : vector<1x16xi32> to vector<16xi32>
      %swap3A_1600 = vector.shape_cast %add3A_1591 : vector<16xi32> to vector<1x16xi32>
      tpu.vector_store %arg6[%swap3A_1596, %swap3A_1597], %swap3A_1600 {strides = array<i32>} : memref<40x128xi32, #tpu.memory_space<vmem>>, vector<1x16xi32>,
      %mul3A_1601 = arith.constant 640 : i32
      %mul3A_1602 = arith.muli %scan3A_816, %mul3A_1601 : i32
      %add3A_1603 = arith.constant 608 : i32
      %add3A_1604 = arith.addi %mul3A_1602, %add3A_1603 : i32
      %get3A_1605 = arith.index_cast %add3A_1604 : i32 to index
      %get3A_1606 = tpu.vector_load %arg5[%get3A_1605] {strides = array<i32>} : memref<5120xi32, #tpu.memory_space<vmem>>, vector<16xi32>,
      %get3A_1607 = vector.shape_cast %get3A_1606 : vector<16xi32> to vector<16xi32>
      %mul3A_1608 = arith.constant 2 : i32
      %mul3A_1609 = vector.broadcast %mul3A_1608 : i32 to vector<16xi32>
      %mul3A_1610 = arith.muli %get3A_1607, %mul3A_1609 : vector<16xi32>
      %add3A_1611 = arith.addi %mul3A_1610, %shift_right_arithmetic3A_834 : vector<16xi32>
      %mul3A_1612 = arith.constant 5 : i32
      %mul3A_1613 = arith.muli %scan3A_816, %mul3A_1612 : i32
      %add3A_1614 = arith.constant 4 : i32
      %add3A_1615 = arith.addi %mul3A_1613, %add3A_1614 : i32
      %swap3A_1616 = arith.index_cast %add3A_1615 : i32 to index
      %swap3A_1617 = arith.constant 96 : index
      %swap3A_1618 = tpu.vector_load %arg6[%swap3A_1616, %swap3A_1617] {strides = array<i32>} : memref<40x128xi32, #tpu.memory_space<vmem>>, vector<1x16xi32>,
      %swap3A_1619 = vector.shape_cast %swap3A_1618 : vector<1x16xi32> to vector<16xi32>
      %swap3A_1620 = vector.shape_cast %add3A_1611 : vector<16xi32> to vector<1x16xi32>
      tpu.vector_store %arg6[%swap3A_1616, %swap3A_1617], %swap3A_1620 {strides = array<i32>} : memref<40x128xi32, #tpu.memory_space<vmem>>, vector<1x16xi32>,
      %mul3A_1621 = arith.constant 640 : i32
      %mul3A_1622 = arith.muli %scan3A_816, %mul3A_1621 : i32
      %add3A_1623 = arith.constant 624 : i32
      %add3A_1624 = arith.addi %mul3A_1622, %add3A_1623 : i32
      %get3A_1625 = arith.index_cast %add3A_1624 : i32 to index
      %get3A_1626 = tpu.vector_load %arg5[%get3A_1625] {strides = array<i32>} : memref<5120xi32, #tpu.memory_space<vmem>>, vector<16xi32>,
      %get3A_1627 = vector.shape_cast %get3A_1626 : vector<16xi32> to vector<16xi32>
      %mul3A_1628 = arith.constant 2 : i32
      %mul3A_1629 = vector.broadcast %mul3A_1628 : i32 to vector<16xi32>
      %mul3A_1630 = arith.muli %get3A_1627, %mul3A_1629 : vector<16xi32>
      %add3A_1631 = arith.constant 1 : i32
      %add3A_1632 = vector.broadcast %add3A_1631 : i32 to vector<16xi32>
      %add3A_1633 = arith.addi %mul3A_1630, %add3A_1632 : vector<16xi32>
      %mul3A_1634 = arith.constant 5 : i32
      %mul3A_1635 = arith.muli %scan3A_816, %mul3A_1634 : i32
      %add3A_1636 = arith.constant 4 : i32
      %add3A_1637 = arith.addi %mul3A_1635, %add3A_1636 : i32
      %swap3A_1638 = arith.index_cast %add3A_1637 : i32 to index
      %swap3A_1639 = arith.constant 112 : index
      %swap3A_1640 = tpu.vector_load %arg6[%swap3A_1638, %swap3A_1639] {strides = array<i32>} : memref<40x128xi32, #tpu.memory_space<vmem>>, vector<1x16xi32>,
      %swap3A_1641 = vector.shape_cast %swap3A_1640 : vector<1x16xi32> to vector<16xi32>
      %swap3A_1642 = vector.shape_cast %add3A_1633 : vector<16xi32> to vector<1x16xi32>
      tpu.vector_store %arg6[%swap3A_1638, %swap3A_1639], %swap3A_1642 {strides = array<i32>} : memref<40x128xi32, #tpu.memory_space<vmem>>, vector<1x16xi32>,
      %scan3A_1643 = arith.constant 0 : i32
      scf.yield %scan3A_1643 : i32
    }
    %scan3A_8 = arith.constant 8 : i32
    %dma_start3A = arith.constant 0 : i32
    %dma_start3A_9 = arith.constant 0 : i32
    %dma_start3A_10 = arith.constant 0 : i32
    %dma_start3A_11 = tpu.memref_slice %arg7[%dma_start3A_9, %dma_start3A_10] : memref<5120x16xf32, #tpu.memory_space<vmem>> -> memref<128x16xf32, #tpu.memory_space<vmem>>
    %dma_start3A_12 = arith.constant 0 : i32
    %dma_start3A_13 = tpu.memref_slice %arg6[%dma_start3A, %dma_start3A_12] : memref<40x128xi32, #tpu.memory_space<vmem>> -> memref<1x128xi32, #tpu.memory_space<vmem>>
    %dma_start3A_14 = tpu.memref_squeeze %dma_start3A_13 : memref<1x128xi32, #tpu.memory_space<vmem>> -> memref<128xi32, #tpu.memory_space<vmem>>
    %dma_start3A_15 = arith.constant 0 : i32
    %dma_start3A_16 = arith.constant 0 : i32
    %dma_start3A_17 = tpu.memref_slice %arg3[%dma_start3A_15, %dma_start3A_16] : memref<2000000x16xf32, #tpu.memory_space<hbm>> -> memref<2000000x16xf32, #tpu.memory_space<hbm>>
    tpu.enqueue_indirect_dma source(%dma_start3A_17 : memref<2000000x16xf32, #tpu.memory_space<hbm>>) target(%dma_start3A_11 : memref<128x16xf32, #tpu.memory_space<vmem>>) offsets(%dma_start3A_14 : memref<128xi32, #tpu.memory_space<vmem>>) semaphore(%arg9 : memref<!tpu.dma_semaphore, #tpu.memory_space<semaphore_mem>>)
    %dma_start3A_18 = arith.constant 1 : i32
    %dma_start3A_19 = arith.constant 128 : i32
    %dma_start3A_20 = arith.constant 0 : i32
    %dma_start3A_21 = tpu.memref_slice %arg7[%dma_start3A_19, %dma_start3A_20] : memref<5120x16xf32, #tpu.memory_space<vmem>> -> memref<128x16xf32, #tpu.memory_space<vmem>>
    %dma_start3A_22 = arith.constant 0 : i32
    %dma_start3A_23 = tpu.memref_slice %arg6[%dma_start3A_18, %dma_start3A_22] : memref<40x128xi32, #tpu.memory_space<vmem>> -> memref<1x128xi32, #tpu.memory_space<vmem>>
    %dma_start3A_24 = tpu.memref_squeeze %dma_start3A_23 : memref<1x128xi32, #tpu.memory_space<vmem>> -> memref<128xi32, #tpu.memory_space<vmem>>
    %dma_start3A_25 = arith.constant 0 : i32
    %dma_start3A_26 = arith.constant 0 : i32
    %dma_start3A_27 = tpu.memref_slice %arg3[%dma_start3A_25, %dma_start3A_26] : memref<2000000x16xf32, #tpu.memory_space<hbm>> -> memref<2000000x16xf32, #tpu.memory_space<hbm>>
    tpu.enqueue_indirect_dma source(%dma_start3A_27 : memref<2000000x16xf32, #tpu.memory_space<hbm>>) target(%dma_start3A_21 : memref<128x16xf32, #tpu.memory_space<vmem>>) offsets(%dma_start3A_24 : memref<128xi32, #tpu.memory_space<vmem>>) semaphore(%arg9 : memref<!tpu.dma_semaphore, #tpu.memory_space<semaphore_mem>>)
    %dma_start3A_28 = arith.constant 2 : i32
    %dma_start3A_29 = arith.constant 256 : i32
    %dma_start3A_30 = arith.constant 0 : i32
    %dma_start3A_31 = tpu.memref_slice %arg7[%dma_start3A_29, %dma_start3A_30] : memref<5120x16xf32, #tpu.memory_space<vmem>> -> memref<128x16xf32, #tpu.memory_space<vmem>>
    %dma_start3A_32 = arith.constant 0 : i32
    %dma_start3A_33 = tpu.memref_slice %arg6[%dma_start3A_28, %dma_start3A_32] : memref<40x128xi32, #tpu.memory_space<vmem>> -> memref<1x128xi32, #tpu.memory_space<vmem>>
    %dma_start3A_34 = tpu.memref_squeeze %dma_start3A_33 : memref<1x128xi32, #tpu.memory_space<vmem>> -> memref<128xi32, #tpu.memory_space<vmem>>
    %dma_start3A_35 = arith.constant 0 : i32
    %dma_start3A_36 = arith.constant 0 : i32
    %dma_start3A_37 = tpu.memref_slice %arg3[%dma_start3A_35, %dma_start3A_36] : memref<2000000x16xf32, #tpu.memory_space<hbm>> -> memref<2000000x16xf32, #tpu.memory_space<hbm>>
    tpu.enqueue_indirect_dma source(%dma_start3A_37 : memref<2000000x16xf32, #tpu.memory_space<hbm>>) target(%dma_start3A_31 : memref<128x16xf32, #tpu.memory_space<vmem>>) offsets(%dma_start3A_34 : memref<128xi32, #tpu.memory_space<vmem>>) semaphore(%arg9 : memref<!tpu.dma_semaphore, #tpu.memory_space<semaphore_mem>>)
    %dma_start3A_38 = arith.constant 3 : i32
    %dma_start3A_39 = arith.constant 384 : i32
    %dma_start3A_40 = arith.constant 0 : i32
    %dma_start3A_41 = tpu.memref_slice %arg7[%dma_start3A_39, %dma_start3A_40] : memref<5120x16xf32, #tpu.memory_space<vmem>> -> memref<128x16xf32, #tpu.memory_space<vmem>>
    %dma_start3A_42 = arith.constant 0 : i32
    %dma_start3A_43 = tpu.memref_slice %arg6[%dma_start3A_38, %dma_start3A_42] : memref<40x128xi32, #tpu.memory_space<vmem>> -> memref<1x128xi32, #tpu.memory_space<vmem>>
    %dma_start3A_44 = tpu.memref_squeeze %dma_start3A_43 : memref<1x128xi32, #tpu.memory_space<vmem>> -> memref<128xi32, #tpu.memory_space<vmem>>
    %dma_start3A_45 = arith.constant 0 : i32
    %dma_start3A_46 = arith.constant 0 : i32
    %dma_start3A_47 = tpu.memref_slice %arg3[%dma_start3A_45, %dma_start3A_46] : memref<2000000x16xf32, #tpu.memory_space<hbm>> -> memref<2000000x16xf32, #tpu.memory_space<hbm>>
    tpu.enqueue_indirect_dma source(%dma_start3A_47 : memref<2000000x16xf32, #tpu.memory_space<hbm>>) target(%dma_start3A_41 : memref<128x16xf32, #tpu.memory_space<vmem>>) offsets(%dma_start3A_44 : memref<128xi32, #tpu.memory_space<vmem>>) semaphore(%arg9 : memref<!tpu.dma_semaphore, #tpu.memory_space<semaphore_mem>>)
    %dma_start3A_48 = arith.constant 4 : i32
    %dma_start3A_49 = arith.constant 512 : i32
    %dma_start3A_50 = arith.constant 0 : i32
    %dma_start3A_51 = tpu.memref_slice %arg7[%dma_start3A_49, %dma_start3A_50] : memref<5120x16xf32, #tpu.memory_space<vmem>> -> memref<128x16xf32, #tpu.memory_space<vmem>>
    %dma_start3A_52 = arith.constant 0 : i32
    %dma_start3A_53 = tpu.memref_slice %arg6[%dma_start3A_48, %dma_start3A_52] : memref<40x128xi32, #tpu.memory_space<vmem>> -> memref<1x128xi32, #tpu.memory_space<vmem>>
    %dma_start3A_54 = tpu.memref_squeeze %dma_start3A_53 : memref<1x128xi32, #tpu.memory_space<vmem>> -> memref<128xi32, #tpu.memory_space<vmem>>
    %dma_start3A_55 = arith.constant 0 : i32
    %dma_start3A_56 = arith.constant 0 : i32
    %dma_start3A_57 = tpu.memref_slice %arg3[%dma_start3A_55, %dma_start3A_56] : memref<2000000x16xf32, #tpu.memory_space<hbm>> -> memref<2000000x16xf32, #tpu.memory_space<hbm>>
    tpu.enqueue_indirect_dma source(%dma_start3A_57 : memref<2000000x16xf32, #tpu.memory_space<hbm>>) target(%dma_start3A_51 : memref<128x16xf32, #tpu.memory_space<vmem>>) offsets(%dma_start3A_54 : memref<128xi32, #tpu.memory_space<vmem>>) semaphore(%arg9 : memref<!tpu.dma_semaphore, #tpu.memory_space<semaphore_mem>>)
    %dma_start3A_58 = arith.constant 5 : i32
    %dma_start3A_59 = arith.constant 640 : i32
    %dma_start3A_60 = arith.constant 0 : i32
    %dma_start3A_61 = tpu.memref_slice %arg7[%dma_start3A_59, %dma_start3A_60] : memref<5120x16xf32, #tpu.memory_space<vmem>> -> memref<128x16xf32, #tpu.memory_space<vmem>>
    %dma_start3A_62 = arith.constant 0 : i32
    %dma_start3A_63 = tpu.memref_slice %arg6[%dma_start3A_58, %dma_start3A_62] : memref<40x128xi32, #tpu.memory_space<vmem>> -> memref<1x128xi32, #tpu.memory_space<vmem>>
    %dma_start3A_64 = tpu.memref_squeeze %dma_start3A_63 : memref<1x128xi32, #tpu.memory_space<vmem>> -> memref<128xi32, #tpu.memory_space<vmem>>
    %dma_start3A_65 = arith.constant 0 : i32
    %dma_start3A_66 = arith.constant 0 : i32
    %dma_start3A_67 = tpu.memref_slice %arg3[%dma_start3A_65, %dma_start3A_66] : memref<2000000x16xf32, #tpu.memory_space<hbm>> -> memref<2000000x16xf32, #tpu.memory_space<hbm>>
    tpu.enqueue_indirect_dma source(%dma_start3A_67 : memref<2000000x16xf32, #tpu.memory_space<hbm>>) target(%dma_start3A_61 : memref<128x16xf32, #tpu.memory_space<vmem>>) offsets(%dma_start3A_64 : memref<128xi32, #tpu.memory_space<vmem>>) semaphore(%arg9 : memref<!tpu.dma_semaphore, #tpu.memory_space<semaphore_mem>>)
    %dma_start3A_68 = arith.constant 6 : i32
    %dma_start3A_69 = arith.constant 768 : i32
    %dma_start3A_70 = arith.constant 0 : i32
    %dma_start3A_71 = tpu.memref_slice %arg7[%dma_start3A_69, %dma_start3A_70] : memref<5120x16xf32, #tpu.memory_space<vmem>> -> memref<128x16xf32, #tpu.memory_space<vmem>>
    %dma_start3A_72 = arith.constant 0 : i32
    %dma_start3A_73 = tpu.memref_slice %arg6[%dma_start3A_68, %dma_start3A_72] : memref<40x128xi32, #tpu.memory_space<vmem>> -> memref<1x128xi32, #tpu.memory_space<vmem>>
    %dma_start3A_74 = tpu.memref_squeeze %dma_start3A_73 : memref<1x128xi32, #tpu.memory_space<vmem>> -> memref<128xi32, #tpu.memory_space<vmem>>
    %dma_start3A_75 = arith.constant 0 : i32
    %dma_start3A_76 = arith.constant 0 : i32
    %dma_start3A_77 = tpu.memref_slice %arg3[%dma_start3A_75, %dma_start3A_76] : memref<2000000x16xf32, #tpu.memory_space<hbm>> -> memref<2000000x16xf32, #tpu.memory_space<hbm>>
    tpu.enqueue_indirect_dma source(%dma_start3A_77 : memref<2000000x16xf32, #tpu.memory_space<hbm>>) target(%dma_start3A_71 : memref<128x16xf32, #tpu.memory_space<vmem>>) offsets(%dma_start3A_74 : memref<128xi32, #tpu.memory_space<vmem>>) semaphore(%arg9 : memref<!tpu.dma_semaphore, #tpu.memory_space<semaphore_mem>>)
    %dma_start3A_78 = arith.constant 7 : i32
    %dma_start3A_79 = arith.constant 896 : i32
    %dma_start3A_80 = arith.constant 0 : i32
    %dma_start3A_81 = tpu.memref_slice %arg7[%dma_start3A_79, %dma_start3A_80] : memref<5120x16xf32, #tpu.memory_space<vmem>> -> memref<128x16xf32, #tpu.memory_space<vmem>>
    %dma_start3A_82 = arith.constant 0 : i32
    %dma_start3A_83 = tpu.memref_slice %arg6[%dma_start3A_78, %dma_start3A_82] : memref<40x128xi32, #tpu.memory_space<vmem>> -> memref<1x128xi32, #tpu.memory_space<vmem>>
    %dma_start3A_84 = tpu.memref_squeeze %dma_start3A_83 : memref<1x128xi32, #tpu.memory_space<vmem>> -> memref<128xi32, #tpu.memory_space<vmem>>
    %dma_start3A_85 = arith.constant 0 : i32
    %dma_start3A_86 = arith.constant 0 : i32
    %dma_start3A_87 = tpu.memref_slice %arg3[%dma_start3A_85, %dma_start3A_86] : memref<2000000x16xf32, #tpu.memory_space<hbm>> -> memref<2000000x16xf32, #tpu.memory_space<hbm>>
    tpu.enqueue_indirect_dma source(%dma_start3A_87 : memref<2000000x16xf32, #tpu.memory_space<hbm>>) target(%dma_start3A_81 : memref<128x16xf32, #tpu.memory_space<vmem>>) offsets(%dma_start3A_84 : memref<128xi32, #tpu.memory_space<vmem>>) semaphore(%arg9 : memref<!tpu.dma_semaphore, #tpu.memory_space<semaphore_mem>>)
    %dma_start3A_88 = arith.constant 8 : i32
    %dma_start3A_89 = arith.constant 1024 : i32
    %dma_start3A_90 = arith.constant 0 : i32
    %dma_start3A_91 = tpu.memref_slice %arg7[%dma_start3A_89, %dma_start3A_90] : memref<5120x16xf32, #tpu.memory_space<vmem>> -> memref<128x16xf32, #tpu.memory_space<vmem>>
    %dma_start3A_92 = arith.constant 0 : i32
    %dma_start3A_93 = tpu.memref_slice %arg6[%dma_start3A_88, %dma_start3A_92] : memref<40x128xi32, #tpu.memory_space<vmem>> -> memref<1x128xi32, #tpu.memory_space<vmem>>
    %dma_start3A_94 = tpu.memref_squeeze %dma_start3A_93 : memref<1x128xi32, #tpu.memory_space<vmem>> -> memref<128xi32, #tpu.memory_space<vmem>>
    %dma_start3A_95 = arith.constant 0 : i32
    %dma_start3A_96 = arith.constant 0 : i32
    %dma_start3A_97 = tpu.memref_slice %arg3[%dma_start3A_95, %dma_start3A_96] : memref<2000000x16xf32, #tpu.memory_space<hbm>> -> memref<2000000x16xf32, #tpu.memory_space<hbm>>
    tpu.enqueue_indirect_dma source(%dma_start3A_97 : memref<2000000x16xf32, #tpu.memory_space<hbm>>) target(%dma_start3A_91 : memref<128x16xf32, #tpu.memory_space<vmem>>) offsets(%dma_start3A_94 : memref<128xi32, #tpu.memory_space<vmem>>) semaphore(%arg9 : memref<!tpu.dma_semaphore, #tpu.memory_space<semaphore_mem>>)
    %dma_start3A_98 = arith.constant 9 : i32
    %dma_start3A_99 = arith.constant 1152 : i32
    %dma_start3A_100 = arith.constant 0 : i32
    %dma_start3A_101 = tpu.memref_slice %arg7[%dma_start3A_99, %dma_start3A_100] : memref<5120x16xf32, #tpu.memory_space<vmem>> -> memref<128x16xf32, #tpu.memory_space<vmem>>
    %dma_start3A_102 = arith.constant 0 : i32
    %dma_start3A_103 = tpu.memref_slice %arg6[%dma_start3A_98, %dma_start3A_102] : memref<40x128xi32, #tpu.memory_space<vmem>> -> memref<1x128xi32, #tpu.memory_space<vmem>>
    %dma_start3A_104 = tpu.memref_squeeze %dma_start3A_103 : memref<1x128xi32, #tpu.memory_space<vmem>> -> memref<128xi32, #tpu.memory_space<vmem>>
    %dma_start3A_105 = arith.constant 0 : i32
    %dma_start3A_106 = arith.constant 0 : i32
    %dma_start3A_107 = tpu.memref_slice %arg3[%dma_start3A_105, %dma_start3A_106] : memref<2000000x16xf32, #tpu.memory_space<hbm>> -> memref<2000000x16xf32, #tpu.memory_space<hbm>>
    tpu.enqueue_indirect_dma source(%dma_start3A_107 : memref<2000000x16xf32, #tpu.memory_space<hbm>>) target(%dma_start3A_101 : memref<128x16xf32, #tpu.memory_space<vmem>>) offsets(%dma_start3A_104 : memref<128xi32, #tpu.memory_space<vmem>>) semaphore(%arg9 : memref<!tpu.dma_semaphore, #tpu.memory_space<semaphore_mem>>)
    %dma_start3A_108 = arith.constant 10 : i32
    %dma_start3A_109 = arith.constant 1280 : i32
    %dma_start3A_110 = arith.constant 0 : i32
    %dma_start3A_111 = tpu.memref_slice %arg7[%dma_start3A_109, %dma_start3A_110] : memref<5120x16xf32, #tpu.memory_space<vmem>> -> memref<128x16xf32, #tpu.memory_space<vmem>>
    %dma_start3A_112 = arith.constant 0 : i32
    %dma_start3A_113 = tpu.memref_slice %arg6[%dma_start3A_108, %dma_start3A_112] : memref<40x128xi32, #tpu.memory_space<vmem>> -> memref<1x128xi32, #tpu.memory_space<vmem>>
    %dma_start3A_114 = tpu.memref_squeeze %dma_start3A_113 : memref<1x128xi32, #tpu.memory_space<vmem>> -> memref<128xi32, #tpu.memory_space<vmem>>
    %dma_start3A_115 = arith.constant 0 : i32
    %dma_start3A_116 = arith.constant 0 : i32
    %dma_start3A_117 = tpu.memref_slice %arg3[%dma_start3A_115, %dma_start3A_116] : memref<2000000x16xf32, #tpu.memory_space<hbm>> -> memref<2000000x16xf32, #tpu.memory_space<hbm>>
    tpu.enqueue_indirect_dma source(%dma_start3A_117 : memref<2000000x16xf32, #tpu.memory_space<hbm>>) target(%dma_start3A_111 : memref<128x16xf32, #tpu.memory_space<vmem>>) offsets(%dma_start3A_114 : memref<128xi32, #tpu.memory_space<vmem>>) semaphore(%arg9 : memref<!tpu.dma_semaphore, #tpu.memory_space<semaphore_mem>>)
    %dma_start3A_118 = arith.constant 11 : i32
    %dma_start3A_119 = arith.constant 1408 : i32
    %dma_start3A_120 = arith.constant 0 : i32
    %dma_start3A_121 = tpu.memref_slice %arg7[%dma_start3A_119, %dma_start3A_120] : memref<5120x16xf32, #tpu.memory_space<vmem>> -> memref<128x16xf32, #tpu.memory_space<vmem>>
    %dma_start3A_122 = arith.constant 0 : i32
    %dma_start3A_123 = tpu.memref_slice %arg6[%dma_start3A_118, %dma_start3A_122] : memref<40x128xi32, #tpu.memory_space<vmem>> -> memref<1x128xi32, #tpu.memory_space<vmem>>
    %dma_start3A_124 = tpu.memref_squeeze %dma_start3A_123 : memref<1x128xi32, #tpu.memory_space<vmem>> -> memref<128xi32, #tpu.memory_space<vmem>>
    %dma_start3A_125 = arith.constant 0 : i32
    %dma_start3A_126 = arith.constant 0 : i32
    %dma_start3A_127 = tpu.memref_slice %arg3[%dma_start3A_125, %dma_start3A_126] : memref<2000000x16xf32, #tpu.memory_space<hbm>> -> memref<2000000x16xf32, #tpu.memory_space<hbm>>
    tpu.enqueue_indirect_dma source(%dma_start3A_127 : memref<2000000x16xf32, #tpu.memory_space<hbm>>) target(%dma_start3A_121 : memref<128x16xf32, #tpu.memory_space<vmem>>) offsets(%dma_start3A_124 : memref<128xi32, #tpu.memory_space<vmem>>) semaphore(%arg9 : memref<!tpu.dma_semaphore, #tpu.memory_space<semaphore_mem>>)
    %dma_start3A_128 = arith.constant 12 : i32
    %dma_start3A_129 = arith.constant 1536 : i32
    %dma_start3A_130 = arith.constant 0 : i32
    %dma_start3A_131 = tpu.memref_slice %arg7[%dma_start3A_129, %dma_start3A_130] : memref<5120x16xf32, #tpu.memory_space<vmem>> -> memref<128x16xf32, #tpu.memory_space<vmem>>
    %dma_start3A_132 = arith.constant 0 : i32
    %dma_start3A_133 = tpu.memref_slice %arg6[%dma_start3A_128, %dma_start3A_132] : memref<40x128xi32, #tpu.memory_space<vmem>> -> memref<1x128xi32, #tpu.memory_space<vmem>>
    %dma_start3A_134 = tpu.memref_squeeze %dma_start3A_133 : memref<1x128xi32, #tpu.memory_space<vmem>> -> memref<128xi32, #tpu.memory_space<vmem>>
    %dma_start3A_135 = arith.constant 0 : i32
    %dma_start3A_136 = arith.constant 0 : i32
    %dma_start3A_137 = tpu.memref_slice %arg3[%dma_start3A_135, %dma_start3A_136] : memref<2000000x16xf32, #tpu.memory_space<hbm>> -> memref<2000000x16xf32, #tpu.memory_space<hbm>>
    tpu.enqueue_indirect_dma source(%dma_start3A_137 : memref<2000000x16xf32, #tpu.memory_space<hbm>>) target(%dma_start3A_131 : memref<128x16xf32, #tpu.memory_space<vmem>>) offsets(%dma_start3A_134 : memref<128xi32, #tpu.memory_space<vmem>>) semaphore(%arg9 : memref<!tpu.dma_semaphore, #tpu.memory_space<semaphore_mem>>)
    %dma_start3A_138 = arith.constant 13 : i32
    %dma_start3A_139 = arith.constant 1664 : i32
    %dma_start3A_140 = arith.constant 0 : i32
    %dma_start3A_141 = tpu.memref_slice %arg7[%dma_start3A_139, %dma_start3A_140] : memref<5120x16xf32, #tpu.memory_space<vmem>> -> memref<128x16xf32, #tpu.memory_space<vmem>>
    %dma_start3A_142 = arith.constant 0 : i32
    %dma_start3A_143 = tpu.memref_slice %arg6[%dma_start3A_138, %dma_start3A_142] : memref<40x128xi32, #tpu.memory_space<vmem>> -> memref<1x128xi32, #tpu.memory_space<vmem>>
    %dma_start3A_144 = tpu.memref_squeeze %dma_start3A_143 : memref<1x128xi32, #tpu.memory_space<vmem>> -> memref<128xi32, #tpu.memory_space<vmem>>
    %dma_start3A_145 = arith.constant 0 : i32
    %dma_start3A_146 = arith.constant 0 : i32
    %dma_start3A_147 = tpu.memref_slice %arg3[%dma_start3A_145, %dma_start3A_146] : memref<2000000x16xf32, #tpu.memory_space<hbm>> -> memref<2000000x16xf32, #tpu.memory_space<hbm>>
    tpu.enqueue_indirect_dma source(%dma_start3A_147 : memref<2000000x16xf32, #tpu.memory_space<hbm>>) target(%dma_start3A_141 : memref<128x16xf32, #tpu.memory_space<vmem>>) offsets(%dma_start3A_144 : memref<128xi32, #tpu.memory_space<vmem>>) semaphore(%arg9 : memref<!tpu.dma_semaphore, #tpu.memory_space<semaphore_mem>>)
    %dma_start3A_148 = arith.constant 14 : i32
    %dma_start3A_149 = arith.constant 1792 : i32
    %dma_start3A_150 = arith.constant 0 : i32
    %dma_start3A_151 = tpu.memref_slice %arg7[%dma_start3A_149, %dma_start3A_150] : memref<5120x16xf32, #tpu.memory_space<vmem>> -> memref<128x16xf32, #tpu.memory_space<vmem>>
    %dma_start3A_152 = arith.constant 0 : i32
    %dma_start3A_153 = tpu.memref_slice %arg6[%dma_start3A_148, %dma_start3A_152] : memref<40x128xi32, #tpu.memory_space<vmem>> -> memref<1x128xi32, #tpu.memory_space<vmem>>
    %dma_start3A_154 = tpu.memref_squeeze %dma_start3A_153 : memref<1x128xi32, #tpu.memory_space<vmem>> -> memref<128xi32, #tpu.memory_space<vmem>>
    %dma_start3A_155 = arith.constant 0 : i32
    %dma_start3A_156 = arith.constant 0 : i32
    %dma_start3A_157 = tpu.memref_slice %arg3[%dma_start3A_155, %dma_start3A_156] : memref<2000000x16xf32, #tpu.memory_space<hbm>> -> memref<2000000x16xf32, #tpu.memory_space<hbm>>
    tpu.enqueue_indirect_dma source(%dma_start3A_157 : memref<2000000x16xf32, #tpu.memory_space<hbm>>) target(%dma_start3A_151 : memref<128x16xf32, #tpu.memory_space<vmem>>) offsets(%dma_start3A_154 : memref<128xi32, #tpu.memory_space<vmem>>) semaphore(%arg9 : memref<!tpu.dma_semaphore, #tpu.memory_space<semaphore_mem>>)
    %dma_start3A_158 = arith.constant 15 : i32
    %dma_start3A_159 = arith.constant 1920 : i32
    %dma_start3A_160 = arith.constant 0 : i32
    %dma_start3A_161 = tpu.memref_slice %arg7[%dma_start3A_159, %dma_start3A_160] : memref<5120x16xf32, #tpu.memory_space<vmem>> -> memref<128x16xf32, #tpu.memory_space<vmem>>
    %dma_start3A_162 = arith.constant 0 : i32
    %dma_start3A_163 = tpu.memref_slice %arg6[%dma_start3A_158, %dma_start3A_162] : memref<40x128xi32, #tpu.memory_space<vmem>> -> memref<1x128xi32, #tpu.memory_space<vmem>>
    %dma_start3A_164 = tpu.memref_squeeze %dma_start3A_163 : memref<1x128xi32, #tpu.memory_space<vmem>> -> memref<128xi32, #tpu.memory_space<vmem>>
    %dma_start3A_165 = arith.constant 0 : i32
    %dma_start3A_166 = arith.constant 0 : i32
    %dma_start3A_167 = tpu.memref_slice %arg3[%dma_start3A_165, %dma_start3A_166] : memref<2000000x16xf32, #tpu.memory_space<hbm>> -> memref<2000000x16xf32, #tpu.memory_space<hbm>>
    tpu.enqueue_indirect_dma source(%dma_start3A_167 : memref<2000000x16xf32, #tpu.memory_space<hbm>>) target(%dma_start3A_161 : memref<128x16xf32, #tpu.memory_space<vmem>>) offsets(%dma_start3A_164 : memref<128xi32, #tpu.memory_space<vmem>>) semaphore(%arg9 : memref<!tpu.dma_semaphore, #tpu.memory_space<semaphore_mem>>)
    %dma_start3A_168 = arith.constant 16 : i32
    %dma_start3A_169 = arith.constant 2048 : i32
    %dma_start3A_170 = arith.constant 0 : i32
    %dma_start3A_171 = tpu.memref_slice %arg7[%dma_start3A_169, %dma_start3A_170] : memref<5120x16xf32, #tpu.memory_space<vmem>> -> memref<128x16xf32, #tpu.memory_space<vmem>>
    %dma_start3A_172 = arith.constant 0 : i32
    %dma_start3A_173 = tpu.memref_slice %arg6[%dma_start3A_168, %dma_start3A_172] : memref<40x128xi32, #tpu.memory_space<vmem>> -> memref<1x128xi32, #tpu.memory_space<vmem>>
    %dma_start3A_174 = tpu.memref_squeeze %dma_start3A_173 : memref<1x128xi32, #tpu.memory_space<vmem>> -> memref<128xi32, #tpu.memory_space<vmem>>
    %dma_start3A_175 = arith.constant 0 : i32
    %dma_start3A_176 = arith.constant 0 : i32
    %dma_start3A_177 = tpu.memref_slice %arg3[%dma_start3A_175, %dma_start3A_176] : memref<2000000x16xf32, #tpu.memory_space<hbm>> -> memref<2000000x16xf32, #tpu.memory_space<hbm>>
    tpu.enqueue_indirect_dma source(%dma_start3A_177 : memref<2000000x16xf32, #tpu.memory_space<hbm>>) target(%dma_start3A_171 : memref<128x16xf32, #tpu.memory_space<vmem>>) offsets(%dma_start3A_174 : memref<128xi32, #tpu.memory_space<vmem>>) semaphore(%arg9 : memref<!tpu.dma_semaphore, #tpu.memory_space<semaphore_mem>>)
    %dma_start3A_178 = arith.constant 17 : i32
    %dma_start3A_179 = arith.constant 2176 : i32
    %dma_start3A_180 = arith.constant 0 : i32
    %dma_start3A_181 = tpu.memref_slice %arg7[%dma_start3A_179, %dma_start3A_180] : memref<5120x16xf32, #tpu.memory_space<vmem>> -> memref<128x16xf32, #tpu.memory_space<vmem>>
    %dma_start3A_182 = arith.constant 0 : i32
    %dma_start3A_183 = tpu.memref_slice %arg6[%dma_start3A_178, %dma_start3A_182] : memref<40x128xi32, #tpu.memory_space<vmem>> -> memref<1x128xi32, #tpu.memory_space<vmem>>
    %dma_start3A_184 = tpu.memref_squeeze %dma_start3A_183 : memref<1x128xi32, #tpu.memory_space<vmem>> -> memref<128xi32, #tpu.memory_space<vmem>>
    %dma_start3A_185 = arith.constant 0 : i32
    %dma_start3A_186 = arith.constant 0 : i32
    %dma_start3A_187 = tpu.memref_slice %arg3[%dma_start3A_185, %dma_start3A_186] : memref<2000000x16xf32, #tpu.memory_space<hbm>> -> memref<2000000x16xf32, #tpu.memory_space<hbm>>
    tpu.enqueue_indirect_dma source(%dma_start3A_187 : memref<2000000x16xf32, #tpu.memory_space<hbm>>) target(%dma_start3A_181 : memref<128x16xf32, #tpu.memory_space<vmem>>) offsets(%dma_start3A_184 : memref<128xi32, #tpu.memory_space<vmem>>) semaphore(%arg9 : memref<!tpu.dma_semaphore, #tpu.memory_space<semaphore_mem>>)
    %dma_start3A_188 = arith.constant 18 : i32
    %dma_start3A_189 = arith.constant 2304 : i32
    %dma_start3A_190 = arith.constant 0 : i32
    %dma_start3A_191 = tpu.memref_slice %arg7[%dma_start3A_189, %dma_start3A_190] : memref<5120x16xf32, #tpu.memory_space<vmem>> -> memref<128x16xf32, #tpu.memory_space<vmem>>
    %dma_start3A_192 = arith.constant 0 : i32
    %dma_start3A_193 = tpu.memref_slice %arg6[%dma_start3A_188, %dma_start3A_192] : memref<40x128xi32, #tpu.memory_space<vmem>> -> memref<1x128xi32, #tpu.memory_space<vmem>>
    %dma_start3A_194 = tpu.memref_squeeze %dma_start3A_193 : memref<1x128xi32, #tpu.memory_space<vmem>> -> memref<128xi32, #tpu.memory_space<vmem>>
    %dma_start3A_195 = arith.constant 0 : i32
    %dma_start3A_196 = arith.constant 0 : i32
    %dma_start3A_197 = tpu.memref_slice %arg3[%dma_start3A_195, %dma_start3A_196] : memref<2000000x16xf32, #tpu.memory_space<hbm>> -> memref<2000000x16xf32, #tpu.memory_space<hbm>>
    tpu.enqueue_indirect_dma source(%dma_start3A_197 : memref<2000000x16xf32, #tpu.memory_space<hbm>>) target(%dma_start3A_191 : memref<128x16xf32, #tpu.memory_space<vmem>>) offsets(%dma_start3A_194 : memref<128xi32, #tpu.memory_space<vmem>>) semaphore(%arg9 : memref<!tpu.dma_semaphore, #tpu.memory_space<semaphore_mem>>)
    %dma_start3A_198 = arith.constant 19 : i32
    %dma_start3A_199 = arith.constant 2432 : i32
    %dma_start3A_200 = arith.constant 0 : i32
    %dma_start3A_201 = tpu.memref_slice %arg7[%dma_start3A_199, %dma_start3A_200] : memref<5120x16xf32, #tpu.memory_space<vmem>> -> memref<128x16xf32, #tpu.memory_space<vmem>>
    %dma_start3A_202 = arith.constant 0 : i32
    %dma_start3A_203 = tpu.memref_slice %arg6[%dma_start3A_198, %dma_start3A_202] : memref<40x128xi32, #tpu.memory_space<vmem>> -> memref<1x128xi32, #tpu.memory_space<vmem>>
    %dma_start3A_204 = tpu.memref_squeeze %dma_start3A_203 : memref<1x128xi32, #tpu.memory_space<vmem>> -> memref<128xi32, #tpu.memory_space<vmem>>
    %dma_start3A_205 = arith.constant 0 : i32
    %dma_start3A_206 = arith.constant 0 : i32
    %dma_start3A_207 = tpu.memref_slice %arg3[%dma_start3A_205, %dma_start3A_206] : memref<2000000x16xf32, #tpu.memory_space<hbm>> -> memref<2000000x16xf32, #tpu.memory_space<hbm>>
    tpu.enqueue_indirect_dma source(%dma_start3A_207 : memref<2000000x16xf32, #tpu.memory_space<hbm>>) target(%dma_start3A_201 : memref<128x16xf32, #tpu.memory_space<vmem>>) offsets(%dma_start3A_204 : memref<128xi32, #tpu.memory_space<vmem>>) semaphore(%arg9 : memref<!tpu.dma_semaphore, #tpu.memory_space<semaphore_mem>>)
    %dma_start3A_208 = arith.constant 20 : i32
    %dma_start3A_209 = arith.constant 2560 : i32
    %dma_start3A_210 = arith.constant 0 : i32
    %dma_start3A_211 = tpu.memref_slice %arg7[%dma_start3A_209, %dma_start3A_210] : memref<5120x16xf32, #tpu.memory_space<vmem>> -> memref<128x16xf32, #tpu.memory_space<vmem>>
    %dma_start3A_212 = arith.constant 0 : i32
    %dma_start3A_213 = tpu.memref_slice %arg6[%dma_start3A_208, %dma_start3A_212] : memref<40x128xi32, #tpu.memory_space<vmem>> -> memref<1x128xi32, #tpu.memory_space<vmem>>
    %dma_start3A_214 = tpu.memref_squeeze %dma_start3A_213 : memref<1x128xi32, #tpu.memory_space<vmem>> -> memref<128xi32, #tpu.memory_space<vmem>>
    %dma_start3A_215 = arith.constant 0 : i32
    %dma_start3A_216 = arith.constant 0 : i32
    %dma_start3A_217 = tpu.memref_slice %arg3[%dma_start3A_215, %dma_start3A_216] : memref<2000000x16xf32, #tpu.memory_space<hbm>> -> memref<2000000x16xf32, #tpu.memory_space<hbm>>
    tpu.enqueue_indirect_dma source(%dma_start3A_217 : memref<2000000x16xf32, #tpu.memory_space<hbm>>) target(%dma_start3A_211 : memref<128x16xf32, #tpu.memory_space<vmem>>) offsets(%dma_start3A_214 : memref<128xi32, #tpu.memory_space<vmem>>) semaphore(%arg9 : memref<!tpu.dma_semaphore, #tpu.memory_space<semaphore_mem>>)
    %dma_start3A_218 = arith.constant 21 : i32
    %dma_start3A_219 = arith.constant 2688 : i32
    %dma_start3A_220 = arith.constant 0 : i32
    %dma_start3A_221 = tpu.memref_slice %arg7[%dma_start3A_219, %dma_start3A_220] : memref<5120x16xf32, #tpu.memory_space<vmem>> -> memref<128x16xf32, #tpu.memory_space<vmem>>
    %dma_start3A_222 = arith.constant 0 : i32
    %dma_start3A_223 = tpu.memref_slice %arg6[%dma_start3A_218, %dma_start3A_222] : memref<40x128xi32, #tpu.memory_space<vmem>> -> memref<1x128xi32, #tpu.memory_space<vmem>>
    %dma_start3A_224 = tpu.memref_squeeze %dma_start3A_223 : memref<1x128xi32, #tpu.memory_space<vmem>> -> memref<128xi32, #tpu.memory_space<vmem>>
    %dma_start3A_225 = arith.constant 0 : i32
    %dma_start3A_226 = arith.constant 0 : i32
    %dma_start3A_227 = tpu.memref_slice %arg3[%dma_start3A_225, %dma_start3A_226] : memref<2000000x16xf32, #tpu.memory_space<hbm>> -> memref<2000000x16xf32, #tpu.memory_space<hbm>>
    tpu.enqueue_indirect_dma source(%dma_start3A_227 : memref<2000000x16xf32, #tpu.memory_space<hbm>>) target(%dma_start3A_221 : memref<128x16xf32, #tpu.memory_space<vmem>>) offsets(%dma_start3A_224 : memref<128xi32, #tpu.memory_space<vmem>>) semaphore(%arg9 : memref<!tpu.dma_semaphore, #tpu.memory_space<semaphore_mem>>)
    %dma_start3A_228 = arith.constant 22 : i32
    %dma_start3A_229 = arith.constant 2816 : i32
    %dma_start3A_230 = arith.constant 0 : i32
    %dma_start3A_231 = tpu.memref_slice %arg7[%dma_start3A_229, %dma_start3A_230] : memref<5120x16xf32, #tpu.memory_space<vmem>> -> memref<128x16xf32, #tpu.memory_space<vmem>>
    %dma_start3A_232 = arith.constant 0 : i32
    %dma_start3A_233 = tpu.memref_slice %arg6[%dma_start3A_228, %dma_start3A_232] : memref<40x128xi32, #tpu.memory_space<vmem>> -> memref<1x128xi32, #tpu.memory_space<vmem>>
    %dma_start3A_234 = tpu.memref_squeeze %dma_start3A_233 : memref<1x128xi32, #tpu.memory_space<vmem>> -> memref<128xi32, #tpu.memory_space<vmem>>
    %dma_start3A_235 = arith.constant 0 : i32
    %dma_start3A_236 = arith.constant 0 : i32
    %dma_start3A_237 = tpu.memref_slice %arg3[%dma_start3A_235, %dma_start3A_236] : memref<2000000x16xf32, #tpu.memory_space<hbm>> -> memref<2000000x16xf32, #tpu.memory_space<hbm>>
    tpu.enqueue_indirect_dma source(%dma_start3A_237 : memref<2000000x16xf32, #tpu.memory_space<hbm>>) target(%dma_start3A_231 : memref<128x16xf32, #tpu.memory_space<vmem>>) offsets(%dma_start3A_234 : memref<128xi32, #tpu.memory_space<vmem>>) semaphore(%arg9 : memref<!tpu.dma_semaphore, #tpu.memory_space<semaphore_mem>>)
    %dma_start3A_238 = arith.constant 23 : i32
    %dma_start3A_239 = arith.constant 2944 : i32
    %dma_start3A_240 = arith.constant 0 : i32
    %dma_start3A_241 = tpu.memref_slice %arg7[%dma_start3A_239, %dma_start3A_240] : memref<5120x16xf32, #tpu.memory_space<vmem>> -> memref<128x16xf32, #tpu.memory_space<vmem>>
    %dma_start3A_242 = arith.constant 0 : i32
    %dma_start3A_243 = tpu.memref_slice %arg6[%dma_start3A_238, %dma_start3A_242] : memref<40x128xi32, #tpu.memory_space<vmem>> -> memref<1x128xi32, #tpu.memory_space<vmem>>
    %dma_start3A_244 = tpu.memref_squeeze %dma_start3A_243 : memref<1x128xi32, #tpu.memory_space<vmem>> -> memref<128xi32, #tpu.memory_space<vmem>>
    %dma_start3A_245 = arith.constant 0 : i32
    %dma_start3A_246 = arith.constant 0 : i32
    %dma_start3A_247 = tpu.memref_slice %arg3[%dma_start3A_245, %dma_start3A_246] : memref<2000000x16xf32, #tpu.memory_space<hbm>> -> memref<2000000x16xf32, #tpu.memory_space<hbm>>
    tpu.enqueue_indirect_dma source(%dma_start3A_247 : memref<2000000x16xf32, #tpu.memory_space<hbm>>) target(%dma_start3A_241 : memref<128x16xf32, #tpu.memory_space<vmem>>) offsets(%dma_start3A_244 : memref<128xi32, #tpu.memory_space<vmem>>) semaphore(%arg9 : memref<!tpu.dma_semaphore, #tpu.memory_space<semaphore_mem>>)
    %dma_start3A_248 = arith.constant 24 : i32
    %dma_start3A_249 = arith.constant 3072 : i32
    %dma_start3A_250 = arith.constant 0 : i32
    %dma_start3A_251 = tpu.memref_slice %arg7[%dma_start3A_249, %dma_start3A_250] : memref<5120x16xf32, #tpu.memory_space<vmem>> -> memref<128x16xf32, #tpu.memory_space<vmem>>
    %dma_start3A_252 = arith.constant 0 : i32
    %dma_start3A_253 = tpu.memref_slice %arg6[%dma_start3A_248, %dma_start3A_252] : memref<40x128xi32, #tpu.memory_space<vmem>> -> memref<1x128xi32, #tpu.memory_space<vmem>>
    %dma_start3A_254 = tpu.memref_squeeze %dma_start3A_253 : memref<1x128xi32, #tpu.memory_space<vmem>> -> memref<128xi32, #tpu.memory_space<vmem>>
    %dma_start3A_255 = arith.constant 0 : i32
    %dma_start3A_256 = arith.constant 0 : i32
    %dma_start3A_257 = tpu.memref_slice %arg3[%dma_start3A_255, %dma_start3A_256] : memref<2000000x16xf32, #tpu.memory_space<hbm>> -> memref<2000000x16xf32, #tpu.memory_space<hbm>>
    tpu.enqueue_indirect_dma source(%dma_start3A_257 : memref<2000000x16xf32, #tpu.memory_space<hbm>>) target(%dma_start3A_251 : memref<128x16xf32, #tpu.memory_space<vmem>>) offsets(%dma_start3A_254 : memref<128xi32, #tpu.memory_space<vmem>>) semaphore(%arg9 : memref<!tpu.dma_semaphore, #tpu.memory_space<semaphore_mem>>)
    %dma_start3A_258 = arith.constant 25 : i32
    %dma_start3A_259 = arith.constant 3200 : i32
    %dma_start3A_260 = arith.constant 0 : i32
    %dma_start3A_261 = tpu.memref_slice %arg7[%dma_start3A_259, %dma_start3A_260] : memref<5120x16xf32, #tpu.memory_space<vmem>> -> memref<128x16xf32, #tpu.memory_space<vmem>>
    %dma_start3A_262 = arith.constant 0 : i32
    %dma_start3A_263 = tpu.memref_slice %arg6[%dma_start3A_258, %dma_start3A_262] : memref<40x128xi32, #tpu.memory_space<vmem>> -> memref<1x128xi32, #tpu.memory_space<vmem>>
    %dma_start3A_264 = tpu.memref_squeeze %dma_start3A_263 : memref<1x128xi32, #tpu.memory_space<vmem>> -> memref<128xi32, #tpu.memory_space<vmem>>
    %dma_start3A_265 = arith.constant 0 : i32
    %dma_start3A_266 = arith.constant 0 : i32
    %dma_start3A_267 = tpu.memref_slice %arg3[%dma_start3A_265, %dma_start3A_266] : memref<2000000x16xf32, #tpu.memory_space<hbm>> -> memref<2000000x16xf32, #tpu.memory_space<hbm>>
    tpu.enqueue_indirect_dma source(%dma_start3A_267 : memref<2000000x16xf32, #tpu.memory_space<hbm>>) target(%dma_start3A_261 : memref<128x16xf32, #tpu.memory_space<vmem>>) offsets(%dma_start3A_264 : memref<128xi32, #tpu.memory_space<vmem>>) semaphore(%arg9 : memref<!tpu.dma_semaphore, #tpu.memory_space<semaphore_mem>>)
    %dma_start3A_268 = arith.constant 26 : i32
    %dma_start3A_269 = arith.constant 3328 : i32
    %dma_start3A_270 = arith.constant 0 : i32
    %dma_start3A_271 = tpu.memref_slice %arg7[%dma_start3A_269, %dma_start3A_270] : memref<5120x16xf32, #tpu.memory_space<vmem>> -> memref<128x16xf32, #tpu.memory_space<vmem>>
    %dma_start3A_272 = arith.constant 0 : i32
    %dma_start3A_273 = tpu.memref_slice %arg6[%dma_start3A_268, %dma_start3A_272] : memref<40x128xi32, #tpu.memory_space<vmem>> -> memref<1x128xi32, #tpu.memory_space<vmem>>
    %dma_start3A_274 = tpu.memref_squeeze %dma_start3A_273 : memref<1x128xi32, #tpu.memory_space<vmem>> -> memref<128xi32, #tpu.memory_space<vmem>>
    %dma_start3A_275 = arith.constant 0 : i32
    %dma_start3A_276 = arith.constant 0 : i32
    %dma_start3A_277 = tpu.memref_slice %arg3[%dma_start3A_275, %dma_start3A_276] : memref<2000000x16xf32, #tpu.memory_space<hbm>> -> memref<2000000x16xf32, #tpu.memory_space<hbm>>
    tpu.enqueue_indirect_dma source(%dma_start3A_277 : memref<2000000x16xf32, #tpu.memory_space<hbm>>) target(%dma_start3A_271 : memref<128x16xf32, #tpu.memory_space<vmem>>) offsets(%dma_start3A_274 : memref<128xi32, #tpu.memory_space<vmem>>) semaphore(%arg9 : memref<!tpu.dma_semaphore, #tpu.memory_space<semaphore_mem>>)
    %dma_start3A_278 = arith.constant 27 : i32
    %dma_start3A_279 = arith.constant 3456 : i32
    %dma_start3A_280 = arith.constant 0 : i32
    %dma_start3A_281 = tpu.memref_slice %arg7[%dma_start3A_279, %dma_start3A_280] : memref<5120x16xf32, #tpu.memory_space<vmem>> -> memref<128x16xf32, #tpu.memory_space<vmem>>
    %dma_start3A_282 = arith.constant 0 : i32
    %dma_start3A_283 = tpu.memref_slice %arg6[%dma_start3A_278, %dma_start3A_282] : memref<40x128xi32, #tpu.memory_space<vmem>> -> memref<1x128xi32, #tpu.memory_space<vmem>>
    %dma_start3A_284 = tpu.memref_squeeze %dma_start3A_283 : memref<1x128xi32, #tpu.memory_space<vmem>> -> memref<128xi32, #tpu.memory_space<vmem>>
    %dma_start3A_285 = arith.constant 0 : i32
    %dma_start3A_286 = arith.constant 0 : i32
    %dma_start3A_287 = tpu.memref_slice %arg3[%dma_start3A_285, %dma_start3A_286] : memref<2000000x16xf32, #tpu.memory_space<hbm>> -> memref<2000000x16xf32, #tpu.memory_space<hbm>>
    tpu.enqueue_indirect_dma source(%dma_start3A_287 : memref<2000000x16xf32, #tpu.memory_space<hbm>>) target(%dma_start3A_281 : memref<128x16xf32, #tpu.memory_space<vmem>>) offsets(%dma_start3A_284 : memref<128xi32, #tpu.memory_space<vmem>>) semaphore(%arg9 : memref<!tpu.dma_semaphore, #tpu.memory_space<semaphore_mem>>)
    %dma_start3A_288 = arith.constant 28 : i32
    %dma_start3A_289 = arith.constant 3584 : i32
    %dma_start3A_290 = arith.constant 0 : i32
    %dma_start3A_291 = tpu.memref_slice %arg7[%dma_start3A_289, %dma_start3A_290] : memref<5120x16xf32, #tpu.memory_space<vmem>> -> memref<128x16xf32, #tpu.memory_space<vmem>>
    %dma_start3A_292 = arith.constant 0 : i32
    %dma_start3A_293 = tpu.memref_slice %arg6[%dma_start3A_288, %dma_start3A_292] : memref<40x128xi32, #tpu.memory_space<vmem>> -> memref<1x128xi32, #tpu.memory_space<vmem>>
    %dma_start3A_294 = tpu.memref_squeeze %dma_start3A_293 : memref<1x128xi32, #tpu.memory_space<vmem>> -> memref<128xi32, #tpu.memory_space<vmem>>
    %dma_start3A_295 = arith.constant 0 : i32
    %dma_start3A_296 = arith.constant 0 : i32
    %dma_start3A_297 = tpu.memref_slice %arg3[%dma_start3A_295, %dma_start3A_296] : memref<2000000x16xf32, #tpu.memory_space<hbm>> -> memref<2000000x16xf32, #tpu.memory_space<hbm>>
    tpu.enqueue_indirect_dma source(%dma_start3A_297 : memref<2000000x16xf32, #tpu.memory_space<hbm>>) target(%dma_start3A_291 : memref<128x16xf32, #tpu.memory_space<vmem>>) offsets(%dma_start3A_294 : memref<128xi32, #tpu.memory_space<vmem>>) semaphore(%arg9 : memref<!tpu.dma_semaphore, #tpu.memory_space<semaphore_mem>>)
    %dma_start3A_298 = arith.constant 29 : i32
    %dma_start3A_299 = arith.constant 3712 : i32
    %dma_start3A_300 = arith.constant 0 : i32
    %dma_start3A_301 = tpu.memref_slice %arg7[%dma_start3A_299, %dma_start3A_300] : memref<5120x16xf32, #tpu.memory_space<vmem>> -> memref<128x16xf32, #tpu.memory_space<vmem>>
    %dma_start3A_302 = arith.constant 0 : i32
    %dma_start3A_303 = tpu.memref_slice %arg6[%dma_start3A_298, %dma_start3A_302] : memref<40x128xi32, #tpu.memory_space<vmem>> -> memref<1x128xi32, #tpu.memory_space<vmem>>
    %dma_start3A_304 = tpu.memref_squeeze %dma_start3A_303 : memref<1x128xi32, #tpu.memory_space<vmem>> -> memref<128xi32, #tpu.memory_space<vmem>>
    %dma_start3A_305 = arith.constant 0 : i32
    %dma_start3A_306 = arith.constant 0 : i32
    %dma_start3A_307 = tpu.memref_slice %arg3[%dma_start3A_305, %dma_start3A_306] : memref<2000000x16xf32, #tpu.memory_space<hbm>> -> memref<2000000x16xf32, #tpu.memory_space<hbm>>
    tpu.enqueue_indirect_dma source(%dma_start3A_307 : memref<2000000x16xf32, #tpu.memory_space<hbm>>) target(%dma_start3A_301 : memref<128x16xf32, #tpu.memory_space<vmem>>) offsets(%dma_start3A_304 : memref<128xi32, #tpu.memory_space<vmem>>) semaphore(%arg9 : memref<!tpu.dma_semaphore, #tpu.memory_space<semaphore_mem>>)
    %dma_start3A_308 = arith.constant 30 : i32
    %dma_start3A_309 = arith.constant 3840 : i32
    %dma_start3A_310 = arith.constant 0 : i32
    %dma_start3A_311 = tpu.memref_slice %arg7[%dma_start3A_309, %dma_start3A_310] : memref<5120x16xf32, #tpu.memory_space<vmem>> -> memref<128x16xf32, #tpu.memory_space<vmem>>
    %dma_start3A_312 = arith.constant 0 : i32
    %dma_start3A_313 = tpu.memref_slice %arg6[%dma_start3A_308, %dma_start3A_312] : memref<40x128xi32, #tpu.memory_space<vmem>> -> memref<1x128xi32, #tpu.memory_space<vmem>>
    %dma_start3A_314 = tpu.memref_squeeze %dma_start3A_313 : memref<1x128xi32, #tpu.memory_space<vmem>> -> memref<128xi32, #tpu.memory_space<vmem>>
    %dma_start3A_315 = arith.constant 0 : i32
    %dma_start3A_316 = arith.constant 0 : i32
    %dma_start3A_317 = tpu.memref_slice %arg3[%dma_start3A_315, %dma_start3A_316] : memref<2000000x16xf32, #tpu.memory_space<hbm>> -> memref<2000000x16xf32, #tpu.memory_space<hbm>>
    tpu.enqueue_indirect_dma source(%dma_start3A_317 : memref<2000000x16xf32, #tpu.memory_space<hbm>>) target(%dma_start3A_311 : memref<128x16xf32, #tpu.memory_space<vmem>>) offsets(%dma_start3A_314 : memref<128xi32, #tpu.memory_space<vmem>>) semaphore(%arg9 : memref<!tpu.dma_semaphore, #tpu.memory_space<semaphore_mem>>)
    %dma_start3A_318 = arith.constant 31 : i32
    %dma_start3A_319 = arith.constant 3968 : i32
    %dma_start3A_320 = arith.constant 0 : i32
    %dma_start3A_321 = tpu.memref_slice %arg7[%dma_start3A_319, %dma_start3A_320] : memref<5120x16xf32, #tpu.memory_space<vmem>> -> memref<128x16xf32, #tpu.memory_space<vmem>>
    %dma_start3A_322 = arith.constant 0 : i32
    %dma_start3A_323 = tpu.memref_slice %arg6[%dma_start3A_318, %dma_start3A_322] : memref<40x128xi32, #tpu.memory_space<vmem>> -> memref<1x128xi32, #tpu.memory_space<vmem>>
    %dma_start3A_324 = tpu.memref_squeeze %dma_start3A_323 : memref<1x128xi32, #tpu.memory_space<vmem>> -> memref<128xi32, #tpu.memory_space<vmem>>
    %dma_start3A_325 = arith.constant 0 : i32
    %dma_start3A_326 = arith.constant 0 : i32
    %dma_start3A_327 = tpu.memref_slice %arg3[%dma_start3A_325, %dma_start3A_326] : memref<2000000x16xf32, #tpu.memory_space<hbm>> -> memref<2000000x16xf32, #tpu.memory_space<hbm>>
    tpu.enqueue_indirect_dma source(%dma_start3A_327 : memref<2000000x16xf32, #tpu.memory_space<hbm>>) target(%dma_start3A_321 : memref<128x16xf32, #tpu.memory_space<vmem>>) offsets(%dma_start3A_324 : memref<128xi32, #tpu.memory_space<vmem>>) semaphore(%arg9 : memref<!tpu.dma_semaphore, #tpu.memory_space<semaphore_mem>>)
    %dma_start3A_328 = arith.constant 32 : i32
    %dma_start3A_329 = arith.constant 4096 : i32
    %dma_start3A_330 = arith.constant 0 : i32
    %dma_start3A_331 = tpu.memref_slice %arg7[%dma_start3A_329, %dma_start3A_330] : memref<5120x16xf32, #tpu.memory_space<vmem>> -> memref<128x16xf32, #tpu.memory_space<vmem>>
    %dma_start3A_332 = arith.constant 0 : i32
    %dma_start3A_333 = tpu.memref_slice %arg6[%dma_start3A_328, %dma_start3A_332] : memref<40x128xi32, #tpu.memory_space<vmem>> -> memref<1x128xi32, #tpu.memory_space<vmem>>
    %dma_start3A_334 = tpu.memref_squeeze %dma_start3A_333 : memref<1x128xi32, #tpu.memory_space<vmem>> -> memref<128xi32, #tpu.memory_space<vmem>>
    %dma_start3A_335 = arith.constant 0 : i32
    %dma_start3A_336 = arith.constant 0 : i32
    %dma_start3A_337 = tpu.memref_slice %arg3[%dma_start3A_335, %dma_start3A_336] : memref<2000000x16xf32, #tpu.memory_space<hbm>> -> memref<2000000x16xf32, #tpu.memory_space<hbm>>
    tpu.enqueue_indirect_dma source(%dma_start3A_337 : memref<2000000x16xf32, #tpu.memory_space<hbm>>) target(%dma_start3A_331 : memref<128x16xf32, #tpu.memory_space<vmem>>) offsets(%dma_start3A_334 : memref<128xi32, #tpu.memory_space<vmem>>) semaphore(%arg9 : memref<!tpu.dma_semaphore, #tpu.memory_space<semaphore_mem>>)
    %dma_start3A_338 = arith.constant 33 : i32
    %dma_start3A_339 = arith.constant 4224 : i32
    %dma_start3A_340 = arith.constant 0 : i32
    %dma_start3A_341 = tpu.memref_slice %arg7[%dma_start3A_339, %dma_start3A_340] : memref<5120x16xf32, #tpu.memory_space<vmem>> -> memref<128x16xf32, #tpu.memory_space<vmem>>
    %dma_start3A_342 = arith.constant 0 : i32
    %dma_start3A_343 = tpu.memref_slice %arg6[%dma_start3A_338, %dma_start3A_342] : memref<40x128xi32, #tpu.memory_space<vmem>> -> memref<1x128xi32, #tpu.memory_space<vmem>>
    %dma_start3A_344 = tpu.memref_squeeze %dma_start3A_343 : memref<1x128xi32, #tpu.memory_space<vmem>> -> memref<128xi32, #tpu.memory_space<vmem>>
    %dma_start3A_345 = arith.constant 0 : i32
    %dma_start3A_346 = arith.constant 0 : i32
    %dma_start3A_347 = tpu.memref_slice %arg3[%dma_start3A_345, %dma_start3A_346] : memref<2000000x16xf32, #tpu.memory_space<hbm>> -> memref<2000000x16xf32, #tpu.memory_space<hbm>>
    tpu.enqueue_indirect_dma source(%dma_start3A_347 : memref<2000000x16xf32, #tpu.memory_space<hbm>>) target(%dma_start3A_341 : memref<128x16xf32, #tpu.memory_space<vmem>>) offsets(%dma_start3A_344 : memref<128xi32, #tpu.memory_space<vmem>>) semaphore(%arg9 : memref<!tpu.dma_semaphore, #tpu.memory_space<semaphore_mem>>)
    %dma_start3A_348 = arith.constant 34 : i32
    %dma_start3A_349 = arith.constant 4352 : i32
    %dma_start3A_350 = arith.constant 0 : i32
    %dma_start3A_351 = tpu.memref_slice %arg7[%dma_start3A_349, %dma_start3A_350] : memref<5120x16xf32, #tpu.memory_space<vmem>> -> memref<128x16xf32, #tpu.memory_space<vmem>>
    %dma_start3A_352 = arith.constant 0 : i32
    %dma_start3A_353 = tpu.memref_slice %arg6[%dma_start3A_348, %dma_start3A_352] : memref<40x128xi32, #tpu.memory_space<vmem>> -> memref<1x128xi32, #tpu.memory_space<vmem>>
    %dma_start3A_354 = tpu.memref_squeeze %dma_start3A_353 : memref<1x128xi32, #tpu.memory_space<vmem>> -> memref<128xi32, #tpu.memory_space<vmem>>
    %dma_start3A_355 = arith.constant 0 : i32
    %dma_start3A_356 = arith.constant 0 : i32
    %dma_start3A_357 = tpu.memref_slice %arg3[%dma_start3A_355, %dma_start3A_356] : memref<2000000x16xf32, #tpu.memory_space<hbm>> -> memref<2000000x16xf32, #tpu.memory_space<hbm>>
    tpu.enqueue_indirect_dma source(%dma_start3A_357 : memref<2000000x16xf32, #tpu.memory_space<hbm>>) target(%dma_start3A_351 : memref<128x16xf32, #tpu.memory_space<vmem>>) offsets(%dma_start3A_354 : memref<128xi32, #tpu.memory_space<vmem>>) semaphore(%arg9 : memref<!tpu.dma_semaphore, #tpu.memory_space<semaphore_mem>>)
    %dma_start3A_358 = arith.constant 35 : i32
    %dma_start3A_359 = arith.constant 4480 : i32
    %dma_start3A_360 = arith.constant 0 : i32
    %dma_start3A_361 = tpu.memref_slice %arg7[%dma_start3A_359, %dma_start3A_360] : memref<5120x16xf32, #tpu.memory_space<vmem>> -> memref<128x16xf32, #tpu.memory_space<vmem>>
    %dma_start3A_362 = arith.constant 0 : i32
    %dma_start3A_363 = tpu.memref_slice %arg6[%dma_start3A_358, %dma_start3A_362] : memref<40x128xi32, #tpu.memory_space<vmem>> -> memref<1x128xi32, #tpu.memory_space<vmem>>
    %dma_start3A_364 = tpu.memref_squeeze %dma_start3A_363 : memref<1x128xi32, #tpu.memory_space<vmem>> -> memref<128xi32, #tpu.memory_space<vmem>>
    %dma_start3A_365 = arith.constant 0 : i32
    %dma_start3A_366 = arith.constant 0 : i32
    %dma_start3A_367 = tpu.memref_slice %arg3[%dma_start3A_365, %dma_start3A_366] : memref<2000000x16xf32, #tpu.memory_space<hbm>> -> memref<2000000x16xf32, #tpu.memory_space<hbm>>
    tpu.enqueue_indirect_dma source(%dma_start3A_367 : memref<2000000x16xf32, #tpu.memory_space<hbm>>) target(%dma_start3A_361 : memref<128x16xf32, #tpu.memory_space<vmem>>) offsets(%dma_start3A_364 : memref<128xi32, #tpu.memory_space<vmem>>) semaphore(%arg9 : memref<!tpu.dma_semaphore, #tpu.memory_space<semaphore_mem>>)
    %dma_start3A_368 = arith.constant 36 : i32
    %dma_start3A_369 = arith.constant 4608 : i32
    %dma_start3A_370 = arith.constant 0 : i32
    %dma_start3A_371 = tpu.memref_slice %arg7[%dma_start3A_369, %dma_start3A_370] : memref<5120x16xf32, #tpu.memory_space<vmem>> -> memref<128x16xf32, #tpu.memory_space<vmem>>
    %dma_start3A_372 = arith.constant 0 : i32
    %dma_start3A_373 = tpu.memref_slice %arg6[%dma_start3A_368, %dma_start3A_372] : memref<40x128xi32, #tpu.memory_space<vmem>> -> memref<1x128xi32, #tpu.memory_space<vmem>>
    %dma_start3A_374 = tpu.memref_squeeze %dma_start3A_373 : memref<1x128xi32, #tpu.memory_space<vmem>> -> memref<128xi32, #tpu.memory_space<vmem>>
    %dma_start3A_375 = arith.constant 0 : i32
    %dma_start3A_376 = arith.constant 0 : i32
    %dma_start3A_377 = tpu.memref_slice %arg3[%dma_start3A_375, %dma_start3A_376] : memref<2000000x16xf32, #tpu.memory_space<hbm>> -> memref<2000000x16xf32, #tpu.memory_space<hbm>>
    tpu.enqueue_indirect_dma source(%dma_start3A_377 : memref<2000000x16xf32, #tpu.memory_space<hbm>>) target(%dma_start3A_371 : memref<128x16xf32, #tpu.memory_space<vmem>>) offsets(%dma_start3A_374 : memref<128xi32, #tpu.memory_space<vmem>>) semaphore(%arg9 : memref<!tpu.dma_semaphore, #tpu.memory_space<semaphore_mem>>)
    %dma_start3A_378 = arith.constant 37 : i32
    %dma_start3A_379 = arith.constant 4736 : i32
    %dma_start3A_380 = arith.constant 0 : i32
    %dma_start3A_381 = tpu.memref_slice %arg7[%dma_start3A_379, %dma_start3A_380] : memref<5120x16xf32, #tpu.memory_space<vmem>> -> memref<128x16xf32, #tpu.memory_space<vmem>>
    %dma_start3A_382 = arith.constant 0 : i32
    %dma_start3A_383 = tpu.memref_slice %arg6[%dma_start3A_378, %dma_start3A_382] : memref<40x128xi32, #tpu.memory_space<vmem>> -> memref<1x128xi32, #tpu.memory_space<vmem>>
    %dma_start3A_384 = tpu.memref_squeeze %dma_start3A_383 : memref<1x128xi32, #tpu.memory_space<vmem>> -> memref<128xi32, #tpu.memory_space<vmem>>
    %dma_start3A_385 = arith.constant 0 : i32
    %dma_start3A_386 = arith.constant 0 : i32
    %dma_start3A_387 = tpu.memref_slice %arg3[%dma_start3A_385, %dma_start3A_386] : memref<2000000x16xf32, #tpu.memory_space<hbm>> -> memref<2000000x16xf32, #tpu.memory_space<hbm>>
    tpu.enqueue_indirect_dma source(%dma_start3A_387 : memref<2000000x16xf32, #tpu.memory_space<hbm>>) target(%dma_start3A_381 : memref<128x16xf32, #tpu.memory_space<vmem>>) offsets(%dma_start3A_384 : memref<128xi32, #tpu.memory_space<vmem>>) semaphore(%arg9 : memref<!tpu.dma_semaphore, #tpu.memory_space<semaphore_mem>>)
    %dma_start3A_388 = arith.constant 38 : i32
    %dma_start3A_389 = arith.constant 4864 : i32
    %dma_start3A_390 = arith.constant 0 : i32
    %dma_start3A_391 = tpu.memref_slice %arg7[%dma_start3A_389, %dma_start3A_390] : memref<5120x16xf32, #tpu.memory_space<vmem>> -> memref<128x16xf32, #tpu.memory_space<vmem>>
    %dma_start3A_392 = arith.constant 0 : i32
    %dma_start3A_393 = tpu.memref_slice %arg6[%dma_start3A_388, %dma_start3A_392] : memref<40x128xi32, #tpu.memory_space<vmem>> -> memref<1x128xi32, #tpu.memory_space<vmem>>
    %dma_start3A_394 = tpu.memref_squeeze %dma_start3A_393 : memref<1x128xi32, #tpu.memory_space<vmem>> -> memref<128xi32, #tpu.memory_space<vmem>>
    %dma_start3A_395 = arith.constant 0 : i32
    %dma_start3A_396 = arith.constant 0 : i32
    %dma_start3A_397 = tpu.memref_slice %arg3[%dma_start3A_395, %dma_start3A_396] : memref<2000000x16xf32, #tpu.memory_space<hbm>> -> memref<2000000x16xf32, #tpu.memory_space<hbm>>
    tpu.enqueue_indirect_dma source(%dma_start3A_397 : memref<2000000x16xf32, #tpu.memory_space<hbm>>) target(%dma_start3A_391 : memref<128x16xf32, #tpu.memory_space<vmem>>) offsets(%dma_start3A_394 : memref<128xi32, #tpu.memory_space<vmem>>) semaphore(%arg9 : memref<!tpu.dma_semaphore, #tpu.memory_space<semaphore_mem>>)
    %dma_start3A_398 = arith.constant 39 : i32
    %dma_start3A_399 = arith.constant 4992 : i32
    %dma_start3A_400 = arith.constant 0 : i32
    %dma_start3A_401 = tpu.memref_slice %arg7[%dma_start3A_399, %dma_start3A_400] : memref<5120x16xf32, #tpu.memory_space<vmem>> -> memref<128x16xf32, #tpu.memory_space<vmem>>
    %dma_start3A_402 = arith.constant 0 : i32
    %dma_start3A_403 = tpu.memref_slice %arg6[%dma_start3A_398, %dma_start3A_402] : memref<40x128xi32, #tpu.memory_space<vmem>> -> memref<1x128xi32, #tpu.memory_space<vmem>>
    %dma_start3A_404 = tpu.memref_squeeze %dma_start3A_403 : memref<1x128xi32, #tpu.memory_space<vmem>> -> memref<128xi32, #tpu.memory_space<vmem>>
    %dma_start3A_405 = arith.constant 0 : i32
    %dma_start3A_406 = arith.constant 0 : i32
    %dma_start3A_407 = tpu.memref_slice %arg3[%dma_start3A_405, %dma_start3A_406] : memref<2000000x16xf32, #tpu.memory_space<hbm>> -> memref<2000000x16xf32, #tpu.memory_space<hbm>>
    tpu.enqueue_indirect_dma source(%dma_start3A_407 : memref<2000000x16xf32, #tpu.memory_space<hbm>>) target(%dma_start3A_401 : memref<128x16xf32, #tpu.memory_space<vmem>>) offsets(%dma_start3A_404 : memref<128xi32, #tpu.memory_space<vmem>>) semaphore(%arg9 : memref<!tpu.dma_semaphore, #tpu.memory_space<semaphore_mem>>)
    %dma_wait3A = arith.constant 0 : i32
    %dma_wait3A_408 = arith.constant 0 : i32
    %dma_wait3A_409 = arith.constant 0 : i32
    %dma_wait3A_410 = tpu.memref_slice %arg7[%dma_wait3A_408, %dma_wait3A_409] : memref<5120x16xf32, #tpu.memory_space<vmem>> -> memref<128x16xf32, #tpu.memory_space<vmem>>
    %dma_wait3A_411 = arith.constant 0 : i32
    %dma_wait3A_412 = tpu.memref_slice %arg6[%dma_wait3A, %dma_wait3A_411] : memref<40x128xi32, #tpu.memory_space<vmem>> -> memref<1x128xi32, #tpu.memory_space<vmem>>
    %dma_wait3A_413 = tpu.memref_squeeze %dma_wait3A_412 : memref<1x128xi32, #tpu.memory_space<vmem>> -> memref<128xi32, #tpu.memory_space<vmem>>
    %dma_wait3A_414 = arith.constant 0 : i32
    %dma_wait3A_415 = arith.constant 0 : i32
    %dma_wait3A_416 = tpu.memref_slice %arg3[%dma_wait3A_414, %dma_wait3A_415] : memref<2000000x16xf32, #tpu.memory_space<hbm>> -> memref<2000000x16xf32, #tpu.memory_space<hbm>>
    tpu.wait_indirect_dma semaphore(%arg9 : memref<!tpu.dma_semaphore, #tpu.memory_space<semaphore_mem>>) src(%dma_wait3A_416 : memref<2000000x16xf32, #tpu.memory_space<hbm>>) dst(%dma_wait3A_410 : memref<128x16xf32, #tpu.memory_space<vmem>>)
    %dma_wait3A_417 = arith.constant 1 : i32
    %dma_wait3A_418 = arith.constant 128 : i32
    %dma_wait3A_419 = arith.constant 0 : i32
    %dma_wait3A_420 = tpu.memref_slice %arg7[%dma_wait3A_418, %dma_wait3A_419] : memref<5120x16xf32, #tpu.memory_space<vmem>> -> memref<128x16xf32, #tpu.memory_space<vmem>>
    %dma_wait3A_421 = arith.constant 0 : i32
    %dma_wait3A_422 = tpu.memref_slice %arg6[%dma_wait3A_417, %dma_wait3A_421] : memref<40x128xi32, #tpu.memory_space<vmem>> -> memref<1x128xi32, #tpu.memory_space<vmem>>
    %dma_wait3A_423 = tpu.memref_squeeze %dma_wait3A_422 : memref<1x128xi32, #tpu.memory_space<vmem>> -> memref<128xi32, #tpu.memory_space<vmem>>
    %dma_wait3A_424 = arith.constant 0 : i32
    %dma_wait3A_425 = arith.constant 0 : i32
    %dma_wait3A_426 = tpu.memref_slice %arg3[%dma_wait3A_424, %dma_wait3A_425] : memref<2000000x16xf32, #tpu.memory_space<hbm>> -> memref<2000000x16xf32, #tpu.memory_space<hbm>>
    tpu.wait_indirect_dma semaphore(%arg9 : memref<!tpu.dma_semaphore, #tpu.memory_space<semaphore_mem>>) src(%dma_wait3A_426 : memref<2000000x16xf32, #tpu.memory_space<hbm>>) dst(%dma_wait3A_420 : memref<128x16xf32, #tpu.memory_space<vmem>>)
    %dma_wait3A_427 = arith.constant 2 : i32
    %dma_wait3A_428 = arith.constant 256 : i32
    %dma_wait3A_429 = arith.constant 0 : i32
    %dma_wait3A_430 = tpu.memref_slice %arg7[%dma_wait3A_428, %dma_wait3A_429] : memref<5120x16xf32, #tpu.memory_space<vmem>> -> memref<128x16xf32, #tpu.memory_space<vmem>>
    %dma_wait3A_431 = arith.constant 0 : i32
    %dma_wait3A_432 = tpu.memref_slice %arg6[%dma_wait3A_427, %dma_wait3A_431] : memref<40x128xi32, #tpu.memory_space<vmem>> -> memref<1x128xi32, #tpu.memory_space<vmem>>
    %dma_wait3A_433 = tpu.memref_squeeze %dma_wait3A_432 : memref<1x128xi32, #tpu.memory_space<vmem>> -> memref<128xi32, #tpu.memory_space<vmem>>
    %dma_wait3A_434 = arith.constant 0 : i32
    %dma_wait3A_435 = arith.constant 0 : i32
    %dma_wait3A_436 = tpu.memref_slice %arg3[%dma_wait3A_434, %dma_wait3A_435] : memref<2000000x16xf32, #tpu.memory_space<hbm>> -> memref<2000000x16xf32, #tpu.memory_space<hbm>>
    tpu.wait_indirect_dma semaphore(%arg9 : memref<!tpu.dma_semaphore, #tpu.memory_space<semaphore_mem>>) src(%dma_wait3A_436 : memref<2000000x16xf32, #tpu.memory_space<hbm>>) dst(%dma_wait3A_430 : memref<128x16xf32, #tpu.memory_space<vmem>>)
    %dma_wait3A_437 = arith.constant 3 : i32
    %dma_wait3A_438 = arith.constant 384 : i32
    %dma_wait3A_439 = arith.constant 0 : i32
    %dma_wait3A_440 = tpu.memref_slice %arg7[%dma_wait3A_438, %dma_wait3A_439] : memref<5120x16xf32, #tpu.memory_space<vmem>> -> memref<128x16xf32, #tpu.memory_space<vmem>>
    %dma_wait3A_441 = arith.constant 0 : i32
    %dma_wait3A_442 = tpu.memref_slice %arg6[%dma_wait3A_437, %dma_wait3A_441] : memref<40x128xi32, #tpu.memory_space<vmem>> -> memref<1x128xi32, #tpu.memory_space<vmem>>
    %dma_wait3A_443 = tpu.memref_squeeze %dma_wait3A_442 : memref<1x128xi32, #tpu.memory_space<vmem>> -> memref<128xi32, #tpu.memory_space<vmem>>
    %dma_wait3A_444 = arith.constant 0 : i32
    %dma_wait3A_445 = arith.constant 0 : i32
    %dma_wait3A_446 = tpu.memref_slice %arg3[%dma_wait3A_444, %dma_wait3A_445] : memref<2000000x16xf32, #tpu.memory_space<hbm>> -> memref<2000000x16xf32, #tpu.memory_space<hbm>>
    tpu.wait_indirect_dma semaphore(%arg9 : memref<!tpu.dma_semaphore, #tpu.memory_space<semaphore_mem>>) src(%dma_wait3A_446 : memref<2000000x16xf32, #tpu.memory_space<hbm>>) dst(%dma_wait3A_440 : memref<128x16xf32, #tpu.memory_space<vmem>>)
    %dma_wait3A_447 = arith.constant 4 : i32
    %dma_wait3A_448 = arith.constant 512 : i32
    %dma_wait3A_449 = arith.constant 0 : i32
    %dma_wait3A_450 = tpu.memref_slice %arg7[%dma_wait3A_448, %dma_wait3A_449] : memref<5120x16xf32, #tpu.memory_space<vmem>> -> memref<128x16xf32, #tpu.memory_space<vmem>>
    %dma_wait3A_451 = arith.constant 0 : i32
    %dma_wait3A_452 = tpu.memref_slice %arg6[%dma_wait3A_447, %dma_wait3A_451] : memref<40x128xi32, #tpu.memory_space<vmem>> -> memref<1x128xi32, #tpu.memory_space<vmem>>
    %dma_wait3A_453 = tpu.memref_squeeze %dma_wait3A_452 : memref<1x128xi32, #tpu.memory_space<vmem>> -> memref<128xi32, #tpu.memory_space<vmem>>
    %dma_wait3A_454 = arith.constant 0 : i32
    %dma_wait3A_455 = arith.constant 0 : i32
    %dma_wait3A_456 = tpu.memref_slice %arg3[%dma_wait3A_454, %dma_wait3A_455] : memref<2000000x16xf32, #tpu.memory_space<hbm>> -> memref<2000000x16xf32, #tpu.memory_space<hbm>>
    tpu.wait_indirect_dma semaphore(%arg9 : memref<!tpu.dma_semaphore, #tpu.memory_space<semaphore_mem>>) src(%dma_wait3A_456 : memref<2000000x16xf32, #tpu.memory_space<hbm>>) dst(%dma_wait3A_450 : memref<128x16xf32, #tpu.memory_space<vmem>>)
    %dma_wait3A_457 = arith.constant 5 : i32
    %dma_wait3A_458 = arith.constant 640 : i32
    %dma_wait3A_459 = arith.constant 0 : i32
    %dma_wait3A_460 = tpu.memref_slice %arg7[%dma_wait3A_458, %dma_wait3A_459] : memref<5120x16xf32, #tpu.memory_space<vmem>> -> memref<128x16xf32, #tpu.memory_space<vmem>>
    %dma_wait3A_461 = arith.constant 0 : i32
    %dma_wait3A_462 = tpu.memref_slice %arg6[%dma_wait3A_457, %dma_wait3A_461] : memref<40x128xi32, #tpu.memory_space<vmem>> -> memref<1x128xi32, #tpu.memory_space<vmem>>
    %dma_wait3A_463 = tpu.memref_squeeze %dma_wait3A_462 : memref<1x128xi32, #tpu.memory_space<vmem>> -> memref<128xi32, #tpu.memory_space<vmem>>
    %dma_wait3A_464 = arith.constant 0 : i32
    %dma_wait3A_465 = arith.constant 0 : i32
    %dma_wait3A_466 = tpu.memref_slice %arg3[%dma_wait3A_464, %dma_wait3A_465] : memref<2000000x16xf32, #tpu.memory_space<hbm>> -> memref<2000000x16xf32, #tpu.memory_space<hbm>>
    tpu.wait_indirect_dma semaphore(%arg9 : memref<!tpu.dma_semaphore, #tpu.memory_space<semaphore_mem>>) src(%dma_wait3A_466 : memref<2000000x16xf32, #tpu.memory_space<hbm>>) dst(%dma_wait3A_460 : memref<128x16xf32, #tpu.memory_space<vmem>>)
    %dma_wait3A_467 = arith.constant 6 : i32
    %dma_wait3A_468 = arith.constant 768 : i32
    %dma_wait3A_469 = arith.constant 0 : i32
    %dma_wait3A_470 = tpu.memref_slice %arg7[%dma_wait3A_468, %dma_wait3A_469] : memref<5120x16xf32, #tpu.memory_space<vmem>> -> memref<128x16xf32, #tpu.memory_space<vmem>>
    %dma_wait3A_471 = arith.constant 0 : i32
    %dma_wait3A_472 = tpu.memref_slice %arg6[%dma_wait3A_467, %dma_wait3A_471] : memref<40x128xi32, #tpu.memory_space<vmem>> -> memref<1x128xi32, #tpu.memory_space<vmem>>
    %dma_wait3A_473 = tpu.memref_squeeze %dma_wait3A_472 : memref<1x128xi32, #tpu.memory_space<vmem>> -> memref<128xi32, #tpu.memory_space<vmem>>
    %dma_wait3A_474 = arith.constant 0 : i32
    %dma_wait3A_475 = arith.constant 0 : i32
    %dma_wait3A_476 = tpu.memref_slice %arg3[%dma_wait3A_474, %dma_wait3A_475] : memref<2000000x16xf32, #tpu.memory_space<hbm>> -> memref<2000000x16xf32, #tpu.memory_space<hbm>>
    tpu.wait_indirect_dma semaphore(%arg9 : memref<!tpu.dma_semaphore, #tpu.memory_space<semaphore_mem>>) src(%dma_wait3A_476 : memref<2000000x16xf32, #tpu.memory_space<hbm>>) dst(%dma_wait3A_470 : memref<128x16xf32, #tpu.memory_space<vmem>>)
    %dma_wait3A_477 = arith.constant 7 : i32
    %dma_wait3A_478 = arith.constant 896 : i32
    %dma_wait3A_479 = arith.constant 0 : i32
    %dma_wait3A_480 = tpu.memref_slice %arg7[%dma_wait3A_478, %dma_wait3A_479] : memref<5120x16xf32, #tpu.memory_space<vmem>> -> memref<128x16xf32, #tpu.memory_space<vmem>>
    %dma_wait3A_481 = arith.constant 0 : i32
    %dma_wait3A_482 = tpu.memref_slice %arg6[%dma_wait3A_477, %dma_wait3A_481] : memref<40x128xi32, #tpu.memory_space<vmem>> -> memref<1x128xi32, #tpu.memory_space<vmem>>
    %dma_wait3A_483 = tpu.memref_squeeze %dma_wait3A_482 : memref<1x128xi32, #tpu.memory_space<vmem>> -> memref<128xi32, #tpu.memory_space<vmem>>
    %dma_wait3A_484 = arith.constant 0 : i32
    %dma_wait3A_485 = arith.constant 0 : i32
    %dma_wait3A_486 = tpu.memref_slice %arg3[%dma_wait3A_484, %dma_wait3A_485] : memref<2000000x16xf32, #tpu.memory_space<hbm>> -> memref<2000000x16xf32, #tpu.memory_space<hbm>>
    tpu.wait_indirect_dma semaphore(%arg9 : memref<!tpu.dma_semaphore, #tpu.memory_space<semaphore_mem>>) src(%dma_wait3A_486 : memref<2000000x16xf32, #tpu.memory_space<hbm>>) dst(%dma_wait3A_480 : memref<128x16xf32, #tpu.memory_space<vmem>>)
    %dma_wait3A_487 = arith.constant 8 : i32
    %dma_wait3A_488 = arith.constant 1024 : i32
    %dma_wait3A_489 = arith.constant 0 : i32
    %dma_wait3A_490 = tpu.memref_slice %arg7[%dma_wait3A_488, %dma_wait3A_489] : memref<5120x16xf32, #tpu.memory_space<vmem>> -> memref<128x16xf32, #tpu.memory_space<vmem>>
    %dma_wait3A_491 = arith.constant 0 : i32
    %dma_wait3A_492 = tpu.memref_slice %arg6[%dma_wait3A_487, %dma_wait3A_491] : memref<40x128xi32, #tpu.memory_space<vmem>> -> memref<1x128xi32, #tpu.memory_space<vmem>>
    %dma_wait3A_493 = tpu.memref_squeeze %dma_wait3A_492 : memref<1x128xi32, #tpu.memory_space<vmem>> -> memref<128xi32, #tpu.memory_space<vmem>>
    %dma_wait3A_494 = arith.constant 0 : i32
    %dma_wait3A_495 = arith.constant 0 : i32
    %dma_wait3A_496 = tpu.memref_slice %arg3[%dma_wait3A_494, %dma_wait3A_495] : memref<2000000x16xf32, #tpu.memory_space<hbm>> -> memref<2000000x16xf32, #tpu.memory_space<hbm>>
    tpu.wait_indirect_dma semaphore(%arg9 : memref<!tpu.dma_semaphore, #tpu.memory_space<semaphore_mem>>) src(%dma_wait3A_496 : memref<2000000x16xf32, #tpu.memory_space<hbm>>) dst(%dma_wait3A_490 : memref<128x16xf32, #tpu.memory_space<vmem>>)
    %dma_wait3A_497 = arith.constant 9 : i32
    %dma_wait3A_498 = arith.constant 1152 : i32
    %dma_wait3A_499 = arith.constant 0 : i32
    %dma_wait3A_500 = tpu.memref_slice %arg7[%dma_wait3A_498, %dma_wait3A_499] : memref<5120x16xf32, #tpu.memory_space<vmem>> -> memref<128x16xf32, #tpu.memory_space<vmem>>
    %dma_wait3A_501 = arith.constant 0 : i32
    %dma_wait3A_502 = tpu.memref_slice %arg6[%dma_wait3A_497, %dma_wait3A_501] : memref<40x128xi32, #tpu.memory_space<vmem>> -> memref<1x128xi32, #tpu.memory_space<vmem>>
    %dma_wait3A_503 = tpu.memref_squeeze %dma_wait3A_502 : memref<1x128xi32, #tpu.memory_space<vmem>> -> memref<128xi32, #tpu.memory_space<vmem>>
    %dma_wait3A_504 = arith.constant 0 : i32
    %dma_wait3A_505 = arith.constant 0 : i32
    %dma_wait3A_506 = tpu.memref_slice %arg3[%dma_wait3A_504, %dma_wait3A_505] : memref<2000000x16xf32, #tpu.memory_space<hbm>> -> memref<2000000x16xf32, #tpu.memory_space<hbm>>
    tpu.wait_indirect_dma semaphore(%arg9 : memref<!tpu.dma_semaphore, #tpu.memory_space<semaphore_mem>>) src(%dma_wait3A_506 : memref<2000000x16xf32, #tpu.memory_space<hbm>>) dst(%dma_wait3A_500 : memref<128x16xf32, #tpu.memory_space<vmem>>)
    %dma_wait3A_507 = arith.constant 10 : i32
    %dma_wait3A_508 = arith.constant 1280 : i32
    %dma_wait3A_509 = arith.constant 0 : i32
    %dma_wait3A_510 = tpu.memref_slice %arg7[%dma_wait3A_508, %dma_wait3A_509] : memref<5120x16xf32, #tpu.memory_space<vmem>> -> memref<128x16xf32, #tpu.memory_space<vmem>>
    %dma_wait3A_511 = arith.constant 0 : i32
    %dma_wait3A_512 = tpu.memref_slice %arg6[%dma_wait3A_507, %dma_wait3A_511] : memref<40x128xi32, #tpu.memory_space<vmem>> -> memref<1x128xi32, #tpu.memory_space<vmem>>
    %dma_wait3A_513 = tpu.memref_squeeze %dma_wait3A_512 : memref<1x128xi32, #tpu.memory_space<vmem>> -> memref<128xi32, #tpu.memory_space<vmem>>
    %dma_wait3A_514 = arith.constant 0 : i32
    %dma_wait3A_515 = arith.constant 0 : i32
    %dma_wait3A_516 = tpu.memref_slice %arg3[%dma_wait3A_514, %dma_wait3A_515] : memref<2000000x16xf32, #tpu.memory_space<hbm>> -> memref<2000000x16xf32, #tpu.memory_space<hbm>>
    tpu.wait_indirect_dma semaphore(%arg9 : memref<!tpu.dma_semaphore, #tpu.memory_space<semaphore_mem>>) src(%dma_wait3A_516 : memref<2000000x16xf32, #tpu.memory_space<hbm>>) dst(%dma_wait3A_510 : memref<128x16xf32, #tpu.memory_space<vmem>>)
    %dma_wait3A_517 = arith.constant 11 : i32
    %dma_wait3A_518 = arith.constant 1408 : i32
    %dma_wait3A_519 = arith.constant 0 : i32
    %dma_wait3A_520 = tpu.memref_slice %arg7[%dma_wait3A_518, %dma_wait3A_519] : memref<5120x16xf32, #tpu.memory_space<vmem>> -> memref<128x16xf32, #tpu.memory_space<vmem>>
    %dma_wait3A_521 = arith.constant 0 : i32
    %dma_wait3A_522 = tpu.memref_slice %arg6[%dma_wait3A_517, %dma_wait3A_521] : memref<40x128xi32, #tpu.memory_space<vmem>> -> memref<1x128xi32, #tpu.memory_space<vmem>>
    %dma_wait3A_523 = tpu.memref_squeeze %dma_wait3A_522 : memref<1x128xi32, #tpu.memory_space<vmem>> -> memref<128xi32, #tpu.memory_space<vmem>>
    %dma_wait3A_524 = arith.constant 0 : i32
    %dma_wait3A_525 = arith.constant 0 : i32
    %dma_wait3A_526 = tpu.memref_slice %arg3[%dma_wait3A_524, %dma_wait3A_525] : memref<2000000x16xf32, #tpu.memory_space<hbm>> -> memref<2000000x16xf32, #tpu.memory_space<hbm>>
    tpu.wait_indirect_dma semaphore(%arg9 : memref<!tpu.dma_semaphore, #tpu.memory_space<semaphore_mem>>) src(%dma_wait3A_526 : memref<2000000x16xf32, #tpu.memory_space<hbm>>) dst(%dma_wait3A_520 : memref<128x16xf32, #tpu.memory_space<vmem>>)
    %dma_wait3A_527 = arith.constant 12 : i32
    %dma_wait3A_528 = arith.constant 1536 : i32
    %dma_wait3A_529 = arith.constant 0 : i32
    %dma_wait3A_530 = tpu.memref_slice %arg7[%dma_wait3A_528, %dma_wait3A_529] : memref<5120x16xf32, #tpu.memory_space<vmem>> -> memref<128x16xf32, #tpu.memory_space<vmem>>
    %dma_wait3A_531 = arith.constant 0 : i32
    %dma_wait3A_532 = tpu.memref_slice %arg6[%dma_wait3A_527, %dma_wait3A_531] : memref<40x128xi32, #tpu.memory_space<vmem>> -> memref<1x128xi32, #tpu.memory_space<vmem>>
    %dma_wait3A_533 = tpu.memref_squeeze %dma_wait3A_532 : memref<1x128xi32, #tpu.memory_space<vmem>> -> memref<128xi32, #tpu.memory_space<vmem>>
    %dma_wait3A_534 = arith.constant 0 : i32
    %dma_wait3A_535 = arith.constant 0 : i32
    %dma_wait3A_536 = tpu.memref_slice %arg3[%dma_wait3A_534, %dma_wait3A_535] : memref<2000000x16xf32, #tpu.memory_space<hbm>> -> memref<2000000x16xf32, #tpu.memory_space<hbm>>
    tpu.wait_indirect_dma semaphore(%arg9 : memref<!tpu.dma_semaphore, #tpu.memory_space<semaphore_mem>>) src(%dma_wait3A_536 : memref<2000000x16xf32, #tpu.memory_space<hbm>>) dst(%dma_wait3A_530 : memref<128x16xf32, #tpu.memory_space<vmem>>)
    %dma_wait3A_537 = arith.constant 13 : i32
    %dma_wait3A_538 = arith.constant 1664 : i32
    %dma_wait3A_539 = arith.constant 0 : i32
    %dma_wait3A_540 = tpu.memref_slice %arg7[%dma_wait3A_538, %dma_wait3A_539] : memref<5120x16xf32, #tpu.memory_space<vmem>> -> memref<128x16xf32, #tpu.memory_space<vmem>>
    %dma_wait3A_541 = arith.constant 0 : i32
    %dma_wait3A_542 = tpu.memref_slice %arg6[%dma_wait3A_537, %dma_wait3A_541] : memref<40x128xi32, #tpu.memory_space<vmem>> -> memref<1x128xi32, #tpu.memory_space<vmem>>
    %dma_wait3A_543 = tpu.memref_squeeze %dma_wait3A_542 : memref<1x128xi32, #tpu.memory_space<vmem>> -> memref<128xi32, #tpu.memory_space<vmem>>
    %dma_wait3A_544 = arith.constant 0 : i32
    %dma_wait3A_545 = arith.constant 0 : i32
    %dma_wait3A_546 = tpu.memref_slice %arg3[%dma_wait3A_544, %dma_wait3A_545] : memref<2000000x16xf32, #tpu.memory_space<hbm>> -> memref<2000000x16xf32, #tpu.memory_space<hbm>>
    tpu.wait_indirect_dma semaphore(%arg9 : memref<!tpu.dma_semaphore, #tpu.memory_space<semaphore_mem>>) src(%dma_wait3A_546 : memref<2000000x16xf32, #tpu.memory_space<hbm>>) dst(%dma_wait3A_540 : memref<128x16xf32, #tpu.memory_space<vmem>>)
    %dma_wait3A_547 = arith.constant 14 : i32
    %dma_wait3A_548 = arith.constant 1792 : i32
    %dma_wait3A_549 = arith.constant 0 : i32
    %dma_wait3A_550 = tpu.memref_slice %arg7[%dma_wait3A_548, %dma_wait3A_549] : memref<5120x16xf32, #tpu.memory_space<vmem>> -> memref<128x16xf32, #tpu.memory_space<vmem>>
    %dma_wait3A_551 = arith.constant 0 : i32
    %dma_wait3A_552 = tpu.memref_slice %arg6[%dma_wait3A_547, %dma_wait3A_551] : memref<40x128xi32, #tpu.memory_space<vmem>> -> memref<1x128xi32, #tpu.memory_space<vmem>>
    %dma_wait3A_553 = tpu.memref_squeeze %dma_wait3A_552 : memref<1x128xi32, #tpu.memory_space<vmem>> -> memref<128xi32, #tpu.memory_space<vmem>>
    %dma_wait3A_554 = arith.constant 0 : i32
    %dma_wait3A_555 = arith.constant 0 : i32
    %dma_wait3A_556 = tpu.memref_slice %arg3[%dma_wait3A_554, %dma_wait3A_555] : memref<2000000x16xf32, #tpu.memory_space<hbm>> -> memref<2000000x16xf32, #tpu.memory_space<hbm>>
    tpu.wait_indirect_dma semaphore(%arg9 : memref<!tpu.dma_semaphore, #tpu.memory_space<semaphore_mem>>) src(%dma_wait3A_556 : memref<2000000x16xf32, #tpu.memory_space<hbm>>) dst(%dma_wait3A_550 : memref<128x16xf32, #tpu.memory_space<vmem>>)
    %dma_wait3A_557 = arith.constant 15 : i32
    %dma_wait3A_558 = arith.constant 1920 : i32
    %dma_wait3A_559 = arith.constant 0 : i32
    %dma_wait3A_560 = tpu.memref_slice %arg7[%dma_wait3A_558, %dma_wait3A_559] : memref<5120x16xf32, #tpu.memory_space<vmem>> -> memref<128x16xf32, #tpu.memory_space<vmem>>
    %dma_wait3A_561 = arith.constant 0 : i32
    %dma_wait3A_562 = tpu.memref_slice %arg6[%dma_wait3A_557, %dma_wait3A_561] : memref<40x128xi32, #tpu.memory_space<vmem>> -> memref<1x128xi32, #tpu.memory_space<vmem>>
    %dma_wait3A_563 = tpu.memref_squeeze %dma_wait3A_562 : memref<1x128xi32, #tpu.memory_space<vmem>> -> memref<128xi32, #tpu.memory_space<vmem>>
    %dma_wait3A_564 = arith.constant 0 : i32
    %dma_wait3A_565 = arith.constant 0 : i32
    %dma_wait3A_566 = tpu.memref_slice %arg3[%dma_wait3A_564, %dma_wait3A_565] : memref<2000000x16xf32, #tpu.memory_space<hbm>> -> memref<2000000x16xf32, #tpu.memory_space<hbm>>
    tpu.wait_indirect_dma semaphore(%arg9 : memref<!tpu.dma_semaphore, #tpu.memory_space<semaphore_mem>>) src(%dma_wait3A_566 : memref<2000000x16xf32, #tpu.memory_space<hbm>>) dst(%dma_wait3A_560 : memref<128x16xf32, #tpu.memory_space<vmem>>)
    %dma_wait3A_567 = arith.constant 16 : i32
    %dma_wait3A_568 = arith.constant 2048 : i32
    %dma_wait3A_569 = arith.constant 0 : i32
    %dma_wait3A_570 = tpu.memref_slice %arg7[%dma_wait3A_568, %dma_wait3A_569] : memref<5120x16xf32, #tpu.memory_space<vmem>> -> memref<128x16xf32, #tpu.memory_space<vmem>>
    %dma_wait3A_571 = arith.constant 0 : i32
    %dma_wait3A_572 = tpu.memref_slice %arg6[%dma_wait3A_567, %dma_wait3A_571] : memref<40x128xi32, #tpu.memory_space<vmem>> -> memref<1x128xi32, #tpu.memory_space<vmem>>
    %dma_wait3A_573 = tpu.memref_squeeze %dma_wait3A_572 : memref<1x128xi32, #tpu.memory_space<vmem>> -> memref<128xi32, #tpu.memory_space<vmem>>
    %dma_wait3A_574 = arith.constant 0 : i32
    %dma_wait3A_575 = arith.constant 0 : i32
    %dma_wait3A_576 = tpu.memref_slice %arg3[%dma_wait3A_574, %dma_wait3A_575] : memref<2000000x16xf32, #tpu.memory_space<hbm>> -> memref<2000000x16xf32, #tpu.memory_space<hbm>>
    tpu.wait_indirect_dma semaphore(%arg9 : memref<!tpu.dma_semaphore, #tpu.memory_space<semaphore_mem>>) src(%dma_wait3A_576 : memref<2000000x16xf32, #tpu.memory_space<hbm>>) dst(%dma_wait3A_570 : memref<128x16xf32, #tpu.memory_space<vmem>>)
    %dma_wait3A_577 = arith.constant 17 : i32
    %dma_wait3A_578 = arith.constant 2176 : i32
    %dma_wait3A_579 = arith.constant 0 : i32
    %dma_wait3A_580 = tpu.memref_slice %arg7[%dma_wait3A_578, %dma_wait3A_579] : memref<5120x16xf32, #tpu.memory_space<vmem>> -> memref<128x16xf32, #tpu.memory_space<vmem>>
    %dma_wait3A_581 = arith.constant 0 : i32
    %dma_wait3A_582 = tpu.memref_slice %arg6[%dma_wait3A_577, %dma_wait3A_581] : memref<40x128xi32, #tpu.memory_space<vmem>> -> memref<1x128xi32, #tpu.memory_space<vmem>>
    %dma_wait3A_583 = tpu.memref_squeeze %dma_wait3A_582 : memref<1x128xi32, #tpu.memory_space<vmem>> -> memref<128xi32, #tpu.memory_space<vmem>>
    %dma_wait3A_584 = arith.constant 0 : i32
    %dma_wait3A_585 = arith.constant 0 : i32
    %dma_wait3A_586 = tpu.memref_slice %arg3[%dma_wait3A_584, %dma_wait3A_585] : memref<2000000x16xf32, #tpu.memory_space<hbm>> -> memref<2000000x16xf32, #tpu.memory_space<hbm>>
    tpu.wait_indirect_dma semaphore(%arg9 : memref<!tpu.dma_semaphore, #tpu.memory_space<semaphore_mem>>) src(%dma_wait3A_586 : memref<2000000x16xf32, #tpu.memory_space<hbm>>) dst(%dma_wait3A_580 : memref<128x16xf32, #tpu.memory_space<vmem>>)
    %dma_wait3A_587 = arith.constant 18 : i32
    %dma_wait3A_588 = arith.constant 2304 : i32
    %dma_wait3A_589 = arith.constant 0 : i32
    %dma_wait3A_590 = tpu.memref_slice %arg7[%dma_wait3A_588, %dma_wait3A_589] : memref<5120x16xf32, #tpu.memory_space<vmem>> -> memref<128x16xf32, #tpu.memory_space<vmem>>
    %dma_wait3A_591 = arith.constant 0 : i32
    %dma_wait3A_592 = tpu.memref_slice %arg6[%dma_wait3A_587, %dma_wait3A_591] : memref<40x128xi32, #tpu.memory_space<vmem>> -> memref<1x128xi32, #tpu.memory_space<vmem>>
    %dma_wait3A_593 = tpu.memref_squeeze %dma_wait3A_592 : memref<1x128xi32, #tpu.memory_space<vmem>> -> memref<128xi32, #tpu.memory_space<vmem>>
    %dma_wait3A_594 = arith.constant 0 : i32
    %dma_wait3A_595 = arith.constant 0 : i32
    %dma_wait3A_596 = tpu.memref_slice %arg3[%dma_wait3A_594, %dma_wait3A_595] : memref<2000000x16xf32, #tpu.memory_space<hbm>> -> memref<2000000x16xf32, #tpu.memory_space<hbm>>
    tpu.wait_indirect_dma semaphore(%arg9 : memref<!tpu.dma_semaphore, #tpu.memory_space<semaphore_mem>>) src(%dma_wait3A_596 : memref<2000000x16xf32, #tpu.memory_space<hbm>>) dst(%dma_wait3A_590 : memref<128x16xf32, #tpu.memory_space<vmem>>)
    %dma_wait3A_597 = arith.constant 19 : i32
    %dma_wait3A_598 = arith.constant 2432 : i32
    %dma_wait3A_599 = arith.constant 0 : i32
    %dma_wait3A_600 = tpu.memref_slice %arg7[%dma_wait3A_598, %dma_wait3A_599] : memref<5120x16xf32, #tpu.memory_space<vmem>> -> memref<128x16xf32, #tpu.memory_space<vmem>>
    %dma_wait3A_601 = arith.constant 0 : i32
    %dma_wait3A_602 = tpu.memref_slice %arg6[%dma_wait3A_597, %dma_wait3A_601] : memref<40x128xi32, #tpu.memory_space<vmem>> -> memref<1x128xi32, #tpu.memory_space<vmem>>
    %dma_wait3A_603 = tpu.memref_squeeze %dma_wait3A_602 : memref<1x128xi32, #tpu.memory_space<vmem>> -> memref<128xi32, #tpu.memory_space<vmem>>
    %dma_wait3A_604 = arith.constant 0 : i32
    %dma_wait3A_605 = arith.constant 0 : i32
    %dma_wait3A_606 = tpu.memref_slice %arg3[%dma_wait3A_604, %dma_wait3A_605] : memref<2000000x16xf32, #tpu.memory_space<hbm>> -> memref<2000000x16xf32, #tpu.memory_space<hbm>>
    tpu.wait_indirect_dma semaphore(%arg9 : memref<!tpu.dma_semaphore, #tpu.memory_space<semaphore_mem>>) src(%dma_wait3A_606 : memref<2000000x16xf32, #tpu.memory_space<hbm>>) dst(%dma_wait3A_600 : memref<128x16xf32, #tpu.memory_space<vmem>>)
    %dma_wait3A_607 = arith.constant 20 : i32
    %dma_wait3A_608 = arith.constant 2560 : i32
    %dma_wait3A_609 = arith.constant 0 : i32
    %dma_wait3A_610 = tpu.memref_slice %arg7[%dma_wait3A_608, %dma_wait3A_609] : memref<5120x16xf32, #tpu.memory_space<vmem>> -> memref<128x16xf32, #tpu.memory_space<vmem>>
    %dma_wait3A_611 = arith.constant 0 : i32
    %dma_wait3A_612 = tpu.memref_slice %arg6[%dma_wait3A_607, %dma_wait3A_611] : memref<40x128xi32, #tpu.memory_space<vmem>> -> memref<1x128xi32, #tpu.memory_space<vmem>>
    %dma_wait3A_613 = tpu.memref_squeeze %dma_wait3A_612 : memref<1x128xi32, #tpu.memory_space<vmem>> -> memref<128xi32, #tpu.memory_space<vmem>>
    %dma_wait3A_614 = arith.constant 0 : i32
    %dma_wait3A_615 = arith.constant 0 : i32
    %dma_wait3A_616 = tpu.memref_slice %arg3[%dma_wait3A_614, %dma_wait3A_615] : memref<2000000x16xf32, #tpu.memory_space<hbm>> -> memref<2000000x16xf32, #tpu.memory_space<hbm>>
    tpu.wait_indirect_dma semaphore(%arg9 : memref<!tpu.dma_semaphore, #tpu.memory_space<semaphore_mem>>) src(%dma_wait3A_616 : memref<2000000x16xf32, #tpu.memory_space<hbm>>) dst(%dma_wait3A_610 : memref<128x16xf32, #tpu.memory_space<vmem>>)
    %dma_wait3A_617 = arith.constant 21 : i32
    %dma_wait3A_618 = arith.constant 2688 : i32
    %dma_wait3A_619 = arith.constant 0 : i32
    %dma_wait3A_620 = tpu.memref_slice %arg7[%dma_wait3A_618, %dma_wait3A_619] : memref<5120x16xf32, #tpu.memory_space<vmem>> -> memref<128x16xf32, #tpu.memory_space<vmem>>
    %dma_wait3A_621 = arith.constant 0 : i32
    %dma_wait3A_622 = tpu.memref_slice %arg6[%dma_wait3A_617, %dma_wait3A_621] : memref<40x128xi32, #tpu.memory_space<vmem>> -> memref<1x128xi32, #tpu.memory_space<vmem>>
    %dma_wait3A_623 = tpu.memref_squeeze %dma_wait3A_622 : memref<1x128xi32, #tpu.memory_space<vmem>> -> memref<128xi32, #tpu.memory_space<vmem>>
    %dma_wait3A_624 = arith.constant 0 : i32
    %dma_wait3A_625 = arith.constant 0 : i32
    %dma_wait3A_626 = tpu.memref_slice %arg3[%dma_wait3A_624, %dma_wait3A_625] : memref<2000000x16xf32, #tpu.memory_space<hbm>> -> memref<2000000x16xf32, #tpu.memory_space<hbm>>
    tpu.wait_indirect_dma semaphore(%arg9 : memref<!tpu.dma_semaphore, #tpu.memory_space<semaphore_mem>>) src(%dma_wait3A_626 : memref<2000000x16xf32, #tpu.memory_space<hbm>>) dst(%dma_wait3A_620 : memref<128x16xf32, #tpu.memory_space<vmem>>)
    %dma_wait3A_627 = arith.constant 22 : i32
    %dma_wait3A_628 = arith.constant 2816 : i32
    %dma_wait3A_629 = arith.constant 0 : i32
    %dma_wait3A_630 = tpu.memref_slice %arg7[%dma_wait3A_628, %dma_wait3A_629] : memref<5120x16xf32, #tpu.memory_space<vmem>> -> memref<128x16xf32, #tpu.memory_space<vmem>>
    %dma_wait3A_631 = arith.constant 0 : i32
    %dma_wait3A_632 = tpu.memref_slice %arg6[%dma_wait3A_627, %dma_wait3A_631] : memref<40x128xi32, #tpu.memory_space<vmem>> -> memref<1x128xi32, #tpu.memory_space<vmem>>
    %dma_wait3A_633 = tpu.memref_squeeze %dma_wait3A_632 : memref<1x128xi32, #tpu.memory_space<vmem>> -> memref<128xi32, #tpu.memory_space<vmem>>
    %dma_wait3A_634 = arith.constant 0 : i32
    %dma_wait3A_635 = arith.constant 0 : i32
    %dma_wait3A_636 = tpu.memref_slice %arg3[%dma_wait3A_634, %dma_wait3A_635] : memref<2000000x16xf32, #tpu.memory_space<hbm>> -> memref<2000000x16xf32, #tpu.memory_space<hbm>>
    tpu.wait_indirect_dma semaphore(%arg9 : memref<!tpu.dma_semaphore, #tpu.memory_space<semaphore_mem>>) src(%dma_wait3A_636 : memref<2000000x16xf32, #tpu.memory_space<hbm>>) dst(%dma_wait3A_630 : memref<128x16xf32, #tpu.memory_space<vmem>>)
    %dma_wait3A_637 = arith.constant 23 : i32
    %dma_wait3A_638 = arith.constant 2944 : i32
    %dma_wait3A_639 = arith.constant 0 : i32
    %dma_wait3A_640 = tpu.memref_slice %arg7[%dma_wait3A_638, %dma_wait3A_639] : memref<5120x16xf32, #tpu.memory_space<vmem>> -> memref<128x16xf32, #tpu.memory_space<vmem>>
    %dma_wait3A_641 = arith.constant 0 : i32
    %dma_wait3A_642 = tpu.memref_slice %arg6[%dma_wait3A_637, %dma_wait3A_641] : memref<40x128xi32, #tpu.memory_space<vmem>> -> memref<1x128xi32, #tpu.memory_space<vmem>>
    %dma_wait3A_643 = tpu.memref_squeeze %dma_wait3A_642 : memref<1x128xi32, #tpu.memory_space<vmem>> -> memref<128xi32, #tpu.memory_space<vmem>>
    %dma_wait3A_644 = arith.constant 0 : i32
    %dma_wait3A_645 = arith.constant 0 : i32
    %dma_wait3A_646 = tpu.memref_slice %arg3[%dma_wait3A_644, %dma_wait3A_645] : memref<2000000x16xf32, #tpu.memory_space<hbm>> -> memref<2000000x16xf32, #tpu.memory_space<hbm>>
    tpu.wait_indirect_dma semaphore(%arg9 : memref<!tpu.dma_semaphore, #tpu.memory_space<semaphore_mem>>) src(%dma_wait3A_646 : memref<2000000x16xf32, #tpu.memory_space<hbm>>) dst(%dma_wait3A_640 : memref<128x16xf32, #tpu.memory_space<vmem>>)
    %dma_wait3A_647 = arith.constant 24 : i32
    %dma_wait3A_648 = arith.constant 3072 : i32
    %dma_wait3A_649 = arith.constant 0 : i32
    %dma_wait3A_650 = tpu.memref_slice %arg7[%dma_wait3A_648, %dma_wait3A_649] : memref<5120x16xf32, #tpu.memory_space<vmem>> -> memref<128x16xf32, #tpu.memory_space<vmem>>
    %dma_wait3A_651 = arith.constant 0 : i32
    %dma_wait3A_652 = tpu.memref_slice %arg6[%dma_wait3A_647, %dma_wait3A_651] : memref<40x128xi32, #tpu.memory_space<vmem>> -> memref<1x128xi32, #tpu.memory_space<vmem>>
    %dma_wait3A_653 = tpu.memref_squeeze %dma_wait3A_652 : memref<1x128xi32, #tpu.memory_space<vmem>> -> memref<128xi32, #tpu.memory_space<vmem>>
    %dma_wait3A_654 = arith.constant 0 : i32
    %dma_wait3A_655 = arith.constant 0 : i32
    %dma_wait3A_656 = tpu.memref_slice %arg3[%dma_wait3A_654, %dma_wait3A_655] : memref<2000000x16xf32, #tpu.memory_space<hbm>> -> memref<2000000x16xf32, #tpu.memory_space<hbm>>
    tpu.wait_indirect_dma semaphore(%arg9 : memref<!tpu.dma_semaphore, #tpu.memory_space<semaphore_mem>>) src(%dma_wait3A_656 : memref<2000000x16xf32, #tpu.memory_space<hbm>>) dst(%dma_wait3A_650 : memref<128x16xf32, #tpu.memory_space<vmem>>)
    %dma_wait3A_657 = arith.constant 25 : i32
    %dma_wait3A_658 = arith.constant 3200 : i32
    %dma_wait3A_659 = arith.constant 0 : i32
    %dma_wait3A_660 = tpu.memref_slice %arg7[%dma_wait3A_658, %dma_wait3A_659] : memref<5120x16xf32, #tpu.memory_space<vmem>> -> memref<128x16xf32, #tpu.memory_space<vmem>>
    %dma_wait3A_661 = arith.constant 0 : i32
    %dma_wait3A_662 = tpu.memref_slice %arg6[%dma_wait3A_657, %dma_wait3A_661] : memref<40x128xi32, #tpu.memory_space<vmem>> -> memref<1x128xi32, #tpu.memory_space<vmem>>
    %dma_wait3A_663 = tpu.memref_squeeze %dma_wait3A_662 : memref<1x128xi32, #tpu.memory_space<vmem>> -> memref<128xi32, #tpu.memory_space<vmem>>
    %dma_wait3A_664 = arith.constant 0 : i32
    %dma_wait3A_665 = arith.constant 0 : i32
    %dma_wait3A_666 = tpu.memref_slice %arg3[%dma_wait3A_664, %dma_wait3A_665] : memref<2000000x16xf32, #tpu.memory_space<hbm>> -> memref<2000000x16xf32, #tpu.memory_space<hbm>>
    tpu.wait_indirect_dma semaphore(%arg9 : memref<!tpu.dma_semaphore, #tpu.memory_space<semaphore_mem>>) src(%dma_wait3A_666 : memref<2000000x16xf32, #tpu.memory_space<hbm>>) dst(%dma_wait3A_660 : memref<128x16xf32, #tpu.memory_space<vmem>>)
    %dma_wait3A_667 = arith.constant 26 : i32
    %dma_wait3A_668 = arith.constant 3328 : i32
    %dma_wait3A_669 = arith.constant 0 : i32
    %dma_wait3A_670 = tpu.memref_slice %arg7[%dma_wait3A_668, %dma_wait3A_669] : memref<5120x16xf32, #tpu.memory_space<vmem>> -> memref<128x16xf32, #tpu.memory_space<vmem>>
    %dma_wait3A_671 = arith.constant 0 : i32
    %dma_wait3A_672 = tpu.memref_slice %arg6[%dma_wait3A_667, %dma_wait3A_671] : memref<40x128xi32, #tpu.memory_space<vmem>> -> memref<1x128xi32, #tpu.memory_space<vmem>>
    %dma_wait3A_673 = tpu.memref_squeeze %dma_wait3A_672 : memref<1x128xi32, #tpu.memory_space<vmem>> -> memref<128xi32, #tpu.memory_space<vmem>>
    %dma_wait3A_674 = arith.constant 0 : i32
    %dma_wait3A_675 = arith.constant 0 : i32
    %dma_wait3A_676 = tpu.memref_slice %arg3[%dma_wait3A_674, %dma_wait3A_675] : memref<2000000x16xf32, #tpu.memory_space<hbm>> -> memref<2000000x16xf32, #tpu.memory_space<hbm>>
    tpu.wait_indirect_dma semaphore(%arg9 : memref<!tpu.dma_semaphore, #tpu.memory_space<semaphore_mem>>) src(%dma_wait3A_676 : memref<2000000x16xf32, #tpu.memory_space<hbm>>) dst(%dma_wait3A_670 : memref<128x16xf32, #tpu.memory_space<vmem>>)
    %dma_wait3A_677 = arith.constant 27 : i32
    %dma_wait3A_678 = arith.constant 3456 : i32
    %dma_wait3A_679 = arith.constant 0 : i32
    %dma_wait3A_680 = tpu.memref_slice %arg7[%dma_wait3A_678, %dma_wait3A_679] : memref<5120x16xf32, #tpu.memory_space<vmem>> -> memref<128x16xf32, #tpu.memory_space<vmem>>
    %dma_wait3A_681 = arith.constant 0 : i32
    %dma_wait3A_682 = tpu.memref_slice %arg6[%dma_wait3A_677, %dma_wait3A_681] : memref<40x128xi32, #tpu.memory_space<vmem>> -> memref<1x128xi32, #tpu.memory_space<vmem>>
    %dma_wait3A_683 = tpu.memref_squeeze %dma_wait3A_682 : memref<1x128xi32, #tpu.memory_space<vmem>> -> memref<128xi32, #tpu.memory_space<vmem>>
    %dma_wait3A_684 = arith.constant 0 : i32
    %dma_wait3A_685 = arith.constant 0 : i32
    %dma_wait3A_686 = tpu.memref_slice %arg3[%dma_wait3A_684, %dma_wait3A_685] : memref<2000000x16xf32, #tpu.memory_space<hbm>> -> memref<2000000x16xf32, #tpu.memory_space<hbm>>
    tpu.wait_indirect_dma semaphore(%arg9 : memref<!tpu.dma_semaphore, #tpu.memory_space<semaphore_mem>>) src(%dma_wait3A_686 : memref<2000000x16xf32, #tpu.memory_space<hbm>>) dst(%dma_wait3A_680 : memref<128x16xf32, #tpu.memory_space<vmem>>)
    %dma_wait3A_687 = arith.constant 28 : i32
    %dma_wait3A_688 = arith.constant 3584 : i32
    %dma_wait3A_689 = arith.constant 0 : i32
    %dma_wait3A_690 = tpu.memref_slice %arg7[%dma_wait3A_688, %dma_wait3A_689] : memref<5120x16xf32, #tpu.memory_space<vmem>> -> memref<128x16xf32, #tpu.memory_space<vmem>>
    %dma_wait3A_691 = arith.constant 0 : i32
    %dma_wait3A_692 = tpu.memref_slice %arg6[%dma_wait3A_687, %dma_wait3A_691] : memref<40x128xi32, #tpu.memory_space<vmem>> -> memref<1x128xi32, #tpu.memory_space<vmem>>
    %dma_wait3A_693 = tpu.memref_squeeze %dma_wait3A_692 : memref<1x128xi32, #tpu.memory_space<vmem>> -> memref<128xi32, #tpu.memory_space<vmem>>
    %dma_wait3A_694 = arith.constant 0 : i32
    %dma_wait3A_695 = arith.constant 0 : i32
    %dma_wait3A_696 = tpu.memref_slice %arg3[%dma_wait3A_694, %dma_wait3A_695] : memref<2000000x16xf32, #tpu.memory_space<hbm>> -> memref<2000000x16xf32, #tpu.memory_space<hbm>>
    tpu.wait_indirect_dma semaphore(%arg9 : memref<!tpu.dma_semaphore, #tpu.memory_space<semaphore_mem>>) src(%dma_wait3A_696 : memref<2000000x16xf32, #tpu.memory_space<hbm>>) dst(%dma_wait3A_690 : memref<128x16xf32, #tpu.memory_space<vmem>>)
    %dma_wait3A_697 = arith.constant 29 : i32
    %dma_wait3A_698 = arith.constant 3712 : i32
    %dma_wait3A_699 = arith.constant 0 : i32
    %dma_wait3A_700 = tpu.memref_slice %arg7[%dma_wait3A_698, %dma_wait3A_699] : memref<5120x16xf32, #tpu.memory_space<vmem>> -> memref<128x16xf32, #tpu.memory_space<vmem>>
    %dma_wait3A_701 = arith.constant 0 : i32
    %dma_wait3A_702 = tpu.memref_slice %arg6[%dma_wait3A_697, %dma_wait3A_701] : memref<40x128xi32, #tpu.memory_space<vmem>> -> memref<1x128xi32, #tpu.memory_space<vmem>>
    %dma_wait3A_703 = tpu.memref_squeeze %dma_wait3A_702 : memref<1x128xi32, #tpu.memory_space<vmem>> -> memref<128xi32, #tpu.memory_space<vmem>>
    %dma_wait3A_704 = arith.constant 0 : i32
    %dma_wait3A_705 = arith.constant 0 : i32
    %dma_wait3A_706 = tpu.memref_slice %arg3[%dma_wait3A_704, %dma_wait3A_705] : memref<2000000x16xf32, #tpu.memory_space<hbm>> -> memref<2000000x16xf32, #tpu.memory_space<hbm>>
    tpu.wait_indirect_dma semaphore(%arg9 : memref<!tpu.dma_semaphore, #tpu.memory_space<semaphore_mem>>) src(%dma_wait3A_706 : memref<2000000x16xf32, #tpu.memory_space<hbm>>) dst(%dma_wait3A_700 : memref<128x16xf32, #tpu.memory_space<vmem>>)
    %dma_wait3A_707 = arith.constant 30 : i32
    %dma_wait3A_708 = arith.constant 3840 : i32
    %dma_wait3A_709 = arith.constant 0 : i32
    %dma_wait3A_710 = tpu.memref_slice %arg7[%dma_wait3A_708, %dma_wait3A_709] : memref<5120x16xf32, #tpu.memory_space<vmem>> -> memref<128x16xf32, #tpu.memory_space<vmem>>
    %dma_wait3A_711 = arith.constant 0 : i32
    %dma_wait3A_712 = tpu.memref_slice %arg6[%dma_wait3A_707, %dma_wait3A_711] : memref<40x128xi32, #tpu.memory_space<vmem>> -> memref<1x128xi32, #tpu.memory_space<vmem>>
    %dma_wait3A_713 = tpu.memref_squeeze %dma_wait3A_712 : memref<1x128xi32, #tpu.memory_space<vmem>> -> memref<128xi32, #tpu.memory_space<vmem>>
    %dma_wait3A_714 = arith.constant 0 : i32
    %dma_wait3A_715 = arith.constant 0 : i32
    %dma_wait3A_716 = tpu.memref_slice %arg3[%dma_wait3A_714, %dma_wait3A_715] : memref<2000000x16xf32, #tpu.memory_space<hbm>> -> memref<2000000x16xf32, #tpu.memory_space<hbm>>
    tpu.wait_indirect_dma semaphore(%arg9 : memref<!tpu.dma_semaphore, #tpu.memory_space<semaphore_mem>>) src(%dma_wait3A_716 : memref<2000000x16xf32, #tpu.memory_space<hbm>>) dst(%dma_wait3A_710 : memref<128x16xf32, #tpu.memory_space<vmem>>)
    %dma_wait3A_717 = arith.constant 31 : i32
    %dma_wait3A_718 = arith.constant 3968 : i32
    %dma_wait3A_719 = arith.constant 0 : i32
    %dma_wait3A_720 = tpu.memref_slice %arg7[%dma_wait3A_718, %dma_wait3A_719] : memref<5120x16xf32, #tpu.memory_space<vmem>> -> memref<128x16xf32, #tpu.memory_space<vmem>>
    %dma_wait3A_721 = arith.constant 0 : i32
    %dma_wait3A_722 = tpu.memref_slice %arg6[%dma_wait3A_717, %dma_wait3A_721] : memref<40x128xi32, #tpu.memory_space<vmem>> -> memref<1x128xi32, #tpu.memory_space<vmem>>
    %dma_wait3A_723 = tpu.memref_squeeze %dma_wait3A_722 : memref<1x128xi32, #tpu.memory_space<vmem>> -> memref<128xi32, #tpu.memory_space<vmem>>
    %dma_wait3A_724 = arith.constant 0 : i32
    %dma_wait3A_725 = arith.constant 0 : i32
    %dma_wait3A_726 = tpu.memref_slice %arg3[%dma_wait3A_724, %dma_wait3A_725] : memref<2000000x16xf32, #tpu.memory_space<hbm>> -> memref<2000000x16xf32, #tpu.memory_space<hbm>>
    tpu.wait_indirect_dma semaphore(%arg9 : memref<!tpu.dma_semaphore, #tpu.memory_space<semaphore_mem>>) src(%dma_wait3A_726 : memref<2000000x16xf32, #tpu.memory_space<hbm>>) dst(%dma_wait3A_720 : memref<128x16xf32, #tpu.memory_space<vmem>>)
    %dma_wait3A_727 = arith.constant 32 : i32
    %dma_wait3A_728 = arith.constant 4096 : i32
    %dma_wait3A_729 = arith.constant 0 : i32
    %dma_wait3A_730 = tpu.memref_slice %arg7[%dma_wait3A_728, %dma_wait3A_729] : memref<5120x16xf32, #tpu.memory_space<vmem>> -> memref<128x16xf32, #tpu.memory_space<vmem>>
    %dma_wait3A_731 = arith.constant 0 : i32
    %dma_wait3A_732 = tpu.memref_slice %arg6[%dma_wait3A_727, %dma_wait3A_731] : memref<40x128xi32, #tpu.memory_space<vmem>> -> memref<1x128xi32, #tpu.memory_space<vmem>>
    %dma_wait3A_733 = tpu.memref_squeeze %dma_wait3A_732 : memref<1x128xi32, #tpu.memory_space<vmem>> -> memref<128xi32, #tpu.memory_space<vmem>>
    %dma_wait3A_734 = arith.constant 0 : i32
    %dma_wait3A_735 = arith.constant 0 : i32
    %dma_wait3A_736 = tpu.memref_slice %arg3[%dma_wait3A_734, %dma_wait3A_735] : memref<2000000x16xf32, #tpu.memory_space<hbm>> -> memref<2000000x16xf32, #tpu.memory_space<hbm>>
    tpu.wait_indirect_dma semaphore(%arg9 : memref<!tpu.dma_semaphore, #tpu.memory_space<semaphore_mem>>) src(%dma_wait3A_736 : memref<2000000x16xf32, #tpu.memory_space<hbm>>) dst(%dma_wait3A_730 : memref<128x16xf32, #tpu.memory_space<vmem>>)
    %dma_wait3A_737 = arith.constant 33 : i32
    %dma_wait3A_738 = arith.constant 4224 : i32
    %dma_wait3A_739 = arith.constant 0 : i32
    %dma_wait3A_740 = tpu.memref_slice %arg7[%dma_wait3A_738, %dma_wait3A_739] : memref<5120x16xf32, #tpu.memory_space<vmem>> -> memref<128x16xf32, #tpu.memory_space<vmem>>
    %dma_wait3A_741 = arith.constant 0 : i32
    %dma_wait3A_742 = tpu.memref_slice %arg6[%dma_wait3A_737, %dma_wait3A_741] : memref<40x128xi32, #tpu.memory_space<vmem>> -> memref<1x128xi32, #tpu.memory_space<vmem>>
    %dma_wait3A_743 = tpu.memref_squeeze %dma_wait3A_742 : memref<1x128xi32, #tpu.memory_space<vmem>> -> memref<128xi32, #tpu.memory_space<vmem>>
    %dma_wait3A_744 = arith.constant 0 : i32
    %dma_wait3A_745 = arith.constant 0 : i32
    %dma_wait3A_746 = tpu.memref_slice %arg3[%dma_wait3A_744, %dma_wait3A_745] : memref<2000000x16xf32, #tpu.memory_space<hbm>> -> memref<2000000x16xf32, #tpu.memory_space<hbm>>
    tpu.wait_indirect_dma semaphore(%arg9 : memref<!tpu.dma_semaphore, #tpu.memory_space<semaphore_mem>>) src(%dma_wait3A_746 : memref<2000000x16xf32, #tpu.memory_space<hbm>>) dst(%dma_wait3A_740 : memref<128x16xf32, #tpu.memory_space<vmem>>)
    %dma_wait3A_747 = arith.constant 34 : i32
    %dma_wait3A_748 = arith.constant 4352 : i32
    %dma_wait3A_749 = arith.constant 0 : i32
    %dma_wait3A_750 = tpu.memref_slice %arg7[%dma_wait3A_748, %dma_wait3A_749] : memref<5120x16xf32, #tpu.memory_space<vmem>> -> memref<128x16xf32, #tpu.memory_space<vmem>>
    %dma_wait3A_751 = arith.constant 0 : i32
    %dma_wait3A_752 = tpu.memref_slice %arg6[%dma_wait3A_747, %dma_wait3A_751] : memref<40x128xi32, #tpu.memory_space<vmem>> -> memref<1x128xi32, #tpu.memory_space<vmem>>
    %dma_wait3A_753 = tpu.memref_squeeze %dma_wait3A_752 : memref<1x128xi32, #tpu.memory_space<vmem>> -> memref<128xi32, #tpu.memory_space<vmem>>
    %dma_wait3A_754 = arith.constant 0 : i32
    %dma_wait3A_755 = arith.constant 0 : i32
    %dma_wait3A_756 = tpu.memref_slice %arg3[%dma_wait3A_754, %dma_wait3A_755] : memref<2000000x16xf32, #tpu.memory_space<hbm>> -> memref<2000000x16xf32, #tpu.memory_space<hbm>>
    tpu.wait_indirect_dma semaphore(%arg9 : memref<!tpu.dma_semaphore, #tpu.memory_space<semaphore_mem>>) src(%dma_wait3A_756 : memref<2000000x16xf32, #tpu.memory_space<hbm>>) dst(%dma_wait3A_750 : memref<128x16xf32, #tpu.memory_space<vmem>>)
    %dma_wait3A_757 = arith.constant 35 : i32
    %dma_wait3A_758 = arith.constant 4480 : i32
    %dma_wait3A_759 = arith.constant 0 : i32
    %dma_wait3A_760 = tpu.memref_slice %arg7[%dma_wait3A_758, %dma_wait3A_759] : memref<5120x16xf32, #tpu.memory_space<vmem>> -> memref<128x16xf32, #tpu.memory_space<vmem>>
    %dma_wait3A_761 = arith.constant 0 : i32
    %dma_wait3A_762 = tpu.memref_slice %arg6[%dma_wait3A_757, %dma_wait3A_761] : memref<40x128xi32, #tpu.memory_space<vmem>> -> memref<1x128xi32, #tpu.memory_space<vmem>>
    %dma_wait3A_763 = tpu.memref_squeeze %dma_wait3A_762 : memref<1x128xi32, #tpu.memory_space<vmem>> -> memref<128xi32, #tpu.memory_space<vmem>>
    %dma_wait3A_764 = arith.constant 0 : i32
    %dma_wait3A_765 = arith.constant 0 : i32
    %dma_wait3A_766 = tpu.memref_slice %arg3[%dma_wait3A_764, %dma_wait3A_765] : memref<2000000x16xf32, #tpu.memory_space<hbm>> -> memref<2000000x16xf32, #tpu.memory_space<hbm>>
    tpu.wait_indirect_dma semaphore(%arg9 : memref<!tpu.dma_semaphore, #tpu.memory_space<semaphore_mem>>) src(%dma_wait3A_766 : memref<2000000x16xf32, #tpu.memory_space<hbm>>) dst(%dma_wait3A_760 : memref<128x16xf32, #tpu.memory_space<vmem>>)
    %dma_wait3A_767 = arith.constant 36 : i32
    %dma_wait3A_768 = arith.constant 4608 : i32
    %dma_wait3A_769 = arith.constant 0 : i32
    %dma_wait3A_770 = tpu.memref_slice %arg7[%dma_wait3A_768, %dma_wait3A_769] : memref<5120x16xf32, #tpu.memory_space<vmem>> -> memref<128x16xf32, #tpu.memory_space<vmem>>
    %dma_wait3A_771 = arith.constant 0 : i32
    %dma_wait3A_772 = tpu.memref_slice %arg6[%dma_wait3A_767, %dma_wait3A_771] : memref<40x128xi32, #tpu.memory_space<vmem>> -> memref<1x128xi32, #tpu.memory_space<vmem>>
    %dma_wait3A_773 = tpu.memref_squeeze %dma_wait3A_772 : memref<1x128xi32, #tpu.memory_space<vmem>> -> memref<128xi32, #tpu.memory_space<vmem>>
    %dma_wait3A_774 = arith.constant 0 : i32
    %dma_wait3A_775 = arith.constant 0 : i32
    %dma_wait3A_776 = tpu.memref_slice %arg3[%dma_wait3A_774, %dma_wait3A_775] : memref<2000000x16xf32, #tpu.memory_space<hbm>> -> memref<2000000x16xf32, #tpu.memory_space<hbm>>
    tpu.wait_indirect_dma semaphore(%arg9 : memref<!tpu.dma_semaphore, #tpu.memory_space<semaphore_mem>>) src(%dma_wait3A_776 : memref<2000000x16xf32, #tpu.memory_space<hbm>>) dst(%dma_wait3A_770 : memref<128x16xf32, #tpu.memory_space<vmem>>)
    %dma_wait3A_777 = arith.constant 37 : i32
    %dma_wait3A_778 = arith.constant 4736 : i32
    %dma_wait3A_779 = arith.constant 0 : i32
    %dma_wait3A_780 = tpu.memref_slice %arg7[%dma_wait3A_778, %dma_wait3A_779] : memref<5120x16xf32, #tpu.memory_space<vmem>> -> memref<128x16xf32, #tpu.memory_space<vmem>>
    %dma_wait3A_781 = arith.constant 0 : i32
    %dma_wait3A_782 = tpu.memref_slice %arg6[%dma_wait3A_777, %dma_wait3A_781] : memref<40x128xi32, #tpu.memory_space<vmem>> -> memref<1x128xi32, #tpu.memory_space<vmem>>
    %dma_wait3A_783 = tpu.memref_squeeze %dma_wait3A_782 : memref<1x128xi32, #tpu.memory_space<vmem>> -> memref<128xi32, #tpu.memory_space<vmem>>
    %dma_wait3A_784 = arith.constant 0 : i32
    %dma_wait3A_785 = arith.constant 0 : i32
    %dma_wait3A_786 = tpu.memref_slice %arg3[%dma_wait3A_784, %dma_wait3A_785] : memref<2000000x16xf32, #tpu.memory_space<hbm>> -> memref<2000000x16xf32, #tpu.memory_space<hbm>>
    tpu.wait_indirect_dma semaphore(%arg9 : memref<!tpu.dma_semaphore, #tpu.memory_space<semaphore_mem>>) src(%dma_wait3A_786 : memref<2000000x16xf32, #tpu.memory_space<hbm>>) dst(%dma_wait3A_780 : memref<128x16xf32, #tpu.memory_space<vmem>>)
    %dma_wait3A_787 = arith.constant 38 : i32
    %dma_wait3A_788 = arith.constant 4864 : i32
    %dma_wait3A_789 = arith.constant 0 : i32
    %dma_wait3A_790 = tpu.memref_slice %arg7[%dma_wait3A_788, %dma_wait3A_789] : memref<5120x16xf32, #tpu.memory_space<vmem>> -> memref<128x16xf32, #tpu.memory_space<vmem>>
    %dma_wait3A_791 = arith.constant 0 : i32
    %dma_wait3A_792 = tpu.memref_slice %arg6[%dma_wait3A_787, %dma_wait3A_791] : memref<40x128xi32, #tpu.memory_space<vmem>> -> memref<1x128xi32, #tpu.memory_space<vmem>>
    %dma_wait3A_793 = tpu.memref_squeeze %dma_wait3A_792 : memref<1x128xi32, #tpu.memory_space<vmem>> -> memref<128xi32, #tpu.memory_space<vmem>>
    %dma_wait3A_794 = arith.constant 0 : i32
    %dma_wait3A_795 = arith.constant 0 : i32
    %dma_wait3A_796 = tpu.memref_slice %arg3[%dma_wait3A_794, %dma_wait3A_795] : memref<2000000x16xf32, #tpu.memory_space<hbm>> -> memref<2000000x16xf32, #tpu.memory_space<hbm>>
    tpu.wait_indirect_dma semaphore(%arg9 : memref<!tpu.dma_semaphore, #tpu.memory_space<semaphore_mem>>) src(%dma_wait3A_796 : memref<2000000x16xf32, #tpu.memory_space<hbm>>) dst(%dma_wait3A_790 : memref<128x16xf32, #tpu.memory_space<vmem>>)
    %dma_wait3A_797 = arith.constant 39 : i32
    %dma_wait3A_798 = arith.constant 4992 : i32
    %dma_wait3A_799 = arith.constant 0 : i32
    %dma_wait3A_800 = tpu.memref_slice %arg7[%dma_wait3A_798, %dma_wait3A_799] : memref<5120x16xf32, #tpu.memory_space<vmem>> -> memref<128x16xf32, #tpu.memory_space<vmem>>
    %dma_wait3A_801 = arith.constant 0 : i32
    %dma_wait3A_802 = tpu.memref_slice %arg6[%dma_wait3A_797, %dma_wait3A_801] : memref<40x128xi32, #tpu.memory_space<vmem>> -> memref<1x128xi32, #tpu.memory_space<vmem>>
    %dma_wait3A_803 = tpu.memref_squeeze %dma_wait3A_802 : memref<1x128xi32, #tpu.memory_space<vmem>> -> memref<128xi32, #tpu.memory_space<vmem>>
    %dma_wait3A_804 = arith.constant 0 : i32
    %dma_wait3A_805 = arith.constant 0 : i32
    %dma_wait3A_806 = tpu.memref_slice %arg3[%dma_wait3A_804, %dma_wait3A_805] : memref<2000000x16xf32, #tpu.memory_space<hbm>> -> memref<2000000x16xf32, #tpu.memory_space<hbm>>
    tpu.wait_indirect_dma semaphore(%arg9 : memref<!tpu.dma_semaphore, #tpu.memory_space<semaphore_mem>>) src(%dma_wait3A_806 : memref<2000000x16xf32, #tpu.memory_space<hbm>>) dst(%dma_wait3A_800 : memref<128x16xf32, #tpu.memory_space<vmem>>)
    %scan3A_807 = arith.constant 0 : i32
    %scan3A_808 = arith.constant 0 : i32
    %scan3A_809 = arith.constant 256 : i32
    %scan3A_810 = arith.addi %scan3A_808, %scan3A_809 : i32
    %scan3A_811 = arith.constant 1 : i32
    %scan3A_812 = scf.for %scan3A_816 = %scan3A_808 to %scan3A_810 step %scan3A_811 iter_args(%scan3A_817 = %scan3A_807) -> (i32)  : i32 {
      %mul3A_818 = arith.constant 20 : i32
      %mul3A_819 = arith.muli %scan3A_816, %mul3A_818 : i32
      %get3A = arith.index_cast %mul3A_819 : i32 to index
      %get3A_820 = arith.constant 0 : index
      %get3A_821 = tpu.vector_load %arg7[%get3A, %get3A_820] {strides = array<i32>} : memref<5120x16xf32, #tpu.memory_space<vmem>>, vector<1x16xf32>,
      %get3A_822 = vector.shape_cast %get3A_821 : vector<1x16xf32> to vector<16xf32>
      %mul3A_823 = arith.constant 20 : i32
      %mul3A_824 = arith.muli %scan3A_816, %mul3A_823 : i32
      %add3A_825 = arith.constant 1 : i32
      %add3A_826 = arith.addi %mul3A_824, %add3A_825 : i32
      %get3A_827 = arith.index_cast %add3A_826 : i32 to index
      %get3A_828 = arith.constant 0 : index
      %get3A_829 = tpu.vector_load %arg7[%get3A_827, %get3A_828] {strides = array<i32>} : memref<5120x16xf32, #tpu.memory_space<vmem>>, vector<1x16xf32>,
      %get3A_830 = vector.shape_cast %get3A_829 : vector<1x16xf32> to vector<16xf32>
      %add3A_831 = arith.addf %get3A_822, %get3A_830 : vector<16xf32>
      %mul3A_832 = arith.constant 20 : i32
      %mul3A_833 = arith.muli %scan3A_816, %mul3A_832 : i32
      %add3A_834 = arith.constant 2 : i32
      %add3A_835 = arith.addi %mul3A_833, %add3A_834 : i32
      %get3A_836 = arith.index_cast %add3A_835 : i32 to index
      %get3A_837 = arith.constant 0 : index
      %get3A_838 = tpu.vector_load %arg7[%get3A_836, %get3A_837] {strides = array<i32>} : memref<5120x16xf32, #tpu.memory_space<vmem>>, vector<1x16xf32>,
      %get3A_839 = vector.shape_cast %get3A_838 : vector<1x16xf32> to vector<16xf32>
      %add3A_840 = arith.addf %add3A_831, %get3A_839 : vector<16xf32>
      %mul3A_841 = arith.constant 20 : i32
      %mul3A_842 = arith.muli %scan3A_816, %mul3A_841 : i32
      %add3A_843 = arith.constant 3 : i32
      %add3A_844 = arith.addi %mul3A_842, %add3A_843 : i32
      %get3A_845 = arith.index_cast %add3A_844 : i32 to index
      %get3A_846 = arith.constant 0 : index
      %get3A_847 = tpu.vector_load %arg7[%get3A_845, %get3A_846] {strides = array<i32>} : memref<5120x16xf32, #tpu.memory_space<vmem>>, vector<1x16xf32>,
      %get3A_848 = vector.shape_cast %get3A_847 : vector<1x16xf32> to vector<16xf32>
      %add3A_849 = arith.addf %add3A_840, %get3A_848 : vector<16xf32>
      %mul3A_850 = arith.constant 20 : i32
      %mul3A_851 = arith.muli %scan3A_816, %mul3A_850 : i32
      %add3A_852 = arith.constant 4 : i32
      %add3A_853 = arith.addi %mul3A_851, %add3A_852 : i32
      %get3A_854 = arith.index_cast %add3A_853 : i32 to index
      %get3A_855 = arith.constant 0 : index
      %get3A_856 = tpu.vector_load %arg7[%get3A_854, %get3A_855] {strides = array<i32>} : memref<5120x16xf32, #tpu.memory_space<vmem>>, vector<1x16xf32>,
      %get3A_857 = vector.shape_cast %get3A_856 : vector<1x16xf32> to vector<16xf32>
      %add3A_858 = arith.addf %add3A_849, %get3A_857 : vector<16xf32>
      %mul3A_859 = arith.constant 20 : i32
      %mul3A_860 = arith.muli %scan3A_816, %mul3A_859 : i32
      %add3A_861 = arith.constant 5 : i32
      %add3A_862 = arith.addi %mul3A_860, %add3A_861 : i32
      %get3A_863 = arith.index_cast %add3A_862 : i32 to index
      %get3A_864 = arith.constant 0 : index
      %get3A_865 = tpu.vector_load %arg7[%get3A_863, %get3A_864] {strides = array<i32>} : memref<5120x16xf32, #tpu.memory_space<vmem>>, vector<1x16xf32>,
      %get3A_866 = vector.shape_cast %get3A_865 : vector<1x16xf32> to vector<16xf32>
      %add3A_867 = arith.addf %add3A_858, %get3A_866 : vector<16xf32>
      %mul3A_868 = arith.constant 20 : i32
      %mul3A_869 = arith.muli %scan3A_816, %mul3A_868 : i32
      %add3A_870 = arith.constant 6 : i32
      %add3A_871 = arith.addi %mul3A_869, %add3A_870 : i32
      %get3A_872 = arith.index_cast %add3A_871 : i32 to index
      %get3A_873 = arith.constant 0 : index
      %get3A_874 = tpu.vector_load %arg7[%get3A_872, %get3A_873] {strides = array<i32>} : memref<5120x16xf32, #tpu.memory_space<vmem>>, vector<1x16xf32>,
      %get3A_875 = vector.shape_cast %get3A_874 : vector<1x16xf32> to vector<16xf32>
      %add3A_876 = arith.addf %add3A_867, %get3A_875 : vector<16xf32>
      %mul3A_877 = arith.constant 20 : i32
      %mul3A_878 = arith.muli %scan3A_816, %mul3A_877 : i32
      %add3A_879 = arith.constant 7 : i32
      %add3A_880 = arith.addi %mul3A_878, %add3A_879 : i32
      %get3A_881 = arith.index_cast %add3A_880 : i32 to index
      %get3A_882 = arith.constant 0 : index
      %get3A_883 = tpu.vector_load %arg7[%get3A_881, %get3A_882] {strides = array<i32>} : memref<5120x16xf32, #tpu.memory_space<vmem>>, vector<1x16xf32>,
      %get3A_884 = vector.shape_cast %get3A_883 : vector<1x16xf32> to vector<16xf32>
      %add3A_885 = arith.addf %add3A_876, %get3A_884 : vector<16xf32>
      %mul3A_886 = arith.constant 20 : i32
      %mul3A_887 = arith.muli %scan3A_816, %mul3A_886 : i32
      %add3A_888 = arith.constant 8 : i32
      %add3A_889 = arith.addi %mul3A_887, %add3A_888 : i32
      %get3A_890 = arith.index_cast %add3A_889 : i32 to index
      %get3A_891 = arith.constant 0 : index
      %get3A_892 = tpu.vector_load %arg7[%get3A_890, %get3A_891] {strides = array<i32>} : memref<5120x16xf32, #tpu.memory_space<vmem>>, vector<1x16xf32>,
      %get3A_893 = vector.shape_cast %get3A_892 : vector<1x16xf32> to vector<16xf32>
      %add3A_894 = arith.addf %add3A_885, %get3A_893 : vector<16xf32>
      %mul3A_895 = arith.constant 20 : i32
      %mul3A_896 = arith.muli %scan3A_816, %mul3A_895 : i32
      %add3A_897 = arith.constant 9 : i32
      %add3A_898 = arith.addi %mul3A_896, %add3A_897 : i32
      %get3A_899 = arith.index_cast %add3A_898 : i32 to index
      %get3A_900 = arith.constant 0 : index
      %get3A_901 = tpu.vector_load %arg7[%get3A_899, %get3A_900] {strides = array<i32>} : memref<5120x16xf32, #tpu.memory_space<vmem>>, vector<1x16xf32>,
      %get3A_902 = vector.shape_cast %get3A_901 : vector<1x16xf32> to vector<16xf32>
      %add3A_903 = arith.addf %add3A_894, %get3A_902 : vector<16xf32>
      %mul3A_904 = arith.constant 20 : i32
      %mul3A_905 = arith.muli %scan3A_816, %mul3A_904 : i32
      %add3A_906 = arith.constant 10 : i32
      %add3A_907 = arith.addi %mul3A_905, %add3A_906 : i32
      %get3A_908 = arith.index_cast %add3A_907 : i32 to index
      %get3A_909 = arith.constant 0 : index
      %get3A_910 = tpu.vector_load %arg7[%get3A_908, %get3A_909] {strides = array<i32>} : memref<5120x16xf32, #tpu.memory_space<vmem>>, vector<1x16xf32>,
      %get3A_911 = vector.shape_cast %get3A_910 : vector<1x16xf32> to vector<16xf32>
      %add3A_912 = arith.addf %add3A_903, %get3A_911 : vector<16xf32>
      %mul3A_913 = arith.constant 20 : i32
      %mul3A_914 = arith.muli %scan3A_816, %mul3A_913 : i32
      %add3A_915 = arith.constant 11 : i32
      %add3A_916 = arith.addi %mul3A_914, %add3A_915 : i32
      %get3A_917 = arith.index_cast %add3A_916 : i32 to index
      %get3A_918 = arith.constant 0 : index
      %get3A_919 = tpu.vector_load %arg7[%get3A_917, %get3A_918] {strides = array<i32>} : memref<5120x16xf32, #tpu.memory_space<vmem>>, vector<1x16xf32>,
      %get3A_920 = vector.shape_cast %get3A_919 : vector<1x16xf32> to vector<16xf32>
      %add3A_921 = arith.addf %add3A_912, %get3A_920 : vector<16xf32>
      %mul3A_922 = arith.constant 20 : i32
      %mul3A_923 = arith.muli %scan3A_816, %mul3A_922 : i32
      %add3A_924 = arith.constant 12 : i32
      %add3A_925 = arith.addi %mul3A_923, %add3A_924 : i32
      %get3A_926 = arith.index_cast %add3A_925 : i32 to index
      %get3A_927 = arith.constant 0 : index
      %get3A_928 = tpu.vector_load %arg7[%get3A_926, %get3A_927] {strides = array<i32>} : memref<5120x16xf32, #tpu.memory_space<vmem>>, vector<1x16xf32>,
      %get3A_929 = vector.shape_cast %get3A_928 : vector<1x16xf32> to vector<16xf32>
      %add3A_930 = arith.addf %add3A_921, %get3A_929 : vector<16xf32>
      %mul3A_931 = arith.constant 20 : i32
      %mul3A_932 = arith.muli %scan3A_816, %mul3A_931 : i32
      %add3A_933 = arith.constant 13 : i32
      %add3A_934 = arith.addi %mul3A_932, %add3A_933 : i32
      %get3A_935 = arith.index_cast %add3A_934 : i32 to index
      %get3A_936 = arith.constant 0 : index
      %get3A_937 = tpu.vector_load %arg7[%get3A_935, %get3A_936] {strides = array<i32>} : memref<5120x16xf32, #tpu.memory_space<vmem>>, vector<1x16xf32>,
      %get3A_938 = vector.shape_cast %get3A_937 : vector<1x16xf32> to vector<16xf32>
      %add3A_939 = arith.addf %add3A_930, %get3A_938 : vector<16xf32>
      %mul3A_940 = arith.constant 20 : i32
      %mul3A_941 = arith.muli %scan3A_816, %mul3A_940 : i32
      %add3A_942 = arith.constant 14 : i32
      %add3A_943 = arith.addi %mul3A_941, %add3A_942 : i32
      %get3A_944 = arith.index_cast %add3A_943 : i32 to index
      %get3A_945 = arith.constant 0 : index
      %get3A_946 = tpu.vector_load %arg7[%get3A_944, %get3A_945] {strides = array<i32>} : memref<5120x16xf32, #tpu.memory_space<vmem>>, vector<1x16xf32>,
      %get3A_947 = vector.shape_cast %get3A_946 : vector<1x16xf32> to vector<16xf32>
      %add3A_948 = arith.addf %add3A_939, %get3A_947 : vector<16xf32>
      %mul3A_949 = arith.constant 20 : i32
      %mul3A_950 = arith.muli %scan3A_816, %mul3A_949 : i32
      %add3A_951 = arith.constant 15 : i32
      %add3A_952 = arith.addi %mul3A_950, %add3A_951 : i32
      %get3A_953 = arith.index_cast %add3A_952 : i32 to index
      %get3A_954 = arith.constant 0 : index
      %get3A_955 = tpu.vector_load %arg7[%get3A_953, %get3A_954] {strides = array<i32>} : memref<5120x16xf32, #tpu.memory_space<vmem>>, vector<1x16xf32>,
      %get3A_956 = vector.shape_cast %get3A_955 : vector<1x16xf32> to vector<16xf32>
      %add3A_957 = arith.addf %add3A_948, %get3A_956 : vector<16xf32>
      %mul3A_958 = arith.constant 20 : i32
      %mul3A_959 = arith.muli %scan3A_816, %mul3A_958 : i32
      %add3A_960 = arith.constant 16 : i32
      %add3A_961 = arith.addi %mul3A_959, %add3A_960 : i32
      %get3A_962 = arith.index_cast %add3A_961 : i32 to index
      %get3A_963 = arith.constant 0 : index
      %get3A_964 = tpu.vector_load %arg7[%get3A_962, %get3A_963] {strides = array<i32>} : memref<5120x16xf32, #tpu.memory_space<vmem>>, vector<1x16xf32>,
      %get3A_965 = vector.shape_cast %get3A_964 : vector<1x16xf32> to vector<16xf32>
      %add3A_966 = arith.addf %add3A_957, %get3A_965 : vector<16xf32>
      %mul3A_967 = arith.constant 20 : i32
      %mul3A_968 = arith.muli %scan3A_816, %mul3A_967 : i32
      %add3A_969 = arith.constant 17 : i32
      %add3A_970 = arith.addi %mul3A_968, %add3A_969 : i32
      %get3A_971 = arith.index_cast %add3A_970 : i32 to index
      %get3A_972 = arith.constant 0 : index
      %get3A_973 = tpu.vector_load %arg7[%get3A_971, %get3A_972] {strides = array<i32>} : memref<5120x16xf32, #tpu.memory_space<vmem>>, vector<1x16xf32>,
      %get3A_974 = vector.shape_cast %get3A_973 : vector<1x16xf32> to vector<16xf32>
      %add3A_975 = arith.addf %add3A_966, %get3A_974 : vector<16xf32>
      %mul3A_976 = arith.constant 20 : i32
      %mul3A_977 = arith.muli %scan3A_816, %mul3A_976 : i32
      %add3A_978 = arith.constant 18 : i32
      %add3A_979 = arith.addi %mul3A_977, %add3A_978 : i32
      %get3A_980 = arith.index_cast %add3A_979 : i32 to index
      %get3A_981 = arith.constant 0 : index
      %get3A_982 = tpu.vector_load %arg7[%get3A_980, %get3A_981] {strides = array<i32>} : memref<5120x16xf32, #tpu.memory_space<vmem>>, vector<1x16xf32>,
      %get3A_983 = vector.shape_cast %get3A_982 : vector<1x16xf32> to vector<16xf32>
      %add3A_984 = arith.addf %add3A_975, %get3A_983 : vector<16xf32>
      %mul3A_985 = arith.constant 20 : i32
      %mul3A_986 = arith.muli %scan3A_816, %mul3A_985 : i32
      %add3A_987 = arith.constant 19 : i32
      %add3A_988 = arith.addi %mul3A_986, %add3A_987 : i32
      %get3A_989 = arith.index_cast %add3A_988 : i32 to index
      %get3A_990 = arith.constant 0 : index
      %get3A_991 = tpu.vector_load %arg7[%get3A_989, %get3A_990] {strides = array<i32>} : memref<5120x16xf32, #tpu.memory_space<vmem>>, vector<1x16xf32>,
      %get3A_992 = vector.shape_cast %get3A_991 : vector<1x16xf32> to vector<16xf32>
      %add3A_993 = arith.addf %add3A_984, %get3A_992 : vector<16xf32>
      %swap3A = arith.index_cast %scan3A_816 : i32 to index
      %swap3A_994 = arith.constant 0 : index
      %swap3A_995 = tpu.vector_load %arg8[%swap3A, %swap3A_994] {strides = array<i32>} : memref<256x16xf32, #tpu.memory_space<vmem>>, vector<1x16xf32>,
      %swap3A_996 = vector.shape_cast %swap3A_995 : vector<1x16xf32> to vector<16xf32>
      %swap3A_997 = vector.shape_cast %add3A_993 : vector<16xf32> to vector<1x16xf32>
      tpu.vector_store %arg8[%swap3A, %swap3A_994], %swap3A_997 {strides = array<i32>} : memref<256x16xf32, #tpu.memory_space<vmem>>, vector<1x16xf32>,
      %scan3A_998 = arith.constant 0 : i32
      scf.yield %scan3A_998 : i32
    }
    %scan3A_813 = arith.constant 256 : i32
    %mul3A_814 = arith.constant 256 : i32
    %mul3A_815 = arith.muli %add3A, %mul3A_814 : i32
    "tpu.region"() ({
      %run_scoped3A = tpu.sem_alloc : memref<!tpu.dma_semaphore, #tpu.memory_space<semaphore_mem>>
      %dma_start3A_816 = arith.constant 0 : i32
      %dma_start3A_817 = tpu.memref_slice %arg4[%mul3A_815, %dma_start3A_816] : memref<8192x16xf32, #tpu.memory_space<hbm>> -> memref<256x16xf32, #tpu.memory_space<hbm>>
      %dma_start3A_818 = arith.constant 0 : i32
      %dma_start3A_819 = tpu.memref_slice %arg4[%mul3A_815, %dma_start3A_818] : memref<8192x16xf32, #tpu.memory_space<hbm>> -> memref<256x16xf32, #tpu.memory_space<hbm>>
      tpu.enqueue_dma source(%arg8 : memref<256x16xf32, #tpu.memory_space<vmem>>) target(%dma_start3A_819 : memref<256x16xf32, #tpu.memory_space<hbm>>) target_semaphore(%run_scoped3A : memref<!tpu.dma_semaphore, #tpu.memory_space<semaphore_mem>>)
      %dma_wait3A_820 = arith.constant 0 : i32
      %dma_wait3A_821 = tpu.memref_slice %arg4[%mul3A_815, %dma_wait3A_820] : memref<8192x16xf32, #tpu.memory_space<hbm>> -> memref<256x16xf32, #tpu.memory_space<hbm>>
      %dma_wait3A_822 = arith.constant 0 : i32
      %dma_wait3A_823 = tpu.memref_slice %arg4[%mul3A_815, %dma_wait3A_822] : memref<8192x16xf32, #tpu.memory_space<hbm>> -> memref<256x16xf32, #tpu.memory_space<hbm>>
      tpu.wait_dma2 semaphore(%run_scoped3A : memref<!tpu.dma_semaphore, #tpu.memory_space<semaphore_mem>>) src(%arg8 : memref<256x16xf32, #tpu.memory_space<vmem>>) dst(%dma_wait3A_823 : memref<256x16xf32, #tpu.memory_space<hbm>>)
      tpu.yield
    }) : () -> ()
    return
  }
}

#map = affine_map<(d0, d1) -> (0)>
#map1 = affine_map<(d0, d1) -> (0, 0)>
module attributes {stable_mosaic.version = 14 : i64} {
  func.func @_sc_base_body(%arg0: i32, %arg1: i32, %arg2: memref<4096xi32, #tpu.memory_space<hbm>>, %arg3: memref<64x1000000xf32, #tpu.memory_space<hbm>>, %arg4: memref<2048x128xf32, #tpu.memory_space<hbm>>, %arg5: memref<4096xi32, #tpu.memory_space<vmem>>, %arg6: memref<8x64x128xf32, #tpu.memory_space<vmem>>, %arg7: memref<64x128xf32, #tpu.memory_space<vmem>>, %arg8: memref<!tpu.dma_semaphore, #tpu.memory_space<semaphore_mem>>, %arg9: memref<!tpu.dma_semaphore, #tpu.memory_space<semaphore_mem>>) attributes {dimension_semantics = [#tpu.dimension_semantics<core_parallel>, #tpu.dimension_semantics<subcore_parallel>], iteration_bounds = array<i64: 2, 16>, scalar_prefetch = 0 : i64, scratch_operands = 5 : i64, tpu.core_type = #tpu.core_type<sc_vector_subcore>, window_params = [{transform_indices = #map}, {transform_indices = #map1}, {transform_indices = #map1}]} {
    %mul3A = arith.constant 2 : i32
    %mul3A_0 = arith.muli %arg1, %mul3A : i32
    %add3A = arith.addi %mul3A_0, %arg0 : i32
    "tpu.region"() ({
      %run_scoped3A = tpu.sem_alloc : memref<!tpu.dma_semaphore, #tpu.memory_space<semaphore_mem>>
      tpu.enqueue_dma source(%arg2 : memref<4096xi32, #tpu.memory_space<hbm>>) target(%arg5 : memref<4096xi32, #tpu.memory_space<vmem>>) target_semaphore(%run_scoped3A : memref<!tpu.dma_semaphore, #tpu.memory_space<semaphore_mem>>)
      tpu.wait_dma2 semaphore(%run_scoped3A : memref<!tpu.dma_semaphore, #tpu.memory_space<semaphore_mem>>) src(%arg2 : memref<4096xi32, #tpu.memory_space<hbm>>) dst(%arg5 : memref<4096xi32, #tpu.memory_space<vmem>>)
      tpu.yield
    }) : () -> ()
    %mul3A_1 = arith.constant 128 : i32
    %mul3A_2 = arith.muli %add3A, %mul3A_1 : i32
    %add3A_3 = arith.constant 0 : i32
    %add3A_4 = arith.addi %mul3A_2, %add3A_3 : i32
    %broadcast_in_dim3A = vector.broadcast %add3A_4 : i32 to vector<16xi32>
    %gather3A = tpu.vector_load_idx %arg5[%broadcast_in_dim3A] : memref<4096xi32, #tpu.memory_space<vmem>>[vector<16xi32>], vector<16xi32>,
    %reduce_max3A = arith.constant true
    %reduce_max3A_5 = vector.broadcast %reduce_max3A : i1 to vector<16xi1>
    %reduce_max3A_6 = arith.constant -2147483648 : i32
    %reduce_max3A_7 = vector.broadcast %reduce_max3A_6 : i32 to vector<16xi32>
    %reduce_max3A_8 = arith.xori %gather3A, %reduce_max3A_7 : vector<16xi32>
    %reduce_max3A_9 = tpu.scan <max>, %reduce_max3A_8 masked %reduce_max3A_5 : vector<16xi32>, vector<16xi1> -> vector<16xi32>
    %reduce_max3A_10 = arith.xori %reduce_max3A_9, %reduce_max3A_7 : vector<16xi32>
    %reduce_max3A_11 = vector.extract %reduce_max3A_10[15] : i32 from vector<16xi32>
    %shift_right_arithmetic3A = arith.constant 7 : i32
    %shift_right_arithmetic3A_12 = arith.shrsi %reduce_max3A_11, %shift_right_arithmetic3A : i32
    %and3A = arith.constant 127 : i32
    %and3A_13 = arith.andi %reduce_max3A_11, %and3A : i32
    %mul3A_14 = arith.constant 128 : i32
    %mul3A_15 = arith.muli %shift_right_arithmetic3A_12, %mul3A_14 : i32
    %dma_start3A = arith.constant 0 : i32
    %dma_start3A_16 = arith.constant 0 : i32
    %dma_start3A_17 = arith.constant 0 : i32
    %dma_start3A_18 = tpu.memref_slice %arg6[%dma_start3A, %dma_start3A_16, %dma_start3A_17] : memref<8x64x128xf32, #tpu.memory_space<vmem>> -> memref<1x64x128xf32, #tpu.memory_space<vmem>>
    %dma_start3A_19 = tpu.memref_squeeze %dma_start3A_18 : memref<1x64x128xf32, #tpu.memory_space<vmem>> -> memref<64x128xf32, #tpu.memory_space<vmem>>
    %dma_start3A_20 = arith.constant 0 : i32
    %dma_start3A_21 = tpu.memref_slice %arg3[%dma_start3A_20, %mul3A_15] : memref<64x1000000xf32, #tpu.memory_space<hbm>> -> memref<64x128xf32, #tpu.memory_space<hbm>>
    %dma_start3A_22 = arith.constant 0 : i32
    %dma_start3A_23 = arith.constant 0 : i32
    %dma_start3A_24 = tpu.memref_slice %arg6[%dma_start3A, %dma_start3A_22, %dma_start3A_23] : memref<8x64x128xf32, #tpu.memory_space<vmem>> -> memref<1x64x128xf32, #tpu.memory_space<vmem>>
    %dma_start3A_25 = tpu.memref_squeeze %dma_start3A_24 : memref<1x64x128xf32, #tpu.memory_space<vmem>> -> memref<64x128xf32, #tpu.memory_space<vmem>>
    %dma_start3A_26 = arith.constant 0 : i32
    %dma_start3A_27 = tpu.memref_slice %arg3[%dma_start3A_26, %mul3A_15] : memref<64x1000000xf32, #tpu.memory_space<hbm>> -> memref<64x128xf32, #tpu.memory_space<hbm>>
    tpu.enqueue_dma source(%dma_start3A_27 : memref<64x128xf32, #tpu.memory_space<hbm>>) target(%dma_start3A_25 : memref<64x128xf32, #tpu.memory_space<vmem>>) target_semaphore(%arg8 : memref<!tpu.dma_semaphore, #tpu.memory_space<semaphore_mem>>)
    %add3A_28 = arith.constant 1 : i32
    %add3A_29 = arith.addi %mul3A_2, %add3A_28 : i32
    %broadcast_in_dim3A_30 = vector.broadcast %add3A_29 : i32 to vector<16xi32>
    %gather3A_31 = tpu.vector_load_idx %arg5[%broadcast_in_dim3A_30] : memref<4096xi32, #tpu.memory_space<vmem>>[vector<16xi32>], vector<16xi32>,
    %reduce_max3A_32 = arith.constant true
    %reduce_max3A_33 = vector.broadcast %reduce_max3A_32 : i1 to vector<16xi1>
    %reduce_max3A_34 = arith.constant -2147483648 : i32
    %reduce_max3A_35 = vector.broadcast %reduce_max3A_34 : i32 to vector<16xi32>
    %reduce_max3A_36 = arith.xori %gather3A_31, %reduce_max3A_35 : vector<16xi32>
    %reduce_max3A_37 = tpu.scan <max>, %reduce_max3A_36 masked %reduce_max3A_33 : vector<16xi32>, vector<16xi1> -> vector<16xi32>
    %reduce_max3A_38 = arith.xori %reduce_max3A_37, %reduce_max3A_35 : vector<16xi32>
    %reduce_max3A_39 = vector.extract %reduce_max3A_38[15] : i32 from vector<16xi32>
    %shift_right_arithmetic3A_40 = arith.constant 7 : i32
    %shift_right_arithmetic3A_41 = arith.shrsi %reduce_max3A_39, %shift_right_arithmetic3A_40 : i32
    %and3A_42 = arith.constant 127 : i32
    %and3A_43 = arith.andi %reduce_max3A_39, %and3A_42 : i32
    %mul3A_44 = arith.constant 128 : i32
    %mul3A_45 = arith.muli %shift_right_arithmetic3A_41, %mul3A_44 : i32
    %dma_start3A_46 = arith.constant 1 : i32
    %dma_start3A_47 = arith.constant 0 : i32
    %dma_start3A_48 = arith.constant 0 : i32
    %dma_start3A_49 = tpu.memref_slice %arg6[%dma_start3A_46, %dma_start3A_47, %dma_start3A_48] : memref<8x64x128xf32, #tpu.memory_space<vmem>> -> memref<1x64x128xf32, #tpu.memory_space<vmem>>
    %dma_start3A_50 = tpu.memref_squeeze %dma_start3A_49 : memref<1x64x128xf32, #tpu.memory_space<vmem>> -> memref<64x128xf32, #tpu.memory_space<vmem>>
    %dma_start3A_51 = arith.constant 0 : i32
    %dma_start3A_52 = tpu.memref_slice %arg3[%dma_start3A_51, %mul3A_45] : memref<64x1000000xf32, #tpu.memory_space<hbm>> -> memref<64x128xf32, #tpu.memory_space<hbm>>
    %dma_start3A_53 = arith.constant 0 : i32
    %dma_start3A_54 = arith.constant 0 : i32
    %dma_start3A_55 = tpu.memref_slice %arg6[%dma_start3A_46, %dma_start3A_53, %dma_start3A_54] : memref<8x64x128xf32, #tpu.memory_space<vmem>> -> memref<1x64x128xf32, #tpu.memory_space<vmem>>
    %dma_start3A_56 = tpu.memref_squeeze %dma_start3A_55 : memref<1x64x128xf32, #tpu.memory_space<vmem>> -> memref<64x128xf32, #tpu.memory_space<vmem>>
    %dma_start3A_57 = arith.constant 0 : i32
    %dma_start3A_58 = tpu.memref_slice %arg3[%dma_start3A_57, %mul3A_45] : memref<64x1000000xf32, #tpu.memory_space<hbm>> -> memref<64x128xf32, #tpu.memory_space<hbm>>
    tpu.enqueue_dma source(%dma_start3A_58 : memref<64x128xf32, #tpu.memory_space<hbm>>) target(%dma_start3A_56 : memref<64x128xf32, #tpu.memory_space<vmem>>) target_semaphore(%arg8 : memref<!tpu.dma_semaphore, #tpu.memory_space<semaphore_mem>>)
    %add3A_59 = arith.constant 2 : i32
    %add3A_60 = arith.addi %mul3A_2, %add3A_59 : i32
    %broadcast_in_dim3A_61 = vector.broadcast %add3A_60 : i32 to vector<16xi32>
    %gather3A_62 = tpu.vector_load_idx %arg5[%broadcast_in_dim3A_61] : memref<4096xi32, #tpu.memory_space<vmem>>[vector<16xi32>], vector<16xi32>,
    %reduce_max3A_63 = arith.constant true
    %reduce_max3A_64 = vector.broadcast %reduce_max3A_63 : i1 to vector<16xi1>
    %reduce_max3A_65 = arith.constant -2147483648 : i32
    %reduce_max3A_66 = vector.broadcast %reduce_max3A_65 : i32 to vector<16xi32>
    %reduce_max3A_67 = arith.xori %gather3A_62, %reduce_max3A_66 : vector<16xi32>
    %reduce_max3A_68 = tpu.scan <max>, %reduce_max3A_67 masked %reduce_max3A_64 : vector<16xi32>, vector<16xi1> -> vector<16xi32>
    %reduce_max3A_69 = arith.xori %reduce_max3A_68, %reduce_max3A_66 : vector<16xi32>
    %reduce_max3A_70 = vector.extract %reduce_max3A_69[15] : i32 from vector<16xi32>
    %shift_right_arithmetic3A_71 = arith.constant 7 : i32
    %shift_right_arithmetic3A_72 = arith.shrsi %reduce_max3A_70, %shift_right_arithmetic3A_71 : i32
    %and3A_73 = arith.constant 127 : i32
    %and3A_74 = arith.andi %reduce_max3A_70, %and3A_73 : i32
    %mul3A_75 = arith.constant 128 : i32
    %mul3A_76 = arith.muli %shift_right_arithmetic3A_72, %mul3A_75 : i32
    %dma_start3A_77 = arith.constant 2 : i32
    %dma_start3A_78 = arith.constant 0 : i32
    %dma_start3A_79 = arith.constant 0 : i32
    %dma_start3A_80 = tpu.memref_slice %arg6[%dma_start3A_77, %dma_start3A_78, %dma_start3A_79] : memref<8x64x128xf32, #tpu.memory_space<vmem>> -> memref<1x64x128xf32, #tpu.memory_space<vmem>>
    %dma_start3A_81 = tpu.memref_squeeze %dma_start3A_80 : memref<1x64x128xf32, #tpu.memory_space<vmem>> -> memref<64x128xf32, #tpu.memory_space<vmem>>
    %dma_start3A_82 = arith.constant 0 : i32
    %dma_start3A_83 = tpu.memref_slice %arg3[%dma_start3A_82, %mul3A_76] : memref<64x1000000xf32, #tpu.memory_space<hbm>> -> memref<64x128xf32, #tpu.memory_space<hbm>>
    %dma_start3A_84 = arith.constant 0 : i32
    %dma_start3A_85 = arith.constant 0 : i32
    %dma_start3A_86 = tpu.memref_slice %arg6[%dma_start3A_77, %dma_start3A_84, %dma_start3A_85] : memref<8x64x128xf32, #tpu.memory_space<vmem>> -> memref<1x64x128xf32, #tpu.memory_space<vmem>>
    %dma_start3A_87 = tpu.memref_squeeze %dma_start3A_86 : memref<1x64x128xf32, #tpu.memory_space<vmem>> -> memref<64x128xf32, #tpu.memory_space<vmem>>
    %dma_start3A_88 = arith.constant 0 : i32
    %dma_start3A_89 = tpu.memref_slice %arg3[%dma_start3A_88, %mul3A_76] : memref<64x1000000xf32, #tpu.memory_space<hbm>> -> memref<64x128xf32, #tpu.memory_space<hbm>>
    tpu.enqueue_dma source(%dma_start3A_89 : memref<64x128xf32, #tpu.memory_space<hbm>>) target(%dma_start3A_87 : memref<64x128xf32, #tpu.memory_space<vmem>>) target_semaphore(%arg8 : memref<!tpu.dma_semaphore, #tpu.memory_space<semaphore_mem>>)
    %add3A_90 = arith.constant 3 : i32
    %add3A_91 = arith.addi %mul3A_2, %add3A_90 : i32
    %broadcast_in_dim3A_92 = vector.broadcast %add3A_91 : i32 to vector<16xi32>
    %gather3A_93 = tpu.vector_load_idx %arg5[%broadcast_in_dim3A_92] : memref<4096xi32, #tpu.memory_space<vmem>>[vector<16xi32>], vector<16xi32>,
    %reduce_max3A_94 = arith.constant true
    %reduce_max3A_95 = vector.broadcast %reduce_max3A_94 : i1 to vector<16xi1>
    %reduce_max3A_96 = arith.constant -2147483648 : i32
    %reduce_max3A_97 = vector.broadcast %reduce_max3A_96 : i32 to vector<16xi32>
    %reduce_max3A_98 = arith.xori %gather3A_93, %reduce_max3A_97 : vector<16xi32>
    %reduce_max3A_99 = tpu.scan <max>, %reduce_max3A_98 masked %reduce_max3A_95 : vector<16xi32>, vector<16xi1> -> vector<16xi32>
    %reduce_max3A_100 = arith.xori %reduce_max3A_99, %reduce_max3A_97 : vector<16xi32>
    %reduce_max3A_101 = vector.extract %reduce_max3A_100[15] : i32 from vector<16xi32>
    %shift_right_arithmetic3A_102 = arith.constant 7 : i32
    %shift_right_arithmetic3A_103 = arith.shrsi %reduce_max3A_101, %shift_right_arithmetic3A_102 : i32
    %and3A_104 = arith.constant 127 : i32
    %and3A_105 = arith.andi %reduce_max3A_101, %and3A_104 : i32
    %mul3A_106 = arith.constant 128 : i32
    %mul3A_107 = arith.muli %shift_right_arithmetic3A_103, %mul3A_106 : i32
    %dma_start3A_108 = arith.constant 3 : i32
    %dma_start3A_109 = arith.constant 0 : i32
    %dma_start3A_110 = arith.constant 0 : i32
    %dma_start3A_111 = tpu.memref_slice %arg6[%dma_start3A_108, %dma_start3A_109, %dma_start3A_110] : memref<8x64x128xf32, #tpu.memory_space<vmem>> -> memref<1x64x128xf32, #tpu.memory_space<vmem>>
    %dma_start3A_112 = tpu.memref_squeeze %dma_start3A_111 : memref<1x64x128xf32, #tpu.memory_space<vmem>> -> memref<64x128xf32, #tpu.memory_space<vmem>>
    %dma_start3A_113 = arith.constant 0 : i32
    %dma_start3A_114 = tpu.memref_slice %arg3[%dma_start3A_113, %mul3A_107] : memref<64x1000000xf32, #tpu.memory_space<hbm>> -> memref<64x128xf32, #tpu.memory_space<hbm>>
    %dma_start3A_115 = arith.constant 0 : i32
    %dma_start3A_116 = arith.constant 0 : i32
    %dma_start3A_117 = tpu.memref_slice %arg6[%dma_start3A_108, %dma_start3A_115, %dma_start3A_116] : memref<8x64x128xf32, #tpu.memory_space<vmem>> -> memref<1x64x128xf32, #tpu.memory_space<vmem>>
    %dma_start3A_118 = tpu.memref_squeeze %dma_start3A_117 : memref<1x64x128xf32, #tpu.memory_space<vmem>> -> memref<64x128xf32, #tpu.memory_space<vmem>>
    %dma_start3A_119 = arith.constant 0 : i32
    %dma_start3A_120 = tpu.memref_slice %arg3[%dma_start3A_119, %mul3A_107] : memref<64x1000000xf32, #tpu.memory_space<hbm>> -> memref<64x128xf32, #tpu.memory_space<hbm>>
    tpu.enqueue_dma source(%dma_start3A_120 : memref<64x128xf32, #tpu.memory_space<hbm>>) target(%dma_start3A_118 : memref<64x128xf32, #tpu.memory_space<vmem>>) target_semaphore(%arg8 : memref<!tpu.dma_semaphore, #tpu.memory_space<semaphore_mem>>)
    %add3A_121 = arith.constant 4 : i32
    %add3A_122 = arith.addi %mul3A_2, %add3A_121 : i32
    %broadcast_in_dim3A_123 = vector.broadcast %add3A_122 : i32 to vector<16xi32>
    %gather3A_124 = tpu.vector_load_idx %arg5[%broadcast_in_dim3A_123] : memref<4096xi32, #tpu.memory_space<vmem>>[vector<16xi32>], vector<16xi32>,
    %reduce_max3A_125 = arith.constant true
    %reduce_max3A_126 = vector.broadcast %reduce_max3A_125 : i1 to vector<16xi1>
    %reduce_max3A_127 = arith.constant -2147483648 : i32
    %reduce_max3A_128 = vector.broadcast %reduce_max3A_127 : i32 to vector<16xi32>
    %reduce_max3A_129 = arith.xori %gather3A_124, %reduce_max3A_128 : vector<16xi32>
    %reduce_max3A_130 = tpu.scan <max>, %reduce_max3A_129 masked %reduce_max3A_126 : vector<16xi32>, vector<16xi1> -> vector<16xi32>
    %reduce_max3A_131 = arith.xori %reduce_max3A_130, %reduce_max3A_128 : vector<16xi32>
    %reduce_max3A_132 = vector.extract %reduce_max3A_131[15] : i32 from vector<16xi32>
    %shift_right_arithmetic3A_133 = arith.constant 7 : i32
    %shift_right_arithmetic3A_134 = arith.shrsi %reduce_max3A_132, %shift_right_arithmetic3A_133 : i32
    %and3A_135 = arith.constant 127 : i32
    %and3A_136 = arith.andi %reduce_max3A_132, %and3A_135 : i32
    %mul3A_137 = arith.constant 128 : i32
    %mul3A_138 = arith.muli %shift_right_arithmetic3A_134, %mul3A_137 : i32
    %dma_start3A_139 = arith.constant 4 : i32
    %dma_start3A_140 = arith.constant 0 : i32
    %dma_start3A_141 = arith.constant 0 : i32
    %dma_start3A_142 = tpu.memref_slice %arg6[%dma_start3A_139, %dma_start3A_140, %dma_start3A_141] : memref<8x64x128xf32, #tpu.memory_space<vmem>> -> memref<1x64x128xf32, #tpu.memory_space<vmem>>
    %dma_start3A_143 = tpu.memref_squeeze %dma_start3A_142 : memref<1x64x128xf32, #tpu.memory_space<vmem>> -> memref<64x128xf32, #tpu.memory_space<vmem>>
    %dma_start3A_144 = arith.constant 0 : i32
    %dma_start3A_145 = tpu.memref_slice %arg3[%dma_start3A_144, %mul3A_138] : memref<64x1000000xf32, #tpu.memory_space<hbm>> -> memref<64x128xf32, #tpu.memory_space<hbm>>
    %dma_start3A_146 = arith.constant 0 : i32
    %dma_start3A_147 = arith.constant 0 : i32
    %dma_start3A_148 = tpu.memref_slice %arg6[%dma_start3A_139, %dma_start3A_146, %dma_start3A_147] : memref<8x64x128xf32, #tpu.memory_space<vmem>> -> memref<1x64x128xf32, #tpu.memory_space<vmem>>
    %dma_start3A_149 = tpu.memref_squeeze %dma_start3A_148 : memref<1x64x128xf32, #tpu.memory_space<vmem>> -> memref<64x128xf32, #tpu.memory_space<vmem>>
    %dma_start3A_150 = arith.constant 0 : i32
    %dma_start3A_151 = tpu.memref_slice %arg3[%dma_start3A_150, %mul3A_138] : memref<64x1000000xf32, #tpu.memory_space<hbm>> -> memref<64x128xf32, #tpu.memory_space<hbm>>
    tpu.enqueue_dma source(%dma_start3A_151 : memref<64x128xf32, #tpu.memory_space<hbm>>) target(%dma_start3A_149 : memref<64x128xf32, #tpu.memory_space<vmem>>) target_semaphore(%arg9 : memref<!tpu.dma_semaphore, #tpu.memory_space<semaphore_mem>>)
    %add3A_152 = arith.constant 5 : i32
    %add3A_153 = arith.addi %mul3A_2, %add3A_152 : i32
    %broadcast_in_dim3A_154 = vector.broadcast %add3A_153 : i32 to vector<16xi32>
    %gather3A_155 = tpu.vector_load_idx %arg5[%broadcast_in_dim3A_154] : memref<4096xi32, #tpu.memory_space<vmem>>[vector<16xi32>], vector<16xi32>,
    %reduce_max3A_156 = arith.constant true
    %reduce_max3A_157 = vector.broadcast %reduce_max3A_156 : i1 to vector<16xi1>
    %reduce_max3A_158 = arith.constant -2147483648 : i32
    %reduce_max3A_159 = vector.broadcast %reduce_max3A_158 : i32 to vector<16xi32>
    %reduce_max3A_160 = arith.xori %gather3A_155, %reduce_max3A_159 : vector<16xi32>
    %reduce_max3A_161 = tpu.scan <max>, %reduce_max3A_160 masked %reduce_max3A_157 : vector<16xi32>, vector<16xi1> -> vector<16xi32>
    %reduce_max3A_162 = arith.xori %reduce_max3A_161, %reduce_max3A_159 : vector<16xi32>
    %reduce_max3A_163 = vector.extract %reduce_max3A_162[15] : i32 from vector<16xi32>
    %shift_right_arithmetic3A_164 = arith.constant 7 : i32
    %shift_right_arithmetic3A_165 = arith.shrsi %reduce_max3A_163, %shift_right_arithmetic3A_164 : i32
    %and3A_166 = arith.constant 127 : i32
    %and3A_167 = arith.andi %reduce_max3A_163, %and3A_166 : i32
    %mul3A_168 = arith.constant 128 : i32
    %mul3A_169 = arith.muli %shift_right_arithmetic3A_165, %mul3A_168 : i32
    %dma_start3A_170 = arith.constant 5 : i32
    %dma_start3A_171 = arith.constant 0 : i32
    %dma_start3A_172 = arith.constant 0 : i32
    %dma_start3A_173 = tpu.memref_slice %arg6[%dma_start3A_170, %dma_start3A_171, %dma_start3A_172] : memref<8x64x128xf32, #tpu.memory_space<vmem>> -> memref<1x64x128xf32, #tpu.memory_space<vmem>>
    %dma_start3A_174 = tpu.memref_squeeze %dma_start3A_173 : memref<1x64x128xf32, #tpu.memory_space<vmem>> -> memref<64x128xf32, #tpu.memory_space<vmem>>
    %dma_start3A_175 = arith.constant 0 : i32
    %dma_start3A_176 = tpu.memref_slice %arg3[%dma_start3A_175, %mul3A_169] : memref<64x1000000xf32, #tpu.memory_space<hbm>> -> memref<64x128xf32, #tpu.memory_space<hbm>>
    %dma_start3A_177 = arith.constant 0 : i32
    %dma_start3A_178 = arith.constant 0 : i32
    %dma_start3A_179 = tpu.memref_slice %arg6[%dma_start3A_170, %dma_start3A_177, %dma_start3A_178] : memref<8x64x128xf32, #tpu.memory_space<vmem>> -> memref<1x64x128xf32, #tpu.memory_space<vmem>>
    %dma_start3A_180 = tpu.memref_squeeze %dma_start3A_179 : memref<1x64x128xf32, #tpu.memory_space<vmem>> -> memref<64x128xf32, #tpu.memory_space<vmem>>
    %dma_start3A_181 = arith.constant 0 : i32
    %dma_start3A_182 = tpu.memref_slice %arg3[%dma_start3A_181, %mul3A_169] : memref<64x1000000xf32, #tpu.memory_space<hbm>> -> memref<64x128xf32, #tpu.memory_space<hbm>>
    tpu.enqueue_dma source(%dma_start3A_182 : memref<64x128xf32, #tpu.memory_space<hbm>>) target(%dma_start3A_180 : memref<64x128xf32, #tpu.memory_space<vmem>>) target_semaphore(%arg9 : memref<!tpu.dma_semaphore, #tpu.memory_space<semaphore_mem>>)
    %add3A_183 = arith.constant 6 : i32
    %add3A_184 = arith.addi %mul3A_2, %add3A_183 : i32
    %broadcast_in_dim3A_185 = vector.broadcast %add3A_184 : i32 to vector<16xi32>
    %gather3A_186 = tpu.vector_load_idx %arg5[%broadcast_in_dim3A_185] : memref<4096xi32, #tpu.memory_space<vmem>>[vector<16xi32>], vector<16xi32>,
    %reduce_max3A_187 = arith.constant true
    %reduce_max3A_188 = vector.broadcast %reduce_max3A_187 : i1 to vector<16xi1>
    %reduce_max3A_189 = arith.constant -2147483648 : i32
    %reduce_max3A_190 = vector.broadcast %reduce_max3A_189 : i32 to vector<16xi32>
    %reduce_max3A_191 = arith.xori %gather3A_186, %reduce_max3A_190 : vector<16xi32>
    %reduce_max3A_192 = tpu.scan <max>, %reduce_max3A_191 masked %reduce_max3A_188 : vector<16xi32>, vector<16xi1> -> vector<16xi32>
    %reduce_max3A_193 = arith.xori %reduce_max3A_192, %reduce_max3A_190 : vector<16xi32>
    %reduce_max3A_194 = vector.extract %reduce_max3A_193[15] : i32 from vector<16xi32>
    %shift_right_arithmetic3A_195 = arith.constant 7 : i32
    %shift_right_arithmetic3A_196 = arith.shrsi %reduce_max3A_194, %shift_right_arithmetic3A_195 : i32
    %and3A_197 = arith.constant 127 : i32
    %and3A_198 = arith.andi %reduce_max3A_194, %and3A_197 : i32
    %mul3A_199 = arith.constant 128 : i32
    %mul3A_200 = arith.muli %shift_right_arithmetic3A_196, %mul3A_199 : i32
    %dma_start3A_201 = arith.constant 6 : i32
    %dma_start3A_202 = arith.constant 0 : i32
    %dma_start3A_203 = arith.constant 0 : i32
    %dma_start3A_204 = tpu.memref_slice %arg6[%dma_start3A_201, %dma_start3A_202, %dma_start3A_203] : memref<8x64x128xf32, #tpu.memory_space<vmem>> -> memref<1x64x128xf32, #tpu.memory_space<vmem>>
    %dma_start3A_205 = tpu.memref_squeeze %dma_start3A_204 : memref<1x64x128xf32, #tpu.memory_space<vmem>> -> memref<64x128xf32, #tpu.memory_space<vmem>>
    %dma_start3A_206 = arith.constant 0 : i32
    %dma_start3A_207 = tpu.memref_slice %arg3[%dma_start3A_206, %mul3A_200] : memref<64x1000000xf32, #tpu.memory_space<hbm>> -> memref<64x128xf32, #tpu.memory_space<hbm>>
    %dma_start3A_208 = arith.constant 0 : i32
    %dma_start3A_209 = arith.constant 0 : i32
    %dma_start3A_210 = tpu.memref_slice %arg6[%dma_start3A_201, %dma_start3A_208, %dma_start3A_209] : memref<8x64x128xf32, #tpu.memory_space<vmem>> -> memref<1x64x128xf32, #tpu.memory_space<vmem>>
    %dma_start3A_211 = tpu.memref_squeeze %dma_start3A_210 : memref<1x64x128xf32, #tpu.memory_space<vmem>> -> memref<64x128xf32, #tpu.memory_space<vmem>>
    %dma_start3A_212 = arith.constant 0 : i32
    %dma_start3A_213 = tpu.memref_slice %arg3[%dma_start3A_212, %mul3A_200] : memref<64x1000000xf32, #tpu.memory_space<hbm>> -> memref<64x128xf32, #tpu.memory_space<hbm>>
    tpu.enqueue_dma source(%dma_start3A_213 : memref<64x128xf32, #tpu.memory_space<hbm>>) target(%dma_start3A_211 : memref<64x128xf32, #tpu.memory_space<vmem>>) target_semaphore(%arg9 : memref<!tpu.dma_semaphore, #tpu.memory_space<semaphore_mem>>)
    %add3A_214 = arith.constant 7 : i32
    %add3A_215 = arith.addi %mul3A_2, %add3A_214 : i32
    %broadcast_in_dim3A_216 = vector.broadcast %add3A_215 : i32 to vector<16xi32>
    %gather3A_217 = tpu.vector_load_idx %arg5[%broadcast_in_dim3A_216] : memref<4096xi32, #tpu.memory_space<vmem>>[vector<16xi32>], vector<16xi32>,
    %reduce_max3A_218 = arith.constant true
    %reduce_max3A_219 = vector.broadcast %reduce_max3A_218 : i1 to vector<16xi1>
    %reduce_max3A_220 = arith.constant -2147483648 : i32
    %reduce_max3A_221 = vector.broadcast %reduce_max3A_220 : i32 to vector<16xi32>
    %reduce_max3A_222 = arith.xori %gather3A_217, %reduce_max3A_221 : vector<16xi32>
    %reduce_max3A_223 = tpu.scan <max>, %reduce_max3A_222 masked %reduce_max3A_219 : vector<16xi32>, vector<16xi1> -> vector<16xi32>
    %reduce_max3A_224 = arith.xori %reduce_max3A_223, %reduce_max3A_221 : vector<16xi32>
    %reduce_max3A_225 = vector.extract %reduce_max3A_224[15] : i32 from vector<16xi32>
    %shift_right_arithmetic3A_226 = arith.constant 7 : i32
    %shift_right_arithmetic3A_227 = arith.shrsi %reduce_max3A_225, %shift_right_arithmetic3A_226 : i32
    %and3A_228 = arith.constant 127 : i32
    %and3A_229 = arith.andi %reduce_max3A_225, %and3A_228 : i32
    %mul3A_230 = arith.constant 128 : i32
    %mul3A_231 = arith.muli %shift_right_arithmetic3A_227, %mul3A_230 : i32
    %dma_start3A_232 = arith.constant 7 : i32
    %dma_start3A_233 = arith.constant 0 : i32
    %dma_start3A_234 = arith.constant 0 : i32
    %dma_start3A_235 = tpu.memref_slice %arg6[%dma_start3A_232, %dma_start3A_233, %dma_start3A_234] : memref<8x64x128xf32, #tpu.memory_space<vmem>> -> memref<1x64x128xf32, #tpu.memory_space<vmem>>
    %dma_start3A_236 = tpu.memref_squeeze %dma_start3A_235 : memref<1x64x128xf32, #tpu.memory_space<vmem>> -> memref<64x128xf32, #tpu.memory_space<vmem>>
    %dma_start3A_237 = arith.constant 0 : i32
    %dma_start3A_238 = tpu.memref_slice %arg3[%dma_start3A_237, %mul3A_231] : memref<64x1000000xf32, #tpu.memory_space<hbm>> -> memref<64x128xf32, #tpu.memory_space<hbm>>
    %dma_start3A_239 = arith.constant 0 : i32
    %dma_start3A_240 = arith.constant 0 : i32
    %dma_start3A_241 = tpu.memref_slice %arg6[%dma_start3A_232, %dma_start3A_239, %dma_start3A_240] : memref<8x64x128xf32, #tpu.memory_space<vmem>> -> memref<1x64x128xf32, #tpu.memory_space<vmem>>
    %dma_start3A_242 = tpu.memref_squeeze %dma_start3A_241 : memref<1x64x128xf32, #tpu.memory_space<vmem>> -> memref<64x128xf32, #tpu.memory_space<vmem>>
    %dma_start3A_243 = arith.constant 0 : i32
    %dma_start3A_244 = tpu.memref_slice %arg3[%dma_start3A_243, %mul3A_231] : memref<64x1000000xf32, #tpu.memory_space<hbm>> -> memref<64x128xf32, #tpu.memory_space<hbm>>
    tpu.enqueue_dma source(%dma_start3A_244 : memref<64x128xf32, #tpu.memory_space<hbm>>) target(%dma_start3A_242 : memref<64x128xf32, #tpu.memory_space<vmem>>) target_semaphore(%arg9 : memref<!tpu.dma_semaphore, #tpu.memory_space<semaphore_mem>>)
    %scan3A = arith.constant 0 : i32
    %scan3A_245 = arith.constant 0 : i32
    %scan3A_246 = arith.constant 15 : i32
    %scan3A_247 = arith.addi %scan3A_245, %scan3A_246 : i32
    %scan3A_248 = arith.constant 1 : i32
    %scan3A_249 = scf.for %scan3A_930 = %scan3A_245 to %scan3A_247 step %scan3A_248 iter_args(%scan3A_931 = %scan3A) -> (i32)  : i32 {
      %mul3A_932 = arith.constant 2 : i32
      %mul3A_933 = arith.muli %scan3A_930, %mul3A_932 : i32
      %mul3A_934 = arith.constant 4 : i32
      %mul3A_935 = arith.muli %mul3A_933, %mul3A_934 : i32
      %dma_wait3A_936 = arith.constant 0 : i32
      %dma_wait3A_937 = arith.constant 0 : i32
      %dma_wait3A_938 = arith.constant 0 : i32
      %dma_wait3A_939 = tpu.memref_slice %arg6[%dma_wait3A_936, %dma_wait3A_937, %dma_wait3A_938] : memref<8x64x128xf32, #tpu.memory_space<vmem>> -> memref<1x64x128xf32, #tpu.memory_space<vmem>>
      %dma_wait3A_940 = tpu.memref_squeeze %dma_wait3A_939 : memref<1x64x128xf32, #tpu.memory_space<vmem>> -> memref<64x128xf32, #tpu.memory_space<vmem>>
      %dma_wait3A_941 = arith.constant 0 : i32
      %dma_wait3A_942 = arith.constant 0 : i32
      %dma_wait3A_943 = tpu.memref_slice %arg3[%dma_wait3A_941, %dma_wait3A_942] : memref<64x1000000xf32, #tpu.memory_space<hbm>> -> memref<64x128xf32, #tpu.memory_space<hbm>>
      %dma_wait3A_944 = arith.constant 0 : i32
      %dma_wait3A_945 = arith.constant 0 : i32
      %dma_wait3A_946 = tpu.memref_slice %arg6[%dma_wait3A_936, %dma_wait3A_944, %dma_wait3A_945] : memref<8x64x128xf32, #tpu.memory_space<vmem>> -> memref<1x64x128xf32, #tpu.memory_space<vmem>>
      %dma_wait3A_947 = tpu.memref_squeeze %dma_wait3A_946 : memref<1x64x128xf32, #tpu.memory_space<vmem>> -> memref<64x128xf32, #tpu.memory_space<vmem>>
      %dma_wait3A_948 = arith.constant 0 : i32
      %dma_wait3A_949 = arith.constant 0 : i32
      %dma_wait3A_950 = tpu.memref_slice %arg3[%dma_wait3A_948, %dma_wait3A_949] : memref<64x1000000xf32, #tpu.memory_space<hbm>> -> memref<64x128xf32, #tpu.memory_space<hbm>>
      tpu.wait_dma2 semaphore(%arg8 : memref<!tpu.dma_semaphore, #tpu.memory_space<semaphore_mem>>) src(%dma_wait3A_950 : memref<64x128xf32, #tpu.memory_space<hbm>>) dst(%dma_wait3A_947 : memref<64x128xf32, #tpu.memory_space<vmem>>)
      %dma_wait3A_951 = arith.constant 1 : i32
      %dma_wait3A_952 = arith.constant 0 : i32
      %dma_wait3A_953 = arith.constant 0 : i32
      %dma_wait3A_954 = tpu.memref_slice %arg6[%dma_wait3A_951, %dma_wait3A_952, %dma_wait3A_953] : memref<8x64x128xf32, #tpu.memory_space<vmem>> -> memref<1x64x128xf32, #tpu.memory_space<vmem>>
      %dma_wait3A_955 = tpu.memref_squeeze %dma_wait3A_954 : memref<1x64x128xf32, #tpu.memory_space<vmem>> -> memref<64x128xf32, #tpu.memory_space<vmem>>
      %dma_wait3A_956 = arith.constant 0 : i32
      %dma_wait3A_957 = arith.constant 0 : i32
      %dma_wait3A_958 = tpu.memref_slice %arg3[%dma_wait3A_956, %dma_wait3A_957] : memref<64x1000000xf32, #tpu.memory_space<hbm>> -> memref<64x128xf32, #tpu.memory_space<hbm>>
      %dma_wait3A_959 = arith.constant 0 : i32
      %dma_wait3A_960 = arith.constant 0 : i32
      %dma_wait3A_961 = tpu.memref_slice %arg6[%dma_wait3A_951, %dma_wait3A_959, %dma_wait3A_960] : memref<8x64x128xf32, #tpu.memory_space<vmem>> -> memref<1x64x128xf32, #tpu.memory_space<vmem>>
      %dma_wait3A_962 = tpu.memref_squeeze %dma_wait3A_961 : memref<1x64x128xf32, #tpu.memory_space<vmem>> -> memref<64x128xf32, #tpu.memory_space<vmem>>
      %dma_wait3A_963 = arith.constant 0 : i32
      %dma_wait3A_964 = arith.constant 0 : i32
      %dma_wait3A_965 = tpu.memref_slice %arg3[%dma_wait3A_963, %dma_wait3A_964] : memref<64x1000000xf32, #tpu.memory_space<hbm>> -> memref<64x128xf32, #tpu.memory_space<hbm>>
      tpu.wait_dma2 semaphore(%arg8 : memref<!tpu.dma_semaphore, #tpu.memory_space<semaphore_mem>>) src(%dma_wait3A_965 : memref<64x128xf32, #tpu.memory_space<hbm>>) dst(%dma_wait3A_962 : memref<64x128xf32, #tpu.memory_space<vmem>>)
      %dma_wait3A_966 = arith.constant 2 : i32
      %dma_wait3A_967 = arith.constant 0 : i32
      %dma_wait3A_968 = arith.constant 0 : i32
      %dma_wait3A_969 = tpu.memref_slice %arg6[%dma_wait3A_966, %dma_wait3A_967, %dma_wait3A_968] : memref<8x64x128xf32, #tpu.memory_space<vmem>> -> memref<1x64x128xf32, #tpu.memory_space<vmem>>
      %dma_wait3A_970 = tpu.memref_squeeze %dma_wait3A_969 : memref<1x64x128xf32, #tpu.memory_space<vmem>> -> memref<64x128xf32, #tpu.memory_space<vmem>>
      %dma_wait3A_971 = arith.constant 0 : i32
      %dma_wait3A_972 = arith.constant 0 : i32
      %dma_wait3A_973 = tpu.memref_slice %arg3[%dma_wait3A_971, %dma_wait3A_972] : memref<64x1000000xf32, #tpu.memory_space<hbm>> -> memref<64x128xf32, #tpu.memory_space<hbm>>
      %dma_wait3A_974 = arith.constant 0 : i32
      %dma_wait3A_975 = arith.constant 0 : i32
      %dma_wait3A_976 = tpu.memref_slice %arg6[%dma_wait3A_966, %dma_wait3A_974, %dma_wait3A_975] : memref<8x64x128xf32, #tpu.memory_space<vmem>> -> memref<1x64x128xf32, #tpu.memory_space<vmem>>
      %dma_wait3A_977 = tpu.memref_squeeze %dma_wait3A_976 : memref<1x64x128xf32, #tpu.memory_space<vmem>> -> memref<64x128xf32, #tpu.memory_space<vmem>>
      %dma_wait3A_978 = arith.constant 0 : i32
      %dma_wait3A_979 = arith.constant 0 : i32
      %dma_wait3A_980 = tpu.memref_slice %arg3[%dma_wait3A_978, %dma_wait3A_979] : memref<64x1000000xf32, #tpu.memory_space<hbm>> -> memref<64x128xf32, #tpu.memory_space<hbm>>
      tpu.wait_dma2 semaphore(%arg8 : memref<!tpu.dma_semaphore, #tpu.memory_space<semaphore_mem>>) src(%dma_wait3A_980 : memref<64x128xf32, #tpu.memory_space<hbm>>) dst(%dma_wait3A_977 : memref<64x128xf32, #tpu.memory_space<vmem>>)
      %dma_wait3A_981 = arith.constant 3 : i32
      %dma_wait3A_982 = arith.constant 0 : i32
      %dma_wait3A_983 = arith.constant 0 : i32
      %dma_wait3A_984 = tpu.memref_slice %arg6[%dma_wait3A_981, %dma_wait3A_982, %dma_wait3A_983] : memref<8x64x128xf32, #tpu.memory_space<vmem>> -> memref<1x64x128xf32, #tpu.memory_space<vmem>>
      %dma_wait3A_985 = tpu.memref_squeeze %dma_wait3A_984 : memref<1x64x128xf32, #tpu.memory_space<vmem>> -> memref<64x128xf32, #tpu.memory_space<vmem>>
      %dma_wait3A_986 = arith.constant 0 : i32
      %dma_wait3A_987 = arith.constant 0 : i32
      %dma_wait3A_988 = tpu.memref_slice %arg3[%dma_wait3A_986, %dma_wait3A_987] : memref<64x1000000xf32, #tpu.memory_space<hbm>> -> memref<64x128xf32, #tpu.memory_space<hbm>>
      %dma_wait3A_989 = arith.constant 0 : i32
      %dma_wait3A_990 = arith.constant 0 : i32
      %dma_wait3A_991 = tpu.memref_slice %arg6[%dma_wait3A_981, %dma_wait3A_989, %dma_wait3A_990] : memref<8x64x128xf32, #tpu.memory_space<vmem>> -> memref<1x64x128xf32, #tpu.memory_space<vmem>>
      %dma_wait3A_992 = tpu.memref_squeeze %dma_wait3A_991 : memref<1x64x128xf32, #tpu.memory_space<vmem>> -> memref<64x128xf32, #tpu.memory_space<vmem>>
      %dma_wait3A_993 = arith.constant 0 : i32
      %dma_wait3A_994 = arith.constant 0 : i32
      %dma_wait3A_995 = tpu.memref_slice %arg3[%dma_wait3A_993, %dma_wait3A_994] : memref<64x1000000xf32, #tpu.memory_space<hbm>> -> memref<64x128xf32, #tpu.memory_space<hbm>>
      tpu.wait_dma2 semaphore(%arg8 : memref<!tpu.dma_semaphore, #tpu.memory_space<semaphore_mem>>) src(%dma_wait3A_995 : memref<64x128xf32, #tpu.memory_space<hbm>>) dst(%dma_wait3A_992 : memref<64x128xf32, #tpu.memory_space<vmem>>)
      %add3A_996 = arith.constant 0 : i32
      %add3A_997 = arith.addi %mul3A_935, %add3A_996 : i32
      %add3A_998 = arith.addi %mul3A_2, %add3A_997 : i32
      %broadcast_in_dim3A_999 = vector.broadcast %add3A_998 : i32 to vector<16xi32>
      %gather3A_1000 = tpu.vector_load_idx %arg5[%broadcast_in_dim3A_999] : memref<4096xi32, #tpu.memory_space<vmem>>[vector<16xi32>], vector<16xi32>,
      %reduce_max3A_1001 = arith.constant true
      %reduce_max3A_1002 = vector.broadcast %reduce_max3A_1001 : i1 to vector<16xi1>
      %reduce_max3A_1003 = arith.constant -2147483648 : i32
      %reduce_max3A_1004 = vector.broadcast %reduce_max3A_1003 : i32 to vector<16xi32>
      %reduce_max3A_1005 = arith.xori %gather3A_1000, %reduce_max3A_1004 : vector<16xi32>
      %reduce_max3A_1006 = tpu.scan <max>, %reduce_max3A_1005 masked %reduce_max3A_1002 : vector<16xi32>, vector<16xi1> -> vector<16xi32>
      %reduce_max3A_1007 = arith.xori %reduce_max3A_1006, %reduce_max3A_1004 : vector<16xi32>
      %reduce_max3A_1008 = vector.extract %reduce_max3A_1007[15] : i32 from vector<16xi32>
      %shift_right_arithmetic3A_1009 = arith.constant 7 : i32
      %shift_right_arithmetic3A_1010 = arith.shrsi %reduce_max3A_1008, %shift_right_arithmetic3A_1009 : i32
      %and3A_1011 = arith.constant 127 : i32
      %and3A_1012 = arith.andi %reduce_max3A_1008, %and3A_1011 : i32
      %iota3A_1013 = tpu.iota {dimensions = array<i32: 0>} : vector<16xi32>
      %broadcast_in_dim3A_1014 = vector.broadcast %and3A_1012 : i32 to vector<16xi32>
      %add3A_1015 = arith.constant 0 : i32
      %add3A_1016 = vector.broadcast %add3A_1015 : i32 to vector<16xi32>
      %add3A_1017 = arith.addi %iota3A_1013, %add3A_1016 : vector<16xi32>
      %gather3A_1018 = arith.constant 0 : i32
      %gather3A_1019 = arith.constant 0 : i32
      %gather3A_1020 = arith.constant 0 : i32
      %gather3A_1021 = tpu.memref_slice %arg6[%gather3A_1018, %gather3A_1019, %gather3A_1020] : memref<8x64x128xf32, #tpu.memory_space<vmem>> -> memref<1x64x128xf32, #tpu.memory_space<vmem>>
      %gather3A_1022 = tpu.memref_squeeze %gather3A_1021 : memref<1x64x128xf32, #tpu.memory_space<vmem>> -> memref<64x128xf32, #tpu.memory_space<vmem>>
      %gather3A_1023 = tpu.vector_load_idx %gather3A_1022[%add3A_1017, %broadcast_in_dim3A_1014] : memref<64x128xf32, #tpu.memory_space<vmem>>[vector<16xi32>, vector<16xi32>], vector<16xf32>,
      %shift_right_arithmetic3A_1024 = arith.constant 1 : i32
      %shift_right_arithmetic3A_1025 = arith.shrsi %add3A_997, %shift_right_arithmetic3A_1024 : i32
      %and3A_1026 = arith.constant 1 : i32
      %and3A_1027 = arith.andi %add3A_997, %and3A_1026 : i32
      %mul3A_1028 = arith.constant 64 : i32
      %mul3A_1029 = arith.muli %and3A_1027, %mul3A_1028 : i32
      %add3A_1030 = arith.constant 0 : i32
      %add3A_1031 = arith.addi %mul3A_1029, %add3A_1030 : i32
      %swap3A_1032 = arith.index_cast %shift_right_arithmetic3A_1025 : i32 to index
      %swap3A_1033 = arith.index_cast %add3A_1031 : i32 to index
      %swap3A_1034 = tpu.vector_load %arg7[%swap3A_1032, %swap3A_1033] {strides = array<i32>} : memref<64x128xf32, #tpu.memory_space<vmem>>, vector<16xf32>,
      tpu.vector_store %arg7[%swap3A_1032, %swap3A_1033], %gather3A_1023 {strides = array<i32>} : memref<64x128xf32, #tpu.memory_space<vmem>>, vector<16xf32>,
      %add3A_1035 = arith.constant 16 : i32
      %add3A_1036 = vector.broadcast %add3A_1035 : i32 to vector<16xi32>
      %add3A_1037 = arith.addi %iota3A_1013, %add3A_1036 : vector<16xi32>
      %gather3A_1038 = arith.constant 0 : i32
      %gather3A_1039 = arith.constant 0 : i32
      %gather3A_1040 = arith.constant 0 : i32
      %gather3A_1041 = tpu.memref_slice %arg6[%gather3A_1038, %gather3A_1039, %gather3A_1040] : memref<8x64x128xf32, #tpu.memory_space<vmem>> -> memref<1x64x128xf32, #tpu.memory_space<vmem>>
      %gather3A_1042 = tpu.memref_squeeze %gather3A_1041 : memref<1x64x128xf32, #tpu.memory_space<vmem>> -> memref<64x128xf32, #tpu.memory_space<vmem>>
      %gather3A_1043 = tpu.vector_load_idx %gather3A_1042[%add3A_1037, %broadcast_in_dim3A_1014] : memref<64x128xf32, #tpu.memory_space<vmem>>[vector<16xi32>, vector<16xi32>], vector<16xf32>,
      %shift_right_arithmetic3A_1044 = arith.constant 1 : i32
      %shift_right_arithmetic3A_1045 = arith.shrsi %add3A_997, %shift_right_arithmetic3A_1044 : i32
      %and3A_1046 = arith.constant 1 : i32
      %and3A_1047 = arith.andi %add3A_997, %and3A_1046 : i32
      %mul3A_1048 = arith.constant 64 : i32
      %mul3A_1049 = arith.muli %and3A_1047, %mul3A_1048 : i32
      %add3A_1050 = arith.constant 16 : i32
      %add3A_1051 = arith.addi %mul3A_1049, %add3A_1050 : i32
      %swap3A_1052 = arith.index_cast %shift_right_arithmetic3A_1045 : i32 to index
      %swap3A_1053 = arith.index_cast %add3A_1051 : i32 to index
      %swap3A_1054 = tpu.vector_load %arg7[%swap3A_1052, %swap3A_1053] {strides = array<i32>} : memref<64x128xf32, #tpu.memory_space<vmem>>, vector<16xf32>,
      tpu.vector_store %arg7[%swap3A_1052, %swap3A_1053], %gather3A_1043 {strides = array<i32>} : memref<64x128xf32, #tpu.memory_space<vmem>>, vector<16xf32>,
      %add3A_1055 = arith.constant 32 : i32
      %add3A_1056 = vector.broadcast %add3A_1055 : i32 to vector<16xi32>
      %add3A_1057 = arith.addi %iota3A_1013, %add3A_1056 : vector<16xi32>
      %gather3A_1058 = arith.constant 0 : i32
      %gather3A_1059 = arith.constant 0 : i32
      %gather3A_1060 = arith.constant 0 : i32
      %gather3A_1061 = tpu.memref_slice %arg6[%gather3A_1058, %gather3A_1059, %gather3A_1060] : memref<8x64x128xf32, #tpu.memory_space<vmem>> -> memref<1x64x128xf32, #tpu.memory_space<vmem>>
      %gather3A_1062 = tpu.memref_squeeze %gather3A_1061 : memref<1x64x128xf32, #tpu.memory_space<vmem>> -> memref<64x128xf32, #tpu.memory_space<vmem>>
      %gather3A_1063 = tpu.vector_load_idx %gather3A_1062[%add3A_1057, %broadcast_in_dim3A_1014] : memref<64x128xf32, #tpu.memory_space<vmem>>[vector<16xi32>, vector<16xi32>], vector<16xf32>,
      %shift_right_arithmetic3A_1064 = arith.constant 1 : i32
      %shift_right_arithmetic3A_1065 = arith.shrsi %add3A_997, %shift_right_arithmetic3A_1064 : i32
      %and3A_1066 = arith.constant 1 : i32
      %and3A_1067 = arith.andi %add3A_997, %and3A_1066 : i32
      %mul3A_1068 = arith.constant 64 : i32
      %mul3A_1069 = arith.muli %and3A_1067, %mul3A_1068 : i32
      %add3A_1070 = arith.constant 32 : i32
      %add3A_1071 = arith.addi %mul3A_1069, %add3A_1070 : i32
      %swap3A_1072 = arith.index_cast %shift_right_arithmetic3A_1065 : i32 to index
      %swap3A_1073 = arith.index_cast %add3A_1071 : i32 to index
      %swap3A_1074 = tpu.vector_load %arg7[%swap3A_1072, %swap3A_1073] {strides = array<i32>} : memref<64x128xf32, #tpu.memory_space<vmem>>, vector<16xf32>,
      tpu.vector_store %arg7[%swap3A_1072, %swap3A_1073], %gather3A_1063 {strides = array<i32>} : memref<64x128xf32, #tpu.memory_space<vmem>>, vector<16xf32>,
      %add3A_1075 = arith.constant 48 : i32
      %add3A_1076 = vector.broadcast %add3A_1075 : i32 to vector<16xi32>
      %add3A_1077 = arith.addi %iota3A_1013, %add3A_1076 : vector<16xi32>
      %gather3A_1078 = arith.constant 0 : i32
      %gather3A_1079 = arith.constant 0 : i32
      %gather3A_1080 = arith.constant 0 : i32
      %gather3A_1081 = tpu.memref_slice %arg6[%gather3A_1078, %gather3A_1079, %gather3A_1080] : memref<8x64x128xf32, #tpu.memory_space<vmem>> -> memref<1x64x128xf32, #tpu.memory_space<vmem>>
      %gather3A_1082 = tpu.memref_squeeze %gather3A_1081 : memref<1x64x128xf32, #tpu.memory_space<vmem>> -> memref<64x128xf32, #tpu.memory_space<vmem>>
      %gather3A_1083 = tpu.vector_load_idx %gather3A_1082[%add3A_1077, %broadcast_in_dim3A_1014] : memref<64x128xf32, #tpu.memory_space<vmem>>[vector<16xi32>, vector<16xi32>], vector<16xf32>,
      %shift_right_arithmetic3A_1084 = arith.constant 1 : i32
      %shift_right_arithmetic3A_1085 = arith.shrsi %add3A_997, %shift_right_arithmetic3A_1084 : i32
      %and3A_1086 = arith.constant 1 : i32
      %and3A_1087 = arith.andi %add3A_997, %and3A_1086 : i32
      %mul3A_1088 = arith.constant 64 : i32
      %mul3A_1089 = arith.muli %and3A_1087, %mul3A_1088 : i32
      %add3A_1090 = arith.constant 48 : i32
      %add3A_1091 = arith.addi %mul3A_1089, %add3A_1090 : i32
      %swap3A_1092 = arith.index_cast %shift_right_arithmetic3A_1085 : i32 to index
      %swap3A_1093 = arith.index_cast %add3A_1091 : i32 to index
      %swap3A_1094 = tpu.vector_load %arg7[%swap3A_1092, %swap3A_1093] {strides = array<i32>} : memref<64x128xf32, #tpu.memory_space<vmem>>, vector<16xf32>,
      tpu.vector_store %arg7[%swap3A_1092, %swap3A_1093], %gather3A_1083 {strides = array<i32>} : memref<64x128xf32, #tpu.memory_space<vmem>>, vector<16xf32>,
      %add3A_1095 = arith.constant 1 : i32
      %add3A_1096 = arith.addi %mul3A_935, %add3A_1095 : i32
      %add3A_1097 = arith.addi %mul3A_2, %add3A_1096 : i32
      %broadcast_in_dim3A_1098 = vector.broadcast %add3A_1097 : i32 to vector<16xi32>
      %gather3A_1099 = tpu.vector_load_idx %arg5[%broadcast_in_dim3A_1098] : memref<4096xi32, #tpu.memory_space<vmem>>[vector<16xi32>], vector<16xi32>,
      %reduce_max3A_1100 = arith.constant true
      %reduce_max3A_1101 = vector.broadcast %reduce_max3A_1100 : i1 to vector<16xi1>
      %reduce_max3A_1102 = arith.constant -2147483648 : i32
      %reduce_max3A_1103 = vector.broadcast %reduce_max3A_1102 : i32 to vector<16xi32>
      %reduce_max3A_1104 = arith.xori %gather3A_1099, %reduce_max3A_1103 : vector<16xi32>
      %reduce_max3A_1105 = tpu.scan <max>, %reduce_max3A_1104 masked %reduce_max3A_1101 : vector<16xi32>, vector<16xi1> -> vector<16xi32>
      %reduce_max3A_1106 = arith.xori %reduce_max3A_1105, %reduce_max3A_1103 : vector<16xi32>
      %reduce_max3A_1107 = vector.extract %reduce_max3A_1106[15] : i32 from vector<16xi32>
      %shift_right_arithmetic3A_1108 = arith.constant 7 : i32
      %shift_right_arithmetic3A_1109 = arith.shrsi %reduce_max3A_1107, %shift_right_arithmetic3A_1108 : i32
      %and3A_1110 = arith.constant 127 : i32
      %and3A_1111 = arith.andi %reduce_max3A_1107, %and3A_1110 : i32
      %iota3A_1112 = tpu.iota {dimensions = array<i32: 0>} : vector<16xi32>
      %broadcast_in_dim3A_1113 = vector.broadcast %and3A_1111 : i32 to vector<16xi32>
      %add3A_1114 = arith.constant 0 : i32
      %add3A_1115 = vector.broadcast %add3A_1114 : i32 to vector<16xi32>
      %add3A_1116 = arith.addi %iota3A_1112, %add3A_1115 : vector<16xi32>
      %gather3A_1117 = arith.constant 1 : i32
      %gather3A_1118 = arith.constant 0 : i32
      %gather3A_1119 = arith.constant 0 : i32
      %gather3A_1120 = tpu.memref_slice %arg6[%gather3A_1117, %gather3A_1118, %gather3A_1119] : memref<8x64x128xf32, #tpu.memory_space<vmem>> -> memref<1x64x128xf32, #tpu.memory_space<vmem>>
      %gather3A_1121 = tpu.memref_squeeze %gather3A_1120 : memref<1x64x128xf32, #tpu.memory_space<vmem>> -> memref<64x128xf32, #tpu.memory_space<vmem>>
      %gather3A_1122 = tpu.vector_load_idx %gather3A_1121[%add3A_1116, %broadcast_in_dim3A_1113] : memref<64x128xf32, #tpu.memory_space<vmem>>[vector<16xi32>, vector<16xi32>], vector<16xf32>,
      %shift_right_arithmetic3A_1123 = arith.constant 1 : i32
      %shift_right_arithmetic3A_1124 = arith.shrsi %add3A_1096, %shift_right_arithmetic3A_1123 : i32
      %and3A_1125 = arith.constant 1 : i32
      %and3A_1126 = arith.andi %add3A_1096, %and3A_1125 : i32
      %mul3A_1127 = arith.constant 64 : i32
      %mul3A_1128 = arith.muli %and3A_1126, %mul3A_1127 : i32
      %add3A_1129 = arith.constant 0 : i32
      %add3A_1130 = arith.addi %mul3A_1128, %add3A_1129 : i32
      %swap3A_1131 = arith.index_cast %shift_right_arithmetic3A_1124 : i32 to index
      %swap3A_1132 = arith.index_cast %add3A_1130 : i32 to index
      %swap3A_1133 = tpu.vector_load %arg7[%swap3A_1131, %swap3A_1132] {strides = array<i32>} : memref<64x128xf32, #tpu.memory_space<vmem>>, vector<16xf32>,
      tpu.vector_store %arg7[%swap3A_1131, %swap3A_1132], %gather3A_1122 {strides = array<i32>} : memref<64x128xf32, #tpu.memory_space<vmem>>, vector<16xf32>,
      %add3A_1134 = arith.constant 16 : i32
      %add3A_1135 = vector.broadcast %add3A_1134 : i32 to vector<16xi32>
      %add3A_1136 = arith.addi %iota3A_1112, %add3A_1135 : vector<16xi32>
      %gather3A_1137 = arith.constant 1 : i32
      %gather3A_1138 = arith.constant 0 : i32
      %gather3A_1139 = arith.constant 0 : i32
      %gather3A_1140 = tpu.memref_slice %arg6[%gather3A_1137, %gather3A_1138, %gather3A_1139] : memref<8x64x128xf32, #tpu.memory_space<vmem>> -> memref<1x64x128xf32, #tpu.memory_space<vmem>>
      %gather3A_1141 = tpu.memref_squeeze %gather3A_1140 : memref<1x64x128xf32, #tpu.memory_space<vmem>> -> memref<64x128xf32, #tpu.memory_space<vmem>>
      %gather3A_1142 = tpu.vector_load_idx %gather3A_1141[%add3A_1136, %broadcast_in_dim3A_1113] : memref<64x128xf32, #tpu.memory_space<vmem>>[vector<16xi32>, vector<16xi32>], vector<16xf32>,
      %shift_right_arithmetic3A_1143 = arith.constant 1 : i32
      %shift_right_arithmetic3A_1144 = arith.shrsi %add3A_1096, %shift_right_arithmetic3A_1143 : i32
      %and3A_1145 = arith.constant 1 : i32
      %and3A_1146 = arith.andi %add3A_1096, %and3A_1145 : i32
      %mul3A_1147 = arith.constant 64 : i32
      %mul3A_1148 = arith.muli %and3A_1146, %mul3A_1147 : i32
      %add3A_1149 = arith.constant 16 : i32
      %add3A_1150 = arith.addi %mul3A_1148, %add3A_1149 : i32
      %swap3A_1151 = arith.index_cast %shift_right_arithmetic3A_1144 : i32 to index
      %swap3A_1152 = arith.index_cast %add3A_1150 : i32 to index
      %swap3A_1153 = tpu.vector_load %arg7[%swap3A_1151, %swap3A_1152] {strides = array<i32>} : memref<64x128xf32, #tpu.memory_space<vmem>>, vector<16xf32>,
      tpu.vector_store %arg7[%swap3A_1151, %swap3A_1152], %gather3A_1142 {strides = array<i32>} : memref<64x128xf32, #tpu.memory_space<vmem>>, vector<16xf32>,
      %add3A_1154 = arith.constant 32 : i32
      %add3A_1155 = vector.broadcast %add3A_1154 : i32 to vector<16xi32>
      %add3A_1156 = arith.addi %iota3A_1112, %add3A_1155 : vector<16xi32>
      %gather3A_1157 = arith.constant 1 : i32
      %gather3A_1158 = arith.constant 0 : i32
      %gather3A_1159 = arith.constant 0 : i32
      %gather3A_1160 = tpu.memref_slice %arg6[%gather3A_1157, %gather3A_1158, %gather3A_1159] : memref<8x64x128xf32, #tpu.memory_space<vmem>> -> memref<1x64x128xf32, #tpu.memory_space<vmem>>
      %gather3A_1161 = tpu.memref_squeeze %gather3A_1160 : memref<1x64x128xf32, #tpu.memory_space<vmem>> -> memref<64x128xf32, #tpu.memory_space<vmem>>
      %gather3A_1162 = tpu.vector_load_idx %gather3A_1161[%add3A_1156, %broadcast_in_dim3A_1113] : memref<64x128xf32, #tpu.memory_space<vmem>>[vector<16xi32>, vector<16xi32>], vector<16xf32>,
      %shift_right_arithmetic3A_1163 = arith.constant 1 : i32
      %shift_right_arithmetic3A_1164 = arith.shrsi %add3A_1096, %shift_right_arithmetic3A_1163 : i32
      %and3A_1165 = arith.constant 1 : i32
      %and3A_1166 = arith.andi %add3A_1096, %and3A_1165 : i32
      %mul3A_1167 = arith.constant 64 : i32
      %mul3A_1168 = arith.muli %and3A_1166, %mul3A_1167 : i32
      %add3A_1169 = arith.constant 32 : i32
      %add3A_1170 = arith.addi %mul3A_1168, %add3A_1169 : i32
      %swap3A_1171 = arith.index_cast %shift_right_arithmetic3A_1164 : i32 to index
      %swap3A_1172 = arith.index_cast %add3A_1170 : i32 to index
      %swap3A_1173 = tpu.vector_load %arg7[%swap3A_1171, %swap3A_1172] {strides = array<i32>} : memref<64x128xf32, #tpu.memory_space<vmem>>, vector<16xf32>,
      tpu.vector_store %arg7[%swap3A_1171, %swap3A_1172], %gather3A_1162 {strides = array<i32>} : memref<64x128xf32, #tpu.memory_space<vmem>>, vector<16xf32>,
      %add3A_1174 = arith.constant 48 : i32
      %add3A_1175 = vector.broadcast %add3A_1174 : i32 to vector<16xi32>
      %add3A_1176 = arith.addi %iota3A_1112, %add3A_1175 : vector<16xi32>
      %gather3A_1177 = arith.constant 1 : i32
      %gather3A_1178 = arith.constant 0 : i32
      %gather3A_1179 = arith.constant 0 : i32
      %gather3A_1180 = tpu.memref_slice %arg6[%gather3A_1177, %gather3A_1178, %gather3A_1179] : memref<8x64x128xf32, #tpu.memory_space<vmem>> -> memref<1x64x128xf32, #tpu.memory_space<vmem>>
      %gather3A_1181 = tpu.memref_squeeze %gather3A_1180 : memref<1x64x128xf32, #tpu.memory_space<vmem>> -> memref<64x128xf32, #tpu.memory_space<vmem>>
      %gather3A_1182 = tpu.vector_load_idx %gather3A_1181[%add3A_1176, %broadcast_in_dim3A_1113] : memref<64x128xf32, #tpu.memory_space<vmem>>[vector<16xi32>, vector<16xi32>], vector<16xf32>,
      %shift_right_arithmetic3A_1183 = arith.constant 1 : i32
      %shift_right_arithmetic3A_1184 = arith.shrsi %add3A_1096, %shift_right_arithmetic3A_1183 : i32
      %and3A_1185 = arith.constant 1 : i32
      %and3A_1186 = arith.andi %add3A_1096, %and3A_1185 : i32
      %mul3A_1187 = arith.constant 64 : i32
      %mul3A_1188 = arith.muli %and3A_1186, %mul3A_1187 : i32
      %add3A_1189 = arith.constant 48 : i32
      %add3A_1190 = arith.addi %mul3A_1188, %add3A_1189 : i32
      %swap3A_1191 = arith.index_cast %shift_right_arithmetic3A_1184 : i32 to index
      %swap3A_1192 = arith.index_cast %add3A_1190 : i32 to index
      %swap3A_1193 = tpu.vector_load %arg7[%swap3A_1191, %swap3A_1192] {strides = array<i32>} : memref<64x128xf32, #tpu.memory_space<vmem>>, vector<16xf32>,
      tpu.vector_store %arg7[%swap3A_1191, %swap3A_1192], %gather3A_1182 {strides = array<i32>} : memref<64x128xf32, #tpu.memory_space<vmem>>, vector<16xf32>,
      %add3A_1194 = arith.constant 2 : i32
      %add3A_1195 = arith.addi %mul3A_935, %add3A_1194 : i32
      %add3A_1196 = arith.addi %mul3A_2, %add3A_1195 : i32
      %broadcast_in_dim3A_1197 = vector.broadcast %add3A_1196 : i32 to vector<16xi32>
      %gather3A_1198 = tpu.vector_load_idx %arg5[%broadcast_in_dim3A_1197] : memref<4096xi32, #tpu.memory_space<vmem>>[vector<16xi32>], vector<16xi32>,
      %reduce_max3A_1199 = arith.constant true
      %reduce_max3A_1200 = vector.broadcast %reduce_max3A_1199 : i1 to vector<16xi1>
      %reduce_max3A_1201 = arith.constant -2147483648 : i32
      %reduce_max3A_1202 = vector.broadcast %reduce_max3A_1201 : i32 to vector<16xi32>
      %reduce_max3A_1203 = arith.xori %gather3A_1198, %reduce_max3A_1202 : vector<16xi32>
      %reduce_max3A_1204 = tpu.scan <max>, %reduce_max3A_1203 masked %reduce_max3A_1200 : vector<16xi32>, vector<16xi1> -> vector<16xi32>
      %reduce_max3A_1205 = arith.xori %reduce_max3A_1204, %reduce_max3A_1202 : vector<16xi32>
      %reduce_max3A_1206 = vector.extract %reduce_max3A_1205[15] : i32 from vector<16xi32>
      %shift_right_arithmetic3A_1207 = arith.constant 7 : i32
      %shift_right_arithmetic3A_1208 = arith.shrsi %reduce_max3A_1206, %shift_right_arithmetic3A_1207 : i32
      %and3A_1209 = arith.constant 127 : i32
      %and3A_1210 = arith.andi %reduce_max3A_1206, %and3A_1209 : i32
      %iota3A_1211 = tpu.iota {dimensions = array<i32: 0>} : vector<16xi32>
      %broadcast_in_dim3A_1212 = vector.broadcast %and3A_1210 : i32 to vector<16xi32>
      %add3A_1213 = arith.constant 0 : i32
      %add3A_1214 = vector.broadcast %add3A_1213 : i32 to vector<16xi32>
      %add3A_1215 = arith.addi %iota3A_1211, %add3A_1214 : vector<16xi32>
      %gather3A_1216 = arith.constant 2 : i32
      %gather3A_1217 = arith.constant 0 : i32
      %gather3A_1218 = arith.constant 0 : i32
      %gather3A_1219 = tpu.memref_slice %arg6[%gather3A_1216, %gather3A_1217, %gather3A_1218] : memref<8x64x128xf32, #tpu.memory_space<vmem>> -> memref<1x64x128xf32, #tpu.memory_space<vmem>>
      %gather3A_1220 = tpu.memref_squeeze %gather3A_1219 : memref<1x64x128xf32, #tpu.memory_space<vmem>> -> memref<64x128xf32, #tpu.memory_space<vmem>>
      %gather3A_1221 = tpu.vector_load_idx %gather3A_1220[%add3A_1215, %broadcast_in_dim3A_1212] : memref<64x128xf32, #tpu.memory_space<vmem>>[vector<16xi32>, vector<16xi32>], vector<16xf32>,
      %shift_right_arithmetic3A_1222 = arith.constant 1 : i32
      %shift_right_arithmetic3A_1223 = arith.shrsi %add3A_1195, %shift_right_arithmetic3A_1222 : i32
      %and3A_1224 = arith.constant 1 : i32
      %and3A_1225 = arith.andi %add3A_1195, %and3A_1224 : i32
      %mul3A_1226 = arith.constant 64 : i32
      %mul3A_1227 = arith.muli %and3A_1225, %mul3A_1226 : i32
      %add3A_1228 = arith.constant 0 : i32
      %add3A_1229 = arith.addi %mul3A_1227, %add3A_1228 : i32
      %swap3A_1230 = arith.index_cast %shift_right_arithmetic3A_1223 : i32 to index
      %swap3A_1231 = arith.index_cast %add3A_1229 : i32 to index
      %swap3A_1232 = tpu.vector_load %arg7[%swap3A_1230, %swap3A_1231] {strides = array<i32>} : memref<64x128xf32, #tpu.memory_space<vmem>>, vector<16xf32>,
      tpu.vector_store %arg7[%swap3A_1230, %swap3A_1231], %gather3A_1221 {strides = array<i32>} : memref<64x128xf32, #tpu.memory_space<vmem>>, vector<16xf32>,
      %add3A_1233 = arith.constant 16 : i32
      %add3A_1234 = vector.broadcast %add3A_1233 : i32 to vector<16xi32>
      %add3A_1235 = arith.addi %iota3A_1211, %add3A_1234 : vector<16xi32>
      %gather3A_1236 = arith.constant 2 : i32
      %gather3A_1237 = arith.constant 0 : i32
      %gather3A_1238 = arith.constant 0 : i32
      %gather3A_1239 = tpu.memref_slice %arg6[%gather3A_1236, %gather3A_1237, %gather3A_1238] : memref<8x64x128xf32, #tpu.memory_space<vmem>> -> memref<1x64x128xf32, #tpu.memory_space<vmem>>
      %gather3A_1240 = tpu.memref_squeeze %gather3A_1239 : memref<1x64x128xf32, #tpu.memory_space<vmem>> -> memref<64x128xf32, #tpu.memory_space<vmem>>
      %gather3A_1241 = tpu.vector_load_idx %gather3A_1240[%add3A_1235, %broadcast_in_dim3A_1212] : memref<64x128xf32, #tpu.memory_space<vmem>>[vector<16xi32>, vector<16xi32>], vector<16xf32>,
      %shift_right_arithmetic3A_1242 = arith.constant 1 : i32
      %shift_right_arithmetic3A_1243 = arith.shrsi %add3A_1195, %shift_right_arithmetic3A_1242 : i32
      %and3A_1244 = arith.constant 1 : i32
      %and3A_1245 = arith.andi %add3A_1195, %and3A_1244 : i32
      %mul3A_1246 = arith.constant 64 : i32
      %mul3A_1247 = arith.muli %and3A_1245, %mul3A_1246 : i32
      %add3A_1248 = arith.constant 16 : i32
      %add3A_1249 = arith.addi %mul3A_1247, %add3A_1248 : i32
      %swap3A_1250 = arith.index_cast %shift_right_arithmetic3A_1243 : i32 to index
      %swap3A_1251 = arith.index_cast %add3A_1249 : i32 to index
      %swap3A_1252 = tpu.vector_load %arg7[%swap3A_1250, %swap3A_1251] {strides = array<i32>} : memref<64x128xf32, #tpu.memory_space<vmem>>, vector<16xf32>,
      tpu.vector_store %arg7[%swap3A_1250, %swap3A_1251], %gather3A_1241 {strides = array<i32>} : memref<64x128xf32, #tpu.memory_space<vmem>>, vector<16xf32>,
      %add3A_1253 = arith.constant 32 : i32
      %add3A_1254 = vector.broadcast %add3A_1253 : i32 to vector<16xi32>
      %add3A_1255 = arith.addi %iota3A_1211, %add3A_1254 : vector<16xi32>
      %gather3A_1256 = arith.constant 2 : i32
      %gather3A_1257 = arith.constant 0 : i32
      %gather3A_1258 = arith.constant 0 : i32
      %gather3A_1259 = tpu.memref_slice %arg6[%gather3A_1256, %gather3A_1257, %gather3A_1258] : memref<8x64x128xf32, #tpu.memory_space<vmem>> -> memref<1x64x128xf32, #tpu.memory_space<vmem>>
      %gather3A_1260 = tpu.memref_squeeze %gather3A_1259 : memref<1x64x128xf32, #tpu.memory_space<vmem>> -> memref<64x128xf32, #tpu.memory_space<vmem>>
      %gather3A_1261 = tpu.vector_load_idx %gather3A_1260[%add3A_1255, %broadcast_in_dim3A_1212] : memref<64x128xf32, #tpu.memory_space<vmem>>[vector<16xi32>, vector<16xi32>], vector<16xf32>,
      %shift_right_arithmetic3A_1262 = arith.constant 1 : i32
      %shift_right_arithmetic3A_1263 = arith.shrsi %add3A_1195, %shift_right_arithmetic3A_1262 : i32
      %and3A_1264 = arith.constant 1 : i32
      %and3A_1265 = arith.andi %add3A_1195, %and3A_1264 : i32
      %mul3A_1266 = arith.constant 64 : i32
      %mul3A_1267 = arith.muli %and3A_1265, %mul3A_1266 : i32
      %add3A_1268 = arith.constant 32 : i32
      %add3A_1269 = arith.addi %mul3A_1267, %add3A_1268 : i32
      %swap3A_1270 = arith.index_cast %shift_right_arithmetic3A_1263 : i32 to index
      %swap3A_1271 = arith.index_cast %add3A_1269 : i32 to index
      %swap3A_1272 = tpu.vector_load %arg7[%swap3A_1270, %swap3A_1271] {strides = array<i32>} : memref<64x128xf32, #tpu.memory_space<vmem>>, vector<16xf32>,
      tpu.vector_store %arg7[%swap3A_1270, %swap3A_1271], %gather3A_1261 {strides = array<i32>} : memref<64x128xf32, #tpu.memory_space<vmem>>, vector<16xf32>,
      %add3A_1273 = arith.constant 48 : i32
      %add3A_1274 = vector.broadcast %add3A_1273 : i32 to vector<16xi32>
      %add3A_1275 = arith.addi %iota3A_1211, %add3A_1274 : vector<16xi32>
      %gather3A_1276 = arith.constant 2 : i32
      %gather3A_1277 = arith.constant 0 : i32
      %gather3A_1278 = arith.constant 0 : i32
      %gather3A_1279 = tpu.memref_slice %arg6[%gather3A_1276, %gather3A_1277, %gather3A_1278] : memref<8x64x128xf32, #tpu.memory_space<vmem>> -> memref<1x64x128xf32, #tpu.memory_space<vmem>>
      %gather3A_1280 = tpu.memref_squeeze %gather3A_1279 : memref<1x64x128xf32, #tpu.memory_space<vmem>> -> memref<64x128xf32, #tpu.memory_space<vmem>>
      %gather3A_1281 = tpu.vector_load_idx %gather3A_1280[%add3A_1275, %broadcast_in_dim3A_1212] : memref<64x128xf32, #tpu.memory_space<vmem>>[vector<16xi32>, vector<16xi32>], vector<16xf32>,
      %shift_right_arithmetic3A_1282 = arith.constant 1 : i32
      %shift_right_arithmetic3A_1283 = arith.shrsi %add3A_1195, %shift_right_arithmetic3A_1282 : i32
      %and3A_1284 = arith.constant 1 : i32
      %and3A_1285 = arith.andi %add3A_1195, %and3A_1284 : i32
      %mul3A_1286 = arith.constant 64 : i32
      %mul3A_1287 = arith.muli %and3A_1285, %mul3A_1286 : i32
      %add3A_1288 = arith.constant 48 : i32
      %add3A_1289 = arith.addi %mul3A_1287, %add3A_1288 : i32
      %swap3A_1290 = arith.index_cast %shift_right_arithmetic3A_1283 : i32 to index
      %swap3A_1291 = arith.index_cast %add3A_1289 : i32 to index
      %swap3A_1292 = tpu.vector_load %arg7[%swap3A_1290, %swap3A_1291] {strides = array<i32>} : memref<64x128xf32, #tpu.memory_space<vmem>>, vector<16xf32>,
      tpu.vector_store %arg7[%swap3A_1290, %swap3A_1291], %gather3A_1281 {strides = array<i32>} : memref<64x128xf32, #tpu.memory_space<vmem>>, vector<16xf32>,
      %add3A_1293 = arith.constant 3 : i32
      %add3A_1294 = arith.addi %mul3A_935, %add3A_1293 : i32
      %add3A_1295 = arith.addi %mul3A_2, %add3A_1294 : i32
      %broadcast_in_dim3A_1296 = vector.broadcast %add3A_1295 : i32 to vector<16xi32>
      %gather3A_1297 = tpu.vector_load_idx %arg5[%broadcast_in_dim3A_1296] : memref<4096xi32, #tpu.memory_space<vmem>>[vector<16xi32>], vector<16xi32>,
      %reduce_max3A_1298 = arith.constant true
      %reduce_max3A_1299 = vector.broadcast %reduce_max3A_1298 : i1 to vector<16xi1>
      %reduce_max3A_1300 = arith.constant -2147483648 : i32
      %reduce_max3A_1301 = vector.broadcast %reduce_max3A_1300 : i32 to vector<16xi32>
      %reduce_max3A_1302 = arith.xori %gather3A_1297, %reduce_max3A_1301 : vector<16xi32>
      %reduce_max3A_1303 = tpu.scan <max>, %reduce_max3A_1302 masked %reduce_max3A_1299 : vector<16xi32>, vector<16xi1> -> vector<16xi32>
      %reduce_max3A_1304 = arith.xori %reduce_max3A_1303, %reduce_max3A_1301 : vector<16xi32>
      %reduce_max3A_1305 = vector.extract %reduce_max3A_1304[15] : i32 from vector<16xi32>
      %shift_right_arithmetic3A_1306 = arith.constant 7 : i32
      %shift_right_arithmetic3A_1307 = arith.shrsi %reduce_max3A_1305, %shift_right_arithmetic3A_1306 : i32
      %and3A_1308 = arith.constant 127 : i32
      %and3A_1309 = arith.andi %reduce_max3A_1305, %and3A_1308 : i32
      %iota3A_1310 = tpu.iota {dimensions = array<i32: 0>} : vector<16xi32>
      %broadcast_in_dim3A_1311 = vector.broadcast %and3A_1309 : i32 to vector<16xi32>
      %add3A_1312 = arith.constant 0 : i32
      %add3A_1313 = vector.broadcast %add3A_1312 : i32 to vector<16xi32>
      %add3A_1314 = arith.addi %iota3A_1310, %add3A_1313 : vector<16xi32>
      %gather3A_1315 = arith.constant 3 : i32
      %gather3A_1316 = arith.constant 0 : i32
      %gather3A_1317 = arith.constant 0 : i32
      %gather3A_1318 = tpu.memref_slice %arg6[%gather3A_1315, %gather3A_1316, %gather3A_1317] : memref<8x64x128xf32, #tpu.memory_space<vmem>> -> memref<1x64x128xf32, #tpu.memory_space<vmem>>
      %gather3A_1319 = tpu.memref_squeeze %gather3A_1318 : memref<1x64x128xf32, #tpu.memory_space<vmem>> -> memref<64x128xf32, #tpu.memory_space<vmem>>
      %gather3A_1320 = tpu.vector_load_idx %gather3A_1319[%add3A_1314, %broadcast_in_dim3A_1311] : memref<64x128xf32, #tpu.memory_space<vmem>>[vector<16xi32>, vector<16xi32>], vector<16xf32>,
      %shift_right_arithmetic3A_1321 = arith.constant 1 : i32
      %shift_right_arithmetic3A_1322 = arith.shrsi %add3A_1294, %shift_right_arithmetic3A_1321 : i32
      %and3A_1323 = arith.constant 1 : i32
      %and3A_1324 = arith.andi %add3A_1294, %and3A_1323 : i32
      %mul3A_1325 = arith.constant 64 : i32
      %mul3A_1326 = arith.muli %and3A_1324, %mul3A_1325 : i32
      %add3A_1327 = arith.constant 0 : i32
      %add3A_1328 = arith.addi %mul3A_1326, %add3A_1327 : i32
      %swap3A_1329 = arith.index_cast %shift_right_arithmetic3A_1322 : i32 to index
      %swap3A_1330 = arith.index_cast %add3A_1328 : i32 to index
      %swap3A_1331 = tpu.vector_load %arg7[%swap3A_1329, %swap3A_1330] {strides = array<i32>} : memref<64x128xf32, #tpu.memory_space<vmem>>, vector<16xf32>,
      tpu.vector_store %arg7[%swap3A_1329, %swap3A_1330], %gather3A_1320 {strides = array<i32>} : memref<64x128xf32, #tpu.memory_space<vmem>>, vector<16xf32>,
      %add3A_1332 = arith.constant 16 : i32
      %add3A_1333 = vector.broadcast %add3A_1332 : i32 to vector<16xi32>
      %add3A_1334 = arith.addi %iota3A_1310, %add3A_1333 : vector<16xi32>
      %gather3A_1335 = arith.constant 3 : i32
      %gather3A_1336 = arith.constant 0 : i32
      %gather3A_1337 = arith.constant 0 : i32
      %gather3A_1338 = tpu.memref_slice %arg6[%gather3A_1335, %gather3A_1336, %gather3A_1337] : memref<8x64x128xf32, #tpu.memory_space<vmem>> -> memref<1x64x128xf32, #tpu.memory_space<vmem>>
      %gather3A_1339 = tpu.memref_squeeze %gather3A_1338 : memref<1x64x128xf32, #tpu.memory_space<vmem>> -> memref<64x128xf32, #tpu.memory_space<vmem>>
      %gather3A_1340 = tpu.vector_load_idx %gather3A_1339[%add3A_1334, %broadcast_in_dim3A_1311] : memref<64x128xf32, #tpu.memory_space<vmem>>[vector<16xi32>, vector<16xi32>], vector<16xf32>,
      %shift_right_arithmetic3A_1341 = arith.constant 1 : i32
      %shift_right_arithmetic3A_1342 = arith.shrsi %add3A_1294, %shift_right_arithmetic3A_1341 : i32
      %and3A_1343 = arith.constant 1 : i32
      %and3A_1344 = arith.andi %add3A_1294, %and3A_1343 : i32
      %mul3A_1345 = arith.constant 64 : i32
      %mul3A_1346 = arith.muli %and3A_1344, %mul3A_1345 : i32
      %add3A_1347 = arith.constant 16 : i32
      %add3A_1348 = arith.addi %mul3A_1346, %add3A_1347 : i32
      %swap3A_1349 = arith.index_cast %shift_right_arithmetic3A_1342 : i32 to index
      %swap3A_1350 = arith.index_cast %add3A_1348 : i32 to index
      %swap3A_1351 = tpu.vector_load %arg7[%swap3A_1349, %swap3A_1350] {strides = array<i32>} : memref<64x128xf32, #tpu.memory_space<vmem>>, vector<16xf32>,
      tpu.vector_store %arg7[%swap3A_1349, %swap3A_1350], %gather3A_1340 {strides = array<i32>} : memref<64x128xf32, #tpu.memory_space<vmem>>, vector<16xf32>,
      %add3A_1352 = arith.constant 32 : i32
      %add3A_1353 = vector.broadcast %add3A_1352 : i32 to vector<16xi32>
      %add3A_1354 = arith.addi %iota3A_1310, %add3A_1353 : vector<16xi32>
      %gather3A_1355 = arith.constant 3 : i32
      %gather3A_1356 = arith.constant 0 : i32
      %gather3A_1357 = arith.constant 0 : i32
      %gather3A_1358 = tpu.memref_slice %arg6[%gather3A_1355, %gather3A_1356, %gather3A_1357] : memref<8x64x128xf32, #tpu.memory_space<vmem>> -> memref<1x64x128xf32, #tpu.memory_space<vmem>>
      %gather3A_1359 = tpu.memref_squeeze %gather3A_1358 : memref<1x64x128xf32, #tpu.memory_space<vmem>> -> memref<64x128xf32, #tpu.memory_space<vmem>>
      %gather3A_1360 = tpu.vector_load_idx %gather3A_1359[%add3A_1354, %broadcast_in_dim3A_1311] : memref<64x128xf32, #tpu.memory_space<vmem>>[vector<16xi32>, vector<16xi32>], vector<16xf32>,
      %shift_right_arithmetic3A_1361 = arith.constant 1 : i32
      %shift_right_arithmetic3A_1362 = arith.shrsi %add3A_1294, %shift_right_arithmetic3A_1361 : i32
      %and3A_1363 = arith.constant 1 : i32
      %and3A_1364 = arith.andi %add3A_1294, %and3A_1363 : i32
      %mul3A_1365 = arith.constant 64 : i32
      %mul3A_1366 = arith.muli %and3A_1364, %mul3A_1365 : i32
      %add3A_1367 = arith.constant 32 : i32
      %add3A_1368 = arith.addi %mul3A_1366, %add3A_1367 : i32
      %swap3A_1369 = arith.index_cast %shift_right_arithmetic3A_1362 : i32 to index
      %swap3A_1370 = arith.index_cast %add3A_1368 : i32 to index
      %swap3A_1371 = tpu.vector_load %arg7[%swap3A_1369, %swap3A_1370] {strides = array<i32>} : memref<64x128xf32, #tpu.memory_space<vmem>>, vector<16xf32>,
      tpu.vector_store %arg7[%swap3A_1369, %swap3A_1370], %gather3A_1360 {strides = array<i32>} : memref<64x128xf32, #tpu.memory_space<vmem>>, vector<16xf32>,
      %add3A_1372 = arith.constant 48 : i32
      %add3A_1373 = vector.broadcast %add3A_1372 : i32 to vector<16xi32>
      %add3A_1374 = arith.addi %iota3A_1310, %add3A_1373 : vector<16xi32>
      %gather3A_1375 = arith.constant 3 : i32
      %gather3A_1376 = arith.constant 0 : i32
      %gather3A_1377 = arith.constant 0 : i32
      %gather3A_1378 = tpu.memref_slice %arg6[%gather3A_1375, %gather3A_1376, %gather3A_1377] : memref<8x64x128xf32, #tpu.memory_space<vmem>> -> memref<1x64x128xf32, #tpu.memory_space<vmem>>
      %gather3A_1379 = tpu.memref_squeeze %gather3A_1378 : memref<1x64x128xf32, #tpu.memory_space<vmem>> -> memref<64x128xf32, #tpu.memory_space<vmem>>
      %gather3A_1380 = tpu.vector_load_idx %gather3A_1379[%add3A_1374, %broadcast_in_dim3A_1311] : memref<64x128xf32, #tpu.memory_space<vmem>>[vector<16xi32>, vector<16xi32>], vector<16xf32>,
      %shift_right_arithmetic3A_1381 = arith.constant 1 : i32
      %shift_right_arithmetic3A_1382 = arith.shrsi %add3A_1294, %shift_right_arithmetic3A_1381 : i32
      %and3A_1383 = arith.constant 1 : i32
      %and3A_1384 = arith.andi %add3A_1294, %and3A_1383 : i32
      %mul3A_1385 = arith.constant 64 : i32
      %mul3A_1386 = arith.muli %and3A_1384, %mul3A_1385 : i32
      %add3A_1387 = arith.constant 48 : i32
      %add3A_1388 = arith.addi %mul3A_1386, %add3A_1387 : i32
      %swap3A_1389 = arith.index_cast %shift_right_arithmetic3A_1382 : i32 to index
      %swap3A_1390 = arith.index_cast %add3A_1388 : i32 to index
      %swap3A_1391 = tpu.vector_load %arg7[%swap3A_1389, %swap3A_1390] {strides = array<i32>} : memref<64x128xf32, #tpu.memory_space<vmem>>, vector<16xf32>,
      tpu.vector_store %arg7[%swap3A_1389, %swap3A_1390], %gather3A_1380 {strides = array<i32>} : memref<64x128xf32, #tpu.memory_space<vmem>>, vector<16xf32>,
      %add3A_1392 = arith.constant 8 : i32
      %add3A_1393 = arith.addi %mul3A_935, %add3A_1392 : i32
      %add3A_1394 = arith.constant 0 : i32
      %add3A_1395 = arith.addi %add3A_1393, %add3A_1394 : i32
      %add3A_1396 = arith.addi %mul3A_2, %add3A_1395 : i32
      %broadcast_in_dim3A_1397 = vector.broadcast %add3A_1396 : i32 to vector<16xi32>
      %gather3A_1398 = tpu.vector_load_idx %arg5[%broadcast_in_dim3A_1397] : memref<4096xi32, #tpu.memory_space<vmem>>[vector<16xi32>], vector<16xi32>,
      %reduce_max3A_1399 = arith.constant true
      %reduce_max3A_1400 = vector.broadcast %reduce_max3A_1399 : i1 to vector<16xi1>
      %reduce_max3A_1401 = arith.constant -2147483648 : i32
      %reduce_max3A_1402 = vector.broadcast %reduce_max3A_1401 : i32 to vector<16xi32>
      %reduce_max3A_1403 = arith.xori %gather3A_1398, %reduce_max3A_1402 : vector<16xi32>
      %reduce_max3A_1404 = tpu.scan <max>, %reduce_max3A_1403 masked %reduce_max3A_1400 : vector<16xi32>, vector<16xi1> -> vector<16xi32>
      %reduce_max3A_1405 = arith.xori %reduce_max3A_1404, %reduce_max3A_1402 : vector<16xi32>
      %reduce_max3A_1406 = vector.extract %reduce_max3A_1405[15] : i32 from vector<16xi32>
      %shift_right_arithmetic3A_1407 = arith.constant 7 : i32
      %shift_right_arithmetic3A_1408 = arith.shrsi %reduce_max3A_1406, %shift_right_arithmetic3A_1407 : i32
      %and3A_1409 = arith.constant 127 : i32
      %and3A_1410 = arith.andi %reduce_max3A_1406, %and3A_1409 : i32
      %mul3A_1411 = arith.constant 128 : i32
      %mul3A_1412 = arith.muli %shift_right_arithmetic3A_1408, %mul3A_1411 : i32
      %dma_start3A_1413 = arith.constant 0 : i32
      %dma_start3A_1414 = arith.constant 0 : i32
      %dma_start3A_1415 = arith.constant 0 : i32
      %dma_start3A_1416 = tpu.memref_slice %arg6[%dma_start3A_1413, %dma_start3A_1414, %dma_start3A_1415] : memref<8x64x128xf32, #tpu.memory_space<vmem>> -> memref<1x64x128xf32, #tpu.memory_space<vmem>>
      %dma_start3A_1417 = tpu.memref_squeeze %dma_start3A_1416 : memref<1x64x128xf32, #tpu.memory_space<vmem>> -> memref<64x128xf32, #tpu.memory_space<vmem>>
      %dma_start3A_1418 = arith.constant 0 : i32
      %dma_start3A_1419 = tpu.memref_slice %arg3[%dma_start3A_1418, %mul3A_1412] : memref<64x1000000xf32, #tpu.memory_space<hbm>> -> memref<64x128xf32, #tpu.memory_space<hbm>>
      %dma_start3A_1420 = arith.constant 0 : i32
      %dma_start3A_1421 = arith.constant 0 : i32
      %dma_start3A_1422 = tpu.memref_slice %arg6[%dma_start3A_1413, %dma_start3A_1420, %dma_start3A_1421] : memref<8x64x128xf32, #tpu.memory_space<vmem>> -> memref<1x64x128xf32, #tpu.memory_space<vmem>>
      %dma_start3A_1423 = tpu.memref_squeeze %dma_start3A_1422 : memref<1x64x128xf32, #tpu.memory_space<vmem>> -> memref<64x128xf32, #tpu.memory_space<vmem>>
      %dma_start3A_1424 = arith.constant 0 : i32
      %dma_start3A_1425 = tpu.memref_slice %arg3[%dma_start3A_1424, %mul3A_1412] : memref<64x1000000xf32, #tpu.memory_space<hbm>> -> memref<64x128xf32, #tpu.memory_space<hbm>>
      tpu.enqueue_dma source(%dma_start3A_1425 : memref<64x128xf32, #tpu.memory_space<hbm>>) target(%dma_start3A_1423 : memref<64x128xf32, #tpu.memory_space<vmem>>) target_semaphore(%arg8 : memref<!tpu.dma_semaphore, #tpu.memory_space<semaphore_mem>>)
      %add3A_1426 = arith.constant 8 : i32
      %add3A_1427 = arith.addi %mul3A_935, %add3A_1426 : i32
      %add3A_1428 = arith.constant 1 : i32
      %add3A_1429 = arith.addi %add3A_1427, %add3A_1428 : i32
      %add3A_1430 = arith.addi %mul3A_2, %add3A_1429 : i32
      %broadcast_in_dim3A_1431 = vector.broadcast %add3A_1430 : i32 to vector<16xi32>
      %gather3A_1432 = tpu.vector_load_idx %arg5[%broadcast_in_dim3A_1431] : memref<4096xi32, #tpu.memory_space<vmem>>[vector<16xi32>], vector<16xi32>,
      %reduce_max3A_1433 = arith.constant true
      %reduce_max3A_1434 = vector.broadcast %reduce_max3A_1433 : i1 to vector<16xi1>
      %reduce_max3A_1435 = arith.constant -2147483648 : i32
      %reduce_max3A_1436 = vector.broadcast %reduce_max3A_1435 : i32 to vector<16xi32>
      %reduce_max3A_1437 = arith.xori %gather3A_1432, %reduce_max3A_1436 : vector<16xi32>
      %reduce_max3A_1438 = tpu.scan <max>, %reduce_max3A_1437 masked %reduce_max3A_1434 : vector<16xi32>, vector<16xi1> -> vector<16xi32>
      %reduce_max3A_1439 = arith.xori %reduce_max3A_1438, %reduce_max3A_1436 : vector<16xi32>
      %reduce_max3A_1440 = vector.extract %reduce_max3A_1439[15] : i32 from vector<16xi32>
      %shift_right_arithmetic3A_1441 = arith.constant 7 : i32
      %shift_right_arithmetic3A_1442 = arith.shrsi %reduce_max3A_1440, %shift_right_arithmetic3A_1441 : i32
      %and3A_1443 = arith.constant 127 : i32
      %and3A_1444 = arith.andi %reduce_max3A_1440, %and3A_1443 : i32
      %mul3A_1445 = arith.constant 128 : i32
      %mul3A_1446 = arith.muli %shift_right_arithmetic3A_1442, %mul3A_1445 : i32
      %dma_start3A_1447 = arith.constant 1 : i32
      %dma_start3A_1448 = arith.constant 0 : i32
      %dma_start3A_1449 = arith.constant 0 : i32
      %dma_start3A_1450 = tpu.memref_slice %arg6[%dma_start3A_1447, %dma_start3A_1448, %dma_start3A_1449] : memref<8x64x128xf32, #tpu.memory_space<vmem>> -> memref<1x64x128xf32, #tpu.memory_space<vmem>>
      %dma_start3A_1451 = tpu.memref_squeeze %dma_start3A_1450 : memref<1x64x128xf32, #tpu.memory_space<vmem>> -> memref<64x128xf32, #tpu.memory_space<vmem>>
      %dma_start3A_1452 = arith.constant 0 : i32
      %dma_start3A_1453 = tpu.memref_slice %arg3[%dma_start3A_1452, %mul3A_1446] : memref<64x1000000xf32, #tpu.memory_space<hbm>> -> memref<64x128xf32, #tpu.memory_space<hbm>>
      %dma_start3A_1454 = arith.constant 0 : i32
      %dma_start3A_1455 = arith.constant 0 : i32
      %dma_start3A_1456 = tpu.memref_slice %arg6[%dma_start3A_1447, %dma_start3A_1454, %dma_start3A_1455] : memref<8x64x128xf32, #tpu.memory_space<vmem>> -> memref<1x64x128xf32, #tpu.memory_space<vmem>>
      %dma_start3A_1457 = tpu.memref_squeeze %dma_start3A_1456 : memref<1x64x128xf32, #tpu.memory_space<vmem>> -> memref<64x128xf32, #tpu.memory_space<vmem>>
      %dma_start3A_1458 = arith.constant 0 : i32
      %dma_start3A_1459 = tpu.memref_slice %arg3[%dma_start3A_1458, %mul3A_1446] : memref<64x1000000xf32, #tpu.memory_space<hbm>> -> memref<64x128xf32, #tpu.memory_space<hbm>>
      tpu.enqueue_dma source(%dma_start3A_1459 : memref<64x128xf32, #tpu.memory_space<hbm>>) target(%dma_start3A_1457 : memref<64x128xf32, #tpu.memory_space<vmem>>) target_semaphore(%arg8 : memref<!tpu.dma_semaphore, #tpu.memory_space<semaphore_mem>>)
      %add3A_1460 = arith.constant 8 : i32
      %add3A_1461 = arith.addi %mul3A_935, %add3A_1460 : i32
      %add3A_1462 = arith.constant 2 : i32
      %add3A_1463 = arith.addi %add3A_1461, %add3A_1462 : i32
      %add3A_1464 = arith.addi %mul3A_2, %add3A_1463 : i32
      %broadcast_in_dim3A_1465 = vector.broadcast %add3A_1464 : i32 to vector<16xi32>
      %gather3A_1466 = tpu.vector_load_idx %arg5[%broadcast_in_dim3A_1465] : memref<4096xi32, #tpu.memory_space<vmem>>[vector<16xi32>], vector<16xi32>,
      %reduce_max3A_1467 = arith.constant true
      %reduce_max3A_1468 = vector.broadcast %reduce_max3A_1467 : i1 to vector<16xi1>
      %reduce_max3A_1469 = arith.constant -2147483648 : i32
      %reduce_max3A_1470 = vector.broadcast %reduce_max3A_1469 : i32 to vector<16xi32>
      %reduce_max3A_1471 = arith.xori %gather3A_1466, %reduce_max3A_1470 : vector<16xi32>
      %reduce_max3A_1472 = tpu.scan <max>, %reduce_max3A_1471 masked %reduce_max3A_1468 : vector<16xi32>, vector<16xi1> -> vector<16xi32>
      %reduce_max3A_1473 = arith.xori %reduce_max3A_1472, %reduce_max3A_1470 : vector<16xi32>
      %reduce_max3A_1474 = vector.extract %reduce_max3A_1473[15] : i32 from vector<16xi32>
      %shift_right_arithmetic3A_1475 = arith.constant 7 : i32
      %shift_right_arithmetic3A_1476 = arith.shrsi %reduce_max3A_1474, %shift_right_arithmetic3A_1475 : i32
      %and3A_1477 = arith.constant 127 : i32
      %and3A_1478 = arith.andi %reduce_max3A_1474, %and3A_1477 : i32
      %mul3A_1479 = arith.constant 128 : i32
      %mul3A_1480 = arith.muli %shift_right_arithmetic3A_1476, %mul3A_1479 : i32
      %dma_start3A_1481 = arith.constant 2 : i32
      %dma_start3A_1482 = arith.constant 0 : i32
      %dma_start3A_1483 = arith.constant 0 : i32
      %dma_start3A_1484 = tpu.memref_slice %arg6[%dma_start3A_1481, %dma_start3A_1482, %dma_start3A_1483] : memref<8x64x128xf32, #tpu.memory_space<vmem>> -> memref<1x64x128xf32, #tpu.memory_space<vmem>>
      %dma_start3A_1485 = tpu.memref_squeeze %dma_start3A_1484 : memref<1x64x128xf32, #tpu.memory_space<vmem>> -> memref<64x128xf32, #tpu.memory_space<vmem>>
      %dma_start3A_1486 = arith.constant 0 : i32
      %dma_start3A_1487 = tpu.memref_slice %arg3[%dma_start3A_1486, %mul3A_1480] : memref<64x1000000xf32, #tpu.memory_space<hbm>> -> memref<64x128xf32, #tpu.memory_space<hbm>>
      %dma_start3A_1488 = arith.constant 0 : i32
      %dma_start3A_1489 = arith.constant 0 : i32
      %dma_start3A_1490 = tpu.memref_slice %arg6[%dma_start3A_1481, %dma_start3A_1488, %dma_start3A_1489] : memref<8x64x128xf32, #tpu.memory_space<vmem>> -> memref<1x64x128xf32, #tpu.memory_space<vmem>>
      %dma_start3A_1491 = tpu.memref_squeeze %dma_start3A_1490 : memref<1x64x128xf32, #tpu.memory_space<vmem>> -> memref<64x128xf32, #tpu.memory_space<vmem>>
      %dma_start3A_1492 = arith.constant 0 : i32
      %dma_start3A_1493 = tpu.memref_slice %arg3[%dma_start3A_1492, %mul3A_1480] : memref<64x1000000xf32, #tpu.memory_space<hbm>> -> memref<64x128xf32, #tpu.memory_space<hbm>>
      tpu.enqueue_dma source(%dma_start3A_1493 : memref<64x128xf32, #tpu.memory_space<hbm>>) target(%dma_start3A_1491 : memref<64x128xf32, #tpu.memory_space<vmem>>) target_semaphore(%arg8 : memref<!tpu.dma_semaphore, #tpu.memory_space<semaphore_mem>>)
      %add3A_1494 = arith.constant 8 : i32
      %add3A_1495 = arith.addi %mul3A_935, %add3A_1494 : i32
      %add3A_1496 = arith.constant 3 : i32
      %add3A_1497 = arith.addi %add3A_1495, %add3A_1496 : i32
      %add3A_1498 = arith.addi %mul3A_2, %add3A_1497 : i32
      %broadcast_in_dim3A_1499 = vector.broadcast %add3A_1498 : i32 to vector<16xi32>
      %gather3A_1500 = tpu.vector_load_idx %arg5[%broadcast_in_dim3A_1499] : memref<4096xi32, #tpu.memory_space<vmem>>[vector<16xi32>], vector<16xi32>,
      %reduce_max3A_1501 = arith.constant true
      %reduce_max3A_1502 = vector.broadcast %reduce_max3A_1501 : i1 to vector<16xi1>
      %reduce_max3A_1503 = arith.constant -2147483648 : i32
      %reduce_max3A_1504 = vector.broadcast %reduce_max3A_1503 : i32 to vector<16xi32>
      %reduce_max3A_1505 = arith.xori %gather3A_1500, %reduce_max3A_1504 : vector<16xi32>
      %reduce_max3A_1506 = tpu.scan <max>, %reduce_max3A_1505 masked %reduce_max3A_1502 : vector<16xi32>, vector<16xi1> -> vector<16xi32>
      %reduce_max3A_1507 = arith.xori %reduce_max3A_1506, %reduce_max3A_1504 : vector<16xi32>
      %reduce_max3A_1508 = vector.extract %reduce_max3A_1507[15] : i32 from vector<16xi32>
      %shift_right_arithmetic3A_1509 = arith.constant 7 : i32
      %shift_right_arithmetic3A_1510 = arith.shrsi %reduce_max3A_1508, %shift_right_arithmetic3A_1509 : i32
      %and3A_1511 = arith.constant 127 : i32
      %and3A_1512 = arith.andi %reduce_max3A_1508, %and3A_1511 : i32
      %mul3A_1513 = arith.constant 128 : i32
      %mul3A_1514 = arith.muli %shift_right_arithmetic3A_1510, %mul3A_1513 : i32
      %dma_start3A_1515 = arith.constant 3 : i32
      %dma_start3A_1516 = arith.constant 0 : i32
      %dma_start3A_1517 = arith.constant 0 : i32
      %dma_start3A_1518 = tpu.memref_slice %arg6[%dma_start3A_1515, %dma_start3A_1516, %dma_start3A_1517] : memref<8x64x128xf32, #tpu.memory_space<vmem>> -> memref<1x64x128xf32, #tpu.memory_space<vmem>>
      %dma_start3A_1519 = tpu.memref_squeeze %dma_start3A_1518 : memref<1x64x128xf32, #tpu.memory_space<vmem>> -> memref<64x128xf32, #tpu.memory_space<vmem>>
      %dma_start3A_1520 = arith.constant 0 : i32
      %dma_start3A_1521 = tpu.memref_slice %arg3[%dma_start3A_1520, %mul3A_1514] : memref<64x1000000xf32, #tpu.memory_space<hbm>> -> memref<64x128xf32, #tpu.memory_space<hbm>>
      %dma_start3A_1522 = arith.constant 0 : i32
      %dma_start3A_1523 = arith.constant 0 : i32
      %dma_start3A_1524 = tpu.memref_slice %arg6[%dma_start3A_1515, %dma_start3A_1522, %dma_start3A_1523] : memref<8x64x128xf32, #tpu.memory_space<vmem>> -> memref<1x64x128xf32, #tpu.memory_space<vmem>>
      %dma_start3A_1525 = tpu.memref_squeeze %dma_start3A_1524 : memref<1x64x128xf32, #tpu.memory_space<vmem>> -> memref<64x128xf32, #tpu.memory_space<vmem>>
      %dma_start3A_1526 = arith.constant 0 : i32
      %dma_start3A_1527 = tpu.memref_slice %arg3[%dma_start3A_1526, %mul3A_1514] : memref<64x1000000xf32, #tpu.memory_space<hbm>> -> memref<64x128xf32, #tpu.memory_space<hbm>>
      tpu.enqueue_dma source(%dma_start3A_1527 : memref<64x128xf32, #tpu.memory_space<hbm>>) target(%dma_start3A_1525 : memref<64x128xf32, #tpu.memory_space<vmem>>) target_semaphore(%arg8 : memref<!tpu.dma_semaphore, #tpu.memory_space<semaphore_mem>>)
      %add3A_1528 = arith.constant 4 : i32
      %add3A_1529 = arith.addi %mul3A_935, %add3A_1528 : i32
      %dma_wait3A_1530 = arith.constant 4 : i32
      %dma_wait3A_1531 = arith.constant 0 : i32
      %dma_wait3A_1532 = arith.constant 0 : i32
      %dma_wait3A_1533 = tpu.memref_slice %arg6[%dma_wait3A_1530, %dma_wait3A_1531, %dma_wait3A_1532] : memref<8x64x128xf32, #tpu.memory_space<vmem>> -> memref<1x64x128xf32, #tpu.memory_space<vmem>>
      %dma_wait3A_1534 = tpu.memref_squeeze %dma_wait3A_1533 : memref<1x64x128xf32, #tpu.memory_space<vmem>> -> memref<64x128xf32, #tpu.memory_space<vmem>>
      %dma_wait3A_1535 = arith.constant 0 : i32
      %dma_wait3A_1536 = arith.constant 0 : i32
      %dma_wait3A_1537 = tpu.memref_slice %arg3[%dma_wait3A_1535, %dma_wait3A_1536] : memref<64x1000000xf32, #tpu.memory_space<hbm>> -> memref<64x128xf32, #tpu.memory_space<hbm>>
      %dma_wait3A_1538 = arith.constant 0 : i32
      %dma_wait3A_1539 = arith.constant 0 : i32
      %dma_wait3A_1540 = tpu.memref_slice %arg6[%dma_wait3A_1530, %dma_wait3A_1538, %dma_wait3A_1539] : memref<8x64x128xf32, #tpu.memory_space<vmem>> -> memref<1x64x128xf32, #tpu.memory_space<vmem>>
      %dma_wait3A_1541 = tpu.memref_squeeze %dma_wait3A_1540 : memref<1x64x128xf32, #tpu.memory_space<vmem>> -> memref<64x128xf32, #tpu.memory_space<vmem>>
      %dma_wait3A_1542 = arith.constant 0 : i32
      %dma_wait3A_1543 = arith.constant 0 : i32
      %dma_wait3A_1544 = tpu.memref_slice %arg3[%dma_wait3A_1542, %dma_wait3A_1543] : memref<64x1000000xf32, #tpu.memory_space<hbm>> -> memref<64x128xf32, #tpu.memory_space<hbm>>
      tpu.wait_dma2 semaphore(%arg9 : memref<!tpu.dma_semaphore, #tpu.memory_space<semaphore_mem>>) src(%dma_wait3A_1544 : memref<64x128xf32, #tpu.memory_space<hbm>>) dst(%dma_wait3A_1541 : memref<64x128xf32, #tpu.memory_space<vmem>>)
      %dma_wait3A_1545 = arith.constant 5 : i32
      %dma_wait3A_1546 = arith.constant 0 : i32
      %dma_wait3A_1547 = arith.constant 0 : i32
      %dma_wait3A_1548 = tpu.memref_slice %arg6[%dma_wait3A_1545, %dma_wait3A_1546, %dma_wait3A_1547] : memref<8x64x128xf32, #tpu.memory_space<vmem>> -> memref<1x64x128xf32, #tpu.memory_space<vmem>>
      %dma_wait3A_1549 = tpu.memref_squeeze %dma_wait3A_1548 : memref<1x64x128xf32, #tpu.memory_space<vmem>> -> memref<64x128xf32, #tpu.memory_space<vmem>>
      %dma_wait3A_1550 = arith.constant 0 : i32
      %dma_wait3A_1551 = arith.constant 0 : i32
      %dma_wait3A_1552 = tpu.memref_slice %arg3[%dma_wait3A_1550, %dma_wait3A_1551] : memref<64x1000000xf32, #tpu.memory_space<hbm>> -> memref<64x128xf32, #tpu.memory_space<hbm>>
      %dma_wait3A_1553 = arith.constant 0 : i32
      %dma_wait3A_1554 = arith.constant 0 : i32
      %dma_wait3A_1555 = tpu.memref_slice %arg6[%dma_wait3A_1545, %dma_wait3A_1553, %dma_wait3A_1554] : memref<8x64x128xf32, #tpu.memory_space<vmem>> -> memref<1x64x128xf32, #tpu.memory_space<vmem>>
      %dma_wait3A_1556 = tpu.memref_squeeze %dma_wait3A_1555 : memref<1x64x128xf32, #tpu.memory_space<vmem>> -> memref<64x128xf32, #tpu.memory_space<vmem>>
      %dma_wait3A_1557 = arith.constant 0 : i32
      %dma_wait3A_1558 = arith.constant 0 : i32
      %dma_wait3A_1559 = tpu.memref_slice %arg3[%dma_wait3A_1557, %dma_wait3A_1558] : memref<64x1000000xf32, #tpu.memory_space<hbm>> -> memref<64x128xf32, #tpu.memory_space<hbm>>
      tpu.wait_dma2 semaphore(%arg9 : memref<!tpu.dma_semaphore, #tpu.memory_space<semaphore_mem>>) src(%dma_wait3A_1559 : memref<64x128xf32, #tpu.memory_space<hbm>>) dst(%dma_wait3A_1556 : memref<64x128xf32, #tpu.memory_space<vmem>>)
      %dma_wait3A_1560 = arith.constant 6 : i32
      %dma_wait3A_1561 = arith.constant 0 : i32
      %dma_wait3A_1562 = arith.constant 0 : i32
      %dma_wait3A_1563 = tpu.memref_slice %arg6[%dma_wait3A_1560, %dma_wait3A_1561, %dma_wait3A_1562] : memref<8x64x128xf32, #tpu.memory_space<vmem>> -> memref<1x64x128xf32, #tpu.memory_space<vmem>>
      %dma_wait3A_1564 = tpu.memref_squeeze %dma_wait3A_1563 : memref<1x64x128xf32, #tpu.memory_space<vmem>> -> memref<64x128xf32, #tpu.memory_space<vmem>>
      %dma_wait3A_1565 = arith.constant 0 : i32
      %dma_wait3A_1566 = arith.constant 0 : i32
      %dma_wait3A_1567 = tpu.memref_slice %arg3[%dma_wait3A_1565, %dma_wait3A_1566] : memref<64x1000000xf32, #tpu.memory_space<hbm>> -> memref<64x128xf32, #tpu.memory_space<hbm>>
      %dma_wait3A_1568 = arith.constant 0 : i32
      %dma_wait3A_1569 = arith.constant 0 : i32
      %dma_wait3A_1570 = tpu.memref_slice %arg6[%dma_wait3A_1560, %dma_wait3A_1568, %dma_wait3A_1569] : memref<8x64x128xf32, #tpu.memory_space<vmem>> -> memref<1x64x128xf32, #tpu.memory_space<vmem>>
      %dma_wait3A_1571 = tpu.memref_squeeze %dma_wait3A_1570 : memref<1x64x128xf32, #tpu.memory_space<vmem>> -> memref<64x128xf32, #tpu.memory_space<vmem>>
      %dma_wait3A_1572 = arith.constant 0 : i32
      %dma_wait3A_1573 = arith.constant 0 : i32
      %dma_wait3A_1574 = tpu.memref_slice %arg3[%dma_wait3A_1572, %dma_wait3A_1573] : memref<64x1000000xf32, #tpu.memory_space<hbm>> -> memref<64x128xf32, #tpu.memory_space<hbm>>
      tpu.wait_dma2 semaphore(%arg9 : memref<!tpu.dma_semaphore, #tpu.memory_space<semaphore_mem>>) src(%dma_wait3A_1574 : memref<64x128xf32, #tpu.memory_space<hbm>>) dst(%dma_wait3A_1571 : memref<64x128xf32, #tpu.memory_space<vmem>>)
      %dma_wait3A_1575 = arith.constant 7 : i32
      %dma_wait3A_1576 = arith.constant 0 : i32
      %dma_wait3A_1577 = arith.constant 0 : i32
      %dma_wait3A_1578 = tpu.memref_slice %arg6[%dma_wait3A_1575, %dma_wait3A_1576, %dma_wait3A_1577] : memref<8x64x128xf32, #tpu.memory_space<vmem>> -> memref<1x64x128xf32, #tpu.memory_space<vmem>>
      %dma_wait3A_1579 = tpu.memref_squeeze %dma_wait3A_1578 : memref<1x64x128xf32, #tpu.memory_space<vmem>> -> memref<64x128xf32, #tpu.memory_space<vmem>>
      %dma_wait3A_1580 = arith.constant 0 : i32
      %dma_wait3A_1581 = arith.constant 0 : i32
      %dma_wait3A_1582 = tpu.memref_slice %arg3[%dma_wait3A_1580, %dma_wait3A_1581] : memref<64x1000000xf32, #tpu.memory_space<hbm>> -> memref<64x128xf32, #tpu.memory_space<hbm>>
      %dma_wait3A_1583 = arith.constant 0 : i32
      %dma_wait3A_1584 = arith.constant 0 : i32
      %dma_wait3A_1585 = tpu.memref_slice %arg6[%dma_wait3A_1575, %dma_wait3A_1583, %dma_wait3A_1584] : memref<8x64x128xf32, #tpu.memory_space<vmem>> -> memref<1x64x128xf32, #tpu.memory_space<vmem>>
      %dma_wait3A_1586 = tpu.memref_squeeze %dma_wait3A_1585 : memref<1x64x128xf32, #tpu.memory_space<vmem>> -> memref<64x128xf32, #tpu.memory_space<vmem>>
      %dma_wait3A_1587 = arith.constant 0 : i32
      %dma_wait3A_1588 = arith.constant 0 : i32
      %dma_wait3A_1589 = tpu.memref_slice %arg3[%dma_wait3A_1587, %dma_wait3A_1588] : memref<64x1000000xf32, #tpu.memory_space<hbm>> -> memref<64x128xf32, #tpu.memory_space<hbm>>
      tpu.wait_dma2 semaphore(%arg9 : memref<!tpu.dma_semaphore, #tpu.memory_space<semaphore_mem>>) src(%dma_wait3A_1589 : memref<64x128xf32, #tpu.memory_space<hbm>>) dst(%dma_wait3A_1586 : memref<64x128xf32, #tpu.memory_space<vmem>>)
      %add3A_1590 = arith.constant 0 : i32
      %add3A_1591 = arith.addi %add3A_1529, %add3A_1590 : i32
      %add3A_1592 = arith.addi %mul3A_2, %add3A_1591 : i32
      %broadcast_in_dim3A_1593 = vector.broadcast %add3A_1592 : i32 to vector<16xi32>
      %gather3A_1594 = tpu.vector_load_idx %arg5[%broadcast_in_dim3A_1593] : memref<4096xi32, #tpu.memory_space<vmem>>[vector<16xi32>], vector<16xi32>,
      %reduce_max3A_1595 = arith.constant true
      %reduce_max3A_1596 = vector.broadcast %reduce_max3A_1595 : i1 to vector<16xi1>
      %reduce_max3A_1597 = arith.constant -2147483648 : i32
      %reduce_max3A_1598 = vector.broadcast %reduce_max3A_1597 : i32 to vector<16xi32>
      %reduce_max3A_1599 = arith.xori %gather3A_1594, %reduce_max3A_1598 : vector<16xi32>
      %reduce_max3A_1600 = tpu.scan <max>, %reduce_max3A_1599 masked %reduce_max3A_1596 : vector<16xi32>, vector<16xi1> -> vector<16xi32>
      %reduce_max3A_1601 = arith.xori %reduce_max3A_1600, %reduce_max3A_1598 : vector<16xi32>
      %reduce_max3A_1602 = vector.extract %reduce_max3A_1601[15] : i32 from vector<16xi32>
      %shift_right_arithmetic3A_1603 = arith.constant 7 : i32
      %shift_right_arithmetic3A_1604 = arith.shrsi %reduce_max3A_1602, %shift_right_arithmetic3A_1603 : i32
      %and3A_1605 = arith.constant 127 : i32
      %and3A_1606 = arith.andi %reduce_max3A_1602, %and3A_1605 : i32
      %iota3A_1607 = tpu.iota {dimensions = array<i32: 0>} : vector<16xi32>
      %broadcast_in_dim3A_1608 = vector.broadcast %and3A_1606 : i32 to vector<16xi32>
      %add3A_1609 = arith.constant 0 : i32
      %add3A_1610 = vector.broadcast %add3A_1609 : i32 to vector<16xi32>
      %add3A_1611 = arith.addi %iota3A_1607, %add3A_1610 : vector<16xi32>
      %gather3A_1612 = arith.constant 4 : i32
      %gather3A_1613 = arith.constant 0 : i32
      %gather3A_1614 = arith.constant 0 : i32
      %gather3A_1615 = tpu.memref_slice %arg6[%gather3A_1612, %gather3A_1613, %gather3A_1614] : memref<8x64x128xf32, #tpu.memory_space<vmem>> -> memref<1x64x128xf32, #tpu.memory_space<vmem>>
      %gather3A_1616 = tpu.memref_squeeze %gather3A_1615 : memref<1x64x128xf32, #tpu.memory_space<vmem>> -> memref<64x128xf32, #tpu.memory_space<vmem>>
      %gather3A_1617 = tpu.vector_load_idx %gather3A_1616[%add3A_1611, %broadcast_in_dim3A_1608] : memref<64x128xf32, #tpu.memory_space<vmem>>[vector<16xi32>, vector<16xi32>], vector<16xf32>,
      %shift_right_arithmetic3A_1618 = arith.constant 1 : i32
      %shift_right_arithmetic3A_1619 = arith.shrsi %add3A_1591, %shift_right_arithmetic3A_1618 : i32
      %and3A_1620 = arith.constant 1 : i32
      %and3A_1621 = arith.andi %add3A_1591, %and3A_1620 : i32
      %mul3A_1622 = arith.constant 64 : i32
      %mul3A_1623 = arith.muli %and3A_1621, %mul3A_1622 : i32
      %add3A_1624 = arith.constant 0 : i32
      %add3A_1625 = arith.addi %mul3A_1623, %add3A_1624 : i32
      %swap3A_1626 = arith.index_cast %shift_right_arithmetic3A_1619 : i32 to index
      %swap3A_1627 = arith.index_cast %add3A_1625 : i32 to index
      %swap3A_1628 = tpu.vector_load %arg7[%swap3A_1626, %swap3A_1627] {strides = array<i32>} : memref<64x128xf32, #tpu.memory_space<vmem>>, vector<16xf32>,
      tpu.vector_store %arg7[%swap3A_1626, %swap3A_1627], %gather3A_1617 {strides = array<i32>} : memref<64x128xf32, #tpu.memory_space<vmem>>, vector<16xf32>,
      %add3A_1629 = arith.constant 16 : i32
      %add3A_1630 = vector.broadcast %add3A_1629 : i32 to vector<16xi32>
      %add3A_1631 = arith.addi %iota3A_1607, %add3A_1630 : vector<16xi32>
      %gather3A_1632 = arith.constant 4 : i32
      %gather3A_1633 = arith.constant 0 : i32
      %gather3A_1634 = arith.constant 0 : i32
      %gather3A_1635 = tpu.memref_slice %arg6[%gather3A_1632, %gather3A_1633, %gather3A_1634] : memref<8x64x128xf32, #tpu.memory_space<vmem>> -> memref<1x64x128xf32, #tpu.memory_space<vmem>>
      %gather3A_1636 = tpu.memref_squeeze %gather3A_1635 : memref<1x64x128xf32, #tpu.memory_space<vmem>> -> memref<64x128xf32, #tpu.memory_space<vmem>>
      %gather3A_1637 = tpu.vector_load_idx %gather3A_1636[%add3A_1631, %broadcast_in_dim3A_1608] : memref<64x128xf32, #tpu.memory_space<vmem>>[vector<16xi32>, vector<16xi32>], vector<16xf32>,
      %shift_right_arithmetic3A_1638 = arith.constant 1 : i32
      %shift_right_arithmetic3A_1639 = arith.shrsi %add3A_1591, %shift_right_arithmetic3A_1638 : i32
      %and3A_1640 = arith.constant 1 : i32
      %and3A_1641 = arith.andi %add3A_1591, %and3A_1640 : i32
      %mul3A_1642 = arith.constant 64 : i32
      %mul3A_1643 = arith.muli %and3A_1641, %mul3A_1642 : i32
      %add3A_1644 = arith.constant 16 : i32
      %add3A_1645 = arith.addi %mul3A_1643, %add3A_1644 : i32
      %swap3A_1646 = arith.index_cast %shift_right_arithmetic3A_1639 : i32 to index
      %swap3A_1647 = arith.index_cast %add3A_1645 : i32 to index
      %swap3A_1648 = tpu.vector_load %arg7[%swap3A_1646, %swap3A_1647] {strides = array<i32>} : memref<64x128xf32, #tpu.memory_space<vmem>>, vector<16xf32>,
      tpu.vector_store %arg7[%swap3A_1646, %swap3A_1647], %gather3A_1637 {strides = array<i32>} : memref<64x128xf32, #tpu.memory_space<vmem>>, vector<16xf32>,
      %add3A_1649 = arith.constant 32 : i32
      %add3A_1650 = vector.broadcast %add3A_1649 : i32 to vector<16xi32>
      %add3A_1651 = arith.addi %iota3A_1607, %add3A_1650 : vector<16xi32>
      %gather3A_1652 = arith.constant 4 : i32
      %gather3A_1653 = arith.constant 0 : i32
      %gather3A_1654 = arith.constant 0 : i32
      %gather3A_1655 = tpu.memref_slice %arg6[%gather3A_1652, %gather3A_1653, %gather3A_1654] : memref<8x64x128xf32, #tpu.memory_space<vmem>> -> memref<1x64x128xf32, #tpu.memory_space<vmem>>
      %gather3A_1656 = tpu.memref_squeeze %gather3A_1655 : memref<1x64x128xf32, #tpu.memory_space<vmem>> -> memref<64x128xf32, #tpu.memory_space<vmem>>
      %gather3A_1657 = tpu.vector_load_idx %gather3A_1656[%add3A_1651, %broadcast_in_dim3A_1608] : memref<64x128xf32, #tpu.memory_space<vmem>>[vector<16xi32>, vector<16xi32>], vector<16xf32>,
      %shift_right_arithmetic3A_1658 = arith.constant 1 : i32
      %shift_right_arithmetic3A_1659 = arith.shrsi %add3A_1591, %shift_right_arithmetic3A_1658 : i32
      %and3A_1660 = arith.constant 1 : i32
      %and3A_1661 = arith.andi %add3A_1591, %and3A_1660 : i32
      %mul3A_1662 = arith.constant 64 : i32
      %mul3A_1663 = arith.muli %and3A_1661, %mul3A_1662 : i32
      %add3A_1664 = arith.constant 32 : i32
      %add3A_1665 = arith.addi %mul3A_1663, %add3A_1664 : i32
      %swap3A_1666 = arith.index_cast %shift_right_arithmetic3A_1659 : i32 to index
      %swap3A_1667 = arith.index_cast %add3A_1665 : i32 to index
      %swap3A_1668 = tpu.vector_load %arg7[%swap3A_1666, %swap3A_1667] {strides = array<i32>} : memref<64x128xf32, #tpu.memory_space<vmem>>, vector<16xf32>,
      tpu.vector_store %arg7[%swap3A_1666, %swap3A_1667], %gather3A_1657 {strides = array<i32>} : memref<64x128xf32, #tpu.memory_space<vmem>>, vector<16xf32>,
      %add3A_1669 = arith.constant 48 : i32
      %add3A_1670 = vector.broadcast %add3A_1669 : i32 to vector<16xi32>
      %add3A_1671 = arith.addi %iota3A_1607, %add3A_1670 : vector<16xi32>
      %gather3A_1672 = arith.constant 4 : i32
      %gather3A_1673 = arith.constant 0 : i32
      %gather3A_1674 = arith.constant 0 : i32
      %gather3A_1675 = tpu.memref_slice %arg6[%gather3A_1672, %gather3A_1673, %gather3A_1674] : memref<8x64x128xf32, #tpu.memory_space<vmem>> -> memref<1x64x128xf32, #tpu.memory_space<vmem>>
      %gather3A_1676 = tpu.memref_squeeze %gather3A_1675 : memref<1x64x128xf32, #tpu.memory_space<vmem>> -> memref<64x128xf32, #tpu.memory_space<vmem>>
      %gather3A_1677 = tpu.vector_load_idx %gather3A_1676[%add3A_1671, %broadcast_in_dim3A_1608] : memref<64x128xf32, #tpu.memory_space<vmem>>[vector<16xi32>, vector<16xi32>], vector<16xf32>,
      %shift_right_arithmetic3A_1678 = arith.constant 1 : i32
      %shift_right_arithmetic3A_1679 = arith.shrsi %add3A_1591, %shift_right_arithmetic3A_1678 : i32
      %and3A_1680 = arith.constant 1 : i32
      %and3A_1681 = arith.andi %add3A_1591, %and3A_1680 : i32
      %mul3A_1682 = arith.constant 64 : i32
      %mul3A_1683 = arith.muli %and3A_1681, %mul3A_1682 : i32
      %add3A_1684 = arith.constant 48 : i32
      %add3A_1685 = arith.addi %mul3A_1683, %add3A_1684 : i32
      %swap3A_1686 = arith.index_cast %shift_right_arithmetic3A_1679 : i32 to index
      %swap3A_1687 = arith.index_cast %add3A_1685 : i32 to index
      %swap3A_1688 = tpu.vector_load %arg7[%swap3A_1686, %swap3A_1687] {strides = array<i32>} : memref<64x128xf32, #tpu.memory_space<vmem>>, vector<16xf32>,
      tpu.vector_store %arg7[%swap3A_1686, %swap3A_1687], %gather3A_1677 {strides = array<i32>} : memref<64x128xf32, #tpu.memory_space<vmem>>, vector<16xf32>,
      %add3A_1689 = arith.constant 1 : i32
      %add3A_1690 = arith.addi %add3A_1529, %add3A_1689 : i32
      %add3A_1691 = arith.addi %mul3A_2, %add3A_1690 : i32
      %broadcast_in_dim3A_1692 = vector.broadcast %add3A_1691 : i32 to vector<16xi32>
      %gather3A_1693 = tpu.vector_load_idx %arg5[%broadcast_in_dim3A_1692] : memref<4096xi32, #tpu.memory_space<vmem>>[vector<16xi32>], vector<16xi32>,
      %reduce_max3A_1694 = arith.constant true
      %reduce_max3A_1695 = vector.broadcast %reduce_max3A_1694 : i1 to vector<16xi1>
      %reduce_max3A_1696 = arith.constant -2147483648 : i32
      %reduce_max3A_1697 = vector.broadcast %reduce_max3A_1696 : i32 to vector<16xi32>
      %reduce_max3A_1698 = arith.xori %gather3A_1693, %reduce_max3A_1697 : vector<16xi32>
      %reduce_max3A_1699 = tpu.scan <max>, %reduce_max3A_1698 masked %reduce_max3A_1695 : vector<16xi32>, vector<16xi1> -> vector<16xi32>
      %reduce_max3A_1700 = arith.xori %reduce_max3A_1699, %reduce_max3A_1697 : vector<16xi32>
      %reduce_max3A_1701 = vector.extract %reduce_max3A_1700[15] : i32 from vector<16xi32>
      %shift_right_arithmetic3A_1702 = arith.constant 7 : i32
      %shift_right_arithmetic3A_1703 = arith.shrsi %reduce_max3A_1701, %shift_right_arithmetic3A_1702 : i32
      %and3A_1704 = arith.constant 127 : i32
      %and3A_1705 = arith.andi %reduce_max3A_1701, %and3A_1704 : i32
      %iota3A_1706 = tpu.iota {dimensions = array<i32: 0>} : vector<16xi32>
      %broadcast_in_dim3A_1707 = vector.broadcast %and3A_1705 : i32 to vector<16xi32>
      %add3A_1708 = arith.constant 0 : i32
      %add3A_1709 = vector.broadcast %add3A_1708 : i32 to vector<16xi32>
      %add3A_1710 = arith.addi %iota3A_1706, %add3A_1709 : vector<16xi32>
      %gather3A_1711 = arith.constant 5 : i32
      %gather3A_1712 = arith.constant 0 : i32
      %gather3A_1713 = arith.constant 0 : i32
      %gather3A_1714 = tpu.memref_slice %arg6[%gather3A_1711, %gather3A_1712, %gather3A_1713] : memref<8x64x128xf32, #tpu.memory_space<vmem>> -> memref<1x64x128xf32, #tpu.memory_space<vmem>>
      %gather3A_1715 = tpu.memref_squeeze %gather3A_1714 : memref<1x64x128xf32, #tpu.memory_space<vmem>> -> memref<64x128xf32, #tpu.memory_space<vmem>>
      %gather3A_1716 = tpu.vector_load_idx %gather3A_1715[%add3A_1710, %broadcast_in_dim3A_1707] : memref<64x128xf32, #tpu.memory_space<vmem>>[vector<16xi32>, vector<16xi32>], vector<16xf32>,
      %shift_right_arithmetic3A_1717 = arith.constant 1 : i32
      %shift_right_arithmetic3A_1718 = arith.shrsi %add3A_1690, %shift_right_arithmetic3A_1717 : i32
      %and3A_1719 = arith.constant 1 : i32
      %and3A_1720 = arith.andi %add3A_1690, %and3A_1719 : i32
      %mul3A_1721 = arith.constant 64 : i32
      %mul3A_1722 = arith.muli %and3A_1720, %mul3A_1721 : i32
      %add3A_1723 = arith.constant 0 : i32
      %add3A_1724 = arith.addi %mul3A_1722, %add3A_1723 : i32
      %swap3A_1725 = arith.index_cast %shift_right_arithmetic3A_1718 : i32 to index
      %swap3A_1726 = arith.index_cast %add3A_1724 : i32 to index
      %swap3A_1727 = tpu.vector_load %arg7[%swap3A_1725, %swap3A_1726] {strides = array<i32>} : memref<64x128xf32, #tpu.memory_space<vmem>>, vector<16xf32>,
      tpu.vector_store %arg7[%swap3A_1725, %swap3A_1726], %gather3A_1716 {strides = array<i32>} : memref<64x128xf32, #tpu.memory_space<vmem>>, vector<16xf32>,
      %add3A_1728 = arith.constant 16 : i32
      %add3A_1729 = vector.broadcast %add3A_1728 : i32 to vector<16xi32>
      %add3A_1730 = arith.addi %iota3A_1706, %add3A_1729 : vector<16xi32>
      %gather3A_1731 = arith.constant 5 : i32
      %gather3A_1732 = arith.constant 0 : i32
      %gather3A_1733 = arith.constant 0 : i32
      %gather3A_1734 = tpu.memref_slice %arg6[%gather3A_1731, %gather3A_1732, %gather3A_1733] : memref<8x64x128xf32, #tpu.memory_space<vmem>> -> memref<1x64x128xf32, #tpu.memory_space<vmem>>
      %gather3A_1735 = tpu.memref_squeeze %gather3A_1734 : memref<1x64x128xf32, #tpu.memory_space<vmem>> -> memref<64x128xf32, #tpu.memory_space<vmem>>
      %gather3A_1736 = tpu.vector_load_idx %gather3A_1735[%add3A_1730, %broadcast_in_dim3A_1707] : memref<64x128xf32, #tpu.memory_space<vmem>>[vector<16xi32>, vector<16xi32>], vector<16xf32>,
      %shift_right_arithmetic3A_1737 = arith.constant 1 : i32
      %shift_right_arithmetic3A_1738 = arith.shrsi %add3A_1690, %shift_right_arithmetic3A_1737 : i32
      %and3A_1739 = arith.constant 1 : i32
      %and3A_1740 = arith.andi %add3A_1690, %and3A_1739 : i32
      %mul3A_1741 = arith.constant 64 : i32
      %mul3A_1742 = arith.muli %and3A_1740, %mul3A_1741 : i32
      %add3A_1743 = arith.constant 16 : i32
      %add3A_1744 = arith.addi %mul3A_1742, %add3A_1743 : i32
      %swap3A_1745 = arith.index_cast %shift_right_arithmetic3A_1738 : i32 to index
      %swap3A_1746 = arith.index_cast %add3A_1744 : i32 to index
      %swap3A_1747 = tpu.vector_load %arg7[%swap3A_1745, %swap3A_1746] {strides = array<i32>} : memref<64x128xf32, #tpu.memory_space<vmem>>, vector<16xf32>,
      tpu.vector_store %arg7[%swap3A_1745, %swap3A_1746], %gather3A_1736 {strides = array<i32>} : memref<64x128xf32, #tpu.memory_space<vmem>>, vector<16xf32>,
      %add3A_1748 = arith.constant 32 : i32
      %add3A_1749 = vector.broadcast %add3A_1748 : i32 to vector<16xi32>
      %add3A_1750 = arith.addi %iota3A_1706, %add3A_1749 : vector<16xi32>
      %gather3A_1751 = arith.constant 5 : i32
      %gather3A_1752 = arith.constant 0 : i32
      %gather3A_1753 = arith.constant 0 : i32
      %gather3A_1754 = tpu.memref_slice %arg6[%gather3A_1751, %gather3A_1752, %gather3A_1753] : memref<8x64x128xf32, #tpu.memory_space<vmem>> -> memref<1x64x128xf32, #tpu.memory_space<vmem>>
      %gather3A_1755 = tpu.memref_squeeze %gather3A_1754 : memref<1x64x128xf32, #tpu.memory_space<vmem>> -> memref<64x128xf32, #tpu.memory_space<vmem>>
      %gather3A_1756 = tpu.vector_load_idx %gather3A_1755[%add3A_1750, %broadcast_in_dim3A_1707] : memref<64x128xf32, #tpu.memory_space<vmem>>[vector<16xi32>, vector<16xi32>], vector<16xf32>,
      %shift_right_arithmetic3A_1757 = arith.constant 1 : i32
      %shift_right_arithmetic3A_1758 = arith.shrsi %add3A_1690, %shift_right_arithmetic3A_1757 : i32
      %and3A_1759 = arith.constant 1 : i32
      %and3A_1760 = arith.andi %add3A_1690, %and3A_1759 : i32
      %mul3A_1761 = arith.constant 64 : i32
      %mul3A_1762 = arith.muli %and3A_1760, %mul3A_1761 : i32
      %add3A_1763 = arith.constant 32 : i32
      %add3A_1764 = arith.addi %mul3A_1762, %add3A_1763 : i32
      %swap3A_1765 = arith.index_cast %shift_right_arithmetic3A_1758 : i32 to index
      %swap3A_1766 = arith.index_cast %add3A_1764 : i32 to index
      %swap3A_1767 = tpu.vector_load %arg7[%swap3A_1765, %swap3A_1766] {strides = array<i32>} : memref<64x128xf32, #tpu.memory_space<vmem>>, vector<16xf32>,
      tpu.vector_store %arg7[%swap3A_1765, %swap3A_1766], %gather3A_1756 {strides = array<i32>} : memref<64x128xf32, #tpu.memory_space<vmem>>, vector<16xf32>,
      %add3A_1768 = arith.constant 48 : i32
      %add3A_1769 = vector.broadcast %add3A_1768 : i32 to vector<16xi32>
      %add3A_1770 = arith.addi %iota3A_1706, %add3A_1769 : vector<16xi32>
      %gather3A_1771 = arith.constant 5 : i32
      %gather3A_1772 = arith.constant 0 : i32
      %gather3A_1773 = arith.constant 0 : i32
      %gather3A_1774 = tpu.memref_slice %arg6[%gather3A_1771, %gather3A_1772, %gather3A_1773] : memref<8x64x128xf32, #tpu.memory_space<vmem>> -> memref<1x64x128xf32, #tpu.memory_space<vmem>>
      %gather3A_1775 = tpu.memref_squeeze %gather3A_1774 : memref<1x64x128xf32, #tpu.memory_space<vmem>> -> memref<64x128xf32, #tpu.memory_space<vmem>>
      %gather3A_1776 = tpu.vector_load_idx %gather3A_1775[%add3A_1770, %broadcast_in_dim3A_1707] : memref<64x128xf32, #tpu.memory_space<vmem>>[vector<16xi32>, vector<16xi32>], vector<16xf32>,
      %shift_right_arithmetic3A_1777 = arith.constant 1 : i32
      %shift_right_arithmetic3A_1778 = arith.shrsi %add3A_1690, %shift_right_arithmetic3A_1777 : i32
      %and3A_1779 = arith.constant 1 : i32
      %and3A_1780 = arith.andi %add3A_1690, %and3A_1779 : i32
      %mul3A_1781 = arith.constant 64 : i32
      %mul3A_1782 = arith.muli %and3A_1780, %mul3A_1781 : i32
      %add3A_1783 = arith.constant 48 : i32
      %add3A_1784 = arith.addi %mul3A_1782, %add3A_1783 : i32
      %swap3A_1785 = arith.index_cast %shift_right_arithmetic3A_1778 : i32 to index
      %swap3A_1786 = arith.index_cast %add3A_1784 : i32 to index
      %swap3A_1787 = tpu.vector_load %arg7[%swap3A_1785, %swap3A_1786] {strides = array<i32>} : memref<64x128xf32, #tpu.memory_space<vmem>>, vector<16xf32>,
      tpu.vector_store %arg7[%swap3A_1785, %swap3A_1786], %gather3A_1776 {strides = array<i32>} : memref<64x128xf32, #tpu.memory_space<vmem>>, vector<16xf32>,
      %add3A_1788 = arith.constant 2 : i32
      %add3A_1789 = arith.addi %add3A_1529, %add3A_1788 : i32
      %add3A_1790 = arith.addi %mul3A_2, %add3A_1789 : i32
      %broadcast_in_dim3A_1791 = vector.broadcast %add3A_1790 : i32 to vector<16xi32>
      %gather3A_1792 = tpu.vector_load_idx %arg5[%broadcast_in_dim3A_1791] : memref<4096xi32, #tpu.memory_space<vmem>>[vector<16xi32>], vector<16xi32>,
      %reduce_max3A_1793 = arith.constant true
      %reduce_max3A_1794 = vector.broadcast %reduce_max3A_1793 : i1 to vector<16xi1>
      %reduce_max3A_1795 = arith.constant -2147483648 : i32
      %reduce_max3A_1796 = vector.broadcast %reduce_max3A_1795 : i32 to vector<16xi32>
      %reduce_max3A_1797 = arith.xori %gather3A_1792, %reduce_max3A_1796 : vector<16xi32>
      %reduce_max3A_1798 = tpu.scan <max>, %reduce_max3A_1797 masked %reduce_max3A_1794 : vector<16xi32>, vector<16xi1> -> vector<16xi32>
      %reduce_max3A_1799 = arith.xori %reduce_max3A_1798, %reduce_max3A_1796 : vector<16xi32>
      %reduce_max3A_1800 = vector.extract %reduce_max3A_1799[15] : i32 from vector<16xi32>
      %shift_right_arithmetic3A_1801 = arith.constant 7 : i32
      %shift_right_arithmetic3A_1802 = arith.shrsi %reduce_max3A_1800, %shift_right_arithmetic3A_1801 : i32
      %and3A_1803 = arith.constant 127 : i32
      %and3A_1804 = arith.andi %reduce_max3A_1800, %and3A_1803 : i32
      %iota3A_1805 = tpu.iota {dimensions = array<i32: 0>} : vector<16xi32>
      %broadcast_in_dim3A_1806 = vector.broadcast %and3A_1804 : i32 to vector<16xi32>
      %add3A_1807 = arith.constant 0 : i32
      %add3A_1808 = vector.broadcast %add3A_1807 : i32 to vector<16xi32>
      %add3A_1809 = arith.addi %iota3A_1805, %add3A_1808 : vector<16xi32>
      %gather3A_1810 = arith.constant 6 : i32
      %gather3A_1811 = arith.constant 0 : i32
      %gather3A_1812 = arith.constant 0 : i32
      %gather3A_1813 = tpu.memref_slice %arg6[%gather3A_1810, %gather3A_1811, %gather3A_1812] : memref<8x64x128xf32, #tpu.memory_space<vmem>> -> memref<1x64x128xf32, #tpu.memory_space<vmem>>
      %gather3A_1814 = tpu.memref_squeeze %gather3A_1813 : memref<1x64x128xf32, #tpu.memory_space<vmem>> -> memref<64x128xf32, #tpu.memory_space<vmem>>
      %gather3A_1815 = tpu.vector_load_idx %gather3A_1814[%add3A_1809, %broadcast_in_dim3A_1806] : memref<64x128xf32, #tpu.memory_space<vmem>>[vector<16xi32>, vector<16xi32>], vector<16xf32>,
      %shift_right_arithmetic3A_1816 = arith.constant 1 : i32
      %shift_right_arithmetic3A_1817 = arith.shrsi %add3A_1789, %shift_right_arithmetic3A_1816 : i32
      %and3A_1818 = arith.constant 1 : i32
      %and3A_1819 = arith.andi %add3A_1789, %and3A_1818 : i32
      %mul3A_1820 = arith.constant 64 : i32
      %mul3A_1821 = arith.muli %and3A_1819, %mul3A_1820 : i32
      %add3A_1822 = arith.constant 0 : i32
      %add3A_1823 = arith.addi %mul3A_1821, %add3A_1822 : i32
      %swap3A_1824 = arith.index_cast %shift_right_arithmetic3A_1817 : i32 to index
      %swap3A_1825 = arith.index_cast %add3A_1823 : i32 to index
      %swap3A_1826 = tpu.vector_load %arg7[%swap3A_1824, %swap3A_1825] {strides = array<i32>} : memref<64x128xf32, #tpu.memory_space<vmem>>, vector<16xf32>,
      tpu.vector_store %arg7[%swap3A_1824, %swap3A_1825], %gather3A_1815 {strides = array<i32>} : memref<64x128xf32, #tpu.memory_space<vmem>>, vector<16xf32>,
      %add3A_1827 = arith.constant 16 : i32
      %add3A_1828 = vector.broadcast %add3A_1827 : i32 to vector<16xi32>
      %add3A_1829 = arith.addi %iota3A_1805, %add3A_1828 : vector<16xi32>
      %gather3A_1830 = arith.constant 6 : i32
      %gather3A_1831 = arith.constant 0 : i32
      %gather3A_1832 = arith.constant 0 : i32
      %gather3A_1833 = tpu.memref_slice %arg6[%gather3A_1830, %gather3A_1831, %gather3A_1832] : memref<8x64x128xf32, #tpu.memory_space<vmem>> -> memref<1x64x128xf32, #tpu.memory_space<vmem>>
      %gather3A_1834 = tpu.memref_squeeze %gather3A_1833 : memref<1x64x128xf32, #tpu.memory_space<vmem>> -> memref<64x128xf32, #tpu.memory_space<vmem>>
      %gather3A_1835 = tpu.vector_load_idx %gather3A_1834[%add3A_1829, %broadcast_in_dim3A_1806] : memref<64x128xf32, #tpu.memory_space<vmem>>[vector<16xi32>, vector<16xi32>], vector<16xf32>,
      %shift_right_arithmetic3A_1836 = arith.constant 1 : i32
      %shift_right_arithmetic3A_1837 = arith.shrsi %add3A_1789, %shift_right_arithmetic3A_1836 : i32
      %and3A_1838 = arith.constant 1 : i32
      %and3A_1839 = arith.andi %add3A_1789, %and3A_1838 : i32
      %mul3A_1840 = arith.constant 64 : i32
      %mul3A_1841 = arith.muli %and3A_1839, %mul3A_1840 : i32
      %add3A_1842 = arith.constant 16 : i32
      %add3A_1843 = arith.addi %mul3A_1841, %add3A_1842 : i32
      %swap3A_1844 = arith.index_cast %shift_right_arithmetic3A_1837 : i32 to index
      %swap3A_1845 = arith.index_cast %add3A_1843 : i32 to index
      %swap3A_1846 = tpu.vector_load %arg7[%swap3A_1844, %swap3A_1845] {strides = array<i32>} : memref<64x128xf32, #tpu.memory_space<vmem>>, vector<16xf32>,
      tpu.vector_store %arg7[%swap3A_1844, %swap3A_1845], %gather3A_1835 {strides = array<i32>} : memref<64x128xf32, #tpu.memory_space<vmem>>, vector<16xf32>,
      %add3A_1847 = arith.constant 32 : i32
      %add3A_1848 = vector.broadcast %add3A_1847 : i32 to vector<16xi32>
      %add3A_1849 = arith.addi %iota3A_1805, %add3A_1848 : vector<16xi32>
      %gather3A_1850 = arith.constant 6 : i32
      %gather3A_1851 = arith.constant 0 : i32
      %gather3A_1852 = arith.constant 0 : i32
      %gather3A_1853 = tpu.memref_slice %arg6[%gather3A_1850, %gather3A_1851, %gather3A_1852] : memref<8x64x128xf32, #tpu.memory_space<vmem>> -> memref<1x64x128xf32, #tpu.memory_space<vmem>>
      %gather3A_1854 = tpu.memref_squeeze %gather3A_1853 : memref<1x64x128xf32, #tpu.memory_space<vmem>> -> memref<64x128xf32, #tpu.memory_space<vmem>>
      %gather3A_1855 = tpu.vector_load_idx %gather3A_1854[%add3A_1849, %broadcast_in_dim3A_1806] : memref<64x128xf32, #tpu.memory_space<vmem>>[vector<16xi32>, vector<16xi32>], vector<16xf32>,
      %shift_right_arithmetic3A_1856 = arith.constant 1 : i32
      %shift_right_arithmetic3A_1857 = arith.shrsi %add3A_1789, %shift_right_arithmetic3A_1856 : i32
      %and3A_1858 = arith.constant 1 : i32
      %and3A_1859 = arith.andi %add3A_1789, %and3A_1858 : i32
      %mul3A_1860 = arith.constant 64 : i32
      %mul3A_1861 = arith.muli %and3A_1859, %mul3A_1860 : i32
      %add3A_1862 = arith.constant 32 : i32
      %add3A_1863 = arith.addi %mul3A_1861, %add3A_1862 : i32
      %swap3A_1864 = arith.index_cast %shift_right_arithmetic3A_1857 : i32 to index
      %swap3A_1865 = arith.index_cast %add3A_1863 : i32 to index
      %swap3A_1866 = tpu.vector_load %arg7[%swap3A_1864, %swap3A_1865] {strides = array<i32>} : memref<64x128xf32, #tpu.memory_space<vmem>>, vector<16xf32>,
      tpu.vector_store %arg7[%swap3A_1864, %swap3A_1865], %gather3A_1855 {strides = array<i32>} : memref<64x128xf32, #tpu.memory_space<vmem>>, vector<16xf32>,
      %add3A_1867 = arith.constant 48 : i32
      %add3A_1868 = vector.broadcast %add3A_1867 : i32 to vector<16xi32>
      %add3A_1869 = arith.addi %iota3A_1805, %add3A_1868 : vector<16xi32>
      %gather3A_1870 = arith.constant 6 : i32
      %gather3A_1871 = arith.constant 0 : i32
      %gather3A_1872 = arith.constant 0 : i32
      %gather3A_1873 = tpu.memref_slice %arg6[%gather3A_1870, %gather3A_1871, %gather3A_1872] : memref<8x64x128xf32, #tpu.memory_space<vmem>> -> memref<1x64x128xf32, #tpu.memory_space<vmem>>
      %gather3A_1874 = tpu.memref_squeeze %gather3A_1873 : memref<1x64x128xf32, #tpu.memory_space<vmem>> -> memref<64x128xf32, #tpu.memory_space<vmem>>
      %gather3A_1875 = tpu.vector_load_idx %gather3A_1874[%add3A_1869, %broadcast_in_dim3A_1806] : memref<64x128xf32, #tpu.memory_space<vmem>>[vector<16xi32>, vector<16xi32>], vector<16xf32>,
      %shift_right_arithmetic3A_1876 = arith.constant 1 : i32
      %shift_right_arithmetic3A_1877 = arith.shrsi %add3A_1789, %shift_right_arithmetic3A_1876 : i32
      %and3A_1878 = arith.constant 1 : i32
      %and3A_1879 = arith.andi %add3A_1789, %and3A_1878 : i32
      %mul3A_1880 = arith.constant 64 : i32
      %mul3A_1881 = arith.muli %and3A_1879, %mul3A_1880 : i32
      %add3A_1882 = arith.constant 48 : i32
      %add3A_1883 = arith.addi %mul3A_1881, %add3A_1882 : i32
      %swap3A_1884 = arith.index_cast %shift_right_arithmetic3A_1877 : i32 to index
      %swap3A_1885 = arith.index_cast %add3A_1883 : i32 to index
      %swap3A_1886 = tpu.vector_load %arg7[%swap3A_1884, %swap3A_1885] {strides = array<i32>} : memref<64x128xf32, #tpu.memory_space<vmem>>, vector<16xf32>,
      tpu.vector_store %arg7[%swap3A_1884, %swap3A_1885], %gather3A_1875 {strides = array<i32>} : memref<64x128xf32, #tpu.memory_space<vmem>>, vector<16xf32>,
      %add3A_1887 = arith.constant 3 : i32
      %add3A_1888 = arith.addi %add3A_1529, %add3A_1887 : i32
      %add3A_1889 = arith.addi %mul3A_2, %add3A_1888 : i32
      %broadcast_in_dim3A_1890 = vector.broadcast %add3A_1889 : i32 to vector<16xi32>
      %gather3A_1891 = tpu.vector_load_idx %arg5[%broadcast_in_dim3A_1890] : memref<4096xi32, #tpu.memory_space<vmem>>[vector<16xi32>], vector<16xi32>,
      %reduce_max3A_1892 = arith.constant true
      %reduce_max3A_1893 = vector.broadcast %reduce_max3A_1892 : i1 to vector<16xi1>
      %reduce_max3A_1894 = arith.constant -2147483648 : i32
      %reduce_max3A_1895 = vector.broadcast %reduce_max3A_1894 : i32 to vector<16xi32>
      %reduce_max3A_1896 = arith.xori %gather3A_1891, %reduce_max3A_1895 : vector<16xi32>
      %reduce_max3A_1897 = tpu.scan <max>, %reduce_max3A_1896 masked %reduce_max3A_1893 : vector<16xi32>, vector<16xi1> -> vector<16xi32>
      %reduce_max3A_1898 = arith.xori %reduce_max3A_1897, %reduce_max3A_1895 : vector<16xi32>
      %reduce_max3A_1899 = vector.extract %reduce_max3A_1898[15] : i32 from vector<16xi32>
      %shift_right_arithmetic3A_1900 = arith.constant 7 : i32
      %shift_right_arithmetic3A_1901 = arith.shrsi %reduce_max3A_1899, %shift_right_arithmetic3A_1900 : i32
      %and3A_1902 = arith.constant 127 : i32
      %and3A_1903 = arith.andi %reduce_max3A_1899, %and3A_1902 : i32
      %iota3A_1904 = tpu.iota {dimensions = array<i32: 0>} : vector<16xi32>
      %broadcast_in_dim3A_1905 = vector.broadcast %and3A_1903 : i32 to vector<16xi32>
      %add3A_1906 = arith.constant 0 : i32
      %add3A_1907 = vector.broadcast %add3A_1906 : i32 to vector<16xi32>
      %add3A_1908 = arith.addi %iota3A_1904, %add3A_1907 : vector<16xi32>
      %gather3A_1909 = arith.constant 7 : i32
      %gather3A_1910 = arith.constant 0 : i32
      %gather3A_1911 = arith.constant 0 : i32
      %gather3A_1912 = tpu.memref_slice %arg6[%gather3A_1909, %gather3A_1910, %gather3A_1911] : memref<8x64x128xf32, #tpu.memory_space<vmem>> -> memref<1x64x128xf32, #tpu.memory_space<vmem>>
      %gather3A_1913 = tpu.memref_squeeze %gather3A_1912 : memref<1x64x128xf32, #tpu.memory_space<vmem>> -> memref<64x128xf32, #tpu.memory_space<vmem>>
      %gather3A_1914 = tpu.vector_load_idx %gather3A_1913[%add3A_1908, %broadcast_in_dim3A_1905] : memref<64x128xf32, #tpu.memory_space<vmem>>[vector<16xi32>, vector<16xi32>], vector<16xf32>,
      %shift_right_arithmetic3A_1915 = arith.constant 1 : i32
      %shift_right_arithmetic3A_1916 = arith.shrsi %add3A_1888, %shift_right_arithmetic3A_1915 : i32
      %and3A_1917 = arith.constant 1 : i32
      %and3A_1918 = arith.andi %add3A_1888, %and3A_1917 : i32
      %mul3A_1919 = arith.constant 64 : i32
      %mul3A_1920 = arith.muli %and3A_1918, %mul3A_1919 : i32
      %add3A_1921 = arith.constant 0 : i32
      %add3A_1922 = arith.addi %mul3A_1920, %add3A_1921 : i32
      %swap3A_1923 = arith.index_cast %shift_right_arithmetic3A_1916 : i32 to index
      %swap3A_1924 = arith.index_cast %add3A_1922 : i32 to index
      %swap3A_1925 = tpu.vector_load %arg7[%swap3A_1923, %swap3A_1924] {strides = array<i32>} : memref<64x128xf32, #tpu.memory_space<vmem>>, vector<16xf32>,
      tpu.vector_store %arg7[%swap3A_1923, %swap3A_1924], %gather3A_1914 {strides = array<i32>} : memref<64x128xf32, #tpu.memory_space<vmem>>, vector<16xf32>,
      %add3A_1926 = arith.constant 16 : i32
      %add3A_1927 = vector.broadcast %add3A_1926 : i32 to vector<16xi32>
      %add3A_1928 = arith.addi %iota3A_1904, %add3A_1927 : vector<16xi32>
      %gather3A_1929 = arith.constant 7 : i32
      %gather3A_1930 = arith.constant 0 : i32
      %gather3A_1931 = arith.constant 0 : i32
      %gather3A_1932 = tpu.memref_slice %arg6[%gather3A_1929, %gather3A_1930, %gather3A_1931] : memref<8x64x128xf32, #tpu.memory_space<vmem>> -> memref<1x64x128xf32, #tpu.memory_space<vmem>>
      %gather3A_1933 = tpu.memref_squeeze %gather3A_1932 : memref<1x64x128xf32, #tpu.memory_space<vmem>> -> memref<64x128xf32, #tpu.memory_space<vmem>>
      %gather3A_1934 = tpu.vector_load_idx %gather3A_1933[%add3A_1928, %broadcast_in_dim3A_1905] : memref<64x128xf32, #tpu.memory_space<vmem>>[vector<16xi32>, vector<16xi32>], vector<16xf32>,
      %shift_right_arithmetic3A_1935 = arith.constant 1 : i32
      %shift_right_arithmetic3A_1936 = arith.shrsi %add3A_1888, %shift_right_arithmetic3A_1935 : i32
      %and3A_1937 = arith.constant 1 : i32
      %and3A_1938 = arith.andi %add3A_1888, %and3A_1937 : i32
      %mul3A_1939 = arith.constant 64 : i32
      %mul3A_1940 = arith.muli %and3A_1938, %mul3A_1939 : i32
      %add3A_1941 = arith.constant 16 : i32
      %add3A_1942 = arith.addi %mul3A_1940, %add3A_1941 : i32
      %swap3A_1943 = arith.index_cast %shift_right_arithmetic3A_1936 : i32 to index
      %swap3A_1944 = arith.index_cast %add3A_1942 : i32 to index
      %swap3A_1945 = tpu.vector_load %arg7[%swap3A_1943, %swap3A_1944] {strides = array<i32>} : memref<64x128xf32, #tpu.memory_space<vmem>>, vector<16xf32>,
      tpu.vector_store %arg7[%swap3A_1943, %swap3A_1944], %gather3A_1934 {strides = array<i32>} : memref<64x128xf32, #tpu.memory_space<vmem>>, vector<16xf32>,
      %add3A_1946 = arith.constant 32 : i32
      %add3A_1947 = vector.broadcast %add3A_1946 : i32 to vector<16xi32>
      %add3A_1948 = arith.addi %iota3A_1904, %add3A_1947 : vector<16xi32>
      %gather3A_1949 = arith.constant 7 : i32
      %gather3A_1950 = arith.constant 0 : i32
      %gather3A_1951 = arith.constant 0 : i32
      %gather3A_1952 = tpu.memref_slice %arg6[%gather3A_1949, %gather3A_1950, %gather3A_1951] : memref<8x64x128xf32, #tpu.memory_space<vmem>> -> memref<1x64x128xf32, #tpu.memory_space<vmem>>
      %gather3A_1953 = tpu.memref_squeeze %gather3A_1952 : memref<1x64x128xf32, #tpu.memory_space<vmem>> -> memref<64x128xf32, #tpu.memory_space<vmem>>
      %gather3A_1954 = tpu.vector_load_idx %gather3A_1953[%add3A_1948, %broadcast_in_dim3A_1905] : memref<64x128xf32, #tpu.memory_space<vmem>>[vector<16xi32>, vector<16xi32>], vector<16xf32>,
      %shift_right_arithmetic3A_1955 = arith.constant 1 : i32
      %shift_right_arithmetic3A_1956 = arith.shrsi %add3A_1888, %shift_right_arithmetic3A_1955 : i32
      %and3A_1957 = arith.constant 1 : i32
      %and3A_1958 = arith.andi %add3A_1888, %and3A_1957 : i32
      %mul3A_1959 = arith.constant 64 : i32
      %mul3A_1960 = arith.muli %and3A_1958, %mul3A_1959 : i32
      %add3A_1961 = arith.constant 32 : i32
      %add3A_1962 = arith.addi %mul3A_1960, %add3A_1961 : i32
      %swap3A_1963 = arith.index_cast %shift_right_arithmetic3A_1956 : i32 to index
      %swap3A_1964 = arith.index_cast %add3A_1962 : i32 to index
      %swap3A_1965 = tpu.vector_load %arg7[%swap3A_1963, %swap3A_1964] {strides = array<i32>} : memref<64x128xf32, #tpu.memory_space<vmem>>, vector<16xf32>,
      tpu.vector_store %arg7[%swap3A_1963, %swap3A_1964], %gather3A_1954 {strides = array<i32>} : memref<64x128xf32, #tpu.memory_space<vmem>>, vector<16xf32>,
      %add3A_1966 = arith.constant 48 : i32
      %add3A_1967 = vector.broadcast %add3A_1966 : i32 to vector<16xi32>
      %add3A_1968 = arith.addi %iota3A_1904, %add3A_1967 : vector<16xi32>
      %gather3A_1969 = arith.constant 7 : i32
      %gather3A_1970 = arith.constant 0 : i32
      %gather3A_1971 = arith.constant 0 : i32
      %gather3A_1972 = tpu.memref_slice %arg6[%gather3A_1969, %gather3A_1970, %gather3A_1971] : memref<8x64x128xf32, #tpu.memory_space<vmem>> -> memref<1x64x128xf32, #tpu.memory_space<vmem>>
      %gather3A_1973 = tpu.memref_squeeze %gather3A_1972 : memref<1x64x128xf32, #tpu.memory_space<vmem>> -> memref<64x128xf32, #tpu.memory_space<vmem>>
      %gather3A_1974 = tpu.vector_load_idx %gather3A_1973[%add3A_1968, %broadcast_in_dim3A_1905] : memref<64x128xf32, #tpu.memory_space<vmem>>[vector<16xi32>, vector<16xi32>], vector<16xf32>,
      %shift_right_arithmetic3A_1975 = arith.constant 1 : i32
      %shift_right_arithmetic3A_1976 = arith.shrsi %add3A_1888, %shift_right_arithmetic3A_1975 : i32
      %and3A_1977 = arith.constant 1 : i32
      %and3A_1978 = arith.andi %add3A_1888, %and3A_1977 : i32
      %mul3A_1979 = arith.constant 64 : i32
      %mul3A_1980 = arith.muli %and3A_1978, %mul3A_1979 : i32
      %add3A_1981 = arith.constant 48 : i32
      %add3A_1982 = arith.addi %mul3A_1980, %add3A_1981 : i32
      %swap3A_1983 = arith.index_cast %shift_right_arithmetic3A_1976 : i32 to index
      %swap3A_1984 = arith.index_cast %add3A_1982 : i32 to index
      %swap3A_1985 = tpu.vector_load %arg7[%swap3A_1983, %swap3A_1984] {strides = array<i32>} : memref<64x128xf32, #tpu.memory_space<vmem>>, vector<16xf32>,
      tpu.vector_store %arg7[%swap3A_1983, %swap3A_1984], %gather3A_1974 {strides = array<i32>} : memref<64x128xf32, #tpu.memory_space<vmem>>, vector<16xf32>,
      %add3A_1986 = arith.constant 8 : i32
      %add3A_1987 = arith.addi %add3A_1529, %add3A_1986 : i32
      %add3A_1988 = arith.constant 0 : i32
      %add3A_1989 = arith.addi %add3A_1987, %add3A_1988 : i32
      %add3A_1990 = arith.addi %mul3A_2, %add3A_1989 : i32
      %broadcast_in_dim3A_1991 = vector.broadcast %add3A_1990 : i32 to vector<16xi32>
      %gather3A_1992 = tpu.vector_load_idx %arg5[%broadcast_in_dim3A_1991] : memref<4096xi32, #tpu.memory_space<vmem>>[vector<16xi32>], vector<16xi32>,
      %reduce_max3A_1993 = arith.constant true
      %reduce_max3A_1994 = vector.broadcast %reduce_max3A_1993 : i1 to vector<16xi1>
      %reduce_max3A_1995 = arith.constant -2147483648 : i32
      %reduce_max3A_1996 = vector.broadcast %reduce_max3A_1995 : i32 to vector<16xi32>
      %reduce_max3A_1997 = arith.xori %gather3A_1992, %reduce_max3A_1996 : vector<16xi32>
      %reduce_max3A_1998 = tpu.scan <max>, %reduce_max3A_1997 masked %reduce_max3A_1994 : vector<16xi32>, vector<16xi1> -> vector<16xi32>
      %reduce_max3A_1999 = arith.xori %reduce_max3A_1998, %reduce_max3A_1996 : vector<16xi32>
      %reduce_max3A_2000 = vector.extract %reduce_max3A_1999[15] : i32 from vector<16xi32>
      %shift_right_arithmetic3A_2001 = arith.constant 7 : i32
      %shift_right_arithmetic3A_2002 = arith.shrsi %reduce_max3A_2000, %shift_right_arithmetic3A_2001 : i32
      %and3A_2003 = arith.constant 127 : i32
      %and3A_2004 = arith.andi %reduce_max3A_2000, %and3A_2003 : i32
      %mul3A_2005 = arith.constant 128 : i32
      %mul3A_2006 = arith.muli %shift_right_arithmetic3A_2002, %mul3A_2005 : i32
      %dma_start3A_2007 = arith.constant 4 : i32
      %dma_start3A_2008 = arith.constant 0 : i32
      %dma_start3A_2009 = arith.constant 0 : i32
      %dma_start3A_2010 = tpu.memref_slice %arg6[%dma_start3A_2007, %dma_start3A_2008, %dma_start3A_2009] : memref<8x64x128xf32, #tpu.memory_space<vmem>> -> memref<1x64x128xf32, #tpu.memory_space<vmem>>
      %dma_start3A_2011 = tpu.memref_squeeze %dma_start3A_2010 : memref<1x64x128xf32, #tpu.memory_space<vmem>> -> memref<64x128xf32, #tpu.memory_space<vmem>>
      %dma_start3A_2012 = arith.constant 0 : i32
      %dma_start3A_2013 = tpu.memref_slice %arg3[%dma_start3A_2012, %mul3A_2006] : memref<64x1000000xf32, #tpu.memory_space<hbm>> -> memref<64x128xf32, #tpu.memory_space<hbm>>
      %dma_start3A_2014 = arith.constant 0 : i32
      %dma_start3A_2015 = arith.constant 0 : i32
      %dma_start3A_2016 = tpu.memref_slice %arg6[%dma_start3A_2007, %dma_start3A_2014, %dma_start3A_2015] : memref<8x64x128xf32, #tpu.memory_space<vmem>> -> memref<1x64x128xf32, #tpu.memory_space<vmem>>
      %dma_start3A_2017 = tpu.memref_squeeze %dma_start3A_2016 : memref<1x64x128xf32, #tpu.memory_space<vmem>> -> memref<64x128xf32, #tpu.memory_space<vmem>>
      %dma_start3A_2018 = arith.constant 0 : i32
      %dma_start3A_2019 = tpu.memref_slice %arg3[%dma_start3A_2018, %mul3A_2006] : memref<64x1000000xf32, #tpu.memory_space<hbm>> -> memref<64x128xf32, #tpu.memory_space<hbm>>
      tpu.enqueue_dma source(%dma_start3A_2019 : memref<64x128xf32, #tpu.memory_space<hbm>>) target(%dma_start3A_2017 : memref<64x128xf32, #tpu.memory_space<vmem>>) target_semaphore(%arg9 : memref<!tpu.dma_semaphore, #tpu.memory_space<semaphore_mem>>)
      %add3A_2020 = arith.constant 8 : i32
      %add3A_2021 = arith.addi %add3A_1529, %add3A_2020 : i32
      %add3A_2022 = arith.constant 1 : i32
      %add3A_2023 = arith.addi %add3A_2021, %add3A_2022 : i32
      %add3A_2024 = arith.addi %mul3A_2, %add3A_2023 : i32
      %broadcast_in_dim3A_2025 = vector.broadcast %add3A_2024 : i32 to vector<16xi32>
      %gather3A_2026 = tpu.vector_load_idx %arg5[%broadcast_in_dim3A_2025] : memref<4096xi32, #tpu.memory_space<vmem>>[vector<16xi32>], vector<16xi32>,
      %reduce_max3A_2027 = arith.constant true
      %reduce_max3A_2028 = vector.broadcast %reduce_max3A_2027 : i1 to vector<16xi1>
      %reduce_max3A_2029 = arith.constant -2147483648 : i32
      %reduce_max3A_2030 = vector.broadcast %reduce_max3A_2029 : i32 to vector<16xi32>
      %reduce_max3A_2031 = arith.xori %gather3A_2026, %reduce_max3A_2030 : vector<16xi32>
      %reduce_max3A_2032 = tpu.scan <max>, %reduce_max3A_2031 masked %reduce_max3A_2028 : vector<16xi32>, vector<16xi1> -> vector<16xi32>
      %reduce_max3A_2033 = arith.xori %reduce_max3A_2032, %reduce_max3A_2030 : vector<16xi32>
      %reduce_max3A_2034 = vector.extract %reduce_max3A_2033[15] : i32 from vector<16xi32>
      %shift_right_arithmetic3A_2035 = arith.constant 7 : i32
      %shift_right_arithmetic3A_2036 = arith.shrsi %reduce_max3A_2034, %shift_right_arithmetic3A_2035 : i32
      %and3A_2037 = arith.constant 127 : i32
      %and3A_2038 = arith.andi %reduce_max3A_2034, %and3A_2037 : i32
      %mul3A_2039 = arith.constant 128 : i32
      %mul3A_2040 = arith.muli %shift_right_arithmetic3A_2036, %mul3A_2039 : i32
      %dma_start3A_2041 = arith.constant 5 : i32
      %dma_start3A_2042 = arith.constant 0 : i32
      %dma_start3A_2043 = arith.constant 0 : i32
      %dma_start3A_2044 = tpu.memref_slice %arg6[%dma_start3A_2041, %dma_start3A_2042, %dma_start3A_2043] : memref<8x64x128xf32, #tpu.memory_space<vmem>> -> memref<1x64x128xf32, #tpu.memory_space<vmem>>
      %dma_start3A_2045 = tpu.memref_squeeze %dma_start3A_2044 : memref<1x64x128xf32, #tpu.memory_space<vmem>> -> memref<64x128xf32, #tpu.memory_space<vmem>>
      %dma_start3A_2046 = arith.constant 0 : i32
      %dma_start3A_2047 = tpu.memref_slice %arg3[%dma_start3A_2046, %mul3A_2040] : memref<64x1000000xf32, #tpu.memory_space<hbm>> -> memref<64x128xf32, #tpu.memory_space<hbm>>
      %dma_start3A_2048 = arith.constant 0 : i32
      %dma_start3A_2049 = arith.constant 0 : i32
      %dma_start3A_2050 = tpu.memref_slice %arg6[%dma_start3A_2041, %dma_start3A_2048, %dma_start3A_2049] : memref<8x64x128xf32, #tpu.memory_space<vmem>> -> memref<1x64x128xf32, #tpu.memory_space<vmem>>
      %dma_start3A_2051 = tpu.memref_squeeze %dma_start3A_2050 : memref<1x64x128xf32, #tpu.memory_space<vmem>> -> memref<64x128xf32, #tpu.memory_space<vmem>>
      %dma_start3A_2052 = arith.constant 0 : i32
      %dma_start3A_2053 = tpu.memref_slice %arg3[%dma_start3A_2052, %mul3A_2040] : memref<64x1000000xf32, #tpu.memory_space<hbm>> -> memref<64x128xf32, #tpu.memory_space<hbm>>
      tpu.enqueue_dma source(%dma_start3A_2053 : memref<64x128xf32, #tpu.memory_space<hbm>>) target(%dma_start3A_2051 : memref<64x128xf32, #tpu.memory_space<vmem>>) target_semaphore(%arg9 : memref<!tpu.dma_semaphore, #tpu.memory_space<semaphore_mem>>)
      %add3A_2054 = arith.constant 8 : i32
      %add3A_2055 = arith.addi %add3A_1529, %add3A_2054 : i32
      %add3A_2056 = arith.constant 2 : i32
      %add3A_2057 = arith.addi %add3A_2055, %add3A_2056 : i32
      %add3A_2058 = arith.addi %mul3A_2, %add3A_2057 : i32
      %broadcast_in_dim3A_2059 = vector.broadcast %add3A_2058 : i32 to vector<16xi32>
      %gather3A_2060 = tpu.vector_load_idx %arg5[%broadcast_in_dim3A_2059] : memref<4096xi32, #tpu.memory_space<vmem>>[vector<16xi32>], vector<16xi32>,
      %reduce_max3A_2061 = arith.constant true
      %reduce_max3A_2062 = vector.broadcast %reduce_max3A_2061 : i1 to vector<16xi1>
      %reduce_max3A_2063 = arith.constant -2147483648 : i32
      %reduce_max3A_2064 = vector.broadcast %reduce_max3A_2063 : i32 to vector<16xi32>
      %reduce_max3A_2065 = arith.xori %gather3A_2060, %reduce_max3A_2064 : vector<16xi32>
      %reduce_max3A_2066 = tpu.scan <max>, %reduce_max3A_2065 masked %reduce_max3A_2062 : vector<16xi32>, vector<16xi1> -> vector<16xi32>
      %reduce_max3A_2067 = arith.xori %reduce_max3A_2066, %reduce_max3A_2064 : vector<16xi32>
      %reduce_max3A_2068 = vector.extract %reduce_max3A_2067[15] : i32 from vector<16xi32>
      %shift_right_arithmetic3A_2069 = arith.constant 7 : i32
      %shift_right_arithmetic3A_2070 = arith.shrsi %reduce_max3A_2068, %shift_right_arithmetic3A_2069 : i32
      %and3A_2071 = arith.constant 127 : i32
      %and3A_2072 = arith.andi %reduce_max3A_2068, %and3A_2071 : i32
      %mul3A_2073 = arith.constant 128 : i32
      %mul3A_2074 = arith.muli %shift_right_arithmetic3A_2070, %mul3A_2073 : i32
      %dma_start3A_2075 = arith.constant 6 : i32
      %dma_start3A_2076 = arith.constant 0 : i32
      %dma_start3A_2077 = arith.constant 0 : i32
      %dma_start3A_2078 = tpu.memref_slice %arg6[%dma_start3A_2075, %dma_start3A_2076, %dma_start3A_2077] : memref<8x64x128xf32, #tpu.memory_space<vmem>> -> memref<1x64x128xf32, #tpu.memory_space<vmem>>
      %dma_start3A_2079 = tpu.memref_squeeze %dma_start3A_2078 : memref<1x64x128xf32, #tpu.memory_space<vmem>> -> memref<64x128xf32, #tpu.memory_space<vmem>>
      %dma_start3A_2080 = arith.constant 0 : i32
      %dma_start3A_2081 = tpu.memref_slice %arg3[%dma_start3A_2080, %mul3A_2074] : memref<64x1000000xf32, #tpu.memory_space<hbm>> -> memref<64x128xf32, #tpu.memory_space<hbm>>
      %dma_start3A_2082 = arith.constant 0 : i32
      %dma_start3A_2083 = arith.constant 0 : i32
      %dma_start3A_2084 = tpu.memref_slice %arg6[%dma_start3A_2075, %dma_start3A_2082, %dma_start3A_2083] : memref<8x64x128xf32, #tpu.memory_space<vmem>> -> memref<1x64x128xf32, #tpu.memory_space<vmem>>
      %dma_start3A_2085 = tpu.memref_squeeze %dma_start3A_2084 : memref<1x64x128xf32, #tpu.memory_space<vmem>> -> memref<64x128xf32, #tpu.memory_space<vmem>>
      %dma_start3A_2086 = arith.constant 0 : i32
      %dma_start3A_2087 = tpu.memref_slice %arg3[%dma_start3A_2086, %mul3A_2074] : memref<64x1000000xf32, #tpu.memory_space<hbm>> -> memref<64x128xf32, #tpu.memory_space<hbm>>
      tpu.enqueue_dma source(%dma_start3A_2087 : memref<64x128xf32, #tpu.memory_space<hbm>>) target(%dma_start3A_2085 : memref<64x128xf32, #tpu.memory_space<vmem>>) target_semaphore(%arg9 : memref<!tpu.dma_semaphore, #tpu.memory_space<semaphore_mem>>)
      %add3A_2088 = arith.constant 8 : i32
      %add3A_2089 = arith.addi %add3A_1529, %add3A_2088 : i32
      %add3A_2090 = arith.constant 3 : i32
      %add3A_2091 = arith.addi %add3A_2089, %add3A_2090 : i32
      %add3A_2092 = arith.addi %mul3A_2, %add3A_2091 : i32
      %broadcast_in_dim3A_2093 = vector.broadcast %add3A_2092 : i32 to vector<16xi32>
      %gather3A_2094 = tpu.vector_load_idx %arg5[%broadcast_in_dim3A_2093] : memref<4096xi32, #tpu.memory_space<vmem>>[vector<16xi32>], vector<16xi32>,
      %reduce_max3A_2095 = arith.constant true
      %reduce_max3A_2096 = vector.broadcast %reduce_max3A_2095 : i1 to vector<16xi1>
      %reduce_max3A_2097 = arith.constant -2147483648 : i32
      %reduce_max3A_2098 = vector.broadcast %reduce_max3A_2097 : i32 to vector<16xi32>
      %reduce_max3A_2099 = arith.xori %gather3A_2094, %reduce_max3A_2098 : vector<16xi32>
      %reduce_max3A_2100 = tpu.scan <max>, %reduce_max3A_2099 masked %reduce_max3A_2096 : vector<16xi32>, vector<16xi1> -> vector<16xi32>
      %reduce_max3A_2101 = arith.xori %reduce_max3A_2100, %reduce_max3A_2098 : vector<16xi32>
      %reduce_max3A_2102 = vector.extract %reduce_max3A_2101[15] : i32 from vector<16xi32>
      %shift_right_arithmetic3A_2103 = arith.constant 7 : i32
      %shift_right_arithmetic3A_2104 = arith.shrsi %reduce_max3A_2102, %shift_right_arithmetic3A_2103 : i32
      %and3A_2105 = arith.constant 127 : i32
      %and3A_2106 = arith.andi %reduce_max3A_2102, %and3A_2105 : i32
      %mul3A_2107 = arith.constant 128 : i32
      %mul3A_2108 = arith.muli %shift_right_arithmetic3A_2104, %mul3A_2107 : i32
      %dma_start3A_2109 = arith.constant 7 : i32
      %dma_start3A_2110 = arith.constant 0 : i32
      %dma_start3A_2111 = arith.constant 0 : i32
      %dma_start3A_2112 = tpu.memref_slice %arg6[%dma_start3A_2109, %dma_start3A_2110, %dma_start3A_2111] : memref<8x64x128xf32, #tpu.memory_space<vmem>> -> memref<1x64x128xf32, #tpu.memory_space<vmem>>
      %dma_start3A_2113 = tpu.memref_squeeze %dma_start3A_2112 : memref<1x64x128xf32, #tpu.memory_space<vmem>> -> memref<64x128xf32, #tpu.memory_space<vmem>>
      %dma_start3A_2114 = arith.constant 0 : i32
      %dma_start3A_2115 = tpu.memref_slice %arg3[%dma_start3A_2114, %mul3A_2108] : memref<64x1000000xf32, #tpu.memory_space<hbm>> -> memref<64x128xf32, #tpu.memory_space<hbm>>
      %dma_start3A_2116 = arith.constant 0 : i32
      %dma_start3A_2117 = arith.constant 0 : i32
      %dma_start3A_2118 = tpu.memref_slice %arg6[%dma_start3A_2109, %dma_start3A_2116, %dma_start3A_2117] : memref<8x64x128xf32, #tpu.memory_space<vmem>> -> memref<1x64x128xf32, #tpu.memory_space<vmem>>
      %dma_start3A_2119 = tpu.memref_squeeze %dma_start3A_2118 : memref<1x64x128xf32, #tpu.memory_space<vmem>> -> memref<64x128xf32, #tpu.memory_space<vmem>>
      %dma_start3A_2120 = arith.constant 0 : i32
      %dma_start3A_2121 = tpu.memref_slice %arg3[%dma_start3A_2120, %mul3A_2108] : memref<64x1000000xf32, #tpu.memory_space<hbm>> -> memref<64x128xf32, #tpu.memory_space<hbm>>
      tpu.enqueue_dma source(%dma_start3A_2121 : memref<64x128xf32, #tpu.memory_space<hbm>>) target(%dma_start3A_2119 : memref<64x128xf32, #tpu.memory_space<vmem>>) target_semaphore(%arg9 : memref<!tpu.dma_semaphore, #tpu.memory_space<semaphore_mem>>)
      %scan3A_2122 = arith.constant 0 : i32
      scf.yield %scan3A_2122 : i32
    }
    %scan3A_250 = arith.constant 15 : i32
    %dma_wait3A = arith.constant 0 : i32
    %dma_wait3A_251 = arith.constant 0 : i32
    %dma_wait3A_252 = arith.constant 0 : i32
    %dma_wait3A_253 = tpu.memref_slice %arg6[%dma_wait3A, %dma_wait3A_251, %dma_wait3A_252] : memref<8x64x128xf32, #tpu.memory_space<vmem>> -> memref<1x64x128xf32, #tpu.memory_space<vmem>>
    %dma_wait3A_254 = tpu.memref_squeeze %dma_wait3A_253 : memref<1x64x128xf32, #tpu.memory_space<vmem>> -> memref<64x128xf32, #tpu.memory_space<vmem>>
    %dma_wait3A_255 = arith.constant 0 : i32
    %dma_wait3A_256 = arith.constant 0 : i32
    %dma_wait3A_257 = tpu.memref_slice %arg3[%dma_wait3A_255, %dma_wait3A_256] : memref<64x1000000xf32, #tpu.memory_space<hbm>> -> memref<64x128xf32, #tpu.memory_space<hbm>>
    %dma_wait3A_258 = arith.constant 0 : i32
    %dma_wait3A_259 = arith.constant 0 : i32
    %dma_wait3A_260 = tpu.memref_slice %arg6[%dma_wait3A, %dma_wait3A_258, %dma_wait3A_259] : memref<8x64x128xf32, #tpu.memory_space<vmem>> -> memref<1x64x128xf32, #tpu.memory_space<vmem>>
    %dma_wait3A_261 = tpu.memref_squeeze %dma_wait3A_260 : memref<1x64x128xf32, #tpu.memory_space<vmem>> -> memref<64x128xf32, #tpu.memory_space<vmem>>
    %dma_wait3A_262 = arith.constant 0 : i32
    %dma_wait3A_263 = arith.constant 0 : i32
    %dma_wait3A_264 = tpu.memref_slice %arg3[%dma_wait3A_262, %dma_wait3A_263] : memref<64x1000000xf32, #tpu.memory_space<hbm>> -> memref<64x128xf32, #tpu.memory_space<hbm>>
    tpu.wait_dma2 semaphore(%arg8 : memref<!tpu.dma_semaphore, #tpu.memory_space<semaphore_mem>>) src(%dma_wait3A_264 : memref<64x128xf32, #tpu.memory_space<hbm>>) dst(%dma_wait3A_261 : memref<64x128xf32, #tpu.memory_space<vmem>>)
    %dma_wait3A_265 = arith.constant 1 : i32
    %dma_wait3A_266 = arith.constant 0 : i32
    %dma_wait3A_267 = arith.constant 0 : i32
    %dma_wait3A_268 = tpu.memref_slice %arg6[%dma_wait3A_265, %dma_wait3A_266, %dma_wait3A_267] : memref<8x64x128xf32, #tpu.memory_space<vmem>> -> memref<1x64x128xf32, #tpu.memory_space<vmem>>
    %dma_wait3A_269 = tpu.memref_squeeze %dma_wait3A_268 : memref<1x64x128xf32, #tpu.memory_space<vmem>> -> memref<64x128xf32, #tpu.memory_space<vmem>>
    %dma_wait3A_270 = arith.constant 0 : i32
    %dma_wait3A_271 = arith.constant 0 : i32
    %dma_wait3A_272 = tpu.memref_slice %arg3[%dma_wait3A_270, %dma_wait3A_271] : memref<64x1000000xf32, #tpu.memory_space<hbm>> -> memref<64x128xf32, #tpu.memory_space<hbm>>
    %dma_wait3A_273 = arith.constant 0 : i32
    %dma_wait3A_274 = arith.constant 0 : i32
    %dma_wait3A_275 = tpu.memref_slice %arg6[%dma_wait3A_265, %dma_wait3A_273, %dma_wait3A_274] : memref<8x64x128xf32, #tpu.memory_space<vmem>> -> memref<1x64x128xf32, #tpu.memory_space<vmem>>
    %dma_wait3A_276 = tpu.memref_squeeze %dma_wait3A_275 : memref<1x64x128xf32, #tpu.memory_space<vmem>> -> memref<64x128xf32, #tpu.memory_space<vmem>>
    %dma_wait3A_277 = arith.constant 0 : i32
    %dma_wait3A_278 = arith.constant 0 : i32
    %dma_wait3A_279 = tpu.memref_slice %arg3[%dma_wait3A_277, %dma_wait3A_278] : memref<64x1000000xf32, #tpu.memory_space<hbm>> -> memref<64x128xf32, #tpu.memory_space<hbm>>
    tpu.wait_dma2 semaphore(%arg8 : memref<!tpu.dma_semaphore, #tpu.memory_space<semaphore_mem>>) src(%dma_wait3A_279 : memref<64x128xf32, #tpu.memory_space<hbm>>) dst(%dma_wait3A_276 : memref<64x128xf32, #tpu.memory_space<vmem>>)
    %dma_wait3A_280 = arith.constant 2 : i32
    %dma_wait3A_281 = arith.constant 0 : i32
    %dma_wait3A_282 = arith.constant 0 : i32
    %dma_wait3A_283 = tpu.memref_slice %arg6[%dma_wait3A_280, %dma_wait3A_281, %dma_wait3A_282] : memref<8x64x128xf32, #tpu.memory_space<vmem>> -> memref<1x64x128xf32, #tpu.memory_space<vmem>>
    %dma_wait3A_284 = tpu.memref_squeeze %dma_wait3A_283 : memref<1x64x128xf32, #tpu.memory_space<vmem>> -> memref<64x128xf32, #tpu.memory_space<vmem>>
    %dma_wait3A_285 = arith.constant 0 : i32
    %dma_wait3A_286 = arith.constant 0 : i32
    %dma_wait3A_287 = tpu.memref_slice %arg3[%dma_wait3A_285, %dma_wait3A_286] : memref<64x1000000xf32, #tpu.memory_space<hbm>> -> memref<64x128xf32, #tpu.memory_space<hbm>>
    %dma_wait3A_288 = arith.constant 0 : i32
    %dma_wait3A_289 = arith.constant 0 : i32
    %dma_wait3A_290 = tpu.memref_slice %arg6[%dma_wait3A_280, %dma_wait3A_288, %dma_wait3A_289] : memref<8x64x128xf32, #tpu.memory_space<vmem>> -> memref<1x64x128xf32, #tpu.memory_space<vmem>>
    %dma_wait3A_291 = tpu.memref_squeeze %dma_wait3A_290 : memref<1x64x128xf32, #tpu.memory_space<vmem>> -> memref<64x128xf32, #tpu.memory_space<vmem>>
    %dma_wait3A_292 = arith.constant 0 : i32
    %dma_wait3A_293 = arith.constant 0 : i32
    %dma_wait3A_294 = tpu.memref_slice %arg3[%dma_wait3A_292, %dma_wait3A_293] : memref<64x1000000xf32, #tpu.memory_space<hbm>> -> memref<64x128xf32, #tpu.memory_space<hbm>>
    tpu.wait_dma2 semaphore(%arg8 : memref<!tpu.dma_semaphore, #tpu.memory_space<semaphore_mem>>) src(%dma_wait3A_294 : memref<64x128xf32, #tpu.memory_space<hbm>>) dst(%dma_wait3A_291 : memref<64x128xf32, #tpu.memory_space<vmem>>)
    %dma_wait3A_295 = arith.constant 3 : i32
    %dma_wait3A_296 = arith.constant 0 : i32
    %dma_wait3A_297 = arith.constant 0 : i32
    %dma_wait3A_298 = tpu.memref_slice %arg6[%dma_wait3A_295, %dma_wait3A_296, %dma_wait3A_297] : memref<8x64x128xf32, #tpu.memory_space<vmem>> -> memref<1x64x128xf32, #tpu.memory_space<vmem>>
    %dma_wait3A_299 = tpu.memref_squeeze %dma_wait3A_298 : memref<1x64x128xf32, #tpu.memory_space<vmem>> -> memref<64x128xf32, #tpu.memory_space<vmem>>
    %dma_wait3A_300 = arith.constant 0 : i32
    %dma_wait3A_301 = arith.constant 0 : i32
    %dma_wait3A_302 = tpu.memref_slice %arg3[%dma_wait3A_300, %dma_wait3A_301] : memref<64x1000000xf32, #tpu.memory_space<hbm>> -> memref<64x128xf32, #tpu.memory_space<hbm>>
    %dma_wait3A_303 = arith.constant 0 : i32
    %dma_wait3A_304 = arith.constant 0 : i32
    %dma_wait3A_305 = tpu.memref_slice %arg6[%dma_wait3A_295, %dma_wait3A_303, %dma_wait3A_304] : memref<8x64x128xf32, #tpu.memory_space<vmem>> -> memref<1x64x128xf32, #tpu.memory_space<vmem>>
    %dma_wait3A_306 = tpu.memref_squeeze %dma_wait3A_305 : memref<1x64x128xf32, #tpu.memory_space<vmem>> -> memref<64x128xf32, #tpu.memory_space<vmem>>
    %dma_wait3A_307 = arith.constant 0 : i32
    %dma_wait3A_308 = arith.constant 0 : i32
    %dma_wait3A_309 = tpu.memref_slice %arg3[%dma_wait3A_307, %dma_wait3A_308] : memref<64x1000000xf32, #tpu.memory_space<hbm>> -> memref<64x128xf32, #tpu.memory_space<hbm>>
    tpu.wait_dma2 semaphore(%arg8 : memref<!tpu.dma_semaphore, #tpu.memory_space<semaphore_mem>>) src(%dma_wait3A_309 : memref<64x128xf32, #tpu.memory_space<hbm>>) dst(%dma_wait3A_306 : memref<64x128xf32, #tpu.memory_space<vmem>>)
    %add3A_310 = arith.constant 120 : i32
    %add3A_311 = arith.addi %mul3A_2, %add3A_310 : i32
    %broadcast_in_dim3A_312 = vector.broadcast %add3A_311 : i32 to vector<16xi32>
    %gather3A_313 = tpu.vector_load_idx %arg5[%broadcast_in_dim3A_312] : memref<4096xi32, #tpu.memory_space<vmem>>[vector<16xi32>], vector<16xi32>,
    %reduce_max3A_314 = arith.constant true
    %reduce_max3A_315 = vector.broadcast %reduce_max3A_314 : i1 to vector<16xi1>
    %reduce_max3A_316 = arith.constant -2147483648 : i32
    %reduce_max3A_317 = vector.broadcast %reduce_max3A_316 : i32 to vector<16xi32>
    %reduce_max3A_318 = arith.xori %gather3A_313, %reduce_max3A_317 : vector<16xi32>
    %reduce_max3A_319 = tpu.scan <max>, %reduce_max3A_318 masked %reduce_max3A_315 : vector<16xi32>, vector<16xi1> -> vector<16xi32>
    %reduce_max3A_320 = arith.xori %reduce_max3A_319, %reduce_max3A_317 : vector<16xi32>
    %reduce_max3A_321 = vector.extract %reduce_max3A_320[15] : i32 from vector<16xi32>
    %shift_right_arithmetic3A_322 = arith.constant 7 : i32
    %shift_right_arithmetic3A_323 = arith.shrsi %reduce_max3A_321, %shift_right_arithmetic3A_322 : i32
    %and3A_324 = arith.constant 127 : i32
    %and3A_325 = arith.andi %reduce_max3A_321, %and3A_324 : i32
    %iota3A = tpu.iota {dimensions = array<i32: 0>} : vector<16xi32>
    %broadcast_in_dim3A_326 = vector.broadcast %and3A_325 : i32 to vector<16xi32>
    %add3A_327 = arith.constant 0 : i32
    %add3A_328 = vector.broadcast %add3A_327 : i32 to vector<16xi32>
    %add3A_329 = arith.addi %iota3A, %add3A_328 : vector<16xi32>
    %gather3A_330 = arith.constant 0 : i32
    %gather3A_331 = arith.constant 0 : i32
    %gather3A_332 = arith.constant 0 : i32
    %gather3A_333 = tpu.memref_slice %arg6[%gather3A_330, %gather3A_331, %gather3A_332] : memref<8x64x128xf32, #tpu.memory_space<vmem>> -> memref<1x64x128xf32, #tpu.memory_space<vmem>>
    %gather3A_334 = tpu.memref_squeeze %gather3A_333 : memref<1x64x128xf32, #tpu.memory_space<vmem>> -> memref<64x128xf32, #tpu.memory_space<vmem>>
    %gather3A_335 = tpu.vector_load_idx %gather3A_334[%add3A_329, %broadcast_in_dim3A_326] : memref<64x128xf32, #tpu.memory_space<vmem>>[vector<16xi32>, vector<16xi32>], vector<16xf32>,
    %swap3A = arith.constant 60 : i32
    %swap3A_336 = arith.index_cast %swap3A : i32 to index
    %swap3A_337 = arith.constant 0 : index
    %swap3A_338 = tpu.vector_load %arg7[%swap3A_336, %swap3A_337] {strides = array<i32>} : memref<64x128xf32, #tpu.memory_space<vmem>>, vector<16xf32>,
    tpu.vector_store %arg7[%swap3A_336, %swap3A_337], %gather3A_335 {strides = array<i32>} : memref<64x128xf32, #tpu.memory_space<vmem>>, vector<16xf32>,
    %add3A_339 = arith.constant 16 : i32
    %add3A_340 = vector.broadcast %add3A_339 : i32 to vector<16xi32>
    %add3A_341 = arith.addi %iota3A, %add3A_340 : vector<16xi32>
    %gather3A_342 = arith.constant 0 : i32
    %gather3A_343 = arith.constant 0 : i32
    %gather3A_344 = arith.constant 0 : i32
    %gather3A_345 = tpu.memref_slice %arg6[%gather3A_342, %gather3A_343, %gather3A_344] : memref<8x64x128xf32, #tpu.memory_space<vmem>> -> memref<1x64x128xf32, #tpu.memory_space<vmem>>
    %gather3A_346 = tpu.memref_squeeze %gather3A_345 : memref<1x64x128xf32, #tpu.memory_space<vmem>> -> memref<64x128xf32, #tpu.memory_space<vmem>>
    %gather3A_347 = tpu.vector_load_idx %gather3A_346[%add3A_341, %broadcast_in_dim3A_326] : memref<64x128xf32, #tpu.memory_space<vmem>>[vector<16xi32>, vector<16xi32>], vector<16xf32>,
    %swap3A_348 = arith.constant 60 : i32
    %swap3A_349 = arith.index_cast %swap3A_348 : i32 to index
    %swap3A_350 = arith.constant 16 : index
    %swap3A_351 = tpu.vector_load %arg7[%swap3A_349, %swap3A_350] {strides = array<i32>} : memref<64x128xf32, #tpu.memory_space<vmem>>, vector<16xf32>,
    tpu.vector_store %arg7[%swap3A_349, %swap3A_350], %gather3A_347 {strides = array<i32>} : memref<64x128xf32, #tpu.memory_space<vmem>>, vector<16xf32>,
    %add3A_352 = arith.constant 32 : i32
    %add3A_353 = vector.broadcast %add3A_352 : i32 to vector<16xi32>
    %add3A_354 = arith.addi %iota3A, %add3A_353 : vector<16xi32>
    %gather3A_355 = arith.constant 0 : i32
    %gather3A_356 = arith.constant 0 : i32
    %gather3A_357 = arith.constant 0 : i32
    %gather3A_358 = tpu.memref_slice %arg6[%gather3A_355, %gather3A_356, %gather3A_357] : memref<8x64x128xf32, #tpu.memory_space<vmem>> -> memref<1x64x128xf32, #tpu.memory_space<vmem>>
    %gather3A_359 = tpu.memref_squeeze %gather3A_358 : memref<1x64x128xf32, #tpu.memory_space<vmem>> -> memref<64x128xf32, #tpu.memory_space<vmem>>
    %gather3A_360 = tpu.vector_load_idx %gather3A_359[%add3A_354, %broadcast_in_dim3A_326] : memref<64x128xf32, #tpu.memory_space<vmem>>[vector<16xi32>, vector<16xi32>], vector<16xf32>,
    %swap3A_361 = arith.constant 60 : i32
    %swap3A_362 = arith.index_cast %swap3A_361 : i32 to index
    %swap3A_363 = arith.constant 32 : index
    %swap3A_364 = tpu.vector_load %arg7[%swap3A_362, %swap3A_363] {strides = array<i32>} : memref<64x128xf32, #tpu.memory_space<vmem>>, vector<16xf32>,
    tpu.vector_store %arg7[%swap3A_362, %swap3A_363], %gather3A_360 {strides = array<i32>} : memref<64x128xf32, #tpu.memory_space<vmem>>, vector<16xf32>,
    %add3A_365 = arith.constant 48 : i32
    %add3A_366 = vector.broadcast %add3A_365 : i32 to vector<16xi32>
    %add3A_367 = arith.addi %iota3A, %add3A_366 : vector<16xi32>
    %gather3A_368 = arith.constant 0 : i32
    %gather3A_369 = arith.constant 0 : i32
    %gather3A_370 = arith.constant 0 : i32
    %gather3A_371 = tpu.memref_slice %arg6[%gather3A_368, %gather3A_369, %gather3A_370] : memref<8x64x128xf32, #tpu.memory_space<vmem>> -> memref<1x64x128xf32, #tpu.memory_space<vmem>>
    %gather3A_372 = tpu.memref_squeeze %gather3A_371 : memref<1x64x128xf32, #tpu.memory_space<vmem>> -> memref<64x128xf32, #tpu.memory_space<vmem>>
    %gather3A_373 = tpu.vector_load_idx %gather3A_372[%add3A_367, %broadcast_in_dim3A_326] : memref<64x128xf32, #tpu.memory_space<vmem>>[vector<16xi32>, vector<16xi32>], vector<16xf32>,
    %swap3A_374 = arith.constant 60 : i32
    %swap3A_375 = arith.index_cast %swap3A_374 : i32 to index
    %swap3A_376 = arith.constant 48 : index
    %swap3A_377 = tpu.vector_load %arg7[%swap3A_375, %swap3A_376] {strides = array<i32>} : memref<64x128xf32, #tpu.memory_space<vmem>>, vector<16xf32>,
    tpu.vector_store %arg7[%swap3A_375, %swap3A_376], %gather3A_373 {strides = array<i32>} : memref<64x128xf32, #tpu.memory_space<vmem>>, vector<16xf32>,
    %add3A_378 = arith.constant 121 : i32
    %add3A_379 = arith.addi %mul3A_2, %add3A_378 : i32
    %broadcast_in_dim3A_380 = vector.broadcast %add3A_379 : i32 to vector<16xi32>
    %gather3A_381 = tpu.vector_load_idx %arg5[%broadcast_in_dim3A_380] : memref<4096xi32, #tpu.memory_space<vmem>>[vector<16xi32>], vector<16xi32>,
    %reduce_max3A_382 = arith.constant true
    %reduce_max3A_383 = vector.broadcast %reduce_max3A_382 : i1 to vector<16xi1>
    %reduce_max3A_384 = arith.constant -2147483648 : i32
    %reduce_max3A_385 = vector.broadcast %reduce_max3A_384 : i32 to vector<16xi32>
    %reduce_max3A_386 = arith.xori %gather3A_381, %reduce_max3A_385 : vector<16xi32>
    %reduce_max3A_387 = tpu.scan <max>, %reduce_max3A_386 masked %reduce_max3A_383 : vector<16xi32>, vector<16xi1> -> vector<16xi32>
    %reduce_max3A_388 = arith.xori %reduce_max3A_387, %reduce_max3A_385 : vector<16xi32>
    %reduce_max3A_389 = vector.extract %reduce_max3A_388[15] : i32 from vector<16xi32>
    %shift_right_arithmetic3A_390 = arith.constant 7 : i32
    %shift_right_arithmetic3A_391 = arith.shrsi %reduce_max3A_389, %shift_right_arithmetic3A_390 : i32
    %and3A_392 = arith.constant 127 : i32
    %and3A_393 = arith.andi %reduce_max3A_389, %and3A_392 : i32
    %iota3A_394 = tpu.iota {dimensions = array<i32: 0>} : vector<16xi32>
    %broadcast_in_dim3A_395 = vector.broadcast %and3A_393 : i32 to vector<16xi32>
    %add3A_396 = arith.constant 0 : i32
    %add3A_397 = vector.broadcast %add3A_396 : i32 to vector<16xi32>
    %add3A_398 = arith.addi %iota3A_394, %add3A_397 : vector<16xi32>
    %gather3A_399 = arith.constant 1 : i32
    %gather3A_400 = arith.constant 0 : i32
    %gather3A_401 = arith.constant 0 : i32
    %gather3A_402 = tpu.memref_slice %arg6[%gather3A_399, %gather3A_400, %gather3A_401] : memref<8x64x128xf32, #tpu.memory_space<vmem>> -> memref<1x64x128xf32, #tpu.memory_space<vmem>>
    %gather3A_403 = tpu.memref_squeeze %gather3A_402 : memref<1x64x128xf32, #tpu.memory_space<vmem>> -> memref<64x128xf32, #tpu.memory_space<vmem>>
    %gather3A_404 = tpu.vector_load_idx %gather3A_403[%add3A_398, %broadcast_in_dim3A_395] : memref<64x128xf32, #tpu.memory_space<vmem>>[vector<16xi32>, vector<16xi32>], vector<16xf32>,
    %swap3A_405 = arith.constant 60 : i32
    %swap3A_406 = arith.index_cast %swap3A_405 : i32 to index
    %swap3A_407 = arith.constant 64 : index
    %swap3A_408 = tpu.vector_load %arg7[%swap3A_406, %swap3A_407] {strides = array<i32>} : memref<64x128xf32, #tpu.memory_space<vmem>>, vector<16xf32>,
    tpu.vector_store %arg7[%swap3A_406, %swap3A_407], %gather3A_404 {strides = array<i32>} : memref<64x128xf32, #tpu.memory_space<vmem>>, vector<16xf32>,
    %add3A_409 = arith.constant 16 : i32
    %add3A_410 = vector.broadcast %add3A_409 : i32 to vector<16xi32>
    %add3A_411 = arith.addi %iota3A_394, %add3A_410 : vector<16xi32>
    %gather3A_412 = arith.constant 1 : i32
    %gather3A_413 = arith.constant 0 : i32
    %gather3A_414 = arith.constant 0 : i32
    %gather3A_415 = tpu.memref_slice %arg6[%gather3A_412, %gather3A_413, %gather3A_414] : memref<8x64x128xf32, #tpu.memory_space<vmem>> -> memref<1x64x128xf32, #tpu.memory_space<vmem>>
    %gather3A_416 = tpu.memref_squeeze %gather3A_415 : memref<1x64x128xf32, #tpu.memory_space<vmem>> -> memref<64x128xf32, #tpu.memory_space<vmem>>
    %gather3A_417 = tpu.vector_load_idx %gather3A_416[%add3A_411, %broadcast_in_dim3A_395] : memref<64x128xf32, #tpu.memory_space<vmem>>[vector<16xi32>, vector<16xi32>], vector<16xf32>,
    %swap3A_418 = arith.constant 60 : i32
    %swap3A_419 = arith.index_cast %swap3A_418 : i32 to index
    %swap3A_420 = arith.constant 80 : index
    %swap3A_421 = tpu.vector_load %arg7[%swap3A_419, %swap3A_420] {strides = array<i32>} : memref<64x128xf32, #tpu.memory_space<vmem>>, vector<16xf32>,
    tpu.vector_store %arg7[%swap3A_419, %swap3A_420], %gather3A_417 {strides = array<i32>} : memref<64x128xf32, #tpu.memory_space<vmem>>, vector<16xf32>,
    %add3A_422 = arith.constant 32 : i32
    %add3A_423 = vector.broadcast %add3A_422 : i32 to vector<16xi32>
    %add3A_424 = arith.addi %iota3A_394, %add3A_423 : vector<16xi32>
    %gather3A_425 = arith.constant 1 : i32
    %gather3A_426 = arith.constant 0 : i32
    %gather3A_427 = arith.constant 0 : i32
    %gather3A_428 = tpu.memref_slice %arg6[%gather3A_425, %gather3A_426, %gather3A_427] : memref<8x64x128xf32, #tpu.memory_space<vmem>> -> memref<1x64x128xf32, #tpu.memory_space<vmem>>
    %gather3A_429 = tpu.memref_squeeze %gather3A_428 : memref<1x64x128xf32, #tpu.memory_space<vmem>> -> memref<64x128xf32, #tpu.memory_space<vmem>>
    %gather3A_430 = tpu.vector_load_idx %gather3A_429[%add3A_424, %broadcast_in_dim3A_395] : memref<64x128xf32, #tpu.memory_space<vmem>>[vector<16xi32>, vector<16xi32>], vector<16xf32>,
    %swap3A_431 = arith.constant 60 : i32
    %swap3A_432 = arith.index_cast %swap3A_431 : i32 to index
    %swap3A_433 = arith.constant 96 : index
    %swap3A_434 = tpu.vector_load %arg7[%swap3A_432, %swap3A_433] {strides = array<i32>} : memref<64x128xf32, #tpu.memory_space<vmem>>, vector<16xf32>,
    tpu.vector_store %arg7[%swap3A_432, %swap3A_433], %gather3A_430 {strides = array<i32>} : memref<64x128xf32, #tpu.memory_space<vmem>>, vector<16xf32>,
    %add3A_435 = arith.constant 48 : i32
    %add3A_436 = vector.broadcast %add3A_435 : i32 to vector<16xi32>
    %add3A_437 = arith.addi %iota3A_394, %add3A_436 : vector<16xi32>
    %gather3A_438 = arith.constant 1 : i32
    %gather3A_439 = arith.constant 0 : i32
    %gather3A_440 = arith.constant 0 : i32
    %gather3A_441 = tpu.memref_slice %arg6[%gather3A_438, %gather3A_439, %gather3A_440] : memref<8x64x128xf32, #tpu.memory_space<vmem>> -> memref<1x64x128xf32, #tpu.memory_space<vmem>>
    %gather3A_442 = tpu.memref_squeeze %gather3A_441 : memref<1x64x128xf32, #tpu.memory_space<vmem>> -> memref<64x128xf32, #tpu.memory_space<vmem>>
    %gather3A_443 = tpu.vector_load_idx %gather3A_442[%add3A_437, %broadcast_in_dim3A_395] : memref<64x128xf32, #tpu.memory_space<vmem>>[vector<16xi32>, vector<16xi32>], vector<16xf32>,
    %swap3A_444 = arith.constant 60 : i32
    %swap3A_445 = arith.index_cast %swap3A_444 : i32 to index
    %swap3A_446 = arith.constant 112 : index
    %swap3A_447 = tpu.vector_load %arg7[%swap3A_445, %swap3A_446] {strides = array<i32>} : memref<64x128xf32, #tpu.memory_space<vmem>>, vector<16xf32>,
    tpu.vector_store %arg7[%swap3A_445, %swap3A_446], %gather3A_443 {strides = array<i32>} : memref<64x128xf32, #tpu.memory_space<vmem>>, vector<16xf32>,
    %add3A_448 = arith.constant 122 : i32
    %add3A_449 = arith.addi %mul3A_2, %add3A_448 : i32
    %broadcast_in_dim3A_450 = vector.broadcast %add3A_449 : i32 to vector<16xi32>
    %gather3A_451 = tpu.vector_load_idx %arg5[%broadcast_in_dim3A_450] : memref<4096xi32, #tpu.memory_space<vmem>>[vector<16xi32>], vector<16xi32>,
    %reduce_max3A_452 = arith.constant true
    %reduce_max3A_453 = vector.broadcast %reduce_max3A_452 : i1 to vector<16xi1>
    %reduce_max3A_454 = arith.constant -2147483648 : i32
    %reduce_max3A_455 = vector.broadcast %reduce_max3A_454 : i32 to vector<16xi32>
    %reduce_max3A_456 = arith.xori %gather3A_451, %reduce_max3A_455 : vector<16xi32>
    %reduce_max3A_457 = tpu.scan <max>, %reduce_max3A_456 masked %reduce_max3A_453 : vector<16xi32>, vector<16xi1> -> vector<16xi32>
    %reduce_max3A_458 = arith.xori %reduce_max3A_457, %reduce_max3A_455 : vector<16xi32>
    %reduce_max3A_459 = vector.extract %reduce_max3A_458[15] : i32 from vector<16xi32>
    %shift_right_arithmetic3A_460 = arith.constant 7 : i32
    %shift_right_arithmetic3A_461 = arith.shrsi %reduce_max3A_459, %shift_right_arithmetic3A_460 : i32
    %and3A_462 = arith.constant 127 : i32
    %and3A_463 = arith.andi %reduce_max3A_459, %and3A_462 : i32
    %iota3A_464 = tpu.iota {dimensions = array<i32: 0>} : vector<16xi32>
    %broadcast_in_dim3A_465 = vector.broadcast %and3A_463 : i32 to vector<16xi32>
    %add3A_466 = arith.constant 0 : i32
    %add3A_467 = vector.broadcast %add3A_466 : i32 to vector<16xi32>
    %add3A_468 = arith.addi %iota3A_464, %add3A_467 : vector<16xi32>
    %gather3A_469 = arith.constant 2 : i32
    %gather3A_470 = arith.constant 0 : i32
    %gather3A_471 = arith.constant 0 : i32
    %gather3A_472 = tpu.memref_slice %arg6[%gather3A_469, %gather3A_470, %gather3A_471] : memref<8x64x128xf32, #tpu.memory_space<vmem>> -> memref<1x64x128xf32, #tpu.memory_space<vmem>>
    %gather3A_473 = tpu.memref_squeeze %gather3A_472 : memref<1x64x128xf32, #tpu.memory_space<vmem>> -> memref<64x128xf32, #tpu.memory_space<vmem>>
    %gather3A_474 = tpu.vector_load_idx %gather3A_473[%add3A_468, %broadcast_in_dim3A_465] : memref<64x128xf32, #tpu.memory_space<vmem>>[vector<16xi32>, vector<16xi32>], vector<16xf32>,
    %swap3A_475 = arith.constant 61 : i32
    %swap3A_476 = arith.index_cast %swap3A_475 : i32 to index
    %swap3A_477 = arith.constant 0 : index
    %swap3A_478 = tpu.vector_load %arg7[%swap3A_476, %swap3A_477] {strides = array<i32>} : memref<64x128xf32, #tpu.memory_space<vmem>>, vector<16xf32>,
    tpu.vector_store %arg7[%swap3A_476, %swap3A_477], %gather3A_474 {strides = array<i32>} : memref<64x128xf32, #tpu.memory_space<vmem>>, vector<16xf32>,
    %add3A_479 = arith.constant 16 : i32
    %add3A_480 = vector.broadcast %add3A_479 : i32 to vector<16xi32>
    %add3A_481 = arith.addi %iota3A_464, %add3A_480 : vector<16xi32>
    %gather3A_482 = arith.constant 2 : i32
    %gather3A_483 = arith.constant 0 : i32
    %gather3A_484 = arith.constant 0 : i32
    %gather3A_485 = tpu.memref_slice %arg6[%gather3A_482, %gather3A_483, %gather3A_484] : memref<8x64x128xf32, #tpu.memory_space<vmem>> -> memref<1x64x128xf32, #tpu.memory_space<vmem>>
    %gather3A_486 = tpu.memref_squeeze %gather3A_485 : memref<1x64x128xf32, #tpu.memory_space<vmem>> -> memref<64x128xf32, #tpu.memory_space<vmem>>
    %gather3A_487 = tpu.vector_load_idx %gather3A_486[%add3A_481, %broadcast_in_dim3A_465] : memref<64x128xf32, #tpu.memory_space<vmem>>[vector<16xi32>, vector<16xi32>], vector<16xf32>,
    %swap3A_488 = arith.constant 61 : i32
    %swap3A_489 = arith.index_cast %swap3A_488 : i32 to index
    %swap3A_490 = arith.constant 16 : index
    %swap3A_491 = tpu.vector_load %arg7[%swap3A_489, %swap3A_490] {strides = array<i32>} : memref<64x128xf32, #tpu.memory_space<vmem>>, vector<16xf32>,
    tpu.vector_store %arg7[%swap3A_489, %swap3A_490], %gather3A_487 {strides = array<i32>} : memref<64x128xf32, #tpu.memory_space<vmem>>, vector<16xf32>,
    %add3A_492 = arith.constant 32 : i32
    %add3A_493 = vector.broadcast %add3A_492 : i32 to vector<16xi32>
    %add3A_494 = arith.addi %iota3A_464, %add3A_493 : vector<16xi32>
    %gather3A_495 = arith.constant 2 : i32
    %gather3A_496 = arith.constant 0 : i32
    %gather3A_497 = arith.constant 0 : i32
    %gather3A_498 = tpu.memref_slice %arg6[%gather3A_495, %gather3A_496, %gather3A_497] : memref<8x64x128xf32, #tpu.memory_space<vmem>> -> memref<1x64x128xf32, #tpu.memory_space<vmem>>
    %gather3A_499 = tpu.memref_squeeze %gather3A_498 : memref<1x64x128xf32, #tpu.memory_space<vmem>> -> memref<64x128xf32, #tpu.memory_space<vmem>>
    %gather3A_500 = tpu.vector_load_idx %gather3A_499[%add3A_494, %broadcast_in_dim3A_465] : memref<64x128xf32, #tpu.memory_space<vmem>>[vector<16xi32>, vector<16xi32>], vector<16xf32>,
    %swap3A_501 = arith.constant 61 : i32
    %swap3A_502 = arith.index_cast %swap3A_501 : i32 to index
    %swap3A_503 = arith.constant 32 : index
    %swap3A_504 = tpu.vector_load %arg7[%swap3A_502, %swap3A_503] {strides = array<i32>} : memref<64x128xf32, #tpu.memory_space<vmem>>, vector<16xf32>,
    tpu.vector_store %arg7[%swap3A_502, %swap3A_503], %gather3A_500 {strides = array<i32>} : memref<64x128xf32, #tpu.memory_space<vmem>>, vector<16xf32>,
    %add3A_505 = arith.constant 48 : i32
    %add3A_506 = vector.broadcast %add3A_505 : i32 to vector<16xi32>
    %add3A_507 = arith.addi %iota3A_464, %add3A_506 : vector<16xi32>
    %gather3A_508 = arith.constant 2 : i32
    %gather3A_509 = arith.constant 0 : i32
    %gather3A_510 = arith.constant 0 : i32
    %gather3A_511 = tpu.memref_slice %arg6[%gather3A_508, %gather3A_509, %gather3A_510] : memref<8x64x128xf32, #tpu.memory_space<vmem>> -> memref<1x64x128xf32, #tpu.memory_space<vmem>>
    %gather3A_512 = tpu.memref_squeeze %gather3A_511 : memref<1x64x128xf32, #tpu.memory_space<vmem>> -> memref<64x128xf32, #tpu.memory_space<vmem>>
    %gather3A_513 = tpu.vector_load_idx %gather3A_512[%add3A_507, %broadcast_in_dim3A_465] : memref<64x128xf32, #tpu.memory_space<vmem>>[vector<16xi32>, vector<16xi32>], vector<16xf32>,
    %swap3A_514 = arith.constant 61 : i32
    %swap3A_515 = arith.index_cast %swap3A_514 : i32 to index
    %swap3A_516 = arith.constant 48 : index
    %swap3A_517 = tpu.vector_load %arg7[%swap3A_515, %swap3A_516] {strides = array<i32>} : memref<64x128xf32, #tpu.memory_space<vmem>>, vector<16xf32>,
    tpu.vector_store %arg7[%swap3A_515, %swap3A_516], %gather3A_513 {strides = array<i32>} : memref<64x128xf32, #tpu.memory_space<vmem>>, vector<16xf32>,
    %add3A_518 = arith.constant 123 : i32
    %add3A_519 = arith.addi %mul3A_2, %add3A_518 : i32
    %broadcast_in_dim3A_520 = vector.broadcast %add3A_519 : i32 to vector<16xi32>
    %gather3A_521 = tpu.vector_load_idx %arg5[%broadcast_in_dim3A_520] : memref<4096xi32, #tpu.memory_space<vmem>>[vector<16xi32>], vector<16xi32>,
    %reduce_max3A_522 = arith.constant true
    %reduce_max3A_523 = vector.broadcast %reduce_max3A_522 : i1 to vector<16xi1>
    %reduce_max3A_524 = arith.constant -2147483648 : i32
    %reduce_max3A_525 = vector.broadcast %reduce_max3A_524 : i32 to vector<16xi32>
    %reduce_max3A_526 = arith.xori %gather3A_521, %reduce_max3A_525 : vector<16xi32>
    %reduce_max3A_527 = tpu.scan <max>, %reduce_max3A_526 masked %reduce_max3A_523 : vector<16xi32>, vector<16xi1> -> vector<16xi32>
    %reduce_max3A_528 = arith.xori %reduce_max3A_527, %reduce_max3A_525 : vector<16xi32>
    %reduce_max3A_529 = vector.extract %reduce_max3A_528[15] : i32 from vector<16xi32>
    %shift_right_arithmetic3A_530 = arith.constant 7 : i32
    %shift_right_arithmetic3A_531 = arith.shrsi %reduce_max3A_529, %shift_right_arithmetic3A_530 : i32
    %and3A_532 = arith.constant 127 : i32
    %and3A_533 = arith.andi %reduce_max3A_529, %and3A_532 : i32
    %iota3A_534 = tpu.iota {dimensions = array<i32: 0>} : vector<16xi32>
    %broadcast_in_dim3A_535 = vector.broadcast %and3A_533 : i32 to vector<16xi32>
    %add3A_536 = arith.constant 0 : i32
    %add3A_537 = vector.broadcast %add3A_536 : i32 to vector<16xi32>
    %add3A_538 = arith.addi %iota3A_534, %add3A_537 : vector<16xi32>
    %gather3A_539 = arith.constant 3 : i32
    %gather3A_540 = arith.constant 0 : i32
    %gather3A_541 = arith.constant 0 : i32
    %gather3A_542 = tpu.memref_slice %arg6[%gather3A_539, %gather3A_540, %gather3A_541] : memref<8x64x128xf32, #tpu.memory_space<vmem>> -> memref<1x64x128xf32, #tpu.memory_space<vmem>>
    %gather3A_543 = tpu.memref_squeeze %gather3A_542 : memref<1x64x128xf32, #tpu.memory_space<vmem>> -> memref<64x128xf32, #tpu.memory_space<vmem>>
    %gather3A_544 = tpu.vector_load_idx %gather3A_543[%add3A_538, %broadcast_in_dim3A_535] : memref<64x128xf32, #tpu.memory_space<vmem>>[vector<16xi32>, vector<16xi32>], vector<16xf32>,
    %swap3A_545 = arith.constant 61 : i32
    %swap3A_546 = arith.index_cast %swap3A_545 : i32 to index
    %swap3A_547 = arith.constant 64 : index
    %swap3A_548 = tpu.vector_load %arg7[%swap3A_546, %swap3A_547] {strides = array<i32>} : memref<64x128xf32, #tpu.memory_space<vmem>>, vector<16xf32>,
    tpu.vector_store %arg7[%swap3A_546, %swap3A_547], %gather3A_544 {strides = array<i32>} : memref<64x128xf32, #tpu.memory_space<vmem>>, vector<16xf32>,
    %add3A_549 = arith.constant 16 : i32
    %add3A_550 = vector.broadcast %add3A_549 : i32 to vector<16xi32>
    %add3A_551 = arith.addi %iota3A_534, %add3A_550 : vector<16xi32>
    %gather3A_552 = arith.constant 3 : i32
    %gather3A_553 = arith.constant 0 : i32
    %gather3A_554 = arith.constant 0 : i32
    %gather3A_555 = tpu.memref_slice %arg6[%gather3A_552, %gather3A_553, %gather3A_554] : memref<8x64x128xf32, #tpu.memory_space<vmem>> -> memref<1x64x128xf32, #tpu.memory_space<vmem>>
    %gather3A_556 = tpu.memref_squeeze %gather3A_555 : memref<1x64x128xf32, #tpu.memory_space<vmem>> -> memref<64x128xf32, #tpu.memory_space<vmem>>
    %gather3A_557 = tpu.vector_load_idx %gather3A_556[%add3A_551, %broadcast_in_dim3A_535] : memref<64x128xf32, #tpu.memory_space<vmem>>[vector<16xi32>, vector<16xi32>], vector<16xf32>,
    %swap3A_558 = arith.constant 61 : i32
    %swap3A_559 = arith.index_cast %swap3A_558 : i32 to index
    %swap3A_560 = arith.constant 80 : index
    %swap3A_561 = tpu.vector_load %arg7[%swap3A_559, %swap3A_560] {strides = array<i32>} : memref<64x128xf32, #tpu.memory_space<vmem>>, vector<16xf32>,
    tpu.vector_store %arg7[%swap3A_559, %swap3A_560], %gather3A_557 {strides = array<i32>} : memref<64x128xf32, #tpu.memory_space<vmem>>, vector<16xf32>,
    %add3A_562 = arith.constant 32 : i32
    %add3A_563 = vector.broadcast %add3A_562 : i32 to vector<16xi32>
    %add3A_564 = arith.addi %iota3A_534, %add3A_563 : vector<16xi32>
    %gather3A_565 = arith.constant 3 : i32
    %gather3A_566 = arith.constant 0 : i32
    %gather3A_567 = arith.constant 0 : i32
    %gather3A_568 = tpu.memref_slice %arg6[%gather3A_565, %gather3A_566, %gather3A_567] : memref<8x64x128xf32, #tpu.memory_space<vmem>> -> memref<1x64x128xf32, #tpu.memory_space<vmem>>
    %gather3A_569 = tpu.memref_squeeze %gather3A_568 : memref<1x64x128xf32, #tpu.memory_space<vmem>> -> memref<64x128xf32, #tpu.memory_space<vmem>>
    %gather3A_570 = tpu.vector_load_idx %gather3A_569[%add3A_564, %broadcast_in_dim3A_535] : memref<64x128xf32, #tpu.memory_space<vmem>>[vector<16xi32>, vector<16xi32>], vector<16xf32>,
    %swap3A_571 = arith.constant 61 : i32
    %swap3A_572 = arith.index_cast %swap3A_571 : i32 to index
    %swap3A_573 = arith.constant 96 : index
    %swap3A_574 = tpu.vector_load %arg7[%swap3A_572, %swap3A_573] {strides = array<i32>} : memref<64x128xf32, #tpu.memory_space<vmem>>, vector<16xf32>,
    tpu.vector_store %arg7[%swap3A_572, %swap3A_573], %gather3A_570 {strides = array<i32>} : memref<64x128xf32, #tpu.memory_space<vmem>>, vector<16xf32>,
    %add3A_575 = arith.constant 48 : i32
    %add3A_576 = vector.broadcast %add3A_575 : i32 to vector<16xi32>
    %add3A_577 = arith.addi %iota3A_534, %add3A_576 : vector<16xi32>
    %gather3A_578 = arith.constant 3 : i32
    %gather3A_579 = arith.constant 0 : i32
    %gather3A_580 = arith.constant 0 : i32
    %gather3A_581 = tpu.memref_slice %arg6[%gather3A_578, %gather3A_579, %gather3A_580] : memref<8x64x128xf32, #tpu.memory_space<vmem>> -> memref<1x64x128xf32, #tpu.memory_space<vmem>>
    %gather3A_582 = tpu.memref_squeeze %gather3A_581 : memref<1x64x128xf32, #tpu.memory_space<vmem>> -> memref<64x128xf32, #tpu.memory_space<vmem>>
    %gather3A_583 = tpu.vector_load_idx %gather3A_582[%add3A_577, %broadcast_in_dim3A_535] : memref<64x128xf32, #tpu.memory_space<vmem>>[vector<16xi32>, vector<16xi32>], vector<16xf32>,
    %swap3A_584 = arith.constant 61 : i32
    %swap3A_585 = arith.index_cast %swap3A_584 : i32 to index
    %swap3A_586 = arith.constant 112 : index
    %swap3A_587 = tpu.vector_load %arg7[%swap3A_585, %swap3A_586] {strides = array<i32>} : memref<64x128xf32, #tpu.memory_space<vmem>>, vector<16xf32>,
    tpu.vector_store %arg7[%swap3A_585, %swap3A_586], %gather3A_583 {strides = array<i32>} : memref<64x128xf32, #tpu.memory_space<vmem>>, vector<16xf32>,
    %dma_wait3A_588 = arith.constant 4 : i32
    %dma_wait3A_589 = arith.constant 0 : i32
    %dma_wait3A_590 = arith.constant 0 : i32
    %dma_wait3A_591 = tpu.memref_slice %arg6[%dma_wait3A_588, %dma_wait3A_589, %dma_wait3A_590] : memref<8x64x128xf32, #tpu.memory_space<vmem>> -> memref<1x64x128xf32, #tpu.memory_space<vmem>>
    %dma_wait3A_592 = tpu.memref_squeeze %dma_wait3A_591 : memref<1x64x128xf32, #tpu.memory_space<vmem>> -> memref<64x128xf32, #tpu.memory_space<vmem>>
    %dma_wait3A_593 = arith.constant 0 : i32
    %dma_wait3A_594 = arith.constant 0 : i32
    %dma_wait3A_595 = tpu.memref_slice %arg3[%dma_wait3A_593, %dma_wait3A_594] : memref<64x1000000xf32, #tpu.memory_space<hbm>> -> memref<64x128xf32, #tpu.memory_space<hbm>>
    %dma_wait3A_596 = arith.constant 0 : i32
    %dma_wait3A_597 = arith.constant 0 : i32
    %dma_wait3A_598 = tpu.memref_slice %arg6[%dma_wait3A_588, %dma_wait3A_596, %dma_wait3A_597] : memref<8x64x128xf32, #tpu.memory_space<vmem>> -> memref<1x64x128xf32, #tpu.memory_space<vmem>>
    %dma_wait3A_599 = tpu.memref_squeeze %dma_wait3A_598 : memref<1x64x128xf32, #tpu.memory_space<vmem>> -> memref<64x128xf32, #tpu.memory_space<vmem>>
    %dma_wait3A_600 = arith.constant 0 : i32
    %dma_wait3A_601 = arith.constant 0 : i32
    %dma_wait3A_602 = tpu.memref_slice %arg3[%dma_wait3A_600, %dma_wait3A_601] : memref<64x1000000xf32, #tpu.memory_space<hbm>> -> memref<64x128xf32, #tpu.memory_space<hbm>>
    tpu.wait_dma2 semaphore(%arg9 : memref<!tpu.dma_semaphore, #tpu.memory_space<semaphore_mem>>) src(%dma_wait3A_602 : memref<64x128xf32, #tpu.memory_space<hbm>>) dst(%dma_wait3A_599 : memref<64x128xf32, #tpu.memory_space<vmem>>)
    %dma_wait3A_603 = arith.constant 5 : i32
    %dma_wait3A_604 = arith.constant 0 : i32
    %dma_wait3A_605 = arith.constant 0 : i32
    %dma_wait3A_606 = tpu.memref_slice %arg6[%dma_wait3A_603, %dma_wait3A_604, %dma_wait3A_605] : memref<8x64x128xf32, #tpu.memory_space<vmem>> -> memref<1x64x128xf32, #tpu.memory_space<vmem>>
    %dma_wait3A_607 = tpu.memref_squeeze %dma_wait3A_606 : memref<1x64x128xf32, #tpu.memory_space<vmem>> -> memref<64x128xf32, #tpu.memory_space<vmem>>
    %dma_wait3A_608 = arith.constant 0 : i32
    %dma_wait3A_609 = arith.constant 0 : i32
    %dma_wait3A_610 = tpu.memref_slice %arg3[%dma_wait3A_608, %dma_wait3A_609] : memref<64x1000000xf32, #tpu.memory_space<hbm>> -> memref<64x128xf32, #tpu.memory_space<hbm>>
    %dma_wait3A_611 = arith.constant 0 : i32
    %dma_wait3A_612 = arith.constant 0 : i32
    %dma_wait3A_613 = tpu.memref_slice %arg6[%dma_wait3A_603, %dma_wait3A_611, %dma_wait3A_612] : memref<8x64x128xf32, #tpu.memory_space<vmem>> -> memref<1x64x128xf32, #tpu.memory_space<vmem>>
    %dma_wait3A_614 = tpu.memref_squeeze %dma_wait3A_613 : memref<1x64x128xf32, #tpu.memory_space<vmem>> -> memref<64x128xf32, #tpu.memory_space<vmem>>
    %dma_wait3A_615 = arith.constant 0 : i32
    %dma_wait3A_616 = arith.constant 0 : i32
    %dma_wait3A_617 = tpu.memref_slice %arg3[%dma_wait3A_615, %dma_wait3A_616] : memref<64x1000000xf32, #tpu.memory_space<hbm>> -> memref<64x128xf32, #tpu.memory_space<hbm>>
    tpu.wait_dma2 semaphore(%arg9 : memref<!tpu.dma_semaphore, #tpu.memory_space<semaphore_mem>>) src(%dma_wait3A_617 : memref<64x128xf32, #tpu.memory_space<hbm>>) dst(%dma_wait3A_614 : memref<64x128xf32, #tpu.memory_space<vmem>>)
    %dma_wait3A_618 = arith.constant 6 : i32
    %dma_wait3A_619 = arith.constant 0 : i32
    %dma_wait3A_620 = arith.constant 0 : i32
    %dma_wait3A_621 = tpu.memref_slice %arg6[%dma_wait3A_618, %dma_wait3A_619, %dma_wait3A_620] : memref<8x64x128xf32, #tpu.memory_space<vmem>> -> memref<1x64x128xf32, #tpu.memory_space<vmem>>
    %dma_wait3A_622 = tpu.memref_squeeze %dma_wait3A_621 : memref<1x64x128xf32, #tpu.memory_space<vmem>> -> memref<64x128xf32, #tpu.memory_space<vmem>>
    %dma_wait3A_623 = arith.constant 0 : i32
    %dma_wait3A_624 = arith.constant 0 : i32
    %dma_wait3A_625 = tpu.memref_slice %arg3[%dma_wait3A_623, %dma_wait3A_624] : memref<64x1000000xf32, #tpu.memory_space<hbm>> -> memref<64x128xf32, #tpu.memory_space<hbm>>
    %dma_wait3A_626 = arith.constant 0 : i32
    %dma_wait3A_627 = arith.constant 0 : i32
    %dma_wait3A_628 = tpu.memref_slice %arg6[%dma_wait3A_618, %dma_wait3A_626, %dma_wait3A_627] : memref<8x64x128xf32, #tpu.memory_space<vmem>> -> memref<1x64x128xf32, #tpu.memory_space<vmem>>
    %dma_wait3A_629 = tpu.memref_squeeze %dma_wait3A_628 : memref<1x64x128xf32, #tpu.memory_space<vmem>> -> memref<64x128xf32, #tpu.memory_space<vmem>>
    %dma_wait3A_630 = arith.constant 0 : i32
    %dma_wait3A_631 = arith.constant 0 : i32
    %dma_wait3A_632 = tpu.memref_slice %arg3[%dma_wait3A_630, %dma_wait3A_631] : memref<64x1000000xf32, #tpu.memory_space<hbm>> -> memref<64x128xf32, #tpu.memory_space<hbm>>
    tpu.wait_dma2 semaphore(%arg9 : memref<!tpu.dma_semaphore, #tpu.memory_space<semaphore_mem>>) src(%dma_wait3A_632 : memref<64x128xf32, #tpu.memory_space<hbm>>) dst(%dma_wait3A_629 : memref<64x128xf32, #tpu.memory_space<vmem>>)
    %dma_wait3A_633 = arith.constant 7 : i32
    %dma_wait3A_634 = arith.constant 0 : i32
    %dma_wait3A_635 = arith.constant 0 : i32
    %dma_wait3A_636 = tpu.memref_slice %arg6[%dma_wait3A_633, %dma_wait3A_634, %dma_wait3A_635] : memref<8x64x128xf32, #tpu.memory_space<vmem>> -> memref<1x64x128xf32, #tpu.memory_space<vmem>>
    %dma_wait3A_637 = tpu.memref_squeeze %dma_wait3A_636 : memref<1x64x128xf32, #tpu.memory_space<vmem>> -> memref<64x128xf32, #tpu.memory_space<vmem>>
    %dma_wait3A_638 = arith.constant 0 : i32
    %dma_wait3A_639 = arith.constant 0 : i32
    %dma_wait3A_640 = tpu.memref_slice %arg3[%dma_wait3A_638, %dma_wait3A_639] : memref<64x1000000xf32, #tpu.memory_space<hbm>> -> memref<64x128xf32, #tpu.memory_space<hbm>>
    %dma_wait3A_641 = arith.constant 0 : i32
    %dma_wait3A_642 = arith.constant 0 : i32
    %dma_wait3A_643 = tpu.memref_slice %arg6[%dma_wait3A_633, %dma_wait3A_641, %dma_wait3A_642] : memref<8x64x128xf32, #tpu.memory_space<vmem>> -> memref<1x64x128xf32, #tpu.memory_space<vmem>>
    %dma_wait3A_644 = tpu.memref_squeeze %dma_wait3A_643 : memref<1x64x128xf32, #tpu.memory_space<vmem>> -> memref<64x128xf32, #tpu.memory_space<vmem>>
    %dma_wait3A_645 = arith.constant 0 : i32
    %dma_wait3A_646 = arith.constant 0 : i32
    %dma_wait3A_647 = tpu.memref_slice %arg3[%dma_wait3A_645, %dma_wait3A_646] : memref<64x1000000xf32, #tpu.memory_space<hbm>> -> memref<64x128xf32, #tpu.memory_space<hbm>>
    tpu.wait_dma2 semaphore(%arg9 : memref<!tpu.dma_semaphore, #tpu.memory_space<semaphore_mem>>) src(%dma_wait3A_647 : memref<64x128xf32, #tpu.memory_space<hbm>>) dst(%dma_wait3A_644 : memref<64x128xf32, #tpu.memory_space<vmem>>)
    %add3A_648 = arith.constant 124 : i32
    %add3A_649 = arith.addi %mul3A_2, %add3A_648 : i32
    %broadcast_in_dim3A_650 = vector.broadcast %add3A_649 : i32 to vector<16xi32>
    %gather3A_651 = tpu.vector_load_idx %arg5[%broadcast_in_dim3A_650] : memref<4096xi32, #tpu.memory_space<vmem>>[vector<16xi32>], vector<16xi32>,
    %reduce_max3A_652 = arith.constant true
    %reduce_max3A_653 = vector.broadcast %reduce_max3A_652 : i1 to vector<16xi1>
    %reduce_max3A_654 = arith.constant -2147483648 : i32
    %reduce_max3A_655 = vector.broadcast %reduce_max3A_654 : i32 to vector<16xi32>
    %reduce_max3A_656 = arith.xori %gather3A_651, %reduce_max3A_655 : vector<16xi32>
    %reduce_max3A_657 = tpu.scan <max>, %reduce_max3A_656 masked %reduce_max3A_653 : vector<16xi32>, vector<16xi1> -> vector<16xi32>
    %reduce_max3A_658 = arith.xori %reduce_max3A_657, %reduce_max3A_655 : vector<16xi32>
    %reduce_max3A_659 = vector.extract %reduce_max3A_658[15] : i32 from vector<16xi32>
    %shift_right_arithmetic3A_660 = arith.constant 7 : i32
    %shift_right_arithmetic3A_661 = arith.shrsi %reduce_max3A_659, %shift_right_arithmetic3A_660 : i32
    %and3A_662 = arith.constant 127 : i32
    %and3A_663 = arith.andi %reduce_max3A_659, %and3A_662 : i32
    %iota3A_664 = tpu.iota {dimensions = array<i32: 0>} : vector<16xi32>
    %broadcast_in_dim3A_665 = vector.broadcast %and3A_663 : i32 to vector<16xi32>
    %add3A_666 = arith.constant 0 : i32
    %add3A_667 = vector.broadcast %add3A_666 : i32 to vector<16xi32>
    %add3A_668 = arith.addi %iota3A_664, %add3A_667 : vector<16xi32>
    %gather3A_669 = arith.constant 4 : i32
    %gather3A_670 = arith.constant 0 : i32
    %gather3A_671 = arith.constant 0 : i32
    %gather3A_672 = tpu.memref_slice %arg6[%gather3A_669, %gather3A_670, %gather3A_671] : memref<8x64x128xf32, #tpu.memory_space<vmem>> -> memref<1x64x128xf32, #tpu.memory_space<vmem>>
    %gather3A_673 = tpu.memref_squeeze %gather3A_672 : memref<1x64x128xf32, #tpu.memory_space<vmem>> -> memref<64x128xf32, #tpu.memory_space<vmem>>
    %gather3A_674 = tpu.vector_load_idx %gather3A_673[%add3A_668, %broadcast_in_dim3A_665] : memref<64x128xf32, #tpu.memory_space<vmem>>[vector<16xi32>, vector<16xi32>], vector<16xf32>,
    %swap3A_675 = arith.constant 62 : i32
    %swap3A_676 = arith.index_cast %swap3A_675 : i32 to index
    %swap3A_677 = arith.constant 0 : index
    %swap3A_678 = tpu.vector_load %arg7[%swap3A_676, %swap3A_677] {strides = array<i32>} : memref<64x128xf32, #tpu.memory_space<vmem>>, vector<16xf32>,
    tpu.vector_store %arg7[%swap3A_676, %swap3A_677], %gather3A_674 {strides = array<i32>} : memref<64x128xf32, #tpu.memory_space<vmem>>, vector<16xf32>,
    %add3A_679 = arith.constant 16 : i32
    %add3A_680 = vector.broadcast %add3A_679 : i32 to vector<16xi32>
    %add3A_681 = arith.addi %iota3A_664, %add3A_680 : vector<16xi32>
    %gather3A_682 = arith.constant 4 : i32
    %gather3A_683 = arith.constant 0 : i32
    %gather3A_684 = arith.constant 0 : i32
    %gather3A_685 = tpu.memref_slice %arg6[%gather3A_682, %gather3A_683, %gather3A_684] : memref<8x64x128xf32, #tpu.memory_space<vmem>> -> memref<1x64x128xf32, #tpu.memory_space<vmem>>
    %gather3A_686 = tpu.memref_squeeze %gather3A_685 : memref<1x64x128xf32, #tpu.memory_space<vmem>> -> memref<64x128xf32, #tpu.memory_space<vmem>>
    %gather3A_687 = tpu.vector_load_idx %gather3A_686[%add3A_681, %broadcast_in_dim3A_665] : memref<64x128xf32, #tpu.memory_space<vmem>>[vector<16xi32>, vector<16xi32>], vector<16xf32>,
    %swap3A_688 = arith.constant 62 : i32
    %swap3A_689 = arith.index_cast %swap3A_688 : i32 to index
    %swap3A_690 = arith.constant 16 : index
    %swap3A_691 = tpu.vector_load %arg7[%swap3A_689, %swap3A_690] {strides = array<i32>} : memref<64x128xf32, #tpu.memory_space<vmem>>, vector<16xf32>,
    tpu.vector_store %arg7[%swap3A_689, %swap3A_690], %gather3A_687 {strides = array<i32>} : memref<64x128xf32, #tpu.memory_space<vmem>>, vector<16xf32>,
    %add3A_692 = arith.constant 32 : i32
    %add3A_693 = vector.broadcast %add3A_692 : i32 to vector<16xi32>
    %add3A_694 = arith.addi %iota3A_664, %add3A_693 : vector<16xi32>
    %gather3A_695 = arith.constant 4 : i32
    %gather3A_696 = arith.constant 0 : i32
    %gather3A_697 = arith.constant 0 : i32
    %gather3A_698 = tpu.memref_slice %arg6[%gather3A_695, %gather3A_696, %gather3A_697] : memref<8x64x128xf32, #tpu.memory_space<vmem>> -> memref<1x64x128xf32, #tpu.memory_space<vmem>>
    %gather3A_699 = tpu.memref_squeeze %gather3A_698 : memref<1x64x128xf32, #tpu.memory_space<vmem>> -> memref<64x128xf32, #tpu.memory_space<vmem>>
    %gather3A_700 = tpu.vector_load_idx %gather3A_699[%add3A_694, %broadcast_in_dim3A_665] : memref<64x128xf32, #tpu.memory_space<vmem>>[vector<16xi32>, vector<16xi32>], vector<16xf32>,
    %swap3A_701 = arith.constant 62 : i32
    %swap3A_702 = arith.index_cast %swap3A_701 : i32 to index
    %swap3A_703 = arith.constant 32 : index
    %swap3A_704 = tpu.vector_load %arg7[%swap3A_702, %swap3A_703] {strides = array<i32>} : memref<64x128xf32, #tpu.memory_space<vmem>>, vector<16xf32>,
    tpu.vector_store %arg7[%swap3A_702, %swap3A_703], %gather3A_700 {strides = array<i32>} : memref<64x128xf32, #tpu.memory_space<vmem>>, vector<16xf32>,
    %add3A_705 = arith.constant 48 : i32
    %add3A_706 = vector.broadcast %add3A_705 : i32 to vector<16xi32>
    %add3A_707 = arith.addi %iota3A_664, %add3A_706 : vector<16xi32>
    %gather3A_708 = arith.constant 4 : i32
    %gather3A_709 = arith.constant 0 : i32
    %gather3A_710 = arith.constant 0 : i32
    %gather3A_711 = tpu.memref_slice %arg6[%gather3A_708, %gather3A_709, %gather3A_710] : memref<8x64x128xf32, #tpu.memory_space<vmem>> -> memref<1x64x128xf32, #tpu.memory_space<vmem>>
    %gather3A_712 = tpu.memref_squeeze %gather3A_711 : memref<1x64x128xf32, #tpu.memory_space<vmem>> -> memref<64x128xf32, #tpu.memory_space<vmem>>
    %gather3A_713 = tpu.vector_load_idx %gather3A_712[%add3A_707, %broadcast_in_dim3A_665] : memref<64x128xf32, #tpu.memory_space<vmem>>[vector<16xi32>, vector<16xi32>], vector<16xf32>,
    %swap3A_714 = arith.constant 62 : i32
    %swap3A_715 = arith.index_cast %swap3A_714 : i32 to index
    %swap3A_716 = arith.constant 48 : index
    %swap3A_717 = tpu.vector_load %arg7[%swap3A_715, %swap3A_716] {strides = array<i32>} : memref<64x128xf32, #tpu.memory_space<vmem>>, vector<16xf32>,
    tpu.vector_store %arg7[%swap3A_715, %swap3A_716], %gather3A_713 {strides = array<i32>} : memref<64x128xf32, #tpu.memory_space<vmem>>, vector<16xf32>,
    %add3A_718 = arith.constant 125 : i32
    %add3A_719 = arith.addi %mul3A_2, %add3A_718 : i32
    %broadcast_in_dim3A_720 = vector.broadcast %add3A_719 : i32 to vector<16xi32>
    %gather3A_721 = tpu.vector_load_idx %arg5[%broadcast_in_dim3A_720] : memref<4096xi32, #tpu.memory_space<vmem>>[vector<16xi32>], vector<16xi32>,
    %reduce_max3A_722 = arith.constant true
    %reduce_max3A_723 = vector.broadcast %reduce_max3A_722 : i1 to vector<16xi1>
    %reduce_max3A_724 = arith.constant -2147483648 : i32
    %reduce_max3A_725 = vector.broadcast %reduce_max3A_724 : i32 to vector<16xi32>
    %reduce_max3A_726 = arith.xori %gather3A_721, %reduce_max3A_725 : vector<16xi32>
    %reduce_max3A_727 = tpu.scan <max>, %reduce_max3A_726 masked %reduce_max3A_723 : vector<16xi32>, vector<16xi1> -> vector<16xi32>
    %reduce_max3A_728 = arith.xori %reduce_max3A_727, %reduce_max3A_725 : vector<16xi32>
    %reduce_max3A_729 = vector.extract %reduce_max3A_728[15] : i32 from vector<16xi32>
    %shift_right_arithmetic3A_730 = arith.constant 7 : i32
    %shift_right_arithmetic3A_731 = arith.shrsi %reduce_max3A_729, %shift_right_arithmetic3A_730 : i32
    %and3A_732 = arith.constant 127 : i32
    %and3A_733 = arith.andi %reduce_max3A_729, %and3A_732 : i32
    %iota3A_734 = tpu.iota {dimensions = array<i32: 0>} : vector<16xi32>
    %broadcast_in_dim3A_735 = vector.broadcast %and3A_733 : i32 to vector<16xi32>
    %add3A_736 = arith.constant 0 : i32
    %add3A_737 = vector.broadcast %add3A_736 : i32 to vector<16xi32>
    %add3A_738 = arith.addi %iota3A_734, %add3A_737 : vector<16xi32>
    %gather3A_739 = arith.constant 5 : i32
    %gather3A_740 = arith.constant 0 : i32
    %gather3A_741 = arith.constant 0 : i32
    %gather3A_742 = tpu.memref_slice %arg6[%gather3A_739, %gather3A_740, %gather3A_741] : memref<8x64x128xf32, #tpu.memory_space<vmem>> -> memref<1x64x128xf32, #tpu.memory_space<vmem>>
    %gather3A_743 = tpu.memref_squeeze %gather3A_742 : memref<1x64x128xf32, #tpu.memory_space<vmem>> -> memref<64x128xf32, #tpu.memory_space<vmem>>
    %gather3A_744 = tpu.vector_load_idx %gather3A_743[%add3A_738, %broadcast_in_dim3A_735] : memref<64x128xf32, #tpu.memory_space<vmem>>[vector<16xi32>, vector<16xi32>], vector<16xf32>,
    %swap3A_745 = arith.constant 62 : i32
    %swap3A_746 = arith.index_cast %swap3A_745 : i32 to index
    %swap3A_747 = arith.constant 64 : index
    %swap3A_748 = tpu.vector_load %arg7[%swap3A_746, %swap3A_747] {strides = array<i32>} : memref<64x128xf32, #tpu.memory_space<vmem>>, vector<16xf32>,
    tpu.vector_store %arg7[%swap3A_746, %swap3A_747], %gather3A_744 {strides = array<i32>} : memref<64x128xf32, #tpu.memory_space<vmem>>, vector<16xf32>,
    %add3A_749 = arith.constant 16 : i32
    %add3A_750 = vector.broadcast %add3A_749 : i32 to vector<16xi32>
    %add3A_751 = arith.addi %iota3A_734, %add3A_750 : vector<16xi32>
    %gather3A_752 = arith.constant 5 : i32
    %gather3A_753 = arith.constant 0 : i32
    %gather3A_754 = arith.constant 0 : i32
    %gather3A_755 = tpu.memref_slice %arg6[%gather3A_752, %gather3A_753, %gather3A_754] : memref<8x64x128xf32, #tpu.memory_space<vmem>> -> memref<1x64x128xf32, #tpu.memory_space<vmem>>
    %gather3A_756 = tpu.memref_squeeze %gather3A_755 : memref<1x64x128xf32, #tpu.memory_space<vmem>> -> memref<64x128xf32, #tpu.memory_space<vmem>>
    %gather3A_757 = tpu.vector_load_idx %gather3A_756[%add3A_751, %broadcast_in_dim3A_735] : memref<64x128xf32, #tpu.memory_space<vmem>>[vector<16xi32>, vector<16xi32>], vector<16xf32>,
    %swap3A_758 = arith.constant 62 : i32
    %swap3A_759 = arith.index_cast %swap3A_758 : i32 to index
    %swap3A_760 = arith.constant 80 : index
    %swap3A_761 = tpu.vector_load %arg7[%swap3A_759, %swap3A_760] {strides = array<i32>} : memref<64x128xf32, #tpu.memory_space<vmem>>, vector<16xf32>,
    tpu.vector_store %arg7[%swap3A_759, %swap3A_760], %gather3A_757 {strides = array<i32>} : memref<64x128xf32, #tpu.memory_space<vmem>>, vector<16xf32>,
    %add3A_762 = arith.constant 32 : i32
    %add3A_763 = vector.broadcast %add3A_762 : i32 to vector<16xi32>
    %add3A_764 = arith.addi %iota3A_734, %add3A_763 : vector<16xi32>
    %gather3A_765 = arith.constant 5 : i32
    %gather3A_766 = arith.constant 0 : i32
    %gather3A_767 = arith.constant 0 : i32
    %gather3A_768 = tpu.memref_slice %arg6[%gather3A_765, %gather3A_766, %gather3A_767] : memref<8x64x128xf32, #tpu.memory_space<vmem>> -> memref<1x64x128xf32, #tpu.memory_space<vmem>>
    %gather3A_769 = tpu.memref_squeeze %gather3A_768 : memref<1x64x128xf32, #tpu.memory_space<vmem>> -> memref<64x128xf32, #tpu.memory_space<vmem>>
    %gather3A_770 = tpu.vector_load_idx %gather3A_769[%add3A_764, %broadcast_in_dim3A_735] : memref<64x128xf32, #tpu.memory_space<vmem>>[vector<16xi32>, vector<16xi32>], vector<16xf32>,
    %swap3A_771 = arith.constant 62 : i32
    %swap3A_772 = arith.index_cast %swap3A_771 : i32 to index
    %swap3A_773 = arith.constant 96 : index
    %swap3A_774 = tpu.vector_load %arg7[%swap3A_772, %swap3A_773] {strides = array<i32>} : memref<64x128xf32, #tpu.memory_space<vmem>>, vector<16xf32>,
    tpu.vector_store %arg7[%swap3A_772, %swap3A_773], %gather3A_770 {strides = array<i32>} : memref<64x128xf32, #tpu.memory_space<vmem>>, vector<16xf32>,
    %add3A_775 = arith.constant 48 : i32
    %add3A_776 = vector.broadcast %add3A_775 : i32 to vector<16xi32>
    %add3A_777 = arith.addi %iota3A_734, %add3A_776 : vector<16xi32>
    %gather3A_778 = arith.constant 5 : i32
    %gather3A_779 = arith.constant 0 : i32
    %gather3A_780 = arith.constant 0 : i32
    %gather3A_781 = tpu.memref_slice %arg6[%gather3A_778, %gather3A_779, %gather3A_780] : memref<8x64x128xf32, #tpu.memory_space<vmem>> -> memref<1x64x128xf32, #tpu.memory_space<vmem>>
    %gather3A_782 = tpu.memref_squeeze %gather3A_781 : memref<1x64x128xf32, #tpu.memory_space<vmem>> -> memref<64x128xf32, #tpu.memory_space<vmem>>
    %gather3A_783 = tpu.vector_load_idx %gather3A_782[%add3A_777, %broadcast_in_dim3A_735] : memref<64x128xf32, #tpu.memory_space<vmem>>[vector<16xi32>, vector<16xi32>], vector<16xf32>,
    %swap3A_784 = arith.constant 62 : i32
    %swap3A_785 = arith.index_cast %swap3A_784 : i32 to index
    %swap3A_786 = arith.constant 112 : index
    %swap3A_787 = tpu.vector_load %arg7[%swap3A_785, %swap3A_786] {strides = array<i32>} : memref<64x128xf32, #tpu.memory_space<vmem>>, vector<16xf32>,
    tpu.vector_store %arg7[%swap3A_785, %swap3A_786], %gather3A_783 {strides = array<i32>} : memref<64x128xf32, #tpu.memory_space<vmem>>, vector<16xf32>,
    %add3A_788 = arith.constant 126 : i32
    %add3A_789 = arith.addi %mul3A_2, %add3A_788 : i32
    %broadcast_in_dim3A_790 = vector.broadcast %add3A_789 : i32 to vector<16xi32>
    %gather3A_791 = tpu.vector_load_idx %arg5[%broadcast_in_dim3A_790] : memref<4096xi32, #tpu.memory_space<vmem>>[vector<16xi32>], vector<16xi32>,
    %reduce_max3A_792 = arith.constant true
    %reduce_max3A_793 = vector.broadcast %reduce_max3A_792 : i1 to vector<16xi1>
    %reduce_max3A_794 = arith.constant -2147483648 : i32
    %reduce_max3A_795 = vector.broadcast %reduce_max3A_794 : i32 to vector<16xi32>
    %reduce_max3A_796 = arith.xori %gather3A_791, %reduce_max3A_795 : vector<16xi32>
    %reduce_max3A_797 = tpu.scan <max>, %reduce_max3A_796 masked %reduce_max3A_793 : vector<16xi32>, vector<16xi1> -> vector<16xi32>
    %reduce_max3A_798 = arith.xori %reduce_max3A_797, %reduce_max3A_795 : vector<16xi32>
    %reduce_max3A_799 = vector.extract %reduce_max3A_798[15] : i32 from vector<16xi32>
    %shift_right_arithmetic3A_800 = arith.constant 7 : i32
    %shift_right_arithmetic3A_801 = arith.shrsi %reduce_max3A_799, %shift_right_arithmetic3A_800 : i32
    %and3A_802 = arith.constant 127 : i32
    %and3A_803 = arith.andi %reduce_max3A_799, %and3A_802 : i32
    %iota3A_804 = tpu.iota {dimensions = array<i32: 0>} : vector<16xi32>
    %broadcast_in_dim3A_805 = vector.broadcast %and3A_803 : i32 to vector<16xi32>
    %add3A_806 = arith.constant 0 : i32
    %add3A_807 = vector.broadcast %add3A_806 : i32 to vector<16xi32>
    %add3A_808 = arith.addi %iota3A_804, %add3A_807 : vector<16xi32>
    %gather3A_809 = arith.constant 6 : i32
    %gather3A_810 = arith.constant 0 : i32
    %gather3A_811 = arith.constant 0 : i32
    %gather3A_812 = tpu.memref_slice %arg6[%gather3A_809, %gather3A_810, %gather3A_811] : memref<8x64x128xf32, #tpu.memory_space<vmem>> -> memref<1x64x128xf32, #tpu.memory_space<vmem>>
    %gather3A_813 = tpu.memref_squeeze %gather3A_812 : memref<1x64x128xf32, #tpu.memory_space<vmem>> -> memref<64x128xf32, #tpu.memory_space<vmem>>
    %gather3A_814 = tpu.vector_load_idx %gather3A_813[%add3A_808, %broadcast_in_dim3A_805] : memref<64x128xf32, #tpu.memory_space<vmem>>[vector<16xi32>, vector<16xi32>], vector<16xf32>,
    %swap3A_815 = arith.constant 63 : i32
    %swap3A_816 = arith.index_cast %swap3A_815 : i32 to index
    %swap3A_817 = arith.constant 0 : index
    %swap3A_818 = tpu.vector_load %arg7[%swap3A_816, %swap3A_817] {strides = array<i32>} : memref<64x128xf32, #tpu.memory_space<vmem>>, vector<16xf32>,
    tpu.vector_store %arg7[%swap3A_816, %swap3A_817], %gather3A_814 {strides = array<i32>} : memref<64x128xf32, #tpu.memory_space<vmem>>, vector<16xf32>,
    %add3A_819 = arith.constant 16 : i32
    %add3A_820 = vector.broadcast %add3A_819 : i32 to vector<16xi32>
    %add3A_821 = arith.addi %iota3A_804, %add3A_820 : vector<16xi32>
    %gather3A_822 = arith.constant 6 : i32
    %gather3A_823 = arith.constant 0 : i32
    %gather3A_824 = arith.constant 0 : i32
    %gather3A_825 = tpu.memref_slice %arg6[%gather3A_822, %gather3A_823, %gather3A_824] : memref<8x64x128xf32, #tpu.memory_space<vmem>> -> memref<1x64x128xf32, #tpu.memory_space<vmem>>
    %gather3A_826 = tpu.memref_squeeze %gather3A_825 : memref<1x64x128xf32, #tpu.memory_space<vmem>> -> memref<64x128xf32, #tpu.memory_space<vmem>>
    %gather3A_827 = tpu.vector_load_idx %gather3A_826[%add3A_821, %broadcast_in_dim3A_805] : memref<64x128xf32, #tpu.memory_space<vmem>>[vector<16xi32>, vector<16xi32>], vector<16xf32>,
    %swap3A_828 = arith.constant 63 : i32
    %swap3A_829 = arith.index_cast %swap3A_828 : i32 to index
    %swap3A_830 = arith.constant 16 : index
    %swap3A_831 = tpu.vector_load %arg7[%swap3A_829, %swap3A_830] {strides = array<i32>} : memref<64x128xf32, #tpu.memory_space<vmem>>, vector<16xf32>,
    tpu.vector_store %arg7[%swap3A_829, %swap3A_830], %gather3A_827 {strides = array<i32>} : memref<64x128xf32, #tpu.memory_space<vmem>>, vector<16xf32>,
    %add3A_832 = arith.constant 32 : i32
    %add3A_833 = vector.broadcast %add3A_832 : i32 to vector<16xi32>
    %add3A_834 = arith.addi %iota3A_804, %add3A_833 : vector<16xi32>
    %gather3A_835 = arith.constant 6 : i32
    %gather3A_836 = arith.constant 0 : i32
    %gather3A_837 = arith.constant 0 : i32
    %gather3A_838 = tpu.memref_slice %arg6[%gather3A_835, %gather3A_836, %gather3A_837] : memref<8x64x128xf32, #tpu.memory_space<vmem>> -> memref<1x64x128xf32, #tpu.memory_space<vmem>>
    %gather3A_839 = tpu.memref_squeeze %gather3A_838 : memref<1x64x128xf32, #tpu.memory_space<vmem>> -> memref<64x128xf32, #tpu.memory_space<vmem>>
    %gather3A_840 = tpu.vector_load_idx %gather3A_839[%add3A_834, %broadcast_in_dim3A_805] : memref<64x128xf32, #tpu.memory_space<vmem>>[vector<16xi32>, vector<16xi32>], vector<16xf32>,
    %swap3A_841 = arith.constant 63 : i32
    %swap3A_842 = arith.index_cast %swap3A_841 : i32 to index
    %swap3A_843 = arith.constant 32 : index
    %swap3A_844 = tpu.vector_load %arg7[%swap3A_842, %swap3A_843] {strides = array<i32>} : memref<64x128xf32, #tpu.memory_space<vmem>>, vector<16xf32>,
    tpu.vector_store %arg7[%swap3A_842, %swap3A_843], %gather3A_840 {strides = array<i32>} : memref<64x128xf32, #tpu.memory_space<vmem>>, vector<16xf32>,
    %add3A_845 = arith.constant 48 : i32
    %add3A_846 = vector.broadcast %add3A_845 : i32 to vector<16xi32>
    %add3A_847 = arith.addi %iota3A_804, %add3A_846 : vector<16xi32>
    %gather3A_848 = arith.constant 6 : i32
    %gather3A_849 = arith.constant 0 : i32
    %gather3A_850 = arith.constant 0 : i32
    %gather3A_851 = tpu.memref_slice %arg6[%gather3A_848, %gather3A_849, %gather3A_850] : memref<8x64x128xf32, #tpu.memory_space<vmem>> -> memref<1x64x128xf32, #tpu.memory_space<vmem>>
    %gather3A_852 = tpu.memref_squeeze %gather3A_851 : memref<1x64x128xf32, #tpu.memory_space<vmem>> -> memref<64x128xf32, #tpu.memory_space<vmem>>
    %gather3A_853 = tpu.vector_load_idx %gather3A_852[%add3A_847, %broadcast_in_dim3A_805] : memref<64x128xf32, #tpu.memory_space<vmem>>[vector<16xi32>, vector<16xi32>], vector<16xf32>,
    %swap3A_854 = arith.constant 63 : i32
    %swap3A_855 = arith.index_cast %swap3A_854 : i32 to index
    %swap3A_856 = arith.constant 48 : index
    %swap3A_857 = tpu.vector_load %arg7[%swap3A_855, %swap3A_856] {strides = array<i32>} : memref<64x128xf32, #tpu.memory_space<vmem>>, vector<16xf32>,
    tpu.vector_store %arg7[%swap3A_855, %swap3A_856], %gather3A_853 {strides = array<i32>} : memref<64x128xf32, #tpu.memory_space<vmem>>, vector<16xf32>,
    %add3A_858 = arith.constant 127 : i32
    %add3A_859 = arith.addi %mul3A_2, %add3A_858 : i32
    %broadcast_in_dim3A_860 = vector.broadcast %add3A_859 : i32 to vector<16xi32>
    %gather3A_861 = tpu.vector_load_idx %arg5[%broadcast_in_dim3A_860] : memref<4096xi32, #tpu.memory_space<vmem>>[vector<16xi32>], vector<16xi32>,
    %reduce_max3A_862 = arith.constant true
    %reduce_max3A_863 = vector.broadcast %reduce_max3A_862 : i1 to vector<16xi1>
    %reduce_max3A_864 = arith.constant -2147483648 : i32
    %reduce_max3A_865 = vector.broadcast %reduce_max3A_864 : i32 to vector<16xi32>
    %reduce_max3A_866 = arith.xori %gather3A_861, %reduce_max3A_865 : vector<16xi32>
    %reduce_max3A_867 = tpu.scan <max>, %reduce_max3A_866 masked %reduce_max3A_863 : vector<16xi32>, vector<16xi1> -> vector<16xi32>
    %reduce_max3A_868 = arith.xori %reduce_max3A_867, %reduce_max3A_865 : vector<16xi32>
    %reduce_max3A_869 = vector.extract %reduce_max3A_868[15] : i32 from vector<16xi32>
    %shift_right_arithmetic3A_870 = arith.constant 7 : i32
    %shift_right_arithmetic3A_871 = arith.shrsi %reduce_max3A_869, %shift_right_arithmetic3A_870 : i32
    %and3A_872 = arith.constant 127 : i32
    %and3A_873 = arith.andi %reduce_max3A_869, %and3A_872 : i32
    %iota3A_874 = tpu.iota {dimensions = array<i32: 0>} : vector<16xi32>
    %broadcast_in_dim3A_875 = vector.broadcast %and3A_873 : i32 to vector<16xi32>
    %add3A_876 = arith.constant 0 : i32
    %add3A_877 = vector.broadcast %add3A_876 : i32 to vector<16xi32>
    %add3A_878 = arith.addi %iota3A_874, %add3A_877 : vector<16xi32>
    %gather3A_879 = arith.constant 7 : i32
    %gather3A_880 = arith.constant 0 : i32
    %gather3A_881 = arith.constant 0 : i32
    %gather3A_882 = tpu.memref_slice %arg6[%gather3A_879, %gather3A_880, %gather3A_881] : memref<8x64x128xf32, #tpu.memory_space<vmem>> -> memref<1x64x128xf32, #tpu.memory_space<vmem>>
    %gather3A_883 = tpu.memref_squeeze %gather3A_882 : memref<1x64x128xf32, #tpu.memory_space<vmem>> -> memref<64x128xf32, #tpu.memory_space<vmem>>
    %gather3A_884 = tpu.vector_load_idx %gather3A_883[%add3A_878, %broadcast_in_dim3A_875] : memref<64x128xf32, #tpu.memory_space<vmem>>[vector<16xi32>, vector<16xi32>], vector<16xf32>,
    %swap3A_885 = arith.constant 63 : i32
    %swap3A_886 = arith.index_cast %swap3A_885 : i32 to index
    %swap3A_887 = arith.constant 64 : index
    %swap3A_888 = tpu.vector_load %arg7[%swap3A_886, %swap3A_887] {strides = array<i32>} : memref<64x128xf32, #tpu.memory_space<vmem>>, vector<16xf32>,
    tpu.vector_store %arg7[%swap3A_886, %swap3A_887], %gather3A_884 {strides = array<i32>} : memref<64x128xf32, #tpu.memory_space<vmem>>, vector<16xf32>,
    %add3A_889 = arith.constant 16 : i32
    %add3A_890 = vector.broadcast %add3A_889 : i32 to vector<16xi32>
    %add3A_891 = arith.addi %iota3A_874, %add3A_890 : vector<16xi32>
    %gather3A_892 = arith.constant 7 : i32
    %gather3A_893 = arith.constant 0 : i32
    %gather3A_894 = arith.constant 0 : i32
    %gather3A_895 = tpu.memref_slice %arg6[%gather3A_892, %gather3A_893, %gather3A_894] : memref<8x64x128xf32, #tpu.memory_space<vmem>> -> memref<1x64x128xf32, #tpu.memory_space<vmem>>
    %gather3A_896 = tpu.memref_squeeze %gather3A_895 : memref<1x64x128xf32, #tpu.memory_space<vmem>> -> memref<64x128xf32, #tpu.memory_space<vmem>>
    %gather3A_897 = tpu.vector_load_idx %gather3A_896[%add3A_891, %broadcast_in_dim3A_875] : memref<64x128xf32, #tpu.memory_space<vmem>>[vector<16xi32>, vector<16xi32>], vector<16xf32>,
    %swap3A_898 = arith.constant 63 : i32
    %swap3A_899 = arith.index_cast %swap3A_898 : i32 to index
    %swap3A_900 = arith.constant 80 : index
    %swap3A_901 = tpu.vector_load %arg7[%swap3A_899, %swap3A_900] {strides = array<i32>} : memref<64x128xf32, #tpu.memory_space<vmem>>, vector<16xf32>,
    tpu.vector_store %arg7[%swap3A_899, %swap3A_900], %gather3A_897 {strides = array<i32>} : memref<64x128xf32, #tpu.memory_space<vmem>>, vector<16xf32>,
    %add3A_902 = arith.constant 32 : i32
    %add3A_903 = vector.broadcast %add3A_902 : i32 to vector<16xi32>
    %add3A_904 = arith.addi %iota3A_874, %add3A_903 : vector<16xi32>
    %gather3A_905 = arith.constant 7 : i32
    %gather3A_906 = arith.constant 0 : i32
    %gather3A_907 = arith.constant 0 : i32
    %gather3A_908 = tpu.memref_slice %arg6[%gather3A_905, %gather3A_906, %gather3A_907] : memref<8x64x128xf32, #tpu.memory_space<vmem>> -> memref<1x64x128xf32, #tpu.memory_space<vmem>>
    %gather3A_909 = tpu.memref_squeeze %gather3A_908 : memref<1x64x128xf32, #tpu.memory_space<vmem>> -> memref<64x128xf32, #tpu.memory_space<vmem>>
    %gather3A_910 = tpu.vector_load_idx %gather3A_909[%add3A_904, %broadcast_in_dim3A_875] : memref<64x128xf32, #tpu.memory_space<vmem>>[vector<16xi32>, vector<16xi32>], vector<16xf32>,
    %swap3A_911 = arith.constant 63 : i32
    %swap3A_912 = arith.index_cast %swap3A_911 : i32 to index
    %swap3A_913 = arith.constant 96 : index
    %swap3A_914 = tpu.vector_load %arg7[%swap3A_912, %swap3A_913] {strides = array<i32>} : memref<64x128xf32, #tpu.memory_space<vmem>>, vector<16xf32>,
    tpu.vector_store %arg7[%swap3A_912, %swap3A_913], %gather3A_910 {strides = array<i32>} : memref<64x128xf32, #tpu.memory_space<vmem>>, vector<16xf32>,
    %add3A_915 = arith.constant 48 : i32
    %add3A_916 = vector.broadcast %add3A_915 : i32 to vector<16xi32>
    %add3A_917 = arith.addi %iota3A_874, %add3A_916 : vector<16xi32>
    %gather3A_918 = arith.constant 7 : i32
    %gather3A_919 = arith.constant 0 : i32
    %gather3A_920 = arith.constant 0 : i32
    %gather3A_921 = tpu.memref_slice %arg6[%gather3A_918, %gather3A_919, %gather3A_920] : memref<8x64x128xf32, #tpu.memory_space<vmem>> -> memref<1x64x128xf32, #tpu.memory_space<vmem>>
    %gather3A_922 = tpu.memref_squeeze %gather3A_921 : memref<1x64x128xf32, #tpu.memory_space<vmem>> -> memref<64x128xf32, #tpu.memory_space<vmem>>
    %gather3A_923 = tpu.vector_load_idx %gather3A_922[%add3A_917, %broadcast_in_dim3A_875] : memref<64x128xf32, #tpu.memory_space<vmem>>[vector<16xi32>, vector<16xi32>], vector<16xf32>,
    %swap3A_924 = arith.constant 63 : i32
    %swap3A_925 = arith.index_cast %swap3A_924 : i32 to index
    %swap3A_926 = arith.constant 112 : index
    %swap3A_927 = tpu.vector_load %arg7[%swap3A_925, %swap3A_926] {strides = array<i32>} : memref<64x128xf32, #tpu.memory_space<vmem>>, vector<16xf32>,
    tpu.vector_store %arg7[%swap3A_925, %swap3A_926], %gather3A_923 {strides = array<i32>} : memref<64x128xf32, #tpu.memory_space<vmem>>, vector<16xf32>,
    %mul3A_928 = arith.constant 64 : i32
    %mul3A_929 = arith.muli %add3A, %mul3A_928 : i32
    "tpu.region"() ({
      %run_scoped3A = tpu.sem_alloc : memref<!tpu.dma_semaphore, #tpu.memory_space<semaphore_mem>>
      %dma_start3A_930 = arith.constant 0 : i32
      %dma_start3A_931 = tpu.memref_slice %arg4[%mul3A_929, %dma_start3A_930] : memref<2048x128xf32, #tpu.memory_space<hbm>> -> memref<64x128xf32, #tpu.memory_space<hbm>>
      %dma_start3A_932 = arith.constant 0 : i32
      %dma_start3A_933 = tpu.memref_slice %arg4[%mul3A_929, %dma_start3A_932] : memref<2048x128xf32, #tpu.memory_space<hbm>> -> memref<64x128xf32, #tpu.memory_space<hbm>>
      tpu.enqueue_dma source(%arg7 : memref<64x128xf32, #tpu.memory_space<vmem>>) target(%dma_start3A_933 : memref<64x128xf32, #tpu.memory_space<hbm>>) target_semaphore(%run_scoped3A : memref<!tpu.dma_semaphore, #tpu.memory_space<semaphore_mem>>)
      %dma_wait3A_934 = arith.constant 0 : i32
      %dma_wait3A_935 = tpu.memref_slice %arg4[%mul3A_929, %dma_wait3A_934] : memref<2048x128xf32, #tpu.memory_space<hbm>> -> memref<64x128xf32, #tpu.memory_space<hbm>>
      %dma_wait3A_936 = arith.constant 0 : i32
      %dma_wait3A_937 = tpu.memref_slice %arg4[%mul3A_929, %dma_wait3A_936] : memref<2048x128xf32, #tpu.memory_space<hbm>> -> memref<64x128xf32, #tpu.memory_space<hbm>>
      tpu.wait_dma2 semaphore(%run_scoped3A : memref<!tpu.dma_semaphore, #tpu.memory_space<semaphore_mem>>) src(%arg7 : memref<64x128xf32, #tpu.memory_space<vmem>>) dst(%dma_wait3A_937 : memref<64x128xf32, #tpu.memory_space<hbm>>)
      tpu.yield
    }) : () -> ()
    return
  }
}

module attributes {stable_mosaic.version = 14 : i64} {
  func.func @_tc_body(%arg0: i32, %arg1: memref<512x32xf32, #tpu.memory_space<vmem>>, %arg2: memref<512x64xf32, #tpu.memory_space<vmem>>, %arg3: memref<512x1xf32, #tpu.memory_space<vmem>>, %arg4: memref<16x32xf32, #tpu.memory_space<vmem>>, %arg5: memref<16x32xf32, #tpu.memory_space<vmem>>, %arg6: memref<1x32xf32, #tpu.memory_space<vmem>>, %arg7: memref<1x32xf32, #tpu.memory_space<vmem>>, %arg8: memref<16x64xf32, #tpu.memory_space<vmem>>, %arg9: memref<16x64xf32, #tpu.memory_space<vmem>>, %arg10: memref<512x64xf32, #tpu.memory_space<vmem>>) attributes {dimension_semantics = [#tpu.dimension_semantics<arbitrary>], iteration_bounds = array<i64: 8>, scalar_prefetch = 0 : i64, scratch_operands = 0 : i64, tpu.core_type = #tpu.core_type<tc>, window_params = [{transform_indices = @transform_0, window_bounds = array<i64: 512, 32>}, {transform_indices = @transform_1, window_bounds = array<i64: 512, 64>}, {transform_indices = @transform_2, window_bounds = array<i64: 512, 1>}, {pipeline_mode = #tpu.pipeline_mode<synchronous>, transform_indices = @transform_3, window_bounds = array<i64: 16, 32>}, {pipeline_mode = #tpu.pipeline_mode<synchronous>, transform_indices = @transform_4, window_bounds = array<i64: 16, 32>}, {pipeline_mode = #tpu.pipeline_mode<synchronous>, transform_indices = @transform_5, window_bounds = array<i64: 1, 32>}, {pipeline_mode = #tpu.pipeline_mode<synchronous>, transform_indices = @transform_6, window_bounds = array<i64: 1, 32>}, {pipeline_mode = #tpu.pipeline_mode<synchronous>, transform_indices = @transform_7, window_bounds = array<i64: 16, 64>}, {pipeline_mode = #tpu.pipeline_mode<synchronous>, transform_indices = @transform_8, window_bounds = array<i64: 16, 64>}, {transform_indices = @transform_9, window_bounds = array<i64: 512, 64>}]} {
    %get3A = arith.constant 0 : index
    %get3A_0 = arith.constant 0 : index
    %get3A_1 = vector.load %arg1[%get3A, %get3A_0] : memref<512x32xf32, #tpu.memory_space<vmem>>, vector<512x32xf32>
    %mul3A = arith.constant 5.000000e-02 : f32
    %mul3A_2 = vector.broadcast %mul3A : f32 to vector<512x32xf32>
    %mul3A_3 = arith.mulf %get3A_1, %mul3A_2 : vector<512x32xf32>
    %slice3A = vector.extract_strided_slice %mul3A_3 {offsets = [0, 0], sizes = [512, 16], strides = [1, 1]} : vector<512x32xf32> to vector<512x16xf32>
    %slice3A_4 = vector.extract_strided_slice %mul3A_3 {offsets = [0, 16], sizes = [512, 16], strides = [1, 1]} : vector<512x32xf32> to vector<512x16xf32>
    %get3A_5 = arith.constant 0 : index
    %get3A_6 = arith.constant 0 : index
    %get3A_7 = vector.load %arg3[%get3A_5, %get3A_6] : memref<512x1xf32, #tpu.memory_space<vmem>>, vector<512x1xf32>
    %sub3A = arith.constant 1.000000e+00 : f32
    %sub3A_8 = vector.broadcast %sub3A : f32 to vector<512x1xf32>
    %sub3A_9 = arith.subf %sub3A_8, %get3A_7 : vector<512x1xf32>
    %get3A_10 = arith.constant 0 : index
    %get3A_11 = arith.constant 0 : index
    %get3A_12 = vector.load %arg4[%get3A_10, %get3A_11] : memref<16x32xf32, #tpu.memory_space<vmem>>, vector<16x32xf32>
    %dot_general3A = arith.constant dense<0.000000e+00> : vector<512x32xf32>
    %dot_general3A_13 = tpu.matmul %slice3A, %get3A_12, %dot_general3A {dimension_numbers = #tpu.dot_dimension_numbers<[1], [0], [0], [1], [0, 0, 1, 1], [], []>, precision = #tpu.contract_precision<fp32>, transpose_lhs_hint = false} : vector<512x16xf32>, vector<16x32xf32>, vector<512x32xf32> -> vector<512x32xf32>
    %tanh3A = math.tanh %dot_general3A_13 : vector<512x32xf32>
    %get3A_14 = arith.constant 0 : index
    %get3A_15 = arith.constant 0 : index
    %get3A_16 = vector.load %arg5[%get3A_14, %get3A_15] : memref<16x32xf32, #tpu.memory_space<vmem>>, vector<16x32xf32>
    %dot_general3A_17 = arith.constant dense<0.000000e+00> : vector<512x32xf32>
    %dot_general3A_18 = tpu.matmul %slice3A, %get3A_16, %dot_general3A_17 {dimension_numbers = #tpu.dot_dimension_numbers<[1], [0], [0], [1], [0, 0, 1, 1], [], []>, precision = #tpu.contract_precision<fp32>, transpose_lhs_hint = false} : vector<512x16xf32>, vector<16x32xf32>, vector<512x32xf32> -> vector<512x32xf32>
    %tanh3A_19 = math.tanh %dot_general3A_18 : vector<512x32xf32>
    %get3A_20 = arith.constant 0 : index
    %get3A_21 = arith.constant 0 : index
    %get3A_22 = vector.load %arg6[%get3A_20, %get3A_21] : memref<1x32xf32, #tpu.memory_space<vmem>>, vector<1x32xf32>
    %mul3A_23 = vector.broadcast %get3A_22 : vector<1x32xf32> to vector<512x32xf32>
    %mul3A_24 = arith.mulf %tanh3A, %mul3A_23 : vector<512x32xf32>
    %reduce_sum3A = arith.constant dense<0.000000e+00> : vector<512xf32>
    %reduce_sum3A_25 = vector.multi_reduction <add>, %mul3A_24, %reduce_sum3A [1] : vector<512x32xf32> to vector<512xf32>
    %broadcast_in_dim3A = vector.shape_cast %reduce_sum3A_25 : vector<512xf32> to vector<512x1xf32>
    %get3A_26 = arith.constant 0 : index
    %get3A_27 = arith.constant 0 : index
    %get3A_28 = vector.load %arg7[%get3A_26, %get3A_27] : memref<1x32xf32, #tpu.memory_space<vmem>>, vector<1x32xf32>
    %mul3A_29 = vector.broadcast %get3A_28 : vector<1x32xf32> to vector<512x32xf32>
    %mul3A_30 = arith.mulf %tanh3A_19, %mul3A_29 : vector<512x32xf32>
    %reduce_sum3A_31 = arith.constant dense<0.000000e+00> : vector<512xf32>
    %reduce_sum3A_32 = vector.multi_reduction <add>, %mul3A_30, %reduce_sum3A_31 [1] : vector<512x32xf32> to vector<512xf32>
    %broadcast_in_dim3A_33 = vector.shape_cast %reduce_sum3A_32 : vector<512xf32> to vector<512x1xf32>
    %mul3A_34 = arith.mulf %broadcast_in_dim3A, %sub3A_9 : vector<512x1xf32>
    %mul3A_35 = arith.mulf %broadcast_in_dim3A_33, %get3A_7 : vector<512x1xf32>
    %add3A = arith.addf %mul3A_34, %mul3A_35 : vector<512x1xf32>
    %get3A_36 = arith.constant 0 : index
    %get3A_37 = arith.constant 0 : index
    %get3A_38 = vector.load %arg4[%get3A_36, %get3A_37] : memref<16x32xf32, #tpu.memory_space<vmem>>, vector<16x32xf32>
    %dot_general3A_39 = arith.constant dense<0.000000e+00> : vector<512x32xf32>
    %dot_general3A_40 = tpu.matmul %slice3A_4, %get3A_38, %dot_general3A_39 {dimension_numbers = #tpu.dot_dimension_numbers<[1], [0], [0], [1], [0, 0, 1, 1], [], []>, precision = #tpu.contract_precision<fp32>, transpose_lhs_hint = false} : vector<512x16xf32>, vector<16x32xf32>, vector<512x32xf32> -> vector<512x32xf32>
    %tanh3A_41 = math.tanh %dot_general3A_40 : vector<512x32xf32>
    %get3A_42 = arith.constant 0 : index
    %get3A_43 = arith.constant 0 : index
    %get3A_44 = vector.load %arg5[%get3A_42, %get3A_43] : memref<16x32xf32, #tpu.memory_space<vmem>>, vector<16x32xf32>
    %dot_general3A_45 = arith.constant dense<0.000000e+00> : vector<512x32xf32>
    %dot_general3A_46 = tpu.matmul %slice3A_4, %get3A_44, %dot_general3A_45 {dimension_numbers = #tpu.dot_dimension_numbers<[1], [0], [0], [1], [0, 0, 1, 1], [], []>, precision = #tpu.contract_precision<fp32>, transpose_lhs_hint = false} : vector<512x16xf32>, vector<16x32xf32>, vector<512x32xf32> -> vector<512x32xf32>
    %tanh3A_47 = math.tanh %dot_general3A_46 : vector<512x32xf32>
    %get3A_48 = arith.constant 0 : index
    %get3A_49 = arith.constant 0 : index
    %get3A_50 = vector.load %arg6[%get3A_48, %get3A_49] : memref<1x32xf32, #tpu.memory_space<vmem>>, vector<1x32xf32>
    %mul3A_51 = vector.broadcast %get3A_50 : vector<1x32xf32> to vector<512x32xf32>
    %mul3A_52 = arith.mulf %tanh3A_41, %mul3A_51 : vector<512x32xf32>
    %reduce_sum3A_53 = arith.constant dense<0.000000e+00> : vector<512xf32>
    %reduce_sum3A_54 = vector.multi_reduction <add>, %mul3A_52, %reduce_sum3A_53 [1] : vector<512x32xf32> to vector<512xf32>
    %broadcast_in_dim3A_55 = vector.shape_cast %reduce_sum3A_54 : vector<512xf32> to vector<512x1xf32>
    %get3A_56 = arith.constant 0 : index
    %get3A_57 = arith.constant 0 : index
    %get3A_58 = vector.load %arg7[%get3A_56, %get3A_57] : memref<1x32xf32, #tpu.memory_space<vmem>>, vector<1x32xf32>
    %mul3A_59 = vector.broadcast %get3A_58 : vector<1x32xf32> to vector<512x32xf32>
    %mul3A_60 = arith.mulf %tanh3A_47, %mul3A_59 : vector<512x32xf32>
    %reduce_sum3A_61 = arith.constant dense<0.000000e+00> : vector<512xf32>
    %reduce_sum3A_62 = vector.multi_reduction <add>, %mul3A_60, %reduce_sum3A_61 [1] : vector<512x32xf32> to vector<512xf32>
    %broadcast_in_dim3A_63 = vector.shape_cast %reduce_sum3A_62 : vector<512xf32> to vector<512x1xf32>
    %mul3A_64 = arith.mulf %broadcast_in_dim3A_55, %sub3A_9 : vector<512x1xf32>
    %mul3A_65 = arith.mulf %broadcast_in_dim3A_63, %get3A_7 : vector<512x1xf32>
    %add3A_66 = arith.addf %mul3A_64, %mul3A_65 : vector<512x1xf32>
    %max3A = arith.maximumf %add3A, %add3A_66 : vector<512x1xf32>
    %sub3A_67 = arith.subf %add3A, %max3A : vector<512x1xf32>
    %exp3A = math.exp %sub3A_67 : vector<512x1xf32>
    %sub3A_68 = arith.subf %add3A_66, %max3A : vector<512x1xf32>
    %exp3A_69 = math.exp %sub3A_68 : vector<512x1xf32>
    %add3A_70 = arith.addf %exp3A, %exp3A_69 : vector<512x1xf32>
    %div3A = arith.constant 1.000000e+00 : f32
    %div3A_71 = vector.broadcast %div3A : f32 to vector<512x1xf32>
    %div3A_72 = arith.divf %div3A_71, %add3A_70 : vector<512x1xf32>
    %mul3A_73 = arith.mulf %exp3A, %div3A_72 : vector<512x1xf32>
    %mul3A_74 = vector.broadcast %mul3A_73 : vector<512x1xf32> to vector<512x16xf32>
    %mul3A_75 = arith.mulf %mul3A_74, %slice3A : vector<512x16xf32>
    %mul3A_76 = arith.mulf %exp3A_69, %div3A_72 : vector<512x1xf32>
    %mul3A_77 = vector.broadcast %mul3A_76 : vector<512x1xf32> to vector<512x16xf32>
    %mul3A_78 = arith.mulf %mul3A_77, %slice3A_4 : vector<512x16xf32>
    %add3A_79 = arith.addf %mul3A_75, %mul3A_78 : vector<512x16xf32>
    %get3A_80 = arith.constant 0 : index
    %get3A_81 = arith.constant 0 : index
    %get3A_82 = vector.load %arg8[%get3A_80, %get3A_81] : memref<16x64xf32, #tpu.memory_space<vmem>>, vector<16x64xf32>
    %dot_general3A_83 = arith.constant dense<0.000000e+00> : vector<512x64xf32>
    %dot_general3A_84 = tpu.matmul %add3A_79, %get3A_82, %dot_general3A_83 {dimension_numbers = #tpu.dot_dimension_numbers<[1], [0], [0], [1], [0, 0, 1, 1], [], []>, precision = #tpu.contract_precision<fp32>, transpose_lhs_hint = false} : vector<512x16xf32>, vector<16x64xf32>, vector<512x64xf32> -> vector<512x64xf32>
    %get3A_85 = arith.constant 0 : index
    %get3A_86 = arith.constant 0 : index
    %get3A_87 = vector.load %arg9[%get3A_85, %get3A_86] : memref<16x64xf32, #tpu.memory_space<vmem>>, vector<16x64xf32>
    %dot_general3A_88 = arith.constant dense<0.000000e+00> : vector<512x64xf32>
    %dot_general3A_89 = tpu.matmul %add3A_79, %get3A_87, %dot_general3A_88 {dimension_numbers = #tpu.dot_dimension_numbers<[1], [0], [0], [1], [0, 0, 1, 1], [], []>, precision = #tpu.contract_precision<fp32>, transpose_lhs_hint = false} : vector<512x16xf32>, vector<16x64xf32>, vector<512x64xf32> -> vector<512x64xf32>
    %get3A_90 = arith.constant 0 : index
    %get3A_91 = arith.constant 0 : index
    %get3A_92 = vector.load %arg2[%get3A_90, %get3A_91] : memref<512x64xf32, #tpu.memory_space<vmem>>, vector<512x64xf32>
    %mul3A_93 = vector.broadcast %sub3A_9 : vector<512x1xf32> to vector<512x64xf32>
    %mul3A_94 = arith.mulf %dot_general3A_84, %mul3A_93 : vector<512x64xf32>
    %add3A_95 = arith.addf %get3A_92, %mul3A_94 : vector<512x64xf32>
    %mul3A_96 = vector.broadcast %get3A_7 : vector<512x1xf32> to vector<512x64xf32>
    %mul3A_97 = arith.mulf %dot_general3A_89, %mul3A_96 : vector<512x64xf32>
    %add3A_98 = arith.addf %add3A_95, %mul3A_97 : vector<512x64xf32>
    %mul3A_99 = arith.mulf %add3A_98, %add3A_98 : vector<512x64xf32>
    %reduce_sum3A_100 = arith.constant dense<0.000000e+00> : vector<512xf32>
    %reduce_sum3A_101 = vector.multi_reduction <add>, %mul3A_99, %reduce_sum3A_100 [1] : vector<512x64xf32> to vector<512xf32>
    %broadcast_in_dim3A_102 = vector.shape_cast %reduce_sum3A_101 : vector<512xf32> to vector<512x1xf32>
    %max3A_103 = arith.constant 9.99999996E-13 : f32
    %max3A_104 = vector.broadcast %max3A_103 : f32 to vector<512x1xf32>
    %max3A_105 = arith.maximumf %broadcast_in_dim3A_102, %max3A_104 : vector<512x1xf32>
    %rsqrt3A = math.rsqrt %max3A_105 : vector<512x1xf32>
    %mul3A_106 = vector.broadcast %rsqrt3A : vector<512x1xf32> to vector<512x64xf32>
    %mul3A_107 = arith.mulf %add3A_98, %mul3A_106 : vector<512x64xf32>
    %swap3A = arith.constant 0 : index
    %swap3A_108 = arith.constant 0 : index
    %swap3A_109 = vector.load %arg10[%swap3A, %swap3A_108] : memref<512x64xf32, #tpu.memory_space<vmem>>, vector<512x64xf32>
    tpu.vector_store %arg10[%swap3A, %swap3A_108], %mul3A_107 {strides = array<i32>} : memref<512x64xf32, #tpu.memory_space<vmem>>, vector<512x64xf32>,
    return
  }
  func.func @transform_0(%arg0: i32) -> (i32, i32) {
    %c0_i32 = arith.constant 0 : i32
    %c0_i32_0 = arith.constant 0 : i32
    return %arg0, %c0_i32 : i32, i32
  }
  func.func @transform_1(%arg0: i32) -> (i32, i32) {
    %c0_i32 = arith.constant 0 : i32
    %c0_i32_0 = arith.constant 0 : i32
    return %arg0, %c0_i32 : i32, i32
  }
  func.func @transform_2(%arg0: i32) -> (i32, i32) {
    %c0_i32 = arith.constant 0 : i32
    %c0_i32_0 = arith.constant 0 : i32
    return %arg0, %c0_i32 : i32, i32
  }
  func.func @transform_3(%arg0: i32) -> (i32, i32) {
    %c0_i32 = arith.constant 0 : i32
    %c0_i32_0 = arith.constant 0 : i32
    %c0_i32_1 = arith.constant 0 : i32
    return %c0_i32, %c0_i32_0 : i32, i32
  }
  func.func @transform_4(%arg0: i32) -> (i32, i32) {
    %c0_i32 = arith.constant 0 : i32
    %c0_i32_0 = arith.constant 0 : i32
    %c0_i32_1 = arith.constant 0 : i32
    return %c0_i32, %c0_i32_0 : i32, i32
  }
  func.func @transform_5(%arg0: i32) -> (i32, i32) {
    %c0_i32 = arith.constant 0 : i32
    %c0_i32_0 = arith.constant 0 : i32
    %c0_i32_1 = arith.constant 0 : i32
    return %c0_i32, %c0_i32_0 : i32, i32
  }
  func.func @transform_6(%arg0: i32) -> (i32, i32) {
    %c0_i32 = arith.constant 0 : i32
    %c0_i32_0 = arith.constant 0 : i32
    %c0_i32_1 = arith.constant 0 : i32
    return %c0_i32, %c0_i32_0 : i32, i32
  }
  func.func @transform_7(%arg0: i32) -> (i32, i32) {
    %c0_i32 = arith.constant 0 : i32
    %c0_i32_0 = arith.constant 0 : i32
    %c0_i32_1 = arith.constant 0 : i32
    return %c0_i32, %c0_i32_0 : i32, i32
  }
  func.func @transform_8(%arg0: i32) -> (i32, i32) {
    %c0_i32 = arith.constant 0 : i32
    %c0_i32_0 = arith.constant 0 : i32
    %c0_i32_1 = arith.constant 0 : i32
    return %c0_i32, %c0_i32_0 : i32, i32
  }
  func.func @transform_9(%arg0: i32) -> (i32, i32) {
    %c0_i32 = arith.constant 0 : i32
    %c0_i32_0 = arith.constant 0 : i32
    return %arg0, %c0_i32 : i32, i32
  }
}

</mosaic_0001>

<sc_bundles>
// kernel: kernel.5.cloned.1.call-start
scs
__scs_entry_jumppad:
0x0: {  	(pc) =	sbr.rel $0x88, $3  }
0x1: {  	(tag) =	ssettag $0x0;
	lr =	simm.s32 $0x1  }
0x2: {  	[smem:$0x3F99] =	sst lr;
	_ =	strace $0xD0000000  }
0x3: {  	_ = 	snop  }
0x4: {  	_ = 	snop  }
0x5: {  	_ = 	snop  }
0x6: {  	_ = 	snop  }
0x7: {  	_ = 	snop  }
__scs_overlays_trampoline_lowered:
0x8: {  	[smem:$0x3FA8] =	sst s0  }
0x9: {  	[smem:$0x3FA9] =	sst s1  }
0xa: {  	[smem:$0x3FAA] =	sst s2  }
0xb: {  	[smem:$0x3FAB] =	sst s3  }
0xc: {  	[smem:$0x3FAC] =	sst s4  }
0xd: {  	[smem:$0x3FAD] =	sst s5  }
0xe: {  	[smem:$0x3FAE] =	sst s6  }
0xf: {  	[smem:$0x3FAF] =	sst s7  }
0x10: {  	[smem:$0x3FB0] =	sst s8  }
0x11: {  	[smem:$0x3FB1] =	sst s9;
	s0 =	simm.s32 @!p0 $0x0  }
0x12: {  	s1 =	sld [smem:$0x3F97];
	s0 =	simm.s32 @p0 $0x1  }
0x13: {  	[smem:$0x3FB2] =	sst s0;
	s0 =	simm.s32 @!p1 $0x0  }
0x14: {  	s2 =	sld [smem:$0x3F96];
	s0 =	simm.s32 @p1 $0x1  }
0x15: {  	[smem:$0x3FB3] =	sst s0;
	s0 =	simm.s32 @!p2 $0x0  }
0x16: {  	s3 =	sld [smem:$0x3FDB];
	s0 =	simm.s32 @p2 $0x1  }
0x17: {  	s4 =	simm.s32 $0x1BF5;
	[smem:$0x3FB5] =	sst s0  }
0x18: {  	s0 =	sld [smem:$0x3F98];
	_ =	swait.ge [sflag:s4], $0x0  }
0x19: {  	s7 =	sld [smem:$0x3F99]  }
0x1a: {  	s8 =	sadd.s32 $0xFFFFE003, lr  }
0x1b: {  	s9 =	sadd.s32 $0xFFFFFEF7, lr;
	s5 =	simm.s32 $0xFFFFFFFF;
	p2 =	slt.u32 s8, $0xFFFFF086  }
0x1c: {  	p1 =	slt.u32 s9, $0xF7A;
	s5 =	simm.s32 @!p2 $0x0  }
0x1d: {  	s5 =	simm.s32 @p1 $0x1;
	p0 =	seq.s32 s7, s2  }
0x1e: {  	s7 =	smul.u32 @!p0 $0xF7A, s2;
	p2 =	seq.s32 @!p0 s5, $0x0  }
0x1f: {  	s9 =	smul.u32 $0xF7A, s1;
	s8 =	simm.s32 @!p0 $0x1BF5;
	p2 =	por !p2, p0  }
0x20: {  	[sflag:s8] =	ssyncset.s32 @!p0 $0xFFFFF086;
	s6 =	sadd.s32 @!p0 s3, s7;
	s7 =	simm.s32 @!p0 $0x108  }
0x21: {  	s3 =	sadd.s32 s3, s9;
	s6 =	sadd.s32 @!p0 $0x88, s6;
	s7 =	simm.s32 @p2 $0x1082  }
0x22: {  	[simem:s7], [sflag:s8] =	dma.local @!p0 [hbm:s6], $0xF7A  }
0x23: {  	s9 =	sor.u32 $0xD0000000, s2;
	s6 =	simm.s32 $0x108;
	_ =	swait.ge @!p0 [sflag:s8], $0x0  }
0x24: {  	s3 =	sadd.s32 $0x88, s3;
	s6 =	simm.s32 @!p1 $0x1082;
	[sflag:s4] =	ssyncset.s32 $0xFFFFF086  }
0x25: {  	[simem:s6], [sflag:s4] =	dma.local [hbm:s3], $0xF7A  }
0x26: {  	[smem:$0x3F99] =	sst s1;
	(tag) =	ssettag s2;
	_ =	strace s9  }
0x27: {  	s1 =	sld [smem:$0x3FA9]  }
0x28: {  	s2 =	sld [smem:$0x3FAA]  }
0x29: {  	s4 =	sld [smem:$0x3FAC]  }
0x2a: {  	p0 =	seq.s32 s5, $0x0;
	s5 =	sld [smem:$0x3FAD]  }
0x2b: {  	s6 =	sld [smem:$0x3FAE]  }
0x2c: {  	s7 =	sld [smem:$0x3FAF]  }
0x2d: {  	s3 =	simm.s32 $0x108;
	s8 =	sld [smem:$0x3FB0]  }
0x2e: {  	s3 =	simm.s32 @!p0 $0x1082;
	s9 =	sld [smem:$0x3FB1]  }
0x2f: {  	lr =	sadd.s32 s0, s3;
	s0 =	sld [smem:$0x3FA8]  }
0x30: {  	s3 =	sld [smem:$0x3FAB]  }
0x31: {  	[smem:$0x3FB4] =	sst s10  }
0x32: {  	s10 =	sld [smem:$0x3FB2];
	_ =	sdelay $0x3  }
0x33: {  	p0 =	seq.s32 s10, $0x1;
	s10 =	sld [smem:$0x3FB4];
	_ =	sdelay $0x3  }
0x34: {  	[smem:$0x3FB4] =	sst s10  }
0x35: {  	s10 =	sld [smem:$0x3FB3];
	_ =	sdelay $0x3  }
0x36: {  	p1 =	seq.s32 s10, $0x1;
	s10 =	sld [smem:$0x3FB4];
	_ =	sdelay $0x3  }
0x37: {  	[smem:$0x3FB4] =	sst s10  }
0x38: {  	s10 =	sld [smem:$0x3FB5]  }
0x39: {  	_ = 	snop;
	(pc) =	sbr.ind lr, $3  }
0x3a: {  	_ = 	snop  }
0x3b: {  	_ = 	snop  }
0x3c: {  	p2 =	seq.s32 s10, $0x1;
	s10 =	sld [smem:$0x3FB4]  }
0x3d: {  	_ =	shalt  }
0x3e: {  	_ =	shalt  }
0x3f: {  	_ =	shalt  }
0x40: {  	_ =	shalt  }
0x41: {  	_ =	shalt  }
0x42: {  	_ =	shalt  }
0x43: {  	_ =	shalt  }
0x44: {  	_ =	shalt  }
0x45: {  	_ =	shalt  }
0x46: {  	_ =	shalt  }
0x47: {  	_ =	shalt  }
0x48: {  	_ =	shalt  }
0x49: {  	_ =	shalt  }
0x4a: {  	_ =	shalt  }
0x4b: {  	_ =	shalt  }
0x4c: {  	_ =	shalt  }
0x4d: {  	_ =	shalt  }
0x4e: {  	_ =	shalt  }
0x4f: {  	_ =	shalt  }
0x50: {  	_ =	shalt  }
0x51: {  	_ =	shalt  }
0x52: {  	_ =	shalt  }
0x53: {  	_ =	shalt  }
0x54: {  	_ =	shalt  }
0x55: {  	_ =	shalt  }
0x56: {  	_ =	shalt  }
0x57: {  	_ =	shalt  }
0x58: {  	_ =	shalt  }
0x59: {  	_ =	shalt  }
0x5a: {  	_ =	shalt  }
0x5b: {  	_ =	shalt  }
0x5c: {  	_ =	shalt  }
0x5d: {  	_ =	shalt  }
0x5e: {  	_ =	shalt  }
0x5f: {  	_ =	shalt  }
0x60: {  	_ =	shalt  }
0x61: {  	_ =	shalt  }
0x62: {  	_ =	shalt  }
0x63: {  	_ =	shalt  }
0x64: {  	_ =	shalt  }
0x65: {  	_ =	shalt  }
0x66: {  	_ =	shalt  }
0x67: {  	_ =	shalt  }
0x68: {  	_ =	shalt  }
0x69: {  	_ =	shalt  }
0x6a: {  	_ =	shalt  }
0x6b: {  	_ =	shalt  }
0x6c: {  	_ =	shalt  }
0x6d: {  	_ =	shalt  }
0x6e: {  	_ =	shalt  }
0x6f: {  	_ =	shalt  }
0x70: {  	_ =	shalt  }
0x71: {  	_ =	shalt  }
0x72: {  	_ =	shalt  }
0x73: {  	_ =	shalt  }
0x74: {  	_ =	shalt  }
0x75: {  	_ =	shalt  }
0x76: {  	_ =	shalt  }
0x77: {  	_ =	shalt  }
0x78: {  	_ =	shalt  }
0x79: {  	_ =	shalt  }
0x7a: {  	_ =	shalt  }
0x7b: {  	_ =	shalt  }
0x7c: {  	_ =	shalt  }
0x7d: {  	_ =	shalt  }
0x7e: {  	_ =	shalt  }
0x7f: {  	_ =	shalt  }
0x80: {  	_ =	shalt  }
0x81: {  	_ =	shalt  }
0x82: {  	_ =	shalt  }
0x83: {  	_ =	shalt  }
0x84: {  	_ =	shalt  }
0x85: {  	_ =	shalt  }
0x86: {  	_ =	shalt  }
0x87: {  	_ =	shalt  }
.Lfunc_end0:
.L_simem_size_0:
called_computation_lowered:
.L_overlay_start_0:
0x88: {  	s2 =	sld [smem:$0x3FD9]  }
0x89: {  	s3 =	sld [smem:$0x3FFE];
	_ =	sdelay $0x1  }
0x8a: {  	s1 =	srdreg.scid  }
0x8b: {  	s0 =	sand.u32 $0x1, s1  }
0x8c: {  	s18 =	sshll.u32 s0, $0xA;
	s2 =	sadd.s32 s3, s2  }
0x8d: {  	s2 =	sadd.s32 s2, s18  }
0x8e: {  	[smem:$0x3FC0] =	sst s2  }
0x8f: {  	_ = 	snop  }
0x90: {  	s19 =	sld [smem:$0x3FC9]  }
0x91: {  	s4 =	sld [smem:$0x3FC6]  }
0x92: {  	s5 =	sld [smem:$0x3FD0];
	(tm) =	ssettm $0x1  }
0x93: {  	s20 =	sld [smem:$0x3FFB];
	_ =	sdelay $0x3  }
0x94: {  	_ =	strace s20  }
0x95: {  	s2 =	sld [smem:$0x3FFC];
	_ =	sdelay $0x3  }
0x96: {  	_ =	strace s2  }
0x97: {  	s2 =	sld [smem:$0x3FFD];
	_ =	sdelay $0x3  }
0x98: {  	_ =	strace s2  }
0x99: {  	_ =	strace $0x8FFFFFFF  }
0x9a: {  	s21 =	sld [smem:$0x3FDB];
	_ =	sdelay $0x1  }
0x9b: {  	s6 =	simm.s32 $_scs_section_size  }
0x9c: {  	s7 =	simm.s32 $_size__tile_overlayer_lowered;
	s8 =	simm.s32 $_tile_overlayer_lowered  }
0x9d: {  	s9 =	simm.s32 $0x1BFF;
	s22 =	sshll.u32 s8, $0x1;
	s6 =	sadd.s32 s6, s21  }
0x9e: {  	s23 =	simm.s32 $0x0;
	s7 =	sshll.u32 s7, $0x1;
	s8 =	sadd.s32 s22, s6  }
0x9f: {  	[timem:s23], [sflag:s9] =	dma.local [hbm:s8], s7  }
0xa0: {  	_ =	swait.ge [sflag:s9], s7  }
0xa1: {  	s7 =	ssub.s32 $0x0, s7;
	[sflag:s9] =	ssyncset.done $0x0  }
0xa2: {  	[sflag:s9] =	ssyncadd.s32 s7;
	_ =	sdelay $0x1  }
0xa3: {  	s24 =	simm.s32 $0x1B8B  }
0xa4: {  	_ =	swait.ge [sflag:s24], $0x1  }
0xa5: {  	[sflag:s24] =	ssyncset.done $0x0  }
0xa6: {  	[sflag:s24] =	ssyncadd.s32 $0xFFFFFFFF  }
0xa7: {  	s7 =	sld [smem:$0x0]  }
0xa8: {  	s8 =	sand.u32 $0xFFFFFFFE, s1  }
0xa9: {  	p0 =	sne.s32 s1, s8  }
0xaa: {  	s8 =	sshll.u32 @p0 s8, $0xE  }
0xab: {  	s8 =	sadd.s32 @p0 $0x11B8D, s8;
	s9 =	sshll.u32 @p0 s7, $0x11  }
0xac: {  	s8 =	sor.u32 @p0 s9, s8  }
0xad: {  	[sflag:s8] =	ssyncadd.remote.s32 @p0 $0x1;
	_ =	sdelay $0x1  }
0xae: {  	s8 =	simm.s32 @p0 $0x1B8D  }
0xaf: {  	_ =	swait.eq @p0 [sflag:s8], $0x1  }
0xb0: {  	[sflag:s8] =	ssyncadd.s32 @p0 $0xFFFFFFFF  }
0xb1: {  	s9 =	sshll.u32 @!p0 s1, $0xE  }
0xb2: {  	s9 =	sor.u32 @!p0 $0x4000, s9;
	s8 =	simm.s32 @!p0 $0x1B8D  }
0xb3: {  	s7 =	sshll.u32 @!p0 s7, $0x11;
	s9 =	sadd.s32 @!p0 $0x11B8D, s9;
	_ =	swait.eq @!p0 [sflag:s8], $0x1  }
0xb4: {  	s7 =	sor.u32 @!p0 s7, s9;
	[sflag:s8] =	ssyncadd.s32 @!p0 $0xFFFFFFFF  }
0xb5: {  	s25 =	simm.s32 $0x1B8E;
	[sflag:s7] =	ssyncadd.remote.s32 @!p0 $0x1  }
0xb6: {  	s26 =	simm.s32 $execute0_lowered;
	[smem:$0x3FD2] =	sst s25  }
0xb7: {  	s7 =	sshll.u32 s26, $0x1;
	_ =	strace $0x80000049;
	[dreg:$0x1] =	wrdreg $0xFFFFFFFF  }
0xb8: {  	s28 =	simm.s32 $_size_execute0_lowered;
	s6 =	sadd.s32 s6, s7;
	[dreg:$0x0] =	wrdreg $0x0  }
0xb9: {  	s7 =	sshll.u32 s28, $0x1;
	[dreg:$0x2] =	wrdreg s6  }
0xba: {  	[dreg:$0x3] =	wrdreg s7  }
0xbb: {  	[dreg:$0x4] =	wrdreg $0xC0  }
0xbc: {  	_ =	task [dreg:s23], $0x5FFFF  }
0xbd: {  	[dreg:$0x1] =	wrdreg $0xFFFFFFFF  }
0xbe: {  	[dreg:$0x0] =	wrdreg $0x60  }
0xbf: {  	[dreg:$0x2] =	wrdreg s19  }
0xc0: {  	[dreg:$0x3] =	wrdreg s4  }
0xc1: {  	[dreg:$0x4] =	wrdreg s5  }
0xc2: {  	[dreg:$0x5] =	wrdreg $0x9  }
0xc3: {  	_ =	task.clear_ibuf [dreg:s23], $0x6FFFF;
	_ =	strace $0x90000049  }
0xc4: {  	s29 =	simm.s32 $0x9;
	_ =	strace $0x8000004B  }
0xc5: {  	_ =	swait.ge [sflag:s29], $0x1  }
0xc6: {  	[sflag:s29] =	ssyncadd.s32 $0xFFFFFFFF  }
0xc7: {  	_ =	strace $0x9000004B  }
0xc8: {  	_ =	sfence  }
0xc9: {  	s30 =	sld [smem:$0x0];
	_ =	sdelay $0x2  }
0xca: {  	s31 =	sshll.u32 s1, $0xD;
	s1 =	sshrl.u32 s1, $0x2  }
0xcb: {  	s4 =	sand.u32 $0x4000, s31;
	s1 =	sadd.s32 s1, s30  }
0xcc: {  	s0 =	sor.u32 s4, s0;
	s1 =	sshll.u32 s1, $0x11  }
0xcd: {  	s0 =	sor.u32 s1, s0  }
0xce: {  	s0 =	sadd.s32 $0x8F2B, s0  }
0xcf: {  	[sflag:s0] =	ssyncadd.remote.s32 $0x1  }
0xd0: {  	_ =	sfence.sel $0xFFFF  }
0xd1: {  	[dreg:$0x0] =	wrdreg $0xFFFFFFFF;
	(pc) =	sbr.abs _section_cstart, $3  }
0xd2: {  	[dreg:$0x1] =	wrdreg $0xFFFFFFFF  }
0xd3: {  	_ =	task.clear_ibuf [dreg:s23], $0x2FFFF;
	_ =	strace $0x9FFFFFFF  }
0xd4: {  	(tm) =	ssettm $0x7FFFFFFF  }
0xd5: {  	_ =	shalt  }
tec
execute0_lowered:
.L_overlay_start_1:
0x0: {  	(tag) =	ssettag $0x1  }
0x1: {  	s1 =	srdreg.scid;
	s0 =	stileid.u32  }
0x2: {  	s5 =	sand.u32 $0x1, s1;
	s30 =	sshll.u32 s0, $0x1  }
0x3: {  	s6 =	sor.u32 s5, s30  }
0x4: {  	s1 =	sshll.u32 s6, $0x7  }
0x5: {  	v1 =	vimm.s32 $0x0;
	vm0 =	vcmask $0x300;
	v0 =	vmov s1  }
0x6: {  	v1 =	vsel vm0, $0x7, v1;
	v0 =	vshrl.u32 v0, $0x7  }
0x7: {  	v15 =	vlaneseq.u32;
	v14 =	vshll.u32 v0, v1  }
0x8: {  	s3 =	rddreg [dreg:$0x1];
	v1 =	vadd.s32 $0x1, v14;
	v0 =	vbroadcast v14, $0x0;
	v2 =	vadd.s32 $0x2, v14  }
0x9: {  	s7 =	rddreg [dreg:$0x2];
	v3 =	vadd.s32 $0x3, v14;
	v4 =	vadd.s32 $0x4, v14;
	v5 =	vadd.s32 $0x5, v14  }
0xa: {  	s2 =	rddreg [dreg:$0x3];
	s4 =	simm.s32 $0x0;
	s11 =	simm.s32 $0x3000;
	v6 =	vadd.s32 $0x6, v14;
	v7 =	vadd.s32 $0x7, v14;
	v8 =	vadd.s32 $0x78, v14  }
0xb: {  	s12 =	simm.s32 $0x5000;
	s13 =	simm.s32 $0x7000;
	s14 =	simm.s32 $0x9000;
	v9 =	vadd.s32 $0x79, v14;
	v10 =	vadd.s32 $0x7A, v14;
	v1 =	vbroadcast v1, $0x0  }
0xc: {  	s15 =	simm.s32 $0xB000;
	s16 =	simm.s32 $0xD000;
	s17 =	simm.s32 $0xF000;
	v11 =	vadd.s32 $0x7B, v14;
	v2 =	vbroadcast v2, $0x0;
	v3 =	vbroadcast v3, $0x0  }
0xd: {  	s18 =	simm.s32 $0x1;
	s19 =	simm.s32 $0x2;
	s20 =	simm.s32 $0x11000;
	v12 =	vadd.s32 $0x7C, v14;
	v4 =	vbroadcast v4, $0x0;
	v5 =	vbroadcast v5, $0x0  }
0xe: {  	s21 =	simm.s32 $0x0;
	[smem:$0x7FF] =	sst s4;
	s8 =	ssub.s32 $0x2, s5;
	v13 =	vadd.s32 $0x7D, v14;
	v6 =	vbroadcast v6, $0x0;
	v7 =	vbroadcast v7, $0x0  }
0xf: {  	s10 =	sshll.u32 s0, $0x8;
	s5 =	sshll.u32 s5, $0x7;
	s9 =	sshrl.u32 s8, $0x1;
	v16 =	vadd.s32 $0x7E, v14;
	v8 =	vbroadcast v8, $0x0;
	v9 =	vbroadcast v9, $0x0  }
0x10: {  	s6 =	sshll.u32 s6, $0xA;
	s31 =	sor.u32 s5, s10;
	s10 =	simm.s32 $0x1000;
	v17 =	vadd.s32 $0x7F, v14;
	v10 =	vbroadcast v10, $0x0;
	v11 =	vbroadcast v11, $0x0  }
0x11: {  	s1 =	rddreg [dreg:$0x0];
	_ =	strace $0x8000004A;
	s8 =	ssub.s32 s8, s9;
	v14 =	vmul.u32 $0x80, v15;
	v12 =	vbroadcast v12, $0x0;
	v13 =	vbroadcast v13, $0x0  }
0x12: {  	s5 =	sadd.s32 s7, s6;
	[dreg:$0x4] =	wrdreg s31;
	s7 =	simm.s32 $0x3;
	v15 =	vbroadcast v16, $0x0;
	v16 =	vbroadcast v17, $0x0  }
0x13: {  	s9 =	simm.s32 $0x7A1400;
	s6 =	smax.u32 s8, $0x1;
	s8 =	simm.s32 $0x400;
	v17 =	vor.u32 $0x800, v14;
	v18 =	vor.u32 $0x1000, v14;
	v19 =	vor.u32 $0x1800, v14  }
.LBB2_1:
0x14: {  	[tilespmem:s4], [sflag:$0x3] =	stream.linear.gather [hbm4b:s1+s4], $0x1000, $0x38;
	[tilespmem:$0x13000] =	vst v63  }
0x15: {  	_ =	swait.ge [sflag:s7], $0x1000  }
0x16: {  	[sflag:s7] =	ssyncset.done $0x0  }
0x17: {  	[sflag:s7] =	ssyncadd.s32 $0xFFFFF000  }
0x18: {  	v20 =	vld.idx.msk [tilespmem:v0+s4+$0x0], $0xffff;
	_ =	sdelay $0x4  }
0x19: {  	v20 =	vxor.u32 $0x80000000, v20  }
0x1a: {  	(xrf0) =	vmax.scan.msk.u32 $0xffff, v20;
	_ =	sdelay $0x5  }
0x1b: {  	v20, _, _ =	vpop (xrf0)  }
0x1c: {  	(v2sf) =	vpush v20, $0xF;
	_ =	sdelay $0xe  }
0x1d: {  	s22 =	spop (v2sf)  }
0x1e: {  	s22 =	sand.u32 $0x1FFFFF80, s22  }
0x1f: {  	s22 =	sadd.s32 s3, s22  }
0x20: {  	[tilespmem:s10], [sflag:$0x1] =	stream.strided.gather [hbm4b:s22+s8], $0x2000, s9, s8, $0x38;
	[tilespmem:$0x13000] =	vst v63  }
0x21: {  	v20 =	vld.idx.msk [tilespmem:v1+s4+$0x0], $0xffff;
	_ =	sdelay $0x4  }
0x22: {  	v20 =	vxor.u32 $0x80000000, v20  }
0x23: {  	(xrf0) =	vmax.scan.msk.u32 $0xffff, v20;
	_ =	sdelay $0x5  }
0x24: {  	v20, _, _ =	vpop (xrf0)  }
0x25: {  	(v2sf) =	vpush v20, $0xF;
	_ =	sdelay $0xe  }
0x26: {  	s24 =	spop (v2sf)  }
0x27: {  	s22 =	sand.u32 $0x1FFFFF80, s24  }
0x28: {  	s22 =	sadd.s32 s3, s22  }
0x29: {  	[tilespmem:s11], [sflag:$0x1] =	stream.strided.gather [hbm4b:s22+s8], $0x2000, s9, s8, $0x38;
	[tilespmem:$0x13000] =	vst v63  }
0x2a: {  	v20 =	vld.idx.msk [tilespmem:v2+s4+$0x0], $0xffff;
	_ =	sdelay $0x4  }
0x2b: {  	v20 =	vxor.u32 $0x80000000, v20  }
0x2c: {  	(xrf0) =	vmax.scan.msk.u32 $0xffff, v20;
	_ =	sdelay $0x5  }
0x2d: {  	v20, _, _ =	vpop (xrf0)  }
0x2e: {  	(v2sf) =	vpush v20, $0xF;
	_ =	sdelay $0xe  }
0x2f: {  	s25 =	spop (v2sf)  }
0x30: {  	s22 =	sand.u32 $0x1FFFFF80, s25  }
0x31: {  	s22 =	sadd.s32 s3, s22  }
0x32: {  	[tilespmem:s12], [sflag:$0x1] =	stream.strided.gather [hbm4b:s22+s8], $0x2000, s9, s8, $0x38;
	[tilespmem:$0x13000] =	vst v63  }
0x33: {  	v20 =	vld.idx.msk [tilespmem:v3+s4+$0x0], $0xffff;
	_ =	sdelay $0x4  }
0x34: {  	v20 =	vxor.u32 $0x80000000, v20  }
0x35: {  	(xrf0) =	vmax.scan.msk.u32 $0xffff, v20;
	_ =	sdelay $0x5  }
0x36: {  	v20, _, _ =	vpop (xrf0)  }
0x37: {  	(v2sf) =	vpush v20, $0xF;
	_ =	sdelay $0xe  }
0x38: {  	s26 =	spop (v2sf)  }
0x39: {  	s22 =	sand.u32 $0x1FFFFF80, s26  }
0x3a: {  	s22 =	sadd.s32 s3, s22  }
0x3b: {  	[tilespmem:s13], [sflag:$0x1] =	stream.strided.gather [hbm4b:s22+s8], $0x2000, s9, s8, $0x38;
	[tilespmem:$0x13000] =	vst v63  }
0x3c: {  	v20 =	vld.idx.msk [tilespmem:v4+s4+$0x0], $0xffff;
	_ =	sdelay $0x4  }
0x3d: {  	v20 =	vxor.u32 $0x80000000, v20  }
0x3e: {  	(xrf0) =	vmax.scan.msk.u32 $0xffff, v20;
	_ =	sdelay $0x5  }
0x3f: {  	v20, _, _ =	vpop (xrf0)  }
0x40: {  	(v2sf) =	vpush v20, $0xF;
	_ =	sdelay $0xe  }
0x41: {  	s28 =	spop (v2sf)  }
0x42: {  	s22 =	sand.u32 $0x1FFFFF80, s28  }
0x43: {  	s22 =	sadd.s32 s3, s22  }
0x44: {  	[tilespmem:s14], [sflag:$0x2] =	stream.strided.gather [hbm4b:s22+s8], $0x2000, s9, s8, $0x38;
	[tilespmem:$0x13000] =	vst v63  }
0x45: {  	v20 =	vld.idx.msk [tilespmem:v5+s4+$0x0], $0xffff;
	_ =	sdelay $0x4  }
0x46: {  	v20 =	vxor.u32 $0x80000000, v20  }
0x47: {  	(xrf0) =	vmax.scan.msk.u32 $0xffff, v20;
	_ =	sdelay $0x5  }
0x48: {  	v20, _, _ =	vpop (xrf0)  }
0x49: {  	(v2sf) =	vpush v20, $0xF;
	_ =	sdelay $0xe  }
0x4a: {  	s29 =	spop (v2sf)  }
0x4b: {  	s22 =	sand.u32 $0x1FFFFF80, s29  }
0x4c: {  	s22 =	sadd.s32 s3, s22  }
0x4d: {  	[tilespmem:s15], [sflag:$0x2] =	stream.strided.gather [hbm4b:s22+s8], $0x2000, s9, s8, $0x38;
	[tilespmem:$0x13000] =	vst v63  }
0x4e: {  	v20 =	vld.idx.msk [tilespmem:v6+s4+$0x0], $0xffff;
	_ =	sdelay $0x4  }
0x4f: {  	v20 =	vxor.u32 $0x80000000, v20  }
0x50: {  	(xrf0) =	vmax.scan.msk.u32 $0xffff, v20;
	_ =	sdelay $0x5  }
0x51: {  	v20, _, _ =	vpop (xrf0)  }
0x52: {  	(v2sf) =	vpush v20, $0xF;
	_ =	sdelay $0xe  }
0x53: {  	s30 =	spop (v2sf)  }
0x54: {  	s22 =	sand.u32 $0x1FFFFF80, s30  }
0x55: {  	s22 =	sadd.s32 s3, s22  }
0x56: {  	[tilespmem:s16], [sflag:$0x2] =	stream.strided.gather [hbm4b:s22+s8], $0x2000, s9, s8, $0x38;
	[tilespmem:$0x13000] =	vst v63  }
0x57: {  	v20 =	vld.idx.msk [tilespmem:v7+s4+$0x0], $0xffff;
	_ =	sdelay $0x4  }
0x58: {  	v20 =	vxor.u32 $0x80000000, v20  }
0x59: {  	(xrf0) =	vmax.scan.msk.u32 $0xffff, v20;
	_ =	sdelay $0x5  }
0x5a: {  	v20, _, _ =	vpop (xrf0)  }
0x5b: {  	(v2sf) =	vpush v20, $0xF;
	_ =	sdelay $0xe  }
0x5c: {  	s31 =	spop (v2sf)  }
0x5d: {  	s22 =	sand.u32 $0x1FFFFF80, s31  }
0x5e: {  	s22 =	sadd.s32 s3, s22  }
0x5f: {  	[tilespmem:s17], [sflag:$0x2] =	stream.strided.gather [hbm4b:s22+s8], $0x2000, s9, s8, $0x38;
	[tilespmem:$0x13000] =	vst v63  }
0x60: {  	s23 =	simm.s32 $0x11100;
	s24 =	simm.s32 $0x0;
	s22 =	simm.s32 $0x1C0  }
.LBB2_2:
0x61: {  	_ =	swait.ge [sflag:s18], $0x2000  }
0x62: {  	[sflag:s18] =	ssyncset.done $0x0  }
0x63: {  	[sflag:s18] =	ssyncadd.s32 $0xFFFFE000  }
0x64: {  	_ =	swait.ge [sflag:s18], $0x2000  }
0x65: {  	[sflag:s18] =	ssyncset.done $0x0  }
0x66: {  	[sflag:s18] =	ssyncadd.s32 $0xFFFFE000  }
0x67: {  	_ =	swait.ge [sflag:s18], $0x2000  }
0x68: {  	[sflag:s18] =	ssyncset.done $0x0  }
0x69: {  	[sflag:s18] =	ssyncadd.s32 $0xFFFFE000  }
0x6a: {  	_ =	swait.ge [sflag:s18], $0x2000  }
0x6b: {  	s25 =	rddreg [dreg:$0x4]  }
0x6c: {  	s25 =	sadd.s32 s24, s25  }
0x6d: {  	v20 =	vmov s25  }
0x6e: {  	v20 =	vand.u32 $0xFFFFFFF8, v20  }
0x6f: {  	v20 =	vbroadcast v20, $0x0;
	_ =	sdelay $0x3  }
0x70: {  	[sflag:s18] =	ssyncset.done $0x0  }
0x71: {  	[sflag:s18] =	ssyncadd.s32 $0xFFFFE000  }
0x72: {  	v20 =	vld.idx.msk [tilespmem:v20+s4+$0x0], $0xffff;
	_ =	sdelay $0x4  }
0x73: {  	v20 =	vxor.u32 $0x80000000, v20  }
0x74: {  	(xrf0) =	vmax.scan.msk.u32 $0xffff, v20;
	_ =	sdelay $0x5  }
0x75: {  	v20, _, _ =	vpop (xrf0)  }
0x76: {  	(v2sf) =	vpush v20, $0xF;
	_ =	sdelay $0xe  }
0x77: {  	s26 =	spop (v2sf)  }
0x78: {  	s26 =	sand.u32 $0x7F, s26  }
0x79: {  	v20 =	vor.u32 s26, v14;
	_ =	sdelay $0x4  }
0x7a: {  	v20 =	vld.idx.msk [tilespmem:v20+s10+$0x0], $0xffff  }
0x7b: {  	v21 =	vor.u32 s26, v17;
	_ =	sdelay $0x3  }
0x7c: {  	[tilespmem:s23+$0xFFFFFF00] =	vst v20  }
0x7d: {  	v20 =	vld.idx.msk [tilespmem:v21+s10+$0x0], $0xffff  }
0x7e: {  	v34 =	vor.u32 s26, v18;
	_ =	sdelay $0x3  }
0x7f: {  	[tilespmem:s23+$0xFFFFFF10] =	vst v20  }
0x80: {  	v20 =	vld.idx.msk [tilespmem:v34+s10+$0x0], $0xffff  }
0x81: {  	v35 =	vor.u32 s26, v19;
	_ =	sdelay $0x1  }
0x82: {  	s29 =	sadd.s32 $0x1, s25  }
0x83: {  	v22 =	vmov s29  }
0x84: {  	[tilespmem:s23+$0xFFFFFF20] =	vst v20;
	v20 =	vand.u32 $0xFFFFFFF9, v22  }
0x85: {  	v21 =	vld.idx.msk [tilespmem:v35+s10+$0x0], $0xffff;
	v20 =	vbroadcast v20, $0x0;
	_ =	sdelay $0x4  }
0x86: {  	[tilespmem:s23+$0xFFFFFF30] =	vst v21  }
0x87: {  	v20 =	vld.idx.msk [tilespmem:v20+s4+$0x0], $0xffff;
	_ =	sdelay $0x4  }
0x88: {  	v20 =	vxor.u32 $0x80000000, v20  }
0x89: {  	(xrf0) =	vmax.scan.msk.u32 $0xffff, v20;
	_ =	sdelay $0x5  }
0x8a: {  	v20, _, _ =	vpop (xrf0)  }
0x8b: {  	(v2sf) =	vpush v20, $0xF;
	_ =	sdelay $0xe  }
0x8c: {  	s30 =	spop (v2sf)  }
0x8d: {  	s26 =	sand.u32 $0x7F, s30  }
0x8e: {  	v20 =	vor.u32 s26, v14;
	_ =	sdelay $0x4  }
0x8f: {  	v20 =	vld.idx.msk [tilespmem:v20+s11+$0x0], $0xffff  }
0x90: {  	v36 =	vor.u32 s26, v17;
	_ =	sdelay $0x3  }
0x91: {  	[tilespmem:s23+$0xFFFFFF40] =	vst v20  }
0x92: {  	v20 =	vld.idx.msk [tilespmem:v36+s11+$0x0], $0xffff  }
0x93: {  	v37 =	vor.u32 s26, v18;
	_ =	sdelay $0x3  }
0x94: {  	[tilespmem:s23+$0xFFFFFF50] =	vst v20  }
0x95: {  	v20 =	vld.idx.msk [tilespmem:v37+s11+$0x0], $0xffff  }
0x96: {  	v38 =	vor.u32 s26, v19;
	_ =	sdelay $0x1  }
0x97: {  	s31 =	sadd.s32 $0x2, s25  }
0x98: {  	v39 =	vmov s31  }
0x99: {  	[tilespmem:s23+$0xFFFFFF60] =	vst v20;
	v20 =	vand.u32 $0xFFFFFFFA, v39  }
0x9a: {  	v21 =	vld.idx.msk [tilespmem:v38+s11+$0x0], $0xffff;
	v20 =	vbroadcast v20, $0x0;
	_ =	sdelay $0x4  }
0x9b: {  	[tilespmem:s23+$0xFFFFFF70] =	vst v21  }
0x9c: {  	v20 =	vld.idx.msk [tilespmem:v20+s4+$0x0], $0xffff;
	_ =	sdelay $0x4  }
0x9d: {  	v20 =	vxor.u32 $0x80000000, v20  }
0x9e: {  	(xrf0) =	vmax.scan.msk.u32 $0xffff, v20;
	_ =	sdelay $0x5  }
0x9f: {  	v20, _, _ =	vpop (xrf0)  }
0xa0: {  	(v2sf) =	vpush v20, $0xF;
	_ =	sdelay $0xe  }
0xa1: {  	s28 =	spop (v2sf)  }
0xa2: {  	s26 =	sand.u32 $0x7F, s28  }
0xa3: {  	v20 =	vor.u32 s26, v14;
	_ =	sdelay $0x4  }
0xa4: {  	v20 =	vld.idx.msk [tilespmem:v20+s12+$0x0], $0xffff  }
0xa5: {  	v40 =	vor.u32 s26, v17;
	_ =	sdelay $0x3  }
0xa6: {  	[tilespmem:s23+$0xFFFFFF80] =	vst v20  }
0xa7: {  	v20 =	vld.idx.msk [tilespmem:v40+s12+$0x0], $0xffff  }
0xa8: {  	v41 =	vor.u32 s26, v18;
	_ =	sdelay $0x3  }
0xa9: {  	[tilespmem:s23+$0xFFFFFF90] =	vst v20  }
0xaa: {  	v20 =	vld.idx.msk [tilespmem:v41+s12+$0x0], $0xffff  }
0xab: {  	v42 =	vor.u32 s26, v19;
	_ =	sdelay $0x1  }
0xac: {  	s29 =	sadd.s32 $0x3, s25  }
0xad: {  	v43 =	vmov s29  }
0xae: {  	[tilespmem:s23+$0xFFFFFFA0] =	vst v20;
	v20 =	vand.u32 $0xFFFFFFFB, v43  }
0xaf: {  	v21 =	vld.idx.msk [tilespmem:v42+s12+$0x0], $0xffff;
	v20 =	vbroadcast v20, $0x0;
	_ =	sdelay $0x4  }
0xb0: {  	[tilespmem:s23+$0xFFFFFFB0] =	vst v21  }
0xb1: {  	v20 =	vld.idx.msk [tilespmem:v20+s4+$0x0], $0xffff;
	_ =	sdelay $0x4  }
0xb2: {  	v20 =	vxor.u32 $0x80000000, v20  }
0xb3: {  	(xrf0) =	vmax.scan.msk.u32 $0xffff, v20;
	_ =	sdelay $0x5  }
0xb4: {  	v20, _, _ =	vpop (xrf0)  }
0xb5: {  	(v2sf) =	vpush v20, $0xF;
	_ =	sdelay $0xe  }
0xb6: {  	s30 =	spop (v2sf)  }
0xb7: {  	s26 =	sand.u32 $0x7F, s30  }
0xb8: {  	v20 =	vor.u32 s26, v14;
	_ =	sdelay $0x4  }
0xb9: {  	v20 =	vld.idx.msk [tilespmem:v20+s13+$0x0], $0xffff  }
0xba: {  	v44 =	vor.u32 s26, v17;
	_ =	sdelay $0x3  }
0xbb: {  	[tilespmem:s23+$0xFFFFFFC0] =	vst v20  }
0xbc: {  	v20 =	vld.idx.msk [tilespmem:v44+s13+$0x0], $0xffff  }
0xbd: {  	v45 =	vor.u32 s26, v18;
	_ =	sdelay $0x1  }
0xbe: {  	s28 =	sadd.s32 $0xFFFFFF00, s22  }
0xbf: {  	s29 =	sor.u32 $0x50, s28  }
0xc0: {  	[tilespmem:s29+$0x11000] =	vst v20  }
0xc1: {  	v20 =	vld.idx.msk [tilespmem:v45+s13+$0x0], $0xffff  }
0xc2: {  	v46 =	vor.u32 s26, v19;
	_ =	sdelay $0x1  }
0xc3: {  	s31 =	sadd.s32 $0x8, s25  }
0xc4: {  	v47 =	vmov s31;
	s30 =	sor.u32 $0x60, s28  }
0xc5: {  	[tilespmem:s30+$0x11000] =	vst v20;
	v20 =	vand.u32 $0xFFFFFFF8, v47  }
0xc6: {  	v21 =	vld.idx.msk [tilespmem:v46+s13+$0x0], $0xffff;
	v20 =	vbroadcast v20, $0x0;
	_ =	sdelay $0x3  }
0xc7: {  	s31 =	sor.u32 $0x70, s28  }
0xc8: {  	[tilespmem:s31+$0x11000] =	vst v21  }
0xc9: {  	v20 =	vld.idx.msk [tilespmem:v20+s4+$0x0], $0xffff;
	_ =	sdelay $0x4  }
0xca: {  	v20 =	vxor.u32 $0x80000000, v20  }
0xcb: {  	(xrf0) =	vmax.scan.msk.u32 $0xffff, v20;
	_ =	sdelay $0x5  }
0xcc: {  	v20, _, _ =	vpop (xrf0)  }
0xcd: {  	(v2sf) =	vpush v20, $0xF;
	_ =	sdelay $0x9  }
0xce: {  	s28 =	sadd.s32 $0x9, s25  }
0xcf: {  	v20 =	vmov s28  }
0xd0: {  	v20 =	vand.u32 $0xFFFFFFF9, v20  }
0xd1: {  	v20 =	vbroadcast v20, $0x0;
	_ =	sdelay $0x1  }
0xd2: {  	s29 =	spop (v2sf)  }
0xd3: {  	s26 =	sand.u32 $0x1FFFFF80, s29  }
0xd4: {  	s26 =	sadd.s32 s3, s26  }
0xd5: {  	[tilespmem:s10], [sflag:$0x1] =	stream.strided.gather [hbm4b:s26+s8], $0x2000, s9, s8, $0x38;
	[tilespmem:$0x13000] =	vst v63  }
0xd6: {  	v20 =	vld.idx.msk [tilespmem:v20+s4+$0x0], $0xffff;
	_ =	sdelay $0x4  }
0xd7: {  	v20 =	vxor.u32 $0x80000000, v20  }
0xd8: {  	(xrf0) =	vmax.scan.msk.u32 $0xffff, v20;
	_ =	sdelay $0x5  }
0xd9: {  	v20, _, _ =	vpop (xrf0)  }
0xda: {  	(v2sf) =	vpush v20, $0xF;
	_ =	sdelay $0x9  }
0xdb: {  	s30 =	sadd.s32 $0xA, s25  }
0xdc: {  	v20 =	vmov s30  }
0xdd: {  	v20 =	vand.u32 $0xFFFFFFFA, v20  }
0xde: {  	v20 =	vbroadcast v20, $0x0;
	_ =	sdelay $0x1  }
0xdf: {  	s31 =	spop (v2sf)  }
0xe0: {  	s26 =	sand.u32 $0x1FFFFF80, s31  }
0xe1: {  	s26 =	sadd.s32 s3, s26  }
0xe2: {  	[tilespmem:s11], [sflag:$0x1] =	stream.strided.gather [hbm4b:s26+s8], $0x2000, s9, s8, $0x38;
	[tilespmem:$0x13000] =	vst v63  }
0xe3: {  	v20 =	vld.idx.msk [tilespmem:v20+s4+$0x0], $0xffff;
	_ =	sdelay $0x4  }
0xe4: {  	v20 =	vxor.u32 $0x80000000, v20  }
0xe5: {  	(xrf0) =	vmax.scan.msk.u32 $0xffff, v20;
	_ =	sdelay $0x5  }
0xe6: {  	v20, _, _ =	vpop (xrf0)  }
0xe7: {  	(v2sf) =	vpush v20, $0xF;
	_ =	sdelay $0x9  }
0xe8: {  	s28 =	sadd.s32 $0xB, s25  }
0xe9: {  	v20 =	vmov s28  }
0xea: {  	v20 =	vand.u32 $0xFFFFFFFB, v20  }
0xeb: {  	v20 =	vbroadcast v20, $0x0;
	_ =	sdelay $0x1  }
0xec: {  	s29 =	spop (v2sf)  }
0xed: {  	s26 =	sand.u32 $0x1FFFFF80, s29  }
0xee: {  	s26 =	sadd.s32 s3, s26  }
0xef: {  	[tilespmem:s12], [sflag:$0x1] =	stream.strided.gather [hbm4b:s26+s8], $0x2000, s9, s8, $0x38;
	[tilespmem:$0x13000] =	vst v63  }
0xf0: {  	v20 =	vld.idx.msk [tilespmem:v20+s4+$0x0], $0xffff;
	_ =	sdelay $0x4  }
0xf1: {  	v20 =	vxor.u32 $0x80000000, v20  }
0xf2: {  	(xrf0) =	vmax.scan.msk.u32 $0xffff, v20;
	_ =	sdelay $0x5  }
0xf3: {  	v20, _, _ =	vpop (xrf0)  }
0xf4: {  	(v2sf) =	vpush v20, $0xF;
	_ =	sdelay $0xe  }
0xf5: {  	s30 =	spop (v2sf)  }
0xf6: {  	s26 =	sand.u32 $0x1FFFFF80, s30  }
0xf7: {  	s26 =	sadd.s32 s3, s26  }
0xf8: {  	[tilespmem:s13], [sflag:$0x1] =	stream.strided.gather [hbm4b:s26+s8], $0x2000, s9, s8, $0x38;
	[tilespmem:$0x13000] =	vst v63  }
0xf9: {  	_ =	swait.ge [sflag:s19], $0x2000  }
0xfa: {  	[sflag:s19] =	ssyncset.done $0x0  }
0xfb: {  	[sflag:s19] =	ssyncadd.s32 $0xFFFFE000  }
0xfc: {  	s31 =	sadd.s32 $0x4, s25;
	_ =	swait.ge [sflag:s19], $0x2000  }
0xfd: {  	v20 =	vmov s31;
	[sflag:s19] =	ssyncset.done $0x0  }
0xfe: {  	v20 =	vand.u32 $0xFFFFFFFC, v20;
	[sflag:s19] =	ssyncadd.s32 $0xFFFFE000  }
0xff: {  	v20 =	vbroadcast v20, $0x0;
	_ =	swait.ge [sflag:s19], $0x2000  }
0x100: {  	[sflag:s19] =	ssyncset.done $0x0  }
0x101: {  	[sflag:s19] =	ssyncadd.s32 $0xFFFFE000  }
0x102: {  	_ =	swait.ge [sflag:s19], $0x2000  }
0x103: {  	[sflag:s19] =	ssyncset.done $0x0  }
0x104: {  	[sflag:s19] =	ssyncadd.s32 $0xFFFFE000  }
0x105: {  	v20 =	vld.idx.msk [tilespmem:v20+s4+$0x0], $0xffff;
	_ =	sdelay $0x4  }
0x106: {  	v20 =	vxor.u32 $0x80000000, v20  }
0x107: {  	(xrf0) =	vmax.scan.msk.u32 $0xffff, v20;
	_ =	sdelay $0x5  }
0x108: {  	v20, _, _ =	vpop (xrf0)  }
0x109: {  	(v2sf) =	vpush v20, $0xF;
	_ =	sdelay $0xe  }
0x10a: {  	s28 =	spop (v2sf)  }
0x10b: {  	s26 =	sand.u32 $0x7F, s28  }
0x10c: {  	v20 =	vor.u32 s26, v14;
	_ =	sdelay $0x4  }
0x10d: {  	v20 =	vld.idx.msk [tilespmem:v20+s14+$0x0], $0xffff  }
0x10e: {  	v48 =	vor.u32 s26, v17;
	_ =	sdelay $0x3  }
0x10f: {  	[tilespmem:s23+$0x0] =	vst v20  }
0x110: {  	v20 =	vld.idx.msk [tilespmem:v48+s14+$0x0], $0xffff  }
0x111: {  	v49 =	vor.u32 s26, v18;
	_ =	sdelay $0x3  }
0x112: {  	[tilespmem:s23+$0x10] =	vst v20  }
0x113: {  	v20 =	vld.idx.msk [tilespmem:v49+s14+$0x0], $0xffff  }
0x114: {  	v50 =	vor.u32 s26, v19;
	_ =	sdelay $0x1  }
0x115: {  	s29 =	sadd.s32 $0x5, s25  }
0x116: {  	v51 =	vmov s29  }
0x117: {  	[tilespmem:s23+$0x20] =	vst v20;
	v20 =	vand.u32 $0xFFFFFFFD, v51  }
0x118: {  	v21 =	vld.idx.msk [tilespmem:v50+s14+$0x0], $0xffff;
	v20 =	vbroadcast v20, $0x0;
	_ =	sdelay $0x4  }
0x119: {  	[tilespmem:s23+$0x30] =	vst v21  }
0x11a: {  	v20 =	vld.idx.msk [tilespmem:v20+s4+$0x0], $0xffff;
	_ =	sdelay $0x4  }
0x11b: {  	v20 =	vxor.u32 $0x80000000, v20  }
0x11c: {  	(xrf0) =	vmax.scan.msk.u32 $0xffff, v20;
	_ =	sdelay $0x5  }
0x11d: {  	v20, _, _ =	vpop (xrf0)  }
0x11e: {  	(v2sf) =	vpush v20, $0xF;
	_ =	sdelay $0xe  }
0x11f: {  	s30 =	spop (v2sf)  }
0x120: {  	s26 =	sand.u32 $0x7F, s30  }
0x121: {  	v20 =	vor.u32 s26, v14;
	_ =	sdelay $0x4  }
0x122: {  	v20 =	vld.idx.msk [tilespmem:v20+s15+$0x0], $0xffff  }
0x123: {  	v52 =	vor.u32 s26, v17;
	_ =	sdelay $0x3  }
0x124: {  	[tilespmem:s23+$0x40] =	vst v20  }
0x125: {  	v20 =	vld.idx.msk [tilespmem:v52+s15+$0x0], $0xffff  }
0x126: {  	v53 =	vor.u32 s26, v18;
	_ =	sdelay $0x1  }
0x127: {  	s28 =	sadd.s32 $0xFFFFFF80, s22  }
0x128: {  	s31 =	sor.u32 $0x50, s28  }
0x129: {  	[tilespmem:s31+$0x11000] =	vst v20  }
0x12a: {  	v20 =	vld.idx.msk [tilespmem:v53+s15+$0x0], $0xffff  }
0x12b: {  	v54 =	vor.u32 s26, v19;
	_ =	sdelay $0x1  }
0x12c: {  	s30 =	sadd.s32 $0x6, s25  }
0x12d: {  	v55 =	vmov s30;
	s31 =	sor.u32 $0x60, s28  }
0x12e: {  	[tilespmem:s31+$0x11000] =	vst v20;
	v20 =	vand.u32 $0xFFFFFFFE, v55  }
0x12f: {  	v21 =	vld.idx.msk [tilespmem:v54+s15+$0x0], $0xffff;
	v20 =	vbroadcast v20, $0x0;
	_ =	sdelay $0x3  }
0x130: {  	s29 =	sor.u32 $0x70, s28  }
0x131: {  	[tilespmem:s29+$0x11000] =	vst v21  }
0x132: {  	v20 =	vld.idx.msk [tilespmem:v20+s4+$0x0], $0xffff;
	_ =	sdelay $0x4  }
0x133: {  	v20 =	vxor.u32 $0x80000000, v20  }
0x134: {  	(xrf0) =	vmax.scan.msk.u32 $0xffff, v20;
	_ =	sdelay $0x5  }
0x135: {  	v20, _, _ =	vpop (xrf0)  }
0x136: {  	(v2sf) =	vpush v20, $0xF;
	_ =	sdelay $0xe  }
0x137: {  	s30 =	spop (v2sf)  }
0x138: {  	s26 =	sand.u32 $0x7F, s30  }
0x139: {  	v20 =	vor.u32 s26, v14;
	_ =	sdelay $0x4  }
0x13a: {  	v20 =	vld.idx.msk [tilespmem:v20+s16+$0x0], $0xffff  }
0x13b: {  	v56 =	vor.u32 s26, v17;
	_ =	sdelay $0x3  }
0x13c: {  	[tilespmem:s23+$0x80] =	vst v20  }
0x13d: {  	v20 =	vld.idx.msk [tilespmem:v56+s16+$0x0], $0xffff  }
0x13e: {  	v57 =	vor.u32 s26, v18;
	_ =	sdelay $0x3  }
0x13f: {  	[tilespmem:s23+$0x90] =	vst v20  }
0x140: {  	v20 =	vld.idx.msk [tilespmem:v57+s16+$0x0], $0xffff  }
0x141: {  	v58 =	vor.u32 s26, v19;
	_ =	sdelay $0x3  }
0x142: {  	[tilespmem:s23+$0xA0] =	vst v20  }
0x143: {  	s31 =	sadd.s32 $0x7, s25;
	v20 =	vld.idx.msk [tilespmem:v58+s16+$0x0], $0xffff  }
0x144: {  	v59 =	vmov s31;
	_ =	sdelay $0x3  }
0x145: {  	[tilespmem:s23+$0xB0] =	vst v20  }
0x146: {  	v20 =	vld.idx.msk [tilespmem:v59+s4+$0x0], $0xffff;
	_ =	sdelay $0x4  }
0x147: {  	v20 =	vxor.u32 $0x80000000, v20  }
0x148: {  	(xrf0) =	vmax.scan.msk.u32 $0xffff, v20;
	_ =	sdelay $0x5  }
0x149: {  	v20, _, _ =	vpop (xrf0)  }
0x14a: {  	(v2sf) =	vpush v20, $0xF;
	_ =	sdelay $0xe  }
0x14b: {  	s28 =	spop (v2sf)  }
0x14c: {  	s26 =	sand.u32 $0x7F, s28  }
0x14d: {  	v20 =	vor.u32 s26, v14;
	_ =	sdelay $0x4  }
0x14e: {  	v20 =	vld.idx.msk [tilespmem:v20+s17+$0x0], $0xffff  }
0x14f: {  	v60 =	vor.u32 s26, v17;
	_ =	sdelay $0x3  }
0x150: {  	[tilespmem:s23+$0xC0] =	vst v20  }
0x151: {  	v20 =	vld.idx.msk [tilespmem:v60+s17+$0x0], $0xffff  }
0x152: {  	v61 =	vor.u32 s26, v18;
	_ =	sdelay $0x2  }
0x153: {  	s29 =	sor.u32 $0x50, s22  }
0x154: {  	[tilespmem:s29+$0x11000] =	vst v20  }
0x155: {  	v20 =	vld.idx.msk [tilespmem:v61+s17+$0x0], $0xffff  }
0x156: {  	v62 =	vor.u32 s26, v19;
	_ =	sdelay $0x1  }
0x157: {  	s30 =	sadd.s32 $0xC, s25  }
0x158: {  	s31 =	sor.u32 $0x60, s22;
	v63 =	vmov s30  }
0x159: {  	[tilespmem:s31+$0x11000] =	vst v20;
	v20 =	vand.u32 $0xFFFFFFFC, v63  }
0x15a: {  	v21 =	vld.idx.msk [tilespmem:v62+s17+$0x0], $0xffff;
	v20 =	vbroadcast v20, $0x0;
	_ =	sdelay $0x3  }
0x15b: {  	s29 =	sor.u32 $0x70, s22  }
0x15c: {  	[tilespmem:s29+$0x11000] =	vst v21  }
0x15d: {  	v20 =	vld.idx.msk [tilespmem:v20+s4+$0x0], $0xffff;
	_ =	sdelay $0x4  }
0x15e: {  	v20 =	vxor.u32 $0x80000000, v20  }
0x15f: {  	(xrf0) =	vmax.scan.msk.u32 $0xffff, v20;
	_ =	sdelay $0x5  }
0x160: {  	v20, _, _ =	vpop (xrf0)  }
0x161: {  	(v2sf) =	vpush v20, $0xF;
	_ =	sdelay $0x9  }
0x162: {  	s30 =	sadd.s32 $0xD, s25  }
0x163: {  	v20 =	vmov s30  }
0x164: {  	v20 =	vand.u32 $0xFFFFFFFD, v20  }
0x165: {  	v20 =	vbroadcast v20, $0x0;
	_ =	sdelay $0x1  }
0x166: {  	s31 =	spop (v2sf)  }
0x167: {  	s26 =	sand.u32 $0x1FFFFF80, s31  }
0x168: {  	s26 =	sadd.s32 s3, s26  }
0x169: {  	[tilespmem:s14], [sflag:$0x2] =	stream.strided.gather [hbm4b:s26+s8], $0x2000, s9, s8, $0x38;
	[tilespmem:$0x13000] =	vst v63  }
0x16a: {  	v20 =	vld.idx.msk [tilespmem:v20+s4+$0x0], $0xffff;
	_ =	sdelay $0x4  }
0x16b: {  	v20 =	vxor.u32 $0x80000000, v20  }
0x16c: {  	(xrf0) =	vmax.scan.msk.u32 $0xffff, v20;
	_ =	sdelay $0x5  }
0x16d: {  	v20, _, _ =	vpop (xrf0)  }
0x16e: {  	(v2sf) =	vpush v20, $0xF;
	_ =	sdelay $0x9  }
0x16f: {  	s28 =	sadd.s32 $0xE, s25  }
0x170: {  	v20 =	vmov s28  }
0x171: {  	v20 =	vand.u32 $0xFFFFFFFE, v20  }
0x172: {  	v20 =	vbroadcast v20, $0x0;
	_ =	sdelay $0x1  }
0x173: {  	s29 =	spop (v2sf)  }
0x174: {  	s26 =	sand.u32 $0x1FFFFF80, s29  }
0x175: {  	s26 =	sadd.s32 s3, s26  }
0x176: {  	[tilespmem:s15], [sflag:$0x2] =	stream.strided.gather [hbm4b:s26+s8], $0x2000, s9, s8, $0x38;
	[tilespmem:$0x13000] =	vst v63  }
0x177: {  	v20 =	vld.idx.msk [tilespmem:v20+s4+$0x0], $0xffff;
	_ =	sdelay $0x4  }
0x178: {  	v20 =	vxor.u32 $0x80000000, v20  }
0x179: {  	(xrf0) =	vmax.scan.msk.u32 $0xffff, v20;
	_ =	sdelay $0x5  }
0x17a: {  	v20, _, _ =	vpop (xrf0)  }
0x17b: {  	(v2sf) =	vpush v20, $0xF;
	_ =	sdelay $0xc  }
0x17c: {  	s25 =	sadd.s32 $0xF, s25  }
0x17d: {  	v20 =	vmov s25  }
0x17e: {  	s30 =	spop (v2sf)  }
0x17f: {  	s25 =	sand.u32 $0x1FFFFF80, s30  }
0x180: {  	s25 =	sadd.s32 s3, s25  }
0x181: {  	[tilespmem:s16], [sflag:$0x2] =	stream.strided.gather [hbm4b:s25+s8], $0x2000, s9, s8, $0x38;
	[tilespmem:$0x13000] =	vst v63  }
0x182: {  	v20 =	vld.idx.msk [tilespmem:v20+s4+$0x0], $0xffff;
	_ =	sdelay $0x4  }
0x183: {  	v20 =	vxor.u32 $0x80000000, v20  }
0x184: {  	(xrf0) =	vmax.scan.msk.u32 $0xffff, v20;
	_ =	sdelay $0x5  }
0x185: {  	v20, _, _ =	vpop (xrf0)  }
0x186: {  	(v2sf) =	vpush v20, $0xF;
	_ =	sdelay $0xc  }
0x187: {  	p0 =	sne.s32 s24, $0x70  }
.Ltmp0:
0x188: {  	_ = 	snop;
	(pc) =	sbr.rel @p0 .LBB2_2-.Ltmp0, $4  }
0x189: {  	s31 =	spop (v2sf)  }
0x18a: {  	s24 =	sadd.s32 $0x8, s24;
	s25 =	sand.u32 $0x1FFFFF80, s31  }
0x18b: {  	s23 =	sadd.s32 $0x200, s23;
	s22 =	sadd.s32 $0x200, s22;
	s25 =	sadd.s32 s3, s25  }
0x18c: {  	[tilespmem:s17], [sflag:$0x2] =	stream.strided.gather [hbm4b:s25+s8], $0x2000, s9, s8, $0x38;
	[tilespmem:$0x13000] =	vst v63  }
0x18d: {  	_ =	swait.ge [sflag:s18], $0x2000  }
0x18e: {  	[sflag:s18] =	ssyncset.done $0x0  }
0x18f: {  	[sflag:s18] =	ssyncadd.s32 $0xFFFFE000  }
0x190: {  	_ =	swait.ge [sflag:s18], $0x2000  }
0x191: {  	[sflag:s18] =	ssyncset.done $0x0  }
0x192: {  	[sflag:s18] =	ssyncadd.s32 $0xFFFFE000  }
0x193: {  	_ =	swait.ge [sflag:s18], $0x2000  }
0x194: {  	[sflag:s18] =	ssyncset.done $0x0  }
0x195: {  	[sflag:s18] =	ssyncadd.s32 $0xFFFFE000  }
0x196: {  	_ =	swait.ge [sflag:s18], $0x2000  }
0x197: {  	[sflag:s18] =	ssyncset.done $0x0  }
0x198: {  	[sflag:s18] =	ssyncadd.s32 $0xFFFFE000  }
0x199: {  	v20 =	vld.idx.msk [tilespmem:v8+s4+$0x0], $0xffff;
	_ =	sdelay $0x4  }
0x19a: {  	v20 =	vxor.u32 $0x80000000, v20  }
0x19b: {  	(xrf0) =	vmax.scan.msk.u32 $0xffff, v20;
	_ =	sdelay $0x5  }
0x19c: {  	v20, _, _ =	vpop (xrf0)  }
0x19d: {  	(v2sf) =	vpush v20, $0xF;
	_ =	sdelay $0xe  }
0x19e: {  	s22 =	spop (v2sf)  }
0x19f: {  	s22 =	sand.u32 $0x7F, s22  }
0x1a0: {  	v20 =	vor.u32 s22, v14;
	_ =	sdelay $0x4  }
0x1a1: {  	v20 =	vld.idx.msk [tilespmem:v20+s10+$0x0], $0xffff  }
0x1a2: {  	v21 =	vor.u32 s22, v17;
	_ =	sdelay $0x3  }
0x1a3: {  	[tilespmem:$0x12E00] =	vst v20  }
0x1a4: {  	v20 =	vld.idx.msk [tilespmem:v21+s10+$0x0], $0xffff  }
0x1a5: {  	v41 =	vor.u32 s22, v18;
	_ =	sdelay $0x3  }
0x1a6: {  	[tilespmem:$0x12E10] =	vst v20  }
0x1a7: {  	v20 =	vld.idx.msk [tilespmem:v41+s10+$0x0], $0xffff  }
0x1a8: {  	v42 =	vor.u32 s22, v19;
	_ =	sdelay $0x3  }
0x1a9: {  	[tilespmem:$0x12E20] =	vst v20  }
0x1aa: {  	v20 =	vld.idx.msk [tilespmem:v42+s10+$0x0], $0xffff;
	_ =	sdelay $0x4  }
0x1ab: {  	[tilespmem:$0x12E30] =	vst v20  }
0x1ac: {  	v20 =	vld.idx.msk [tilespmem:v9+s4+$0x0], $0xffff;
	_ =	sdelay $0x4  }
0x1ad: {  	v20 =	vxor.u32 $0x80000000, v20  }
0x1ae: {  	(xrf0) =	vmax.scan.msk.u32 $0xffff, v20;
	_ =	sdelay $0x5  }
0x1af: {  	v20, _, _ =	vpop (xrf0)  }
0x1b0: {  	(v2sf) =	vpush v20, $0xF;
	_ =	sdelay $0xe  }
0x1b1: {  	s24 =	spop (v2sf)  }
0x1b2: {  	s22 =	sand.u32 $0x7F, s24  }
0x1b3: {  	v20 =	vor.u32 s22, v14;
	_ =	sdelay $0x4  }
0x1b4: {  	v20 =	vld.idx.msk [tilespmem:v20+s11+$0x0], $0xffff  }
0x1b5: {  	v43 =	vor.u32 s22, v17;
	_ =	sdelay $0x3  }
0x1b6: {  	[tilespmem:$0x12E40] =	vst v20  }
0x1b7: {  	v20 =	vld.idx.msk [tilespmem:v43+s11+$0x0], $0xffff  }
0x1b8: {  	v44 =	vor.u32 s22, v18;
	_ =	sdelay $0x3  }
0x1b9: {  	[tilespmem:$0x12E50] =	vst v20  }
0x1ba: {  	v20 =	vld.idx.msk [tilespmem:v44+s11+$0x0], $0xffff  }
0x1bb: {  	v45 =	vor.u32 s22, v19;
	_ =	sdelay $0x3  }
0x1bc: {  	[tilespmem:$0x12E60] =	vst v20  }
0x1bd: {  	v20 =	vld.idx.msk [tilespmem:v45+s11+$0x0], $0xffff;
	_ =	sdelay $0x4  }
0x1be: {  	[tilespmem:$0x12E70] =	vst v20  }
0x1bf: {  	v20 =	vld.idx.msk [tilespmem:v10+s4+$0x0], $0xffff;
	_ =	sdelay $0x4  }
0x1c0: {  	v20 =	vxor.u32 $0x80000000, v20  }
0x1c1: {  	(xrf0) =	vmax.scan.msk.u32 $0xffff, v20;
	_ =	sdelay $0x5  }
0x1c2: {  	v20, _, _ =	vpop (xrf0)  }
0x1c3: {  	(v2sf) =	vpush v20, $0xF;
	_ =	sdelay $0xe  }
0x1c4: {  	s25 =	spop (v2sf)  }
0x1c5: {  	s22 =	sand.u32 $0x7F, s25  }
0x1c6: {  	v20 =	vor.u32 s22, v14;
	_ =	sdelay $0x4  }
0x1c7: {  	v20 =	vld.idx.msk [tilespmem:v20+s12+$0x0], $0xffff  }
0x1c8: {  	v46 =	vor.u32 s22, v17;
	_ =	sdelay $0x3  }
0x1c9: {  	[tilespmem:$0x12E80] =	vst v20  }
0x1ca: {  	v20 =	vld.idx.msk [tilespmem:v46+s12+$0x0], $0xffff  }
0x1cb: {  	v47 =	vor.u32 s22, v18;
	_ =	sdelay $0x3  }
0x1cc: {  	[tilespmem:$0x12E90] =	vst v20  }
0x1cd: {  	v20 =	vld.idx.msk [tilespmem:v47+s12+$0x0], $0xffff  }
0x1ce: {  	v48 =	vor.u32 s22, v19;
	_ =	sdelay $0x3  }
0x1cf: {  	[tilespmem:$0x12EA0] =	vst v20  }
0x1d0: {  	v20 =	vld.idx.msk [tilespmem:v48+s12+$0x0], $0xffff;
	_ =	sdelay $0x4  }
0x1d1: {  	[tilespmem:$0x12EB0] =	vst v20  }
0x1d2: {  	v20 =	vld.idx.msk [tilespmem:v11+s4+$0x0], $0xffff;
	_ =	sdelay $0x4  }
0x1d3: {  	v20 =	vxor.u32 $0x80000000, v20  }
0x1d4: {  	(xrf0) =	vmax.scan.msk.u32 $0xffff, v20;
	_ =	sdelay $0x5  }
0x1d5: {  	v20, _, _ =	vpop (xrf0)  }
0x1d6: {  	(v2sf) =	vpush v20, $0xF;
	_ =	sdelay $0xe  }
0x1d7: {  	s26 =	spop (v2sf)  }
0x1d8: {  	s22 =	sand.u32 $0x7F, s26  }
0x1d9: {  	v20 =	vor.u32 s22, v14;
	_ =	sdelay $0x4  }
0x1da: {  	v20 =	vld.idx.msk [tilespmem:v20+s13+$0x0], $0xffff  }
0x1db: {  	v49 =	vor.u32 s22, v17;
	_ =	sdelay $0x3  }
0x1dc: {  	[tilespmem:$0x12EC0] =	vst v20  }
0x1dd: {  	v20 =	vld.idx.msk [tilespmem:v49+s13+$0x0], $0xffff  }
0x1de: {  	v50 =	vor.u32 s22, v18;
	_ =	sdelay $0x3  }
0x1df: {  	[tilespmem:$0x12ED0] =	vst v20  }
0x1e0: {  	v20 =	vld.idx.msk [tilespmem:v50+s13+$0x0], $0xffff  }
0x1e1: {  	v51 =	vor.u32 s22, v19;
	_ =	sdelay $0x3  }
0x1e2: {  	[tilespmem:$0x12EE0] =	vst v20  }
0x1e3: {  	v20 =	vld.idx.msk [tilespmem:v51+s13+$0x0], $0xffff;
	_ =	sdelay $0x4  }
0x1e4: {  	[tilespmem:$0x12EF0] =	vst v20  }
0x1e5: {  	_ =	swait.ge [sflag:s19], $0x2000  }
0x1e6: {  	[sflag:s19] =	ssyncset.done $0x0  }
0x1e7: {  	[sflag:s19] =	ssyncadd.s32 $0xFFFFE000  }
0x1e8: {  	_ =	swait.ge [sflag:s19], $0x2000  }
0x1e9: {  	[sflag:s19] =	ssyncset.done $0x0  }
0x1ea: {  	[sflag:s19] =	ssyncadd.s32 $0xFFFFE000  }
0x1eb: {  	_ =	swait.ge [sflag:s19], $0x2000  }
0x1ec: {  	[sflag:s19] =	ssyncset.done $0x0  }
0x1ed: {  	[sflag:s19] =	ssyncadd.s32 $0xFFFFE000  }
0x1ee: {  	_ =	swait.ge [sflag:s19], $0x2000  }
0x1ef: {  	[sflag:s19] =	ssyncset.done $0x0  }
0x1f0: {  	[sflag:s19] =	ssyncadd.s32 $0xFFFFE000  }
0x1f1: {  	v20 =	vld.idx.msk [tilespmem:v12+s4+$0x0], $0xffff;
	_ =	sdelay $0x4  }
0x1f2: {  	v20 =	vxor.u32 $0x80000000, v20  }
0x1f3: {  	(xrf0) =	vmax.scan.msk.u32 $0xffff, v20;
	_ =	sdelay $0x5  }
0x1f4: {  	v20, _, _ =	vpop (xrf0)  }
0x1f5: {  	(v2sf) =	vpush v20, $0xF;
	_ =	sdelay $0xe  }
0x1f6: {  	s28 =	spop (v2sf)  }
0x1f7: {  	s22 =	sand.u32 $0x7F, s28  }
0x1f8: {  	v20 =	vor.u32 s22, v14;
	_ =	sdelay $0x4  }
0x1f9: {  	v20 =	vld.idx.msk [tilespmem:v20+s14+$0x0], $0xffff  }
0x1fa: {  	v52 =	vor.u32 s22, v17;
	_ =	sdelay $0x3  }
0x1fb: {  	[tilespmem:$0x12F00] =	vst v20  }
0x1fc: {  	v20 =	vld.idx.msk [tilespmem:v52+s14+$0x0], $0xffff  }
0x1fd: {  	v53 =	vor.u32 s22, v18;
	_ =	sdelay $0x3  }
0x1fe: {  	[tilespmem:$0x12F10] =	vst v20  }
0x1ff: {  	v20 =	vld.idx.msk [tilespmem:v53+s14+$0x0], $0xffff  }
0x200: {  	v54 =	vor.u32 s22, v19;
	_ =	sdelay $0x3  }
0x201: {  	[tilespmem:$0x12F20] =	vst v20  }
0x202: {  	v20 =	vld.idx.msk [tilespmem:v54+s14+$0x0], $0xffff;
	_ =	sdelay $0x4  }
0x203: {  	[tilespmem:$0x12F30] =	vst v20  }
0x204: {  	v20 =	vld.idx.msk [tilespmem:v13+s4+$0x0], $0xffff;
	_ =	sdelay $0x4  }
0x205: {  	v20 =	vxor.u32 $0x80000000, v20  }
0x206: {  	(xrf0) =	vmax.scan.msk.u32 $0xffff, v20;
	_ =	sdelay $0x5  }
0x207: {  	v20, _, _ =	vpop (xrf0)  }
0x208: {  	(v2sf) =	vpush v20, $0xF;
	_ =	sdelay $0xe  }
0x209: {  	s29 =	spop (v2sf)  }
0x20a: {  	s22 =	sand.u32 $0x7F, s29  }
0x20b: {  	v20 =	vor.u32 s22, v14;
	_ =	sdelay $0x4  }
0x20c: {  	v20 =	vld.idx.msk [tilespmem:v20+s15+$0x0], $0xffff  }
0x20d: {  	v55 =	vor.u32 s22, v17;
	_ =	sdelay $0x3  }
0x20e: {  	[tilespmem:$0x12F40] =	vst v20  }
0x20f: {  	v20 =	vld.idx.msk [tilespmem:v55+s15+$0x0], $0xffff  }
0x210: {  	v56 =	vor.u32 s22, v18;
	_ =	sdelay $0x3  }
0x211: {  	[tilespmem:$0x12F50] =	vst v20  }
0x212: {  	v20 =	vld.idx.msk [tilespmem:v56+s15+$0x0], $0xffff  }
0x213: {  	v57 =	vor.u32 s22, v19;
	_ =	sdelay $0x3  }
0x214: {  	[tilespmem:$0x12F60] =	vst v20  }
0x215: {  	v20 =	vld.idx.msk [tilespmem:v57+s15+$0x0], $0xffff;
	_ =	sdelay $0x4  }
0x216: {  	[tilespmem:$0x12F70] =	vst v20  }
0x217: {  	v20 =	vld.idx.msk [tilespmem:v15+s4+$0x0], $0xffff;
	_ =	sdelay $0x4  }
0x218: {  	v20 =	vxor.u32 $0x80000000, v20  }
0x219: {  	(xrf0) =	vmax.scan.msk.u32 $0xffff, v20;
	_ =	sdelay $0x5  }
0x21a: {  	v20, _, _ =	vpop (xrf0)  }
0x21b: {  	(v2sf) =	vpush v20, $0xF;
	_ =	sdelay $0xe  }
0x21c: {  	s30 =	spop (v2sf)  }
0x21d: {  	s22 =	sand.u32 $0x7F, s30  }
0x21e: {  	v20 =	vor.u32 s22, v14;
	_ =	sdelay $0x4  }
0x21f: {  	v20 =	vld.idx.msk [tilespmem:v20+s16+$0x0], $0xffff  }
0x220: {  	v58 =	vor.u32 s22, v17;
	_ =	sdelay $0x3  }
0x221: {  	[tilespmem:$0x12F80] =	vst v20  }
0x222: {  	v20 =	vld.idx.msk [tilespmem:v58+s16+$0x0], $0xffff  }
0x223: {  	v59 =	vor.u32 s22, v18;
	_ =	sdelay $0x3  }
0x224: {  	[tilespmem:$0x12F90] =	vst v20  }
0x225: {  	v20 =	vld.idx.msk [tilespmem:v59+s16+$0x0], $0xffff  }
0x226: {  	v60 =	vor.u32 s22, v19;
	_ =	sdelay $0x3  }
0x227: {  	[tilespmem:$0x12FA0] =	vst v20  }
0x228: {  	v20 =	vld.idx.msk [tilespmem:v60+s16+$0x0], $0xffff;
	_ =	sdelay $0x4  }
0x229: {  	[tilespmem:$0x12FB0] =	vst v20  }
0x22a: {  	v20 =	vld.idx.msk [tilespmem:v16+s4+$0x0], $0xffff;
	_ =	sdelay $0x4  }
0x22b: {  	v20 =	vxor.u32 $0x80000000, v20  }
0x22c: {  	(xrf0) =	vmax.scan.msk.u32 $0xffff, v20;
	_ =	sdelay $0x5  }
0x22d: {  	v20, _, _ =	vpop (xrf0)  }
0x22e: {  	(v2sf) =	vpush v20, $0xF;
	_ =	sdelay $0xe  }
0x22f: {  	s31 =	spop (v2sf)  }
0x230: {  	s22 =	sand.u32 $0x7F, s31  }
0x231: {  	v20 =	vor.u32 s22, v14;
	_ =	sdelay $0x4  }
0x232: {  	v20 =	vld.idx.msk [tilespmem:v20+s17+$0x0], $0xffff  }
0x233: {  	v61 =	vor.u32 s22, v17;
	_ =	sdelay $0x3  }
0x234: {  	[tilespmem:$0x12FC0] =	vst v20  }
0x235: {  	v20 =	vld.idx.msk [tilespmem:v61+s17+$0x0], $0xffff  }
0x236: {  	v62 =	vor.u32 s22, v18;
	_ =	sdelay $0x3  }
0x237: {  	[tilespmem:$0x12FD0] =	vst v20  }
0x238: {  	v20 =	vld.idx.msk [tilespmem:v62+s17+$0x0], $0xffff  }
0x239: {  	v63 =	vor.u32 s22, v19;
	_ =	sdelay $0x3  }
0x23a: {  	[tilespmem:$0x12FE0] =	vst v20  }
0x23b: {  	v20 =	vld.idx.msk [tilespmem:v63+s17+$0x0], $0xffff;
	_ =	sdelay $0x2  }
0x23c: {  	s21 =	sadd.s32 $0x1, s21  }
0x23d: {  	p0 =	sne.s32 s21, s6  }
.Ltmp1:
0x23e: {  	[tilespmem:$0x12FF0] =	vst v20;
	(pc) =	sbr.rel @p0 .LBB2_1-.Ltmp1, $4  }
0x23f: {  	[hbm4b:s5+s4] =	stream.linear.scatter [tilespmem:s20], [sflag:$0x3], $0x2000, $0x38;
	[tilespmem:$0x13000] =	vst v63  }
0x240: {  	_ =	swait.ge [sflag:s7], $0x2000  }
0x241: {  	[sflag:s7] =	ssyncset.done $0x0  }
0x242: {  	[sflag:s7] =	ssyncadd.s32 $0xFFFFE000  }
0x243: {  	_ =	sfence.sel $0x180000  }
0x244: {  	[bflag:$0x0] =	sbarrier.arrive $0xFFFF  }
0x245: {  	p0 =	sne.s32 s0, $0x0;
	_ =	strace $0x9000004A  }
0x246: {  	s0 =	sadd.s32 @!p0 $0x100000, s2;
	[bflag:$0x2] =	sbarrier.arrive $0xFFFF  }
0x247: {  	[sflag:s0] =	ssyncadd.tile.s32 @!p0 $0x1;
	_ =	shalt  }
.Lfunc_end2:
_tile_overlayer_lowered:
.L_overlay_start_2:
0x248: {  	(tag) =	ssettag $0x2  }
0x249: {  	s0 =	rddreg [dreg:$0x0];
	s2 =	stileid.u32  }
0x24a: {  	s1 =	rddreg [dreg:$0x1];
	p0 =	sne.s32 s2, $0x0  }
0x24b: {  	s3 =	rddreg [dreg:$0x2];
	[bflag:$0x3] =	sbarrier.arrive $0xFFFF;
	s2 =	simm.s32 @!p0 $0x1C03  }
0x24c: {  	[timem:s3], [sflag:s2] =	dma.local @!p0 [hbm:s0], s1  }
0x24d: {  	s0 =	simm.s32 @!p0 $0x3  }
0x24e: {  	_ =	swait.ge @!p0 [sflag:s0], s1  }
0x24f: {  	s1 =	ssub.s32 @!p0 $0x0, s1;
	[sflag:s0] =	ssyncset.done @!p0 $0x0  }
0x250: {  	[sflag:s0] =	ssyncadd.s32 @!p0 s1  }
0x251: {  	[bflag:$0x3] =	sbarrier.arrive $0xFFFF  }
0x252: {  	_ =	shalt  }

// kernel: kernel.8.cloned.1.call-start
scs
__scs_entry_jumppad:
0x0: {  	(pc) =	sbr.rel $0x88, $3  }
0x1: {  	(tag) =	ssettag $0x0;
	lr =	simm.s32 $0x1  }
0x2: {  	[smem:$0x3F99] =	sst lr;
	_ =	strace $0xD0000000  }
0x3: {  	_ = 	snop  }
0x4: {  	_ = 	snop  }
0x5: {  	_ = 	snop  }
0x6: {  	_ = 	snop  }
0x7: {  	_ = 	snop  }
__scs_overlays_trampoline_lowered:
0x8: {  	[smem:$0x3FA8] =	sst s0  }
0x9: {  	[smem:$0x3FA9] =	sst s1  }
0xa: {  	[smem:$0x3FAA] =	sst s2  }
0xb: {  	[smem:$0x3FAB] =	sst s3  }
0xc: {  	[smem:$0x3FAC] =	sst s4  }
0xd: {  	[smem:$0x3FAD] =	sst s5  }
0xe: {  	[smem:$0x3FAE] =	sst s6  }
0xf: {  	[smem:$0x3FAF] =	sst s7  }
0x10: {  	[smem:$0x3FB0] =	sst s8  }
0x11: {  	[smem:$0x3FB1] =	sst s9;
	s0 =	simm.s32 @!p0 $0x0  }
0x12: {  	s1 =	sld [smem:$0x3F97];
	s0 =	simm.s32 @p0 $0x1  }
0x13: {  	[smem:$0x3FB2] =	sst s0;
	s0 =	simm.s32 @!p1 $0x0  }
0x14: {  	s2 =	sld [smem:$0x3F96];
	s0 =	simm.s32 @p1 $0x1  }
0x15: {  	[smem:$0x3FB3] =	sst s0;
	s0 =	simm.s32 @!p2 $0x0  }
0x16: {  	s3 =	sld [smem:$0x3FDB];
	s0 =	simm.s32 @p2 $0x1  }
0x17: {  	s4 =	simm.s32 $0x1BF5;
	[smem:$0x3FB5] =	sst s0  }
0x18: {  	s0 =	sld [smem:$0x3F98];
	_ =	swait.ge [sflag:s4], $0x0  }
0x19: {  	s7 =	sld [smem:$0x3F99]  }
0x1a: {  	s8 =	sadd.s32 $0xFFFFE003, lr  }
0x1b: {  	s9 =	sadd.s32 $0xFFFFFEF7, lr;
	s5 =	simm.s32 $0xFFFFFFFF;
	p2 =	slt.u32 s8, $0xFFFFF086  }
0x1c: {  	p1 =	slt.u32 s9, $0xF7A;
	s5 =	simm.s32 @!p2 $0x0  }
0x1d: {  	s5 =	simm.s32 @p1 $0x1;
	p0 =	seq.s32 s7, s2  }
0x1e: {  	s7 =	smul.u32 @!p0 $0xF7A, s2;
	p2 =	seq.s32 @!p0 s5, $0x0  }
0x1f: {  	s9 =	smul.u32 $0xF7A, s1;
	s8 =	simm.s32 @!p0 $0x1BF5;
	p2 =	por !p2, p0  }
0x20: {  	[sflag:s8] =	ssyncset.s32 @!p0 $0xFFFFF086;
	s6 =	sadd.s32 @!p0 s3, s7;
	s7 =	simm.s32 @!p0 $0x108  }
0x21: {  	s3 =	sadd.s32 s3, s9;
	s6 =	sadd.s32 @!p0 $0x88, s6;
	s7 =	simm.s32 @p2 $0x1082  }
0x22: {  	[simem:s7], [sflag:s8] =	dma.local @!p0 [hbm:s6], $0xF7A  }
0x23: {  	s9 =	sor.u32 $0xD0000000, s2;
	s6 =	simm.s32 $0x108;
	_ =	swait.ge @!p0 [sflag:s8], $0x0  }
0x24: {  	s3 =	sadd.s32 $0x88, s3;
	s6 =	simm.s32 @!p1 $0x1082;
	[sflag:s4] =	ssyncset.s32 $0xFFFFF086  }
0x25: {  	[simem:s6], [sflag:s4] =	dma.local [hbm:s3], $0xF7A  }
0x26: {  	[smem:$0x3F99] =	sst s1;
	(tag) =	ssettag s2;
	_ =	strace s9  }
0x27: {  	s1 =	sld [smem:$0x3FA9]  }
0x28: {  	s2 =	sld [smem:$0x3FAA]  }
0x29: {  	s4 =	sld [smem:$0x3FAC]  }
0x2a: {  	p0 =	seq.s32 s5, $0x0;
	s5 =	sld [smem:$0x3FAD]  }
0x2b: {  	s6 =	sld [smem:$0x3FAE]  }
0x2c: {  	s7 =	sld [smem:$0x3FAF]  }
0x2d: {  	s3 =	simm.s32 $0x108;
	s8 =	sld [smem:$0x3FB0]  }
0x2e: {  	s3 =	simm.s32 @!p0 $0x1082;
	s9 =	sld [smem:$0x3FB1]  }
0x2f: {  	lr =	sadd.s32 s0, s3;
	s0 =	sld [smem:$0x3FA8]  }
0x30: {  	s3 =	sld [smem:$0x3FAB]  }
0x31: {  	[smem:$0x3FB4] =	sst s10  }
0x32: {  	s10 =	sld [smem:$0x3FB2];
	_ =	sdelay $0x3  }
0x33: {  	p0 =	seq.s32 s10, $0x1;
	s10 =	sld [smem:$0x3FB4];
	_ =	sdelay $0x3  }
0x34: {  	[smem:$0x3FB4] =	sst s10  }
0x35: {  	s10 =	sld [smem:$0x3FB3];
	_ =	sdelay $0x3  }
0x36: {  	p1 =	seq.s32 s10, $0x1;
	s10 =	sld [smem:$0x3FB4];
	_ =	sdelay $0x3  }
0x37: {  	[smem:$0x3FB4] =	sst s10  }
0x38: {  	s10 =	sld [smem:$0x3FB5]  }
0x39: {  	_ = 	snop;
	(pc) =	sbr.ind lr, $3  }
0x3a: {  	_ = 	snop  }
0x3b: {  	_ = 	snop  }
0x3c: {  	p2 =	seq.s32 s10, $0x1;
	s10 =	sld [smem:$0x3FB4]  }
0x3d: {  	_ =	shalt  }
0x3e: {  	_ =	shalt  }
0x3f: {  	_ =	shalt  }
0x40: {  	_ =	shalt  }
0x41: {  	_ =	shalt  }
0x42: {  	_ =	shalt  }
0x43: {  	_ =	shalt  }
0x44: {  	_ =	shalt  }
0x45: {  	_ =	shalt  }
0x46: {  	_ =	shalt  }
0x47: {  	_ =	shalt  }
0x48: {  	_ =	shalt  }
0x49: {  	_ =	shalt  }
0x4a: {  	_ =	shalt  }
0x4b: {  	_ =	shalt  }
0x4c: {  	_ =	shalt  }
0x4d: {  	_ =	shalt  }
0x4e: {  	_ =	shalt  }
0x4f: {  	_ =	shalt  }
0x50: {  	_ =	shalt  }
0x51: {  	_ =	shalt  }
0x52: {  	_ =	shalt  }
0x53: {  	_ =	shalt  }
0x54: {  	_ =	shalt  }
0x55: {  	_ =	shalt  }
0x56: {  	_ =	shalt  }
0x57: {  	_ =	shalt  }
0x58: {  	_ =	shalt  }
0x59: {  	_ =	shalt  }
0x5a: {  	_ =	shalt  }
0x5b: {  	_ =	shalt  }
0x5c: {  	_ =	shalt  }
0x5d: {  	_ =	shalt  }
0x5e: {  	_ =	shalt  }
0x5f: {  	_ =	shalt  }
0x60: {  	_ =	shalt  }
0x61: {  	_ =	shalt  }
0x62: {  	_ =	shalt  }
0x63: {  	_ =	shalt  }
0x64: {  	_ =	shalt  }
0x65: {  	_ =	shalt  }
0x66: {  	_ =	shalt  }
0x67: {  	_ =	shalt  }
0x68: {  	_ =	shalt  }
0x69: {  	_ =	shalt  }
0x6a: {  	_ =	shalt  }
0x6b: {  	_ =	shalt  }
0x6c: {  	_ =	shalt  }
0x6d: {  	_ =	shalt  }
0x6e: {  	_ =	shalt  }
0x6f: {  	_ =	shalt  }
0x70: {  	_ =	shalt  }
0x71: {  	_ =	shalt  }
0x72: {  	_ =	shalt  }
0x73: {  	_ =	shalt  }
0x74: {  	_ =	shalt  }
0x75: {  	_ =	shalt  }
0x76: {  	_ =	shalt  }
0x77: {  	_ =	shalt  }
0x78: {  	_ =	shalt  }
0x79: {  	_ =	shalt  }
0x7a: {  	_ =	shalt  }
0x7b: {  	_ =	shalt  }
0x7c: {  	_ =	shalt  }
0x7d: {  	_ =	shalt  }
0x7e: {  	_ =	shalt  }
0x7f: {  	_ =	shalt  }
0x80: {  	_ =	shalt  }
0x81: {  	_ =	shalt  }
0x82: {  	_ =	shalt  }
0x83: {  	_ =	shalt  }
0x84: {  	_ =	shalt  }
0x85: {  	_ =	shalt  }
0x86: {  	_ =	shalt  }
0x87: {  	_ =	shalt  }
.Lfunc_end0:
.L_simem_size_0:
called_computation.1_lowered:
.L_overlay_start_0:
0x88: {  	s2 =	sld [smem:$0x3FD9]  }
0x89: {  	s3 =	sld [smem:$0x3FFE];
	_ =	sdelay $0x1  }
0x8a: {  	s1 =	srdreg.scid  }
0x8b: {  	s0 =	sand.u32 $0x1, s1  }
0x8c: {  	s16 =	sshll.u32 s0, $0xA;
	s2 =	sadd.s32 s3, s2  }
0x8d: {  	s2 =	sadd.s32 s2, s16  }
0x8e: {  	[smem:$0x3FC0] =	sst s2  }
0x8f: {  	_ = 	snop  }
0x90: {  	(tm) =	ssettm $0x1  }
0x91: {  	s17 =	sld [smem:$0x3FFB];
	_ =	sdelay $0x3  }
0x92: {  	_ =	strace s17  }
0x93: {  	s2 =	sld [smem:$0x3FFC];
	_ =	sdelay $0x3  }
0x94: {  	_ =	strace s2  }
0x95: {  	s2 =	sld [smem:$0x3FFD];
	_ =	sdelay $0x3  }
0x96: {  	_ =	strace s2  }
0x97: {  	_ =	strace $0x8FFFFFFF  }
0x98: {  	s18 =	sld [smem:$0x3FDB];
	_ =	sdelay $0x1  }
0x99: {  	s19 =	simm.s32 $_scs_section_size  }
0x9a: {  	s4 =	simm.s32 $_size__tile_overlayer_lowered;
	s5 =	simm.s32 $_tile_overlayer_lowered  }
0x9b: {  	s22 =	simm.s32 $0x1BFF;
	s21 =	sshll.u32 s5, $0x1;
	s2 =	sadd.s32 s19, s18  }
0x9c: {  	s6 =	simm.s32 $0x0;
	s20 =	sshll.u32 s4, $0x1;
	s4 =	sadd.s32 s21, s2  }
0x9d: {  	[timem:s6], [sflag:s22] =	dma.local [hbm:s4], s20  }
0x9e: {  	_ =	swait.ge [sflag:s22], s20  }
0x9f: {  	s3 =	ssub.s32 $0x0, s20;
	[sflag:s22] =	ssyncset.done $0x0  }
0xa0: {  	[sflag:s22] =	ssyncadd.s32 s3;
	_ =	sdelay $0x1  }
0xa1: {  	s23 =	simm.s32 $0x1B8B  }
0xa2: {  	_ =	swait.ge [sflag:s23], $0x1  }
0xa3: {  	[sflag:s23] =	ssyncset.done $0x0  }
0xa4: {  	s25 =	simm.s32 $0x1B8E;
	s24 =	sld [smem:$0x3FFE];
	[sflag:s23] =	ssyncadd.s32 $0xFFFFFFFF  }
0xa5: {  	s26 =	simm.s32 $execute0_lowered;
	[smem:$0x3FD2] =	sst s25  }
0xa6: {  	s4 =	sshll.u32 s26, $0x1;
	_ =	strace $0x80000046;
	[dreg:$0x1] =	wrdreg $0xFFFFFFFF  }
0xa7: {  	s28 =	simm.s32 $_size_execute0_lowered;
	s2 =	sadd.s32 s2, s4;
	[dreg:$0x0] =	wrdreg $0x0  }
0xa8: {  	s4 =	sshll.u32 s28, $0x1;
	[dreg:$0x2] =	wrdreg s2  }
0xa9: {  	[dreg:$0x3] =	wrdreg s4  }
0xaa: {  	[dreg:$0x4] =	wrdreg $0xC0  }
0xab: {  	_ =	task [dreg:s6], $0x5FFFF  }
0xac: {  	[dreg:$0x1] =	wrdreg $0xFFFFFFFF  }
0xad: {  	[dreg:$0x0] =	wrdreg $0x60  }
0xae: {  	[dreg:$0x2] =	wrdreg s24  }
0xaf: {  	[dreg:$0x3] =	wrdreg $0xA  }
0xb0: {  	_ =	task.clear_ibuf [dreg:s6], $0x4FFFF;
	_ =	strace $0x90000046  }
0xb1: {  	s29 =	simm.s32 $0xA;
	_ =	strace $0x80000048  }
0xb2: {  	_ =	swait.ge [sflag:s29], $0x1  }
0xb3: {  	[sflag:s29] =	ssyncadd.s32 $0xFFFFFFFF  }
0xb4: {  	_ =	strace $0x90000048  }
0xb5: {  	_ =	sfence  }
0xb6: {  	s30 =	sld [smem:$0x0];
	_ =	sdelay $0x2  }
0xb7: {  	s31 =	sshll.u32 s1, $0xD;
	s1 =	sshrl.u32 s1, $0x2  }
0xb8: {  	s3 =	sand.u32 $0x4000, s31;
	s1 =	sadd.s32 s1, s30  }
0xb9: {  	s0 =	sor.u32 s3, s0;
	s1 =	sshll.u32 s1, $0x11  }
0xba: {  	s0 =	sor.u32 s1, s0  }
0xbb: {  	s0 =	sadd.s32 $0x8F2B, s0  }
0xbc: {  	[sflag:s0] =	ssyncadd.remote.s32 $0x1  }
0xbd: {  	_ =	sfence.sel $0xFFFF  }
0xbe: {  	[dreg:$0x0] =	wrdreg $0xFFFFFFFF;
	(pc) =	sbr.abs _section_cstart, $3  }
0xbf: {  	[dreg:$0x1] =	wrdreg $0xFFFFFFFF  }
0xc0: {  	_ =	task.clear_ibuf [dreg:s6], $0x2FFFF;
	_ =	strace $0x9FFFFFFF  }
0xc1: {  	(tm) =	ssettm $0x7FFFFFFF  }
tec
execute0_lowered:
.L_overlay_start_1:
0x0: {  	(tag) =	ssettag $0x1  }
0x1: {  	s0 =	srdreg.scid  }
0x2: {  	s1 =	stileid.u32;
	s4 =	rddreg [dreg:$0x0]  }
0x3: {  	s2 =	simm.s32 $0x0;
	s7 =	simm.s32 $0x2;
	s8 =	simm.s32 $0x80  }
0x4: {  	s24 =	simm.s32 $0x12000;
	s25 =	simm.s32 $0x2400;
	s26 =	simm.s32 $0x12800  }
0x5: {  	s28 =	simm.s32 $0x2480;
	s29 =	simm.s32 $0x13000;
	s30 =	simm.s32 $0x2500  }
0x6: {  	s31 =	simm.s32 $0x13800;
	s9 =	simm.s32 $0x2600;
	s10 =	simm.s32 $0x14800  }
0x7: {  	s11 =	simm.s32 $0x2680;
	s12 =	simm.s32 $0x15000;
	s13 =	simm.s32 $0x2700  }
0x8: {  	s14 =	simm.s32 $0x15800;
	s15 =	simm.s32 $0x2780;
	s16 =	simm.s32 $0x16000  }
0x9: {  	s17 =	simm.s32 $0x1;
	s0 =	sand.u32 $0x1, s0;
	s1 =	sshll.u32 s1, $0x1  }
0xa: {  	s18 =	simm.s32 $0x16800;
	s19 =	simm.s32 $0x0;
	s1 =	sor.u32 s0, s1  }
0xb: {  	v0 =	vlaneseq.u32;
	[smem:$0x7FF] =	sst s2;
	s0 =	ssub.s32 $0x2, s0;
	s3 =	smul.u32 $0x280, s1  }
0xc: {  	v0 =	vshrl.u32 v0, $0x3;
	_ =	strace $0x80000047;
	s1 =	sshll.u32 s1, $0x9;
	s6 =	sshrl.u32 s0, $0x1  }
0xd: {  	v1 =	vmul.u32 $0xFFFFFFFF, v0;
	s1 =	sadd.s32 s1, s4;
	s0 =	ssub.s32 s0, s6;
	s5 =	sadd.s32 s3, s4  }
0xe: {  	vm0 =	vcmask $0xF00;
	v2 =	vimm.s32 $0x1;
	vm1 =	vcmask $0x2F00;
	s3 =	sadd.s32 $0x1E86000, s4;
	s6 =	smax.u32 s0, $0x1;
	s0 =	simm.s32 $0x14000  }
0xf: {  	v0 =	vsel vm0, $0x0, v2;
	v2 =	vsel vm1, $0x0, v2;
	v1 =	vadd.s32 $0x1, v1;
	s4 =	sadd.s32 $0x1800, s5;
	s5 =	sadd.s32 $0x6800, s1;
	s1 =	simm.s32 $0x2580  }
.LBB2_1:
0x10: {  	[tilespmem:s2], [sflag:$0x2] =	stream.linear.gather [hbm4b:s4+s2], $0x1400, $0x38;
	[tilespmem:$0x17800] =	vst v63  }
0x11: {  	_ =	swait.ge [sflag:s7], $0x1400  }
0x12: {  	[sflag:s7] =	ssyncset.done $0x0  }
0x13: {  	s20 =	simm.s32 $0x0;
	[sflag:s7] =	ssyncadd.s32 $0xFFFFEC00  }
0x14: {  	v3 =	vld [tilespmem:s20+$0x270]  }
0x15: {  	v4 =	vld [tilespmem:s20+$0x10]  }
0x16: {  	v5 =	vld [tilespmem:s20+$0x20]  }
0x17: {  	v6 =	vld [tilespmem:s20+$0x30]  }
0x18: {  	v7 =	vld [tilespmem:s20+$0x40]  }
0x19: {  	v8 =	vld [tilespmem:s20+$0x60];
	v3 =	vshll.u32 v3, $0x1  }
0x1a: {  	v9 =	vld [tilespmem:s20+$0x70];
	v4 =	vshll.u32 v4, $0x1;
	v3 =	vor.u32 $0x1, v3  }
0x1b: {  	v10 =	vld [tilespmem:s20+$0x80];
	v4 =	vor.u32 v0, v4;
	[tilespmem:s20+$0x1670] =	vst v3;
	v3 =	vshll.u32 v5, $0x1  }
0x1c: {  	[tilespmem:s20+$0x1410] =	vst v4;
	v4 =	vld [tilespmem:s20+$0x90];
	v5 =	vshll.u32 v6, $0x1;
	v3 =	vor.u32 v1, v3  }
0x1d: {  	v6 =	vshll.u32 v7, $0x1;
	[tilespmem:s20+$0x1420] =	vst v3;
	v3 =	vor.u32 v2, v5;
	v5 =	vld [tilespmem:s20+$0xB0]  }
0x1e: {  	v7 =	vshll.u32 v8, $0x1;
	[tilespmem:s20+$0x1430] =	vst v3;
	v3 =	vor.u32 $0x1, v6;
	v6 =	vld [tilespmem:s20+$0xC0]  }
0x1f: {  	v8 =	vshll.u32 v9, $0x1;
	[tilespmem:s20+$0x1440] =	vst v3;
	v3 =	vor.u32 v0, v7;
	v7 =	vld [tilespmem:s20+$0xD0]  }
0x20: {  	v9 =	vshll.u32 v10, $0x1;
	[tilespmem:s20+$0x1460] =	vst v3;
	v3 =	vor.u32 v1, v8;
	v8 =	vld [tilespmem:s20+$0xE0]  }
0x21: {  	v4 =	vshll.u32 v4, $0x1;
	[tilespmem:s20+$0x1470] =	vst v3;
	v3 =	vor.u32 v2, v9;
	v9 =	vld [tilespmem:s20+$0x100]  }
0x22: {  	[tilespmem:s20+$0x1480] =	vst v3;
	v3 =	vor.u32 $0x1, v4;
	v4 =	vld [tilespmem:s20+$0x110];
	v5 =	vshll.u32 v5, $0x1  }
0x23: {  	[tilespmem:s20+$0x1490] =	vst v3;
	v3 =	vor.u32 v0, v5;
	v5 =	vld [tilespmem:s20+$0x120];
	v6 =	vshll.u32 v6, $0x1  }
0x24: {  	[tilespmem:s20+$0x14B0] =	vst v3;
	v3 =	vor.u32 v1, v6;
	v6 =	vld [tilespmem:s20+$0x130];
	v7 =	vshll.u32 v7, $0x1  }
0x25: {  	[tilespmem:s20+$0x14C0] =	vst v3;
	v3 =	vor.u32 v2, v7;
	v7 =	vld [tilespmem:s20+$0x150];
	v8 =	vshll.u32 v8, $0x1  }
0x26: {  	[tilespmem:s20+$0x14D0] =	vst v3;
	v3 =	vor.u32 $0x1, v8;
	v8 =	vld [tilespmem:s20+$0x160];
	v9 =	vshll.u32 v9, $0x1  }
0x27: {  	[tilespmem:s20+$0x14E0] =	vst v3;
	v3 =	vor.u32 v0, v9;
	v9 =	vld [tilespmem:s20+$0x170];
	v4 =	vshll.u32 v4, $0x1  }
0x28: {  	[tilespmem:s20+$0x1500] =	vst v3;
	v3 =	vor.u32 v1, v4;
	v4 =	vld [tilespmem:s20+$0x180];
	v5 =	vshll.u32 v5, $0x1  }
0x29: {  	[tilespmem:s20+$0x1510] =	vst v3;
	v3 =	vor.u32 v2, v5;
	v5 =	vld [tilespmem:s20+$0x1A0];
	v6 =	vshll.u32 v6, $0x1  }
0x2a: {  	[tilespmem:s20+$0x1520] =	vst v3;
	v3 =	vor.u32 $0x1, v6;
	v6 =	vld [tilespmem:s20+$0x1B0];
	v7 =	vshll.u32 v7, $0x1  }
0x2b: {  	[tilespmem:s20+$0x1530] =	vst v3;
	v3 =	vor.u32 v0, v7;
	v7 =	vld [tilespmem:s20+$0x1C0];
	v8 =	vshll.u32 v8, $0x1  }
0x2c: {  	[tilespmem:s20+$0x1550] =	vst v3;
	v3 =	vor.u32 v1, v8;
	v8 =	vld [tilespmem:s20+$0x1D0];
	v9 =	vshll.u32 v9, $0x1  }
0x2d: {  	[tilespmem:s20+$0x1560] =	vst v3;
	v3 =	vor.u32 v2, v9;
	v4 =	vshll.u32 v4, $0x1  }
0x2e: {  	v9 =	vld [tilespmem:s20+$0x1F0];
	[tilespmem:s20+$0x1570] =	vst v3;
	v3 =	vor.u32 $0x1, v4;
	v5 =	vshll.u32 v5, $0x1  }
0x2f: {  	v4 =	vld [tilespmem:s20+$0x200];
	[tilespmem:s20+$0x1580] =	vst v3;
	v3 =	vor.u32 v0, v5;
	v6 =	vshll.u32 v6, $0x1  }
0x30: {  	v5 =	vld [tilespmem:s20+$0x210];
	[tilespmem:s20+$0x15A0] =	vst v3;
	v3 =	vor.u32 v1, v6;
	v7 =	vshll.u32 v7, $0x1  }
0x31: {  	v6 =	vld [tilespmem:s20+$0x220];
	[tilespmem:s20+$0x15B0] =	vst v3;
	v3 =	vor.u32 v2, v7;
	v8 =	vshll.u32 v8, $0x1  }
0x32: {  	v7 =	vld [tilespmem:s20+$0x240];
	[tilespmem:s20+$0x15C0] =	vst v3;
	v3 =	vor.u32 $0x1, v8  }
0x33: {  	v10 =	vld [tilespmem:s20+$0x0];
	[tilespmem:s20+$0x15D0] =	vst v3;
	v3 =	vshll.u32 v9, $0x1  }
0x34: {  	v8 =	vld [tilespmem:s20+$0x250];
	v4 =	vshll.u32 v4, $0x1;
	v3 =	vor.u32 v0, v3  }
0x35: {  	v9 =	vld [tilespmem:s20+$0x260];
	[tilespmem:s20+$0x15F0] =	vst v3;
	v3 =	vor.u32 v1, v4;
	v4 =	vshll.u32 v5, $0x1  }
0x36: {  	v11 =	vld [tilespmem:s20+$0x50];
	[tilespmem:s20+$0x1600] =	vst v3;
	v3 =	vor.u32 v2, v4;
	v4 =	vshll.u32 v6, $0x1  }
0x37: {  	v12 =	vld [tilespmem:s20+$0xA0];
	v5 =	vshll.u32 v7, $0x1;
	[tilespmem:s20+$0x1610] =	vst v3;
	v4 =	vor.u32 $0x1, v4  }
0x38: {  	v3 =	vld [tilespmem:s20+$0xF0];
	v5 =	vor.u32 v0, v5;
	[tilespmem:s20+$0x1620] =	vst v4  }
0x39: {  	v6 =	vshll.u32 v8, $0x1;
	v8 =	vshll.u32 v10, $0x1;
	v4 =	vld [tilespmem:s20+$0x140];
	[tilespmem:s20+$0x1640] =	vst v5  }
0x3a: {  	v6 =	vor.u32 v1, v6;
	v5 =	vld [tilespmem:s20+$0x190];
	v7 =	vshll.u32 v9, $0x1;
	[tilespmem:s20+$0x1400] =	vst v8  }
0x3b: {  	[tilespmem:s20+$0x1650] =	vst v6;
	v7 =	vor.u32 v2, v7;
	v6 =	vld [tilespmem:s20+$0x1E0]  }
0x3c: {  	s21 =	simm.s32 $0x280;
	s22 =	simm.s32 $0x1400;
	v8 =	vshll.u32 v11, $0x1;
	v9 =	vshll.u32 v12, $0x1;
	[tilespmem:s20+$0x1660] =	vst v7;
	v7 =	vld [tilespmem:s20+$0x230]  }
.LBB2_2:
0x3d: {  	p0 =	sne.s32 s22, $0x4600;
	v10 =	vld [tilespmem:s21+$0x270];
	[tilespmem:s20+$0x1450] =	vst v8;
	v3 =	vshll.u32 v3, $0x1  }
0x3e: {  	v8 =	vld [tilespmem:s21+$0x10];
	[tilespmem:s20+$0x14A0] =	vst v9;
	v4 =	vshll.u32 v4, $0x1  }
0x3f: {  	v9 =	vld [tilespmem:s21+$0x20];
	[tilespmem:s20+$0x14F0] =	vst v3;
	v3 =	vshll.u32 v5, $0x1  }
0x40: {  	v5 =	vld [tilespmem:s21+$0x30];
	[tilespmem:s20+$0x1540] =	vst v4;
	v4 =	vshll.u32 v6, $0x1  }
0x41: {  	v6 =	vld [tilespmem:s21+$0x40];
	[tilespmem:s20+$0x1590] =	vst v3;
	v3 =	vshll.u32 v7, $0x1  }
0x42: {  	v7 =	vld [tilespmem:s21+$0x60];
	v10 =	vshll.u32 v10, $0x1;
	[tilespmem:s20+$0x15E0] =	vst v4  }
0x43: {  	v4 =	vshll.u32 v8, $0x1;
	v8 =	vld [tilespmem:s21+$0x70];
	v10 =	vor.u32 $0x1, v10;
	[tilespmem:s20+$0x1630] =	vst v3;
	s20 =	smov.u32 s21  }
0x44: {  	v3 =	vor.u32 v0, v4;
	v4 =	vshll.u32 v9, $0x1;
	v9 =	vld [tilespmem:s20+$0x80];
	[tilespmem:s20+$0x1670] =	vst v10  }
0x45: {  	[tilespmem:s20+$0x1410] =	vst v3;
	v3 =	vor.u32 v1, v4;
	v4 =	vshll.u32 v5, $0x1;
	v5 =	vld [tilespmem:s20+$0x90]  }
0x46: {  	[tilespmem:s20+$0x1420] =	vst v3;
	v3 =	vor.u32 v2, v4;
	v4 =	vshll.u32 v6, $0x1;
	v6 =	vld [tilespmem:s20+$0xB0]  }
0x47: {  	[tilespmem:s20+$0x1430] =	vst v3;
	v3 =	vor.u32 $0x1, v4;
	v4 =	vshll.u32 v7, $0x1;
	v7 =	vld [tilespmem:s20+$0xC0]  }
0x48: {  	[tilespmem:s20+$0x1440] =	vst v3;
	v3 =	vor.u32 v0, v4;
	v4 =	vshll.u32 v8, $0x1;
	v8 =	vld [tilespmem:s20+$0xD0]  }
0x49: {  	[tilespmem:s20+$0x1460] =	vst v3;
	v3 =	vor.u32 v1, v4;
	v4 =	vshll.u32 v9, $0x1;
	v9 =	vld [tilespmem:s20+$0xE0]  }
0x4a: {  	[tilespmem:s20+$0x1470] =	vst v3;
	v3 =	vor.u32 v2, v4;
	v4 =	vshll.u32 v5, $0x1;
	v5 =	vld [tilespmem:s20+$0x100]  }
0x4b: {  	[tilespmem:s20+$0x1480] =	vst v3;
	v3 =	vor.u32 $0x1, v4;
	v4 =	vshll.u32 v6, $0x1;
	v6 =	vld [tilespmem:s20+$0x110]  }
0x4c: {  	[tilespmem:s20+$0x1490] =	vst v3;
	v3 =	vor.u32 v0, v4;
	v4 =	vshll.u32 v7, $0x1;
	v7 =	vld [tilespmem:s20+$0x120]  }
0x4d: {  	[tilespmem:s20+$0x14B0] =	vst v3;
	v3 =	vor.u32 v1, v4;
	v4 =	vshll.u32 v8, $0x1;
	v8 =	vld [tilespmem:s20+$0x130]  }
0x4e: {  	[tilespmem:s20+$0x14C0] =	vst v3;
	v3 =	vor.u32 v2, v4;
	v4 =	vshll.u32 v9, $0x1;
	v9 =	vld [tilespmem:s20+$0x150]  }
0x4f: {  	[tilespmem:s20+$0x14D0] =	vst v3;
	v3 =	vor.u32 $0x1, v4;
	v4 =	vshll.u32 v5, $0x1;
	v5 =	vld [tilespmem:s20+$0x160]  }
0x50: {  	[tilespmem:s20+$0x14E0] =	vst v3;
	v3 =	vor.u32 v0, v4;
	v4 =	vshll.u32 v6, $0x1;
	v6 =	vld [tilespmem:s20+$0x170]  }
0x51: {  	[tilespmem:s20+$0x1500] =	vst v3;
	v3 =	vor.u32 v1, v4;
	v4 =	vshll.u32 v7, $0x1;
	v7 =	vld [tilespmem:s20+$0x180]  }
0x52: {  	[tilespmem:s20+$0x1510] =	vst v3;
	v3 =	vor.u32 v2, v4;
	v4 =	vshll.u32 v8, $0x1;
	v8 =	vld [tilespmem:s20+$0x1A0]  }
0x53: {  	[tilespmem:s20+$0x1520] =	vst v3;
	v3 =	vor.u32 $0x1, v4;
	v4 =	vshll.u32 v9, $0x1;
	v9 =	vld [tilespmem:s20+$0x1B0]  }
0x54: {  	[tilespmem:s20+$0x1530] =	vst v3;
	v3 =	vor.u32 v0, v4;
	v4 =	vshll.u32 v5, $0x1;
	v5 =	vld [tilespmem:s20+$0x1C0]  }
0x55: {  	[tilespmem:s20+$0x1550] =	vst v3;
	v3 =	vor.u32 v1, v4;
	v4 =	vshll.u32 v6, $0x1;
	v6 =	vld [tilespmem:s20+$0x1D0]  }
0x56: {  	[tilespmem:s20+$0x1560] =	vst v3;
	v3 =	vor.u32 v2, v4;
	v4 =	vshll.u32 v7, $0x1;
	v7 =	vld [tilespmem:s20+$0x1F0]  }
0x57: {  	[tilespmem:s20+$0x1570] =	vst v3;
	v3 =	vor.u32 $0x1, v4;
	v4 =	vshll.u32 v8, $0x1;
	v8 =	vld [tilespmem:s20+$0x200]  }
0x58: {  	[tilespmem:s20+$0x1580] =	vst v3;
	v3 =	vor.u32 v0, v4;
	v4 =	vshll.u32 v9, $0x1;
	v9 =	vld [tilespmem:s20+$0x210]  }
0x59: {  	[tilespmem:s20+$0x15A0] =	vst v3;
	v3 =	vor.u32 v1, v4;
	v4 =	vshll.u32 v5, $0x1;
	v5 =	vld [tilespmem:s20+$0x220]  }
0x5a: {  	[tilespmem:s20+$0x15B0] =	vst v3;
	v3 =	vor.u32 v2, v4;
	v4 =	vshll.u32 v6, $0x1;
	v6 =	vld [tilespmem:s20+$0x240]  }
0x5b: {  	[tilespmem:s20+$0x15C0] =	vst v3;
	v3 =	vor.u32 $0x1, v4;
	v4 =	vshll.u32 v7, $0x1;
	v7 =	vld [tilespmem:s20+$0x250]  }
0x5c: {  	[tilespmem:s20+$0x15D0] =	vst v3;
	v3 =	vor.u32 v0, v4;
	v4 =	vshll.u32 v8, $0x1;
	v8 =	vld [tilespmem:s20+$0x260]  }
0x5d: {  	v10 =	vld [tilespmem:s20+$0x0];
	[tilespmem:s20+$0x15F0] =	vst v3;
	v3 =	vor.u32 v1, v4;
	v4 =	vshll.u32 v9, $0x1  }
0x5e: {  	v9 =	vld [tilespmem:s20+$0x50];
	[tilespmem:s20+$0x1600] =	vst v3;
	v3 =	vor.u32 v2, v4;
	v4 =	vshll.u32 v5, $0x1  }
0x5f: {  	v11 =	vld [tilespmem:s20+$0xA0];
	[tilespmem:s20+$0x1610] =	vst v3;
	v4 =	vor.u32 $0x1, v4;
	v5 =	vshll.u32 v6, $0x1  }
.Ltmp0:
0x60: {  	v3 =	vld [tilespmem:s20+$0xF0];
	[tilespmem:s20+$0x1620] =	vst v4;
	v5 =	vor.u32 v0, v5;
	v6 =	vshll.u32 v7, $0x1;
	(pc) =	sbr.rel @p0 .LBB2_2-.Ltmp0, $4  }
0x61: {  	v4 =	vld [tilespmem:s20+$0x140];
	[tilespmem:s20+$0x1640] =	vst v5;
	v6 =	vor.u32 v1, v6;
	v7 =	vshll.u32 v8, $0x1  }
0x62: {  	v10 =	vshll.u32 v10, $0x1;
	v5 =	vld [tilespmem:s20+$0x190];
	[tilespmem:s20+$0x1650] =	vst v6;
	v7 =	vor.u32 v2, v7  }
0x63: {  	v8 =	vshll.u32 v9, $0x1;
	v6 =	vld [tilespmem:s20+$0x1E0];
	[tilespmem:s20+$0x1660] =	vst v7  }
0x64: {  	s21 =	sshra.s32 s22, $0x2;
	s22 =	sadd.s32 $0xA00, s22;
	[tilespmem:s20+$0x1400] =	vst v10;
	v9 =	vshll.u32 v11, $0x1;
	v7 =	vld [tilespmem:s20+$0x230]  }
0x65: {  	v10 =	vld [tilespmem:s21+$0x270];
	[tilespmem:s20+$0x1450] =	vst v8  }
0x66: {  	v3 =	vshll.u32 v3, $0x1;
	v8 =	vld [tilespmem:s21+$0x10];
	[tilespmem:s20+$0x14A0] =	vst v9  }
0x67: {  	v9 =	vld [tilespmem:s21+$0x20];
	[tilespmem:s20+$0x14F0] =	vst v3;
	v3 =	vshll.u32 v4, $0x1  }
0x68: {  	v4 =	vld [tilespmem:s21+$0x30];
	[tilespmem:s20+$0x1540] =	vst v3;
	v3 =	vshll.u32 v5, $0x1  }
0x69: {  	v5 =	vld [tilespmem:s21+$0x40];
	[tilespmem:s20+$0x1590] =	vst v3;
	v3 =	vshll.u32 v6, $0x1  }
0x6a: {  	v6 =	vld [tilespmem:s21+$0x60];
	[tilespmem:s20+$0x15E0] =	vst v3;
	v3 =	vshll.u32 v7, $0x1;
	v10 =	vshll.u32 v10, $0x1  }
0x6b: {  	v7 =	vld [tilespmem:s21+$0x70];
	[tilespmem:s20+$0x1630] =	vst v3;
	v3 =	vshll.u32 v8, $0x1;
	v48 =	vor.u32 $0x1, v10  }
0x6c: {  	v49 =	vld [tilespmem:s21+$0x80];
	v3 =	vor.u32 v0, v3;
	[tilespmem:s21+$0x1670] =	vst v48;
	v50 =	vshll.u32 v9, $0x1  }
0x6d: {  	v51 =	vld [tilespmem:s21+$0x90];
	[tilespmem:s21+$0x1410] =	vst v3;
	v3 =	vor.u32 v1, v50;
	v4 =	vshll.u32 v4, $0x1  }
0x6e: {  	[tilespmem:s21+$0x1420] =	vst v3;
	v3 =	vor.u32 v2, v4;
	v4 =	vld [tilespmem:s21+$0xB0];
	v5 =	vshll.u32 v5, $0x1  }
0x6f: {  	[tilespmem:s21+$0x1430] =	vst v3;
	v3 =	vor.u32 $0x1, v5;
	v5 =	vld [tilespmem:s21+$0xC0];
	v6 =	vshll.u32 v6, $0x1  }
0x70: {  	[tilespmem:s21+$0x1440] =	vst v3;
	v3 =	vor.u32 v0, v6;
	v6 =	vld [tilespmem:s21+$0xD0];
	v7 =	vshll.u32 v7, $0x1  }
0x71: {  	[tilespmem:s21+$0x1460] =	vst v3;
	v3 =	vor.u32 v1, v7;
	v7 =	vld [tilespmem:s21+$0xE0];
	v52 =	vshll.u32 v49, $0x1  }
0x72: {  	v53 =	vld [tilespmem:s21+$0x100];
	v8 =	vshll.u32 v51, $0x1;
	[tilespmem:s21+$0x1470] =	vst v3;
	v3 =	vor.u32 v2, v52  }
0x73: {  	v54 =	vld [tilespmem:s21+$0x110];
	[tilespmem:s21+$0x1480] =	vst v3;
	v3 =	vor.u32 $0x1, v8;
	v4 =	vshll.u32 v4, $0x1  }
0x74: {  	[tilespmem:s21+$0x1490] =	vst v3;
	v3 =	vor.u32 v0, v4;
	v4 =	vld [tilespmem:s21+$0x120];
	v5 =	vshll.u32 v5, $0x1  }
0x75: {  	[tilespmem:s21+$0x14B0] =	vst v3;
	v3 =	vor.u32 v1, v5;
	v5 =	vld [tilespmem:s21+$0x130];
	v6 =	vshll.u32 v6, $0x1  }
0x76: {  	[tilespmem:s21+$0x14C0] =	vst v3;
	v3 =	vor.u32 v2, v6;
	v6 =	vld [tilespmem:s21+$0x150];
	v7 =	vshll.u32 v7, $0x1  }
0x77: {  	v9 =	vshll.u32 v53, $0x1;
	[tilespmem:s21+$0x14D0] =	vst v3;
	v3 =	vor.u32 $0x1, v7;
	v7 =	vld [tilespmem:s21+$0x160]  }
0x78: {  	v55 =	vld [tilespmem:s21+$0x170];
	v8 =	vshll.u32 v54, $0x1;
	[tilespmem:s21+$0x14E0] =	vst v3;
	v3 =	vor.u32 v0, v9  }
0x79: {  	v56 =	vld [tilespmem:s21+$0x180];
	[tilespmem:s21+$0x1500] =	vst v3;
	v3 =	vor.u32 v1, v8;
	v4 =	vshll.u32 v4, $0x1  }
0x7a: {  	[tilespmem:s21+$0x1510] =	vst v3;
	v3 =	vor.u32 v2, v4;
	v4 =	vld [tilespmem:s21+$0x1A0];
	v5 =	vshll.u32 v5, $0x1  }
0x7b: {  	[tilespmem:s21+$0x1520] =	vst v3;
	v3 =	vor.u32 $0x1, v5;
	v5 =	vld [tilespmem:s21+$0x1B0];
	v6 =	vshll.u32 v6, $0x1  }
0x7c: {  	[tilespmem:s21+$0x1530] =	vst v3;
	v3 =	vor.u32 v0, v6;
	v6 =	vld [tilespmem:s21+$0x1C0];
	v7 =	vshll.u32 v7, $0x1  }
0x7d: {  	v9 =	vshll.u32 v55, $0x1;
	[tilespmem:s21+$0x1550] =	vst v3;
	v3 =	vor.u32 v1, v7;
	v7 =	vld [tilespmem:s21+$0x1D0]  }
0x7e: {  	v57 =	vld [tilespmem:s21+$0x1F0];
	v8 =	vshll.u32 v56, $0x1;
	[tilespmem:s21+$0x1560] =	vst v3;
	v3 =	vor.u32 v2, v9  }
0x7f: {  	v60 =	vld [tilespmem:s21+$0x0];
	[tilespmem:s21+$0x1570] =	vst v3;
	v3 =	vor.u32 $0x1, v8;
	v4 =	vshll.u32 v4, $0x1  }
0x80: {  	v58 =	vld [tilespmem:s21+$0x200];
	[tilespmem:s21+$0x1580] =	vst v3;
	v3 =	vor.u32 v0, v4;
	v5 =	vshll.u32 v5, $0x1  }
0x81: {  	v4 =	vld [tilespmem:s21+$0x210];
	[tilespmem:s21+$0x15A0] =	vst v3;
	v3 =	vor.u32 v1, v5;
	v6 =	vshll.u32 v6, $0x1  }
0x82: {  	v5 =	vld [tilespmem:s21+$0x220];
	[tilespmem:s21+$0x15B0] =	vst v3;
	v3 =	vor.u32 v2, v6;
	v7 =	vshll.u32 v7, $0x1  }
0x83: {  	v6 =	vld [tilespmem:s21+$0x240];
	[tilespmem:s21+$0x15C0] =	vst v3;
	v3 =	vor.u32 $0x1, v7  }
0x84: {  	v10 =	vshll.u32 v60, $0x1;
	v7 =	vld [tilespmem:s21+$0x250];
	[tilespmem:s21+$0x15D0] =	vst v3;
	v3 =	vshll.u32 v57, $0x1  }
0x85: {  	v59 =	vld [tilespmem:s21+$0x260];
	[tilespmem:s21+$0x1400] =	vst v10;
	v8 =	vshll.u32 v58, $0x1;
	v3 =	vor.u32 v0, v3  }
0x86: {  	v4 =	vshll.u32 v4, $0x1;
	[tilespmem:s21+$0x15F0] =	vst v3;
	v3 =	vor.u32 v1, v8  }
0x87: {  	v61 =	vld [tilespmem:s21+$0x50];
	v5 =	vshll.u32 v5, $0x1;
	[tilespmem:s21+$0x1600] =	vst v3;
	v3 =	vor.u32 v2, v4  }
0x88: {  	v4 =	vld [tilespmem:s21+$0xA0];
	v6 =	vshll.u32 v6, $0x1;
	[tilespmem:s21+$0x1610] =	vst v3;
	v3 =	vor.u32 $0x1, v5  }
0x89: {  	v5 =	vld [tilespmem:s21+$0xF0];
	v7 =	vshll.u32 v7, $0x1;
	[tilespmem:s21+$0x1620] =	vst v3;
	v3 =	vor.u32 v0, v6  }
0x8a: {  	v9 =	vshll.u32 v59, $0x1;
	v6 =	vld [tilespmem:s21+$0x140];
	[tilespmem:s21+$0x1640] =	vst v3;
	v3 =	vor.u32 v1, v7  }
0x8b: {  	v7 =	vld [tilespmem:s21+$0x190];
	[tilespmem:s21+$0x1650] =	vst v3;
	v3 =	vor.u32 v2, v9  }
0x8c: {  	v62 =	vld [tilespmem:s21+$0x1E0];
	[tilespmem:s21+$0x1660] =	vst v3;
	v3 =	vshll.u32 v61, $0x1  }
0x8d: {  	v63 =	vld [tilespmem:s21+$0x230];
	v4 =	vshll.u32 v4, $0x1;
	[tilespmem:s21+$0x1450] =	vst v3  }
0x8e: {  	v3 =	vshll.u32 v5, $0x1;
	[tilespmem:s21+$0x14A0] =	vst v4  }
0x8f: {  	v4 =	vshll.u32 v6, $0x1;
	[tilespmem:s21+$0x14F0] =	vst v3  }
0x90: {  	v3 =	vshll.u32 v7, $0x1;
	[tilespmem:s21+$0x1540] =	vst v4  }
0x91: {  	v4 =	vshll.u32 v62, $0x1;
	[tilespmem:s21+$0x1590] =	vst v3  }
0x92: {  	v3 =	vshll.u32 v63, $0x1;
	[tilespmem:s21+$0x15E0] =	vst v4  }
0x93: {  	s22 =	simm.s32 $0x1400;
	s23 =	simm.s32 $0x2800;
	[tilespmem:s21+$0x1630] =	vst v3  }
0x94: {  	[tilespmem:s23], [sflag:$0x1] =	stream.indirect.gather [hbm4b:s3+s8], $0x10, s22, s8, $0xb8;
	[tilespmem:$0x17800] =	vst v63  }
0x95: {  	s22 =	simm.s32 $0x1480;
	s23 =	simm.s32 $0x3000  }
0x96: {  	[tilespmem:s23], [sflag:$0x1] =	stream.indirect.gather [hbm4b:s3+s8], $0x10, s22, s8, $0xb8;
	[tilespmem:$0x17800] =	vst v63  }
0x97: {  	s22 =	simm.s32 $0x1500;
	s23 =	simm.s32 $0x3800  }
0x98: {  	[tilespmem:s23], [sflag:$0x1] =	stream.indirect.gather [hbm4b:s3+s8], $0x10, s22, s8, $0xb8;
	[tilespmem:$0x17800] =	vst v63  }
0x99: {  	s22 =	simm.s32 $0x1580;
	s23 =	simm.s32 $0x4000  }
0x9a: {  	[tilespmem:s23], [sflag:$0x1] =	stream.indirect.gather [hbm4b:s3+s8], $0x10, s22, s8, $0xb8;
	[tilespmem:$0x17800] =	vst v63  }
0x9b: {  	s22 =	simm.s32 $0x1600;
	s23 =	simm.s32 $0x4800  }
0x9c: {  	[tilespmem:s23], [sflag:$0x1] =	stream.indirect.gather [hbm4b:s3+s8], $0x10, s22, s8, $0xb8;
	[tilespmem:$0x17800] =	vst v63  }
0x9d: {  	s22 =	simm.s32 $0x1680;
	s23 =	simm.s32 $0x5000  }
0x9e: {  	[tilespmem:s23], [sflag:$0x1] =	stream.indirect.gather [hbm4b:s3+s8], $0x10, s22, s8, $0xb8;
	[tilespmem:$0x17800] =	vst v63  }
0x9f: {  	s22 =	simm.s32 $0x1700;
	s23 =	simm.s32 $0x5800  }
0xa0: {  	[tilespmem:s23], [sflag:$0x1] =	stream.indirect.gather [hbm4b:s3+s8], $0x10, s22, s8, $0xb8;
	[tilespmem:$0x17800] =	vst v63  }
0xa1: {  	s22 =	simm.s32 $0x1780;
	s23 =	simm.s32 $0x6000  }
0xa2: {  	[tilespmem:s23], [sflag:$0x1] =	stream.indirect.gather [hbm4b:s3+s8], $0x10, s22, s8, $0xb8;
	[tilespmem:$0x17800] =	vst v63  }
0xa3: {  	s22 =	simm.s32 $0x1800;
	s23 =	simm.s32 $0x6800  }
0xa4: {  	[tilespmem:s23], [sflag:$0x1] =	stream.indirect.gather [hbm4b:s3+s8], $0x10, s22, s8, $0xb8;
	[tilespmem:$0x17800] =	vst v63  }
0xa5: {  	s22 =	simm.s32 $0x1880;
	s23 =	simm.s32 $0x7000  }
0xa6: {  	[tilespmem:s23], [sflag:$0x1] =	stream.indirect.gather [hbm4b:s3+s8], $0x10, s22, s8, $0xb8;
	[tilespmem:$0x17800] =	vst v63  }
0xa7: {  	s22 =	simm.s32 $0x1900;
	s23 =	simm.s32 $0x7800  }
0xa8: {  	[tilespmem:s23], [sflag:$0x1] =	stream.indirect.gather [hbm4b:s3+s8], $0x10, s22, s8, $0xb8;
	[tilespmem:$0x17800] =	vst v63  }
0xa9: {  	s22 =	simm.s32 $0x1980;
	s23 =	simm.s32 $0x8000  }
0xaa: {  	[tilespmem:s23], [sflag:$0x1] =	stream.indirect.gather [hbm4b:s3+s8], $0x10, s22, s8, $0xb8;
	[tilespmem:$0x17800] =	vst v63  }
0xab: {  	s22 =	simm.s32 $0x1A00;
	s23 =	simm.s32 $0x8800  }
0xac: {  	[tilespmem:s23], [sflag:$0x1] =	stream.indirect.gather [hbm4b:s3+s8], $0x10, s22, s8, $0xb8;
	[tilespmem:$0x17800] =	vst v63  }
0xad: {  	s22 =	simm.s32 $0x1A80;
	s23 =	simm.s32 $0x9000  }
0xae: {  	[tilespmem:s23], [sflag:$0x1] =	stream.indirect.gather [hbm4b:s3+s8], $0x10, s22, s8, $0xb8;
	[tilespmem:$0x17800] =	vst v63  }
0xaf: {  	s22 =	simm.s32 $0x1B00;
	s23 =	simm.s32 $0x9800  }
0xb0: {  	[tilespmem:s23], [sflag:$0x1] =	stream.indirect.gather [hbm4b:s3+s8], $0x10, s22, s8, $0xb8;
	[tilespmem:$0x17800] =	vst v63  }
0xb1: {  	s22 =	simm.s32 $0x1B80;
	s23 =	simm.s32 $0xA000  }
0xb2: {  	[tilespmem:s23], [sflag:$0x1] =	stream.indirect.gather [hbm4b:s3+s8], $0x10, s22, s8, $0xb8;
	[tilespmem:$0x17800] =	vst v63  }
0xb3: {  	s22 =	simm.s32 $0x1C00;
	s23 =	simm.s32 $0xA800  }
0xb4: {  	[tilespmem:s23], [sflag:$0x1] =	stream.indirect.gather [hbm4b:s3+s8], $0x10, s22, s8, $0xb8;
	[tilespmem:$0x17800] =	vst v63  }
0xb5: {  	s22 =	simm.s32 $0x1C80;
	s23 =	simm.s32 $0xB000  }
0xb6: {  	[tilespmem:s23], [sflag:$0x1] =	stream.indirect.gather [hbm4b:s3+s8], $0x10, s22, s8, $0xb8;
	[tilespmem:$0x17800] =	vst v63  }
0xb7: {  	s22 =	simm.s32 $0x1D00;
	s23 =	simm.s32 $0xB800  }
0xb8: {  	[tilespmem:s23], [sflag:$0x1] =	stream.indirect.gather [hbm4b:s3+s8], $0x10, s22, s8, $0xb8;
	[tilespmem:$0x17800] =	vst v63  }
0xb9: {  	s22 =	simm.s32 $0x1D80;
	s23 =	simm.s32 $0xC000  }
0xba: {  	[tilespmem:s23], [sflag:$0x1] =	stream.indirect.gather [hbm4b:s3+s8], $0x10, s22, s8, $0xb8;
	[tilespmem:$0x17800] =	vst v63  }
0xbb: {  	s22 =	simm.s32 $0x1E00;
	s23 =	simm.s32 $0xC800  }
0xbc: {  	[tilespmem:s23], [sflag:$0x1] =	stream.indirect.gather [hbm4b:s3+s8], $0x10, s22, s8, $0xb8;
	[tilespmem:$0x17800] =	vst v63  }
0xbd: {  	s22 =	simm.s32 $0x1E80;
	s23 =	simm.s32 $0xD000  }
0xbe: {  	[tilespmem:s23], [sflag:$0x1] =	stream.indirect.gather [hbm4b:s3+s8], $0x10, s22, s8, $0xb8;
	[tilespmem:$0x17800] =	vst v63  }
0xbf: {  	s22 =	simm.s32 $0x1F00;
	s23 =	simm.s32 $0xD800  }
0xc0: {  	[tilespmem:s23], [sflag:$0x1] =	stream.indirect.gather [hbm4b:s3+s8], $0x10, s22, s8, $0xb8;
	[tilespmem:$0x17800] =	vst v63  }
0xc1: {  	s22 =	simm.s32 $0x1F80;
	s23 =	simm.s32 $0xE000  }
0xc2: {  	[tilespmem:s23], [sflag:$0x1] =	stream.indirect.gather [hbm4b:s3+s8], $0x10, s22, s8, $0xb8;
	[tilespmem:$0x17800] =	vst v63  }
0xc3: {  	s22 =	simm.s32 $0x2000;
	s23 =	simm.s32 $0xE800  }
0xc4: {  	[tilespmem:s23], [sflag:$0x1] =	stream.indirect.gather [hbm4b:s3+s8], $0x10, s22, s8, $0xb8;
	[tilespmem:$0x17800] =	vst v63  }
0xc5: {  	s22 =	simm.s32 $0x2080;
	s23 =	simm.s32 $0xF000  }
0xc6: {  	[tilespmem:s23], [sflag:$0x1] =	stream.indirect.gather [hbm4b:s3+s8], $0x10, s22, s8, $0xb8;
	[tilespmem:$0x17800] =	vst v63  }
0xc7: {  	s22 =	simm.s32 $0x2100;
	s23 =	simm.s32 $0xF800  }
0xc8: {  	[tilespmem:s23], [sflag:$0x1] =	stream.indirect.gather [hbm4b:s3+s8], $0x10, s22, s8, $0xb8;
	[tilespmem:$0x17800] =	vst v63  }
0xc9: {  	s22 =	simm.s32 $0x2180;
	s23 =	simm.s32 $0x10000  }
0xca: {  	[tilespmem:s23], [sflag:$0x1] =	stream.indirect.gather [hbm4b:s3+s8], $0x10, s22, s8, $0xb8;
	[tilespmem:$0x17800] =	vst v63  }
0xcb: {  	s22 =	simm.s32 $0x2200;
	s23 =	simm.s32 $0x10800  }
0xcc: {  	[tilespmem:s23], [sflag:$0x1] =	stream.indirect.gather [hbm4b:s3+s8], $0x10, s22, s8, $0xb8;
	[tilespmem:$0x17800] =	vst v63  }
0xcd: {  	s22 =	simm.s32 $0x2280;
	s23 =	simm.s32 $0x11000  }
0xce: {  	[tilespmem:s23], [sflag:$0x1] =	stream.indirect.gather [hbm4b:s3+s8], $0x10, s22, s8, $0xb8;
	[tilespmem:$0x17800] =	vst v63  }
0xcf: {  	s21 =	simm.s32 $0x2300;
	s22 =	simm.s32 $0x11800  }
0xd0: {  	[tilespmem:s22], [sflag:$0x1] =	stream.indirect.gather [hbm4b:s3+s8], $0x10, s21, s8, $0xb8;
	[tilespmem:$0x17800] =	vst v63  }
0xd1: {  	s23 =	simm.s32 $0x2380  }
0xd2: {  	[tilespmem:s24], [sflag:$0x1] =	stream.indirect.gather [hbm4b:s3+s8], $0x10, s23, s8, $0xb8;
	[tilespmem:$0x17800] =	vst v63  }
0xd3: {  	_ = 	snop  }
0xd4: {  	[tilespmem:s26], [sflag:$0x1] =	stream.indirect.gather [hbm4b:s3+s8], $0x10, s25, s8, $0xb8;
	[tilespmem:$0x17800] =	vst v63  }
0xd5: {  	_ = 	snop  }
0xd6: {  	[tilespmem:s29], [sflag:$0x1] =	stream.indirect.gather [hbm4b:s3+s8], $0x10, s28, s8, $0xb8;
	[tilespmem:$0x17800] =	vst v63  }
0xd7: {  	_ = 	snop  }
0xd8: {  	[tilespmem:s31], [sflag:$0x1] =	stream.indirect.gather [hbm4b:s3+s8], $0x10, s30, s8, $0xb8;
	[tilespmem:$0x17800] =	vst v63  }
0xd9: {  	_ = 	snop  }
0xda: {  	[tilespmem:s0], [sflag:$0x1] =	stream.indirect.gather [hbm4b:s3+s8], $0x10, s1, s8, $0xb8;
	[tilespmem:$0x17800] =	vst v63  }
0xdb: {  	_ = 	snop  }
0xdc: {  	[tilespmem:s10], [sflag:$0x1] =	stream.indirect.gather [hbm4b:s3+s8], $0x10, s9, s8, $0xb8;
	[tilespmem:$0x17800] =	vst v63  }
0xdd: {  	_ = 	snop  }
0xde: {  	[tilespmem:s12], [sflag:$0x1] =	stream.indirect.gather [hbm4b:s3+s8], $0x10, s11, s8, $0xb8;
	[tilespmem:$0x17800] =	vst v63  }
0xdf: {  	_ = 	snop  }
0xe0: {  	[tilespmem:s14], [sflag:$0x1] =	stream.indirect.gather [hbm4b:s3+s8], $0x10, s13, s8, $0xb8;
	[tilespmem:$0x17800] =	vst v63  }
0xe1: {  	_ = 	snop  }
0xe2: {  	[tilespmem:s16], [sflag:$0x1] =	stream.indirect.gather [hbm4b:s3+s8], $0x10, s15, s8, $0xb8;
	[tilespmem:$0x17800] =	vst v63  }
0xe3: {  	_ =	swait.ge [sflag:s17], $0x800  }
0xe4: {  	[sflag:s17] =	ssyncset.done $0x0  }
0xe5: {  	[sflag:s17] =	ssyncadd.s32 $0xFFFFF800  }
0xe6: {  	_ =	swait.ge [sflag:s17], $0x800  }
0xe7: {  	[sflag:s17] =	ssyncset.done $0x0  }
0xe8: {  	[sflag:s17] =	ssyncadd.s32 $0xFFFFF800  }
0xe9: {  	_ =	swait.ge [sflag:s17], $0x800  }
0xea: {  	[sflag:s17] =	ssyncset.done $0x0  }
0xeb: {  	[sflag:s17] =	ssyncadd.s32 $0xFFFFF800  }
0xec: {  	_ =	swait.ge [sflag:s17], $0x800  }
0xed: {  	[sflag:s17] =	ssyncset.done $0x0  }
0xee: {  	[sflag:s17] =	ssyncadd.s32 $0xFFFFF800  }
0xef: {  	_ =	swait.ge [sflag:s17], $0x800  }
0xf0: {  	[sflag:s17] =	ssyncset.done $0x0  }
0xf1: {  	[sflag:s17] =	ssyncadd.s32 $0xFFFFF800  }
0xf2: {  	_ =	swait.ge [sflag:s17], $0x800  }
0xf3: {  	[sflag:s17] =	ssyncset.done $0x0  }
0xf4: {  	[sflag:s17] =	ssyncadd.s32 $0xFFFFF800  }
0xf5: {  	_ =	swait.ge [sflag:s17], $0x800  }
0xf6: {  	[sflag:s17] =	ssyncset.done $0x0  }
0xf7: {  	[sflag:s17] =	ssyncadd.s32 $0xFFFFF800  }
0xf8: {  	_ =	swait.ge [sflag:s17], $0x800  }
0xf9: {  	[sflag:s17] =	ssyncset.done $0x0  }
0xfa: {  	[sflag:s17] =	ssyncadd.s32 $0xFFFFF800  }
0xfb: {  	_ =	swait.ge [sflag:s17], $0x800  }
0xfc: {  	[sflag:s17] =	ssyncset.done $0x0  }
0xfd: {  	[sflag:s17] =	ssyncadd.s32 $0xFFFFF800  }
0xfe: {  	_ =	swait.ge [sflag:s17], $0x800  }
0xff: {  	[sflag:s17] =	ssyncset.done $0x0  }
0x100: {  	[sflag:s17] =	ssyncadd.s32 $0xFFFFF800  }
0x101: {  	_ =	swait.ge [sflag:s17], $0x800  }
0x102: {  	[sflag:s17] =	ssyncset.done $0x0  }
0x103: {  	[sflag:s17] =	ssyncadd.s32 $0xFFFFF800  }
0x104: {  	_ =	swait.ge [sflag:s17], $0x800  }
0x105: {  	[sflag:s17] =	ssyncset.done $0x0  }
0x106: {  	[sflag:s17] =	ssyncadd.s32 $0xFFFFF800  }
0x107: {  	_ =	swait.ge [sflag:s17], $0x800  }
0x108: {  	[sflag:s17] =	ssyncset.done $0x0  }
0x109: {  	[sflag:s17] =	ssyncadd.s32 $0xFFFFF800  }
0x10a: {  	_ =	swait.ge [sflag:s17], $0x800  }
0x10b: {  	[sflag:s17] =	ssyncset.done $0x0  }
0x10c: {  	[sflag:s17] =	ssyncadd.s32 $0xFFFFF800  }
0x10d: {  	_ =	swait.ge [sflag:s17], $0x800  }
0x10e: {  	[sflag:s17] =	ssyncset.done $0x0  }
0x10f: {  	[sflag:s17] =	ssyncadd.s32 $0xFFFFF800  }
0x110: {  	_ =	swait.ge [sflag:s17], $0x800  }
0x111: {  	[sflag:s17] =	ssyncset.done $0x0  }
0x112: {  	[sflag:s17] =	ssyncadd.s32 $0xFFFFF800  }
0x113: {  	_ =	swait.ge [sflag:s17], $0x800  }
0x114: {  	[sflag:s17] =	ssyncset.done $0x0  }
0x115: {  	[sflag:s17] =	ssyncadd.s32 $0xFFFFF800  }
0x116: {  	_ =	swait.ge [sflag:s17], $0x800  }
0x117: {  	[sflag:s17] =	ssyncset.done $0x0  }
0x118: {  	[sflag:s17] =	ssyncadd.s32 $0xFFFFF800  }
0x119: {  	_ =	swait.ge [sflag:s17], $0x800  }
0x11a: {  	[sflag:s17] =	ssyncset.done $0x0  }
0x11b: {  	[sflag:s17] =	ssyncadd.s32 $0xFFFFF800  }
0x11c: {  	_ =	swait.ge [sflag:s17], $0x800  }
0x11d: {  	[sflag:s17] =	ssyncset.done $0x0  }
0x11e: {  	[sflag:s17] =	ssyncadd.s32 $0xFFFFF800  }
0x11f: {  	_ =	swait.ge [sflag:s17], $0x800  }
0x120: {  	[sflag:s17] =	ssyncset.done $0x0  }
0x121: {  	[sflag:s17] =	ssyncadd.s32 $0xFFFFF800  }
0x122: {  	_ =	swait.ge [sflag:s17], $0x800  }
0x123: {  	[sflag:s17] =	ssyncset.done $0x0  }
0x124: {  	[sflag:s17] =	ssyncadd.s32 $0xFFFFF800  }
0x125: {  	_ =	swait.ge [sflag:s17], $0x800  }
0x126: {  	[sflag:s17] =	ssyncset.done $0x0  }
0x127: {  	[sflag:s17] =	ssyncadd.s32 $0xFFFFF800  }
0x128: {  	_ =	swait.ge [sflag:s17], $0x800  }
0x129: {  	[sflag:s17] =	ssyncset.done $0x0  }
0x12a: {  	[sflag:s17] =	ssyncadd.s32 $0xFFFFF800  }
0x12b: {  	_ =	swait.ge [sflag:s17], $0x800  }
0x12c: {  	[sflag:s17] =	ssyncset.done $0x0  }
0x12d: {  	[sflag:s17] =	ssyncadd.s32 $0xFFFFF800  }
0x12e: {  	_ =	swait.ge [sflag:s17], $0x800  }
0x12f: {  	[sflag:s17] =	ssyncset.done $0x0  }
0x130: {  	[sflag:s17] =	ssyncadd.s32 $0xFFFFF800  }
0x131: {  	_ =	swait.ge [sflag:s17], $0x800  }
0x132: {  	[sflag:s17] =	ssyncset.done $0x0  }
0x133: {  	[sflag:s17] =	ssyncadd.s32 $0xFFFFF800  }
0x134: {  	_ =	swait.ge [sflag:s17], $0x800  }
0x135: {  	[sflag:s17] =	ssyncset.done $0x0  }
0x136: {  	[sflag:s17] =	ssyncadd.s32 $0xFFFFF800  }
0x137: {  	_ =	swait.ge [sflag:s17], $0x800  }
0x138: {  	[sflag:s17] =	ssyncset.done $0x0  }
0x139: {  	[sflag:s17] =	ssyncadd.s32 $0xFFFFF800  }
0x13a: {  	_ =	swait.ge [sflag:s17], $0x800  }
0x13b: {  	[sflag:s17] =	ssyncset.done $0x0  }
0x13c: {  	[sflag:s17] =	ssyncadd.s32 $0xFFFFF800  }
0x13d: {  	_ =	swait.ge [sflag:s17], $0x800  }
0x13e: {  	[sflag:s17] =	ssyncset.done $0x0  }
0x13f: {  	[sflag:s17] =	ssyncadd.s32 $0xFFFFF800  }
0x140: {  	_ =	swait.ge [sflag:s17], $0x800  }
0x141: {  	[sflag:s17] =	ssyncset.done $0x0  }
0x142: {  	[sflag:s17] =	ssyncadd.s32 $0xFFFFF800  }
0x143: {  	_ =	swait.ge [sflag:s17], $0x800  }
0x144: {  	[sflag:s17] =	ssyncset.done $0x0  }
0x145: {  	[sflag:s17] =	ssyncadd.s32 $0xFFFFF800  }
0x146: {  	_ =	swait.ge [sflag:s17], $0x800  }
0x147: {  	[sflag:s17] =	ssyncset.done $0x0  }
0x148: {  	[sflag:s17] =	ssyncadd.s32 $0xFFFFF800  }
0x149: {  	_ =	swait.ge [sflag:s17], $0x800  }
0x14a: {  	[sflag:s17] =	ssyncset.done $0x0  }
0x14b: {  	[sflag:s17] =	ssyncadd.s32 $0xFFFFF800  }
0x14c: {  	_ =	swait.ge [sflag:s17], $0x800  }
0x14d: {  	[sflag:s17] =	ssyncset.done $0x0  }
0x14e: {  	[sflag:s17] =	ssyncadd.s32 $0xFFFFF800  }
0x14f: {  	_ =	swait.ge [sflag:s17], $0x800  }
0x150: {  	[sflag:s17] =	ssyncset.done $0x0  }
0x151: {  	[sflag:s17] =	ssyncadd.s32 $0xFFFFF800  }
0x152: {  	_ =	swait.ge [sflag:s17], $0x800  }
0x153: {  	[sflag:s17] =	ssyncset.done $0x0  }
0x154: {  	[sflag:s17] =	ssyncadd.s32 $0xFFFFF800  }
0x155: {  	_ =	swait.ge [sflag:s17], $0x800  }
0x156: {  	[sflag:s17] =	ssyncset.done $0x0  }
0x157: {  	[sflag:s17] =	ssyncadd.s32 $0xFFFFF800  }
0x158: {  	_ =	swait.ge [sflag:s17], $0x800  }
0x159: {  	[sflag:s17] =	ssyncset.done $0x0  }
0x15a: {  	s21 =	simm.s32 $0x28A0;
	[sflag:s17] =	ssyncadd.s32 $0xFFFFF800  }
0x15b: {  	v3 =	vld [tilespmem:s21+$0xFFFFFF70]  }
0x15c: {  	s20 =	simm.s32 $0x0;
	s22 =	simm.s32 $0x40;
	v4 =	vld [tilespmem:s21+$0xFFFFFF60]  }
.LBB2_4:
0x15d: {  	p0 =	sne.s32 s22, $0x3FC0  }
0x15e: {  	v5 =	vld [tilespmem:s21+$0xFFFFFF80];
	_ =	sdelay $0x1  }
0x15f: {  	v6 =	vld [tilespmem:s21+$0xFFFFFF90]  }
0x160: {  	v3 =	vadd.f32 v3, v4  }
0x161: {  	v4 =	vld [tilespmem:s21+$0xFFFFFFA0]  }
0x162: {  	v3 =	vadd.f32 v5, v3  }
0x163: {  	v5 =	vld [tilespmem:s21+$0xFFFFFFB0]  }
0x164: {  	v3 =	vadd.f32 v6, v3  }
0x165: {  	v6 =	vld [tilespmem:s21+$0xFFFFFFC0]  }
0x166: {  	v3 =	vadd.f32 v4, v3  }
0x167: {  	v4 =	vld [tilespmem:s21+$0xFFFFFFD0]  }
0x168: {  	v3 =	vadd.f32 v5, v3  }
0x169: {  	v5 =	vld [tilespmem:s21+$0xFFFFFFE0]  }
0x16a: {  	v3 =	vadd.f32 v6, v3  }
0x16b: {  	v6 =	vld [tilespmem:s21+$0xFFFFFFF0]  }
0x16c: {  	v3 =	vadd.f32 v4, v3  }
0x16d: {  	v4 =	vld [tilespmem:s21+$0x0]  }
0x16e: {  	v3 =	vadd.f32 v5, v3  }
0x16f: {  	v5 =	vld [tilespmem:s21+$0x10]  }
0x170: {  	v3 =	vadd.f32 v6, v3  }
0x171: {  	v6 =	vld [tilespmem:s21+$0x20]  }
0x172: {  	v3 =	vadd.f32 v4, v3  }
0x173: {  	v4 =	vld [tilespmem:s21+$0x30]  }
0x174: {  	v3 =	vadd.f32 v5, v3  }
0x175: {  	v5 =	vld [tilespmem:s21+$0x40]  }
0x176: {  	v3 =	vadd.f32 v6, v3  }
0x177: {  	v6 =	vld [tilespmem:s21+$0x50]  }
0x178: {  	v3 =	vadd.f32 v4, v3  }
0x179: {  	v4 =	vld [tilespmem:s21+$0x60]  }
0x17a: {  	v3 =	vadd.f32 v5, v3  }
0x17b: {  	v5 =	vld [tilespmem:s21+$0x70]  }
0x17c: {  	v3 =	vadd.f32 v6, v3  }
0x17d: {  	v6 =	vld [tilespmem:s21+$0x80]  }
0x17e: {  	v3 =	vadd.f32 v4, v3  }
0x17f: {  	v4 =	vld [tilespmem:s21+$0x90]  }
0x180: {  	v3 =	vadd.f32 v5, v3;
	_ =	sdelay $0x1  }
0x181: {  	v3 =	vadd.f32 v6, v3;
	_ =	sdelay $0x1  }
.Ltmp1:
0x182: {  	v3 =	vadd.f32 v4, v3;
	(pc) =	sbr.rel @p0 .LBB2_4-.Ltmp1, $4  }
0x183: {  	s23 =	sshra.s32 s20, $0x2;
	s20 =	smov.u32 s22  }
0x184: {  	s21 =	sadd.s32 $0x140, s21;
	[tilespmem:s23+$0x16800] =	vst v3  }
0x185: {  	v3 =	vld [tilespmem:s21+$0xFFFFFF70]  }
0x186: {  	s22 =	sadd.s32 $0x40, s22;
	v4 =	vld [tilespmem:s21+$0xFFFFFF60]  }
0x187: {  	_ = 	snop  }
0x188: {  	v5 =	vld [tilespmem:s21+$0xFFFFFF80];
	_ =	sdelay $0x1  }
0x189: {  	v6 =	vld [tilespmem:s21+$0xFFFFFF90]  }
0x18a: {  	v3 =	vadd.f32 v3, v4  }
0x18b: {  	v48 =	vld [tilespmem:s21+$0xFFFFFFA0]  }
0x18c: {  	v3 =	vadd.f32 v5, v3  }
0x18d: {  	v49 =	vld [tilespmem:s21+$0xFFFFFFB0]  }
0x18e: {  	v3 =	vadd.f32 v6, v3  }
0x18f: {  	v50 =	vld [tilespmem:s21+$0xFFFFFFC0]  }
0x190: {  	v3 =	vadd.f32 v48, v3  }
0x191: {  	v51 =	vld [tilespmem:s21+$0xFFFFFFD0]  }
0x192: {  	v3 =	vadd.f32 v49, v3  }
0x193: {  	v52 =	vld [tilespmem:s21+$0xFFFFFFE0]  }
0x194: {  	v3 =	vadd.f32 v50, v3  }
0x195: {  	v53 =	vld [tilespmem:s21+$0xFFFFFFF0]  }
0x196: {  	v3 =	vadd.f32 v51, v3  }
0x197: {  	v54 =	vld [tilespmem:s21+$0x0]  }
0x198: {  	v3 =	vadd.f32 v52, v3  }
0x199: {  	v55 =	vld [tilespmem:s21+$0x10]  }
0x19a: {  	v3 =	vadd.f32 v53, v3  }
0x19b: {  	v56 =	vld [tilespmem:s21+$0x20]  }
0x19c: {  	v3 =	vadd.f32 v54, v3  }
0x19d: {  	v57 =	vld [tilespmem:s21+$0x30]  }
0x19e: {  	v3 =	vadd.f32 v55, v3  }
0x19f: {  	v58 =	vld [tilespmem:s21+$0x40]  }
0x1a0: {  	v3 =	vadd.f32 v56, v3  }
0x1a1: {  	v59 =	vld [tilespmem:s21+$0x50]  }
0x1a2: {  	v3 =	vadd.f32 v57, v3  }
0x1a3: {  	v60 =	vld [tilespmem:s21+$0x60]  }
0x1a4: {  	v3 =	vadd.f32 v58, v3  }
0x1a5: {  	v61 =	vld [tilespmem:s21+$0x70]  }
0x1a6: {  	v3 =	vadd.f32 v59, v3  }
0x1a7: {  	v62 =	vld [tilespmem:s21+$0x80]  }
0x1a8: {  	v3 =	vadd.f32 v60, v3  }
0x1a9: {  	v63 =	vld [tilespmem:s21+$0x90]  }
0x1aa: {  	v3 =	vadd.f32 v61, v3;
	_ =	sdelay $0x1  }
0x1ab: {  	v3 =	vadd.f32 v62, v3;
	_ =	sdelay $0x1  }
0x1ac: {  	s19 =	sadd.s32 $0x1, s19;
	v3 =	vadd.f32 v63, v3  }
0x1ad: {  	s20 =	sshra.s32 s20, $0x2;
	p0 =	sne.s32 s19, s6  }
.Ltmp2:
0x1ae: {  	[tilespmem:s20+$0x16800] =	vst v3;
	(pc) =	sbr.rel @p0 .LBB2_1-.Ltmp2, $4  }
0x1af: {  	[hbm4b:s5+s2] =	stream.linear.scatter [tilespmem:s18], [sflag:$0x2], $0x1000, $0x38;
	[tilespmem:$0x17800] =	vst v63  }
0x1b0: {  	_ =	swait.ge [sflag:s7], $0x1000  }
0x1b1: {  	[sflag:s7] =	ssyncset.done $0x0  }
0x1b2: {  	[sflag:s7] =	ssyncadd.s32 $0xFFFFF000  }
0x1b3: {  	_ =	sfence.sel $0x180000  }
0x1b4: {  	[bflag:$0x0] =	sbarrier.arrive $0xFFFF  }
0x1b5: {  	_ =	strace $0x90000047  }
0x1b6: {  	s0 =	stileid.u32;
	[bflag:$0x2] =	sbarrier.arrive $0xFFFF  }
0x1b7: {  	p0 =	sne.s32 s0, $0x0;
	s0 =	rddreg [dreg:$0x1]  }
0x1b8: {  	s0 =	sadd.s32 @!p0 $0x100000, s0  }
0x1b9: {  	[sflag:s0] =	ssyncadd.tile.s32 @!p0 $0x1;
	_ =	shalt  }
.Lfunc_end2:
_tile_overlayer_lowered:
.L_overlay_start_2:
0x1ba: {  	(tag) =	ssettag $0x2  }
0x1bb: {  	s0 =	rddreg [dreg:$0x0];
	s2 =	stileid.u32  }
0x1bc: {  	s1 =	rddreg [dreg:$0x1];
	p0 =	sne.s32 s2, $0x0  }
0x1bd: {  	s3 =	rddreg [dreg:$0x2];
	[bflag:$0x3] =	sbarrier.arrive $0xFFFF;
	s2 =	simm.s32 @!p0 $0x1C02  }
0x1be: {  	[timem:s3], [sflag:s2] =	dma.local @!p0 [hbm:s0], s1  }
0x1bf: {  	s0 =	simm.s32 @!p0 $0x2  }
0x1c0: {  	_ =	swait.ge @!p0 [sflag:s0], s1  }
0x1c1: {  	s1 =	ssub.s32 @!p0 $0x0, s1;
	[sflag:s0] =	ssyncset.done @!p0 $0x0  }
0x1c2: {  	[sflag:s0] =	ssyncadd.s32 @!p0 s1  }
0x1c3: {  	[bflag:$0x3] =	sbarrier.arrive $0xFFFF  }
0x1c4: {  	_ =	shalt  }

</sc_bundles>
